<compile_context>
chip_gen: v7x
topology: tpu7x:2x2x1
jax: 0.10.2.dev20260603
libtpu: 0.0.44.dev20260713+nightly
codegen_flags: <defaults>
</compile_context>

<pallas_src>
import functools

import jax
import jax.numpy as jnp
from jax import lax
from jax.experimental import pallas as pl
from jax.experimental.pallas import tpu as pltpu
from jax.experimental.pallas import tpu_sc as plsc

F = 32
BATCH = 16384
NU = 1000000
NI = 100000

NC = 2
NS = 16
NW = NC * NS
BPW = BATCH // NW
CHUNK = 128
NCHUNK = BPW // CHUNK
L = 16

NBU = NU // 128
UTAIL = NU - NBU * 128
NBI = NI // 128
ITAIL = NI - NBI * 128

G = 8
GROWS = G * F
NGU = (NBU // G) * G // G
NGI = (NBI // G) * G // G
UROWS = (NGU + 1) * GROWS
IROWS = (NGI + 1) * GROWS
UPK = UROWS * 128
IPK = IROWS * 128
NITER_U = 31
NITER_I = 4


def _repack_body(uft_hbm, ift_hbm, utail_hbm, itail_hbm,
                 upk_hbm, ipk_hbm, slab, sem_r, sem_w):
    wid = lax.axis_index("s") * NC + lax.axis_index("c")

    def pump(src_hbm, tail_hbm, dst_hbm, ngrp, niter):
        def rd(n):
            grp = wid + NW * n
            p = n & 1
            for b in range(G):
                dstb = slab.at[p, pl.ds(b * F, F), :]
                @pl.when(grp < ngrp)
                def _():
                    pltpu.make_async_copy(
                        src_hbm.at[:, pl.ds(
                            pl.multiple_of((grp * G + b) * 128, 128), 128)],
                        dstb, sem_r).start()
                @pl.when(grp == ngrp)
                def _():
                    pltpu.make_async_copy(
                        tail_hbm.at[:, pl.ds(b * 128, 128)], dstb,
                        sem_r).start()
        def rd_wait(n):
            p = n & 1
            for b in range(G):
                pltpu.make_async_copy(
                    tail_hbm.at[:, pl.ds(b * 128, 128)],
                    slab.at[p, pl.ds(b * F, F), :], sem_r).wait()

        def wr(n):
            grp = wid + NW * n
            return pltpu.make_async_copy(
                slab.at[n & 1],
                dst_hbm.at[pl.ds(pl.multiple_of(grp * GROWS, 8), GROWS), :],
                sem_w)

        def step(n, _):
            grp = wid + NW * n
            @pl.when(grp <= ngrp)
            def _():
                rd_wait(n)
                wr(n).start()
            @pl.when(wid + NW * (n + 1) <= ngrp)
            def _():
                rd(n + 1)
            @pl.when(grp <= ngrp)
            def _():
                wr(n).wait()
            return 0

        @pl.when(wid <= ngrp)
        def _():
            rd(0)
        lax.fori_loop(0, niter, step, 0)

    pump(uft_hbm, utail_hbm, upk_hbm, NGU, NITER_U)
    pump(ift_hbm, itail_hbm, ipk_hbm, NGI, NITER_I)


def _gather_body(user_hbm, item_hbm, upk_hbm, ipk_hbm, out_hbm,
                 uidx, iidx, ufidx, ifidx, ut, vt, oloc, sem):
    wid = lax.axis_index("s") * NC + lax.axis_index("c")
    base = wid * BPW

    for j in range(NCHUNK):
        pltpu.sync_copy(user_hbm.at[pl.ds(base + j * CHUNK, CHUNK)], uidx.at[j])
        pltpu.sync_copy(item_hbm.at[pl.ds(base + j * CHUNK, CHUNK)], iidx.at[j])

    def build(f, _):
        for j in range(NCHUNK):
            for v in range(CHUNK // L):
                r = uidx[j, pl.ds(v * L, L)]
                ufidx[f, j, pl.ds(v * L, L)] = (
                    (r >> 7) * (F * 128) + f * 128 + (r & 127))
                s = iidx[j, pl.ds(v * L, L)]
                ifidx[f, j, pl.ds(v * L, L)] = (
                    (s >> 7) * (F * 128) + f * 128 + (s & 127))
        return 0

    lax.fori_loop(0, F, build, 0)

    def fire(f, _):
        for j in range(NCHUNK):
            pltpu.async_copy(upk_hbm.at[ufidx.at[f, j]],
                             ut.at[f, pl.ds(j * CHUNK, CHUNK)], sem)
            pltpu.async_copy(ipk_hbm.at[ifidx.at[f, j]],
                             vt.at[f, pl.ds(j * CHUNK, CHUNK)], sem)
        return 0

    lax.fori_loop(0, F, fire, 0)

    def drain(f, _):
        for j in range(NCHUNK):
            pltpu.make_async_copy(upk_hbm.at[ufidx.at[f, j]],
                                  ut.at[f, pl.ds(j * CHUNK, CHUNK)],
                                  sem).wait()
            pltpu.make_async_copy(ipk_hbm.at[ifidx.at[f, j]],
                                  vt.at[f, pl.ds(j * CHUNK, CHUNK)],
                                  sem).wait()
        return 0

    lax.fori_loop(0, F, drain, 0)

    def reduce_group(g, _):
        b0 = g * L
        acc = ut[0, pl.ds(b0, L)] * vt[0, pl.ds(b0, L)]
        for f in range(1, F):
            acc = acc + ut[f, pl.ds(b0, L)] * vt[f, pl.ds(b0, L)]
        oloc[pl.ds(b0, L)] = acc
        return 0

    lax.fori_loop(0, BPW // L, reduce_group, 0)

    pltpu.sync_copy(oloc, out_hbm.at[pl.ds(base, BPW)])


@jax.jit
def _mf_scores(user, item, user_factors, item_factors):
    mesh = plsc.VectorSubcoreMesh(core_axis_name="c", subcore_axis_name="s")
    repack = functools.partial(
        pl.kernel,
        out_type=(jax.ShapeDtypeStruct((UPK // 128, 128), jnp.float32),
                  jax.ShapeDtypeStruct((IPK // 128, 128), jnp.float32)),
        mesh=mesh,
        compiler_params=pltpu.CompilerParams(needs_layout_passes=False),
        scratch_types=[
            pltpu.VMEM((2, GROWS, 128), jnp.float32),
            pltpu.SemaphoreType.DMA,
            pltpu.SemaphoreType.DMA,
        ],
    )(_repack_body)
    utail = jnp.pad(user_factors[NGU * G * 128:].T,
                    ((0, 0), (0, G * 128 - (NU - NGU * G * 128))))
    itail = jnp.pad(item_factors[NGI * G * 128:].T,
                    ((0, 0), (0, G * 128 - (NI - NGI * G * 128))))
    upk2, ipk2 = repack(user_factors.T, item_factors.T, utail, itail)
    upk = upk2.reshape(UPK)
    ipk = ipk2.reshape(IPK)

    gather = functools.partial(
        pl.kernel,
        out_type=jax.ShapeDtypeStruct((BATCH,), jnp.float32),
        mesh=mesh,
        compiler_params=pltpu.CompilerParams(
            needs_layout_passes=False, use_tc_tiling_on_sc=False),
        scratch_types=[
            pltpu.VMEM((NCHUNK, CHUNK), jnp.int32),
            pltpu.VMEM((NCHUNK, CHUNK), jnp.int32),
            pltpu.VMEM((F, NCHUNK, CHUNK), jnp.int32),
            pltpu.VMEM((F, NCHUNK, CHUNK), jnp.int32),
            pltpu.VMEM((F, BPW), jnp.float32),
            pltpu.VMEM((F, BPW), jnp.float32),
            pltpu.VMEM((BPW,), jnp.float32),
            pltpu.SemaphoreType.DMA,
        ],
    )(_gather_body)
    return gather(user, item, upk, ipk)


def kernel(user, item, user_factors, item_factors):
    return _mf_scores(user.astype(jnp.int32), item.astype(jnp.int32),
                      user_factors, item_factors)

# --- scband reference (transcript-rebuilt; emitter-appended) ---
"""Pipeline reference for scband-matrix-factorization-50397146251713 (READ-ONLY COPY).

The authoritative reference and input builder live on the scoring server;
editing this copy changes nothing except your own understanding.
"""

import jax, jax.numpy as jnp
import numpy as np

N_USERS = 1000000
N_ITEMS = 100000
N_FACTORS = 32
BATCH = 16384

def setup_inputs(seed: int = 0) -> dict:
    key = jax.random.key(seed)
    k1, k2, k3, k4 = jax.random.split(key, 4)
    user = jax.random.randint(k1, (BATCH,), 0, N_USERS, dtype=jnp.int64 if jax.config.jax_enable_x64 else jnp.int32)
    item = jax.random.randint(k2, (BATCH,), 0, N_ITEMS, dtype=jnp.int64 if jax.config.jax_enable_x64 else jnp.int32)
    user_factors = jax.random.normal(k3, (N_USERS, N_FACTORS), dtype=jnp.float32) * 0.05
    item_factors = jax.random.normal(k4, (N_ITEMS, N_FACTORS), dtype=jnp.float32) * 0.05
    return {"user": user, "item": item, "user_factors": user_factors, "item_factors": item_factors}

def reference(user, item, user_factors, item_factors):
    # Embedding lookups (gather) followed by elementwise product and row-sum
    u = jnp.take(user_factors, user, axis=0)  # [B, F]
    v = jnp.take(item_factors, item, axis=0)  # [B, F]
    return (u * v).sum(axis=1)                # [B]

if __name__ == "__main__":
    import jax
    _d = setup_inputs()
    print(jax.jit(kernel)(*tuple(_d.values())))

</pallas_src>

<mosaic_0001>
#map = affine_map<(d0, d1) -> (0, 0)>
module attributes {stable_mosaic.version = 14 : i64} {
  func.func @_repack_body(%arg0: i32, %arg1: i32, %arg2: memref<32x1000000xf32, #tpu.memory_space<hbm>>, %arg3: memref<32x100000xf32, #tpu.memory_space<hbm>>, %arg4: memref<32x1024xf32, #tpu.memory_space<hbm>>, %arg5: memref<32x1024xf32, #tpu.memory_space<hbm>>, %arg6: memref<250112x128xf32, #tpu.memory_space<hbm>>, %arg7: memref<25088x128xf32, #tpu.memory_space<hbm>>, %arg8: memref<2x256x128xf32, #tpu.memory_space<vmem>>, %arg9: memref<!tpu.dma_semaphore, #tpu.memory_space<semaphore_mem>>, %arg10: memref<!tpu.dma_semaphore, #tpu.memory_space<semaphore_mem>>) attributes {dimension_semantics = [#tpu.dimension_semantics<core_parallel>, #tpu.dimension_semantics<subcore_parallel>], iteration_bounds = array<i64: 2, 16>, scalar_prefetch = 0 : i64, scratch_operands = 3 : i64, tpu.core_type = #tpu.core_type<sc_vector_subcore>, window_params = [{transform_indices = #map}, {transform_indices = #map}, {transform_indices = #map}, {transform_indices = #map}, {transform_indices = #map}, {transform_indices = #map}]} {
    %mul3A = arith.constant 2 : i32
    %mul3A_0 = arith.muli %arg1, %mul3A : i32
    %add3A = arith.addi %mul3A_0, %arg0 : i32
    %le3A = arith.constant 976 : i32
    %le3A_1 = arith.cmpi sle, %add3A, %le3A : i32
    %convert_element_type3A = arith.extui %le3A_1 : i1 to i32
    %cond3A = arith.constant 0 : i32
    %cond3A_2 = arith.cmpi ne, %convert_element_type3A, %cond3A : i32
    scf.if %cond3A_2 {
      %add3A_21 = arith.constant 0 : i32
      %add3A_22 = arith.addi %add3A, %add3A_21 : i32
      %lt3A = arith.constant 976 : i32
      %lt3A_23 = arith.cmpi slt, %add3A_22, %lt3A : i32
      %convert_element_type3A_24 = arith.extui %lt3A_23 : i1 to i32
      %cond3A_25 = arith.constant 0 : i32
      %cond3A_26 = arith.constant 0 : i32
      %cond3A_27 = arith.cmpi ne, %convert_element_type3A_24, %cond3A_26 : i32
      scf.if %cond3A_27 {
        %mul3A_117 = arith.constant 8 : i32
        %mul3A_118 = arith.muli %add3A_22, %mul3A_117 : i32
        %add3A_119 = arith.constant 0 : i32
        %add3A_120 = arith.addi %mul3A_118, %add3A_119 : i32
        %mul3A_121 = arith.constant 128 : i32
        %mul3A_122 = arith.muli %add3A_120, %mul3A_121 : i32
        %multiple_of3A = tpu.assume_multiple %mul3A_122, 128 : i32
        %dma_start3A = arith.constant 0 : i32
        %dma_start3A_123 = arith.constant 0 : i32
        %dma_start3A_124 = tpu.memref_slice %arg8[%cond3A_25, %dma_start3A, %dma_start3A_123] : memref<2x256x128xf32, #tpu.memory_space<vmem>> -> memref<1x32x128xf32, #tpu.memory_space<vmem>>
        %dma_start3A_125 = tpu.memref_squeeze %dma_start3A_124 : memref<1x32x128xf32, #tpu.memory_space<vmem>> -> memref<32x128xf32, #tpu.memory_space<vmem>>
        %dma_start3A_126 = arith.constant 0 : i32
        %dma_start3A_127 = tpu.memref_slice %arg2[%dma_start3A_126, %multiple_of3A] : memref<32x1000000xf32, #tpu.memory_space<hbm>> -> memref<32x128xf32, #tpu.memory_space<hbm>>
        %dma_start3A_128 = arith.constant 0 : i32
        %dma_start3A_129 = arith.constant 0 : i32
        %dma_start3A_130 = tpu.memref_slice %arg8[%cond3A_25, %dma_start3A_128, %dma_start3A_129] : memref<2x256x128xf32, #tpu.memory_space<vmem>> -> memref<1x32x128xf32, #tpu.memory_space<vmem>>
        %dma_start3A_131 = tpu.memref_squeeze %dma_start3A_130 : memref<1x32x128xf32, #tpu.memory_space<vmem>> -> memref<32x128xf32, #tpu.memory_space<vmem>>
        %dma_start3A_132 = arith.constant 0 : i32
        %dma_start3A_133 = tpu.memref_slice %arg2[%dma_start3A_132, %multiple_of3A] : memref<32x1000000xf32, #tpu.memory_space<hbm>> -> memref<32x128xf32, #tpu.memory_space<hbm>>
        tpu.enqueue_dma source(%dma_start3A_133 : memref<32x128xf32, #tpu.memory_space<hbm>>) target(%dma_start3A_131 : memref<32x128xf32, #tpu.memory_space<vmem>>) target_semaphore(%arg9 : memref<!tpu.dma_semaphore, #tpu.memory_space<semaphore_mem>>)
      } else {
      }
      %eq3A = arith.constant 976 : i32
      %eq3A_28 = arith.cmpi eq, %add3A_22, %eq3A : i32
      %convert_element_type3A_29 = arith.extui %eq3A_28 : i1 to i32
      %cond3A_30 = arith.constant 0 : i32
      %cond3A_31 = arith.constant 0 : i32
      %cond3A_32 = arith.cmpi ne, %convert_element_type3A_29, %cond3A_31 : i32
      scf.if %cond3A_32 {
        %dma_start3A = arith.constant 0 : i32
        %dma_start3A_117 = arith.constant 0 : i32
        %dma_start3A_118 = tpu.memref_slice %arg8[%cond3A_30, %dma_start3A, %dma_start3A_117] : memref<2x256x128xf32, #tpu.memory_space<vmem>> -> memref<1x32x128xf32, #tpu.memory_space<vmem>>
        %dma_start3A_119 = tpu.memref_squeeze %dma_start3A_118 : memref<1x32x128xf32, #tpu.memory_space<vmem>> -> memref<32x128xf32, #tpu.memory_space<vmem>>
        %dma_start3A_120 = arith.constant 0 : i32
        %dma_start3A_121 = arith.constant 0 : i32
        %dma_start3A_122 = tpu.memref_slice %arg4[%dma_start3A_120, %dma_start3A_121] : memref<32x1024xf32, #tpu.memory_space<hbm>> -> memref<32x128xf32, #tpu.memory_space<hbm>>
        %dma_start3A_123 = arith.constant 0 : i32
        %dma_start3A_124 = arith.constant 0 : i32
        %dma_start3A_125 = tpu.memref_slice %arg8[%cond3A_30, %dma_start3A_123, %dma_start3A_124] : memref<2x256x128xf32, #tpu.memory_space<vmem>> -> memref<1x32x128xf32, #tpu.memory_space<vmem>>
        %dma_start3A_126 = tpu.memref_squeeze %dma_start3A_125 : memref<1x32x128xf32, #tpu.memory_space<vmem>> -> memref<32x128xf32, #tpu.memory_space<vmem>>
        %dma_start3A_127 = arith.constant 0 : i32
        %dma_start3A_128 = arith.constant 0 : i32
        %dma_start3A_129 = tpu.memref_slice %arg4[%dma_start3A_127, %dma_start3A_128] : memref<32x1024xf32, #tpu.memory_space<hbm>> -> memref<32x128xf32, #tpu.memory_space<hbm>>
        tpu.enqueue_dma source(%dma_start3A_129 : memref<32x128xf32, #tpu.memory_space<hbm>>) target(%dma_start3A_126 : memref<32x128xf32, #tpu.memory_space<vmem>>) target_semaphore(%arg9 : memref<!tpu.dma_semaphore, #tpu.memory_space<semaphore_mem>>)
      } else {
      }
      %lt3A_33 = arith.constant 976 : i32
      %lt3A_34 = arith.cmpi slt, %add3A_22, %lt3A_33 : i32
      %convert_element_type3A_35 = arith.extui %lt3A_34 : i1 to i32
      %cond3A_36 = arith.constant 0 : i32
      %cond3A_37 = arith.constant 0 : i32
      %cond3A_38 = arith.cmpi ne, %convert_element_type3A_35, %cond3A_37 : i32
      scf.if %cond3A_38 {
        %mul3A_117 = arith.constant 8 : i32
        %mul3A_118 = arith.muli %add3A_22, %mul3A_117 : i32
        %add3A_119 = arith.constant 1 : i32
        %add3A_120 = arith.addi %mul3A_118, %add3A_119 : i32
        %mul3A_121 = arith.constant 128 : i32
        %mul3A_122 = arith.muli %add3A_120, %mul3A_121 : i32
        %multiple_of3A = tpu.assume_multiple %mul3A_122, 128 : i32
        %dma_start3A = arith.constant 32 : i32
        %dma_start3A_123 = arith.constant 0 : i32
        %dma_start3A_124 = tpu.memref_slice %arg8[%cond3A_36, %dma_start3A, %dma_start3A_123] : memref<2x256x128xf32, #tpu.memory_space<vmem>> -> memref<1x32x128xf32, #tpu.memory_space<vmem>>
        %dma_start3A_125 = tpu.memref_squeeze %dma_start3A_124 : memref<1x32x128xf32, #tpu.memory_space<vmem>> -> memref<32x128xf32, #tpu.memory_space<vmem>>
        %dma_start3A_126 = arith.constant 0 : i32
        %dma_start3A_127 = tpu.memref_slice %arg2[%dma_start3A_126, %multiple_of3A] : memref<32x1000000xf32, #tpu.memory_space<hbm>> -> memref<32x128xf32, #tpu.memory_space<hbm>>
        %dma_start3A_128 = arith.constant 32 : i32
        %dma_start3A_129 = arith.constant 0 : i32
        %dma_start3A_130 = tpu.memref_slice %arg8[%cond3A_36, %dma_start3A_128, %dma_start3A_129] : memref<2x256x128xf32, #tpu.memory_space<vmem>> -> memref<1x32x128xf32, #tpu.memory_space<vmem>>
        %dma_start3A_131 = tpu.memref_squeeze %dma_start3A_130 : memref<1x32x128xf32, #tpu.memory_space<vmem>> -> memref<32x128xf32, #tpu.memory_space<vmem>>
        %dma_start3A_132 = arith.constant 0 : i32
        %dma_start3A_133 = tpu.memref_slice %arg2[%dma_start3A_132, %multiple_of3A] : memref<32x1000000xf32, #tpu.memory_space<hbm>> -> memref<32x128xf32, #tpu.memory_space<hbm>>
        tpu.enqueue_dma source(%dma_start3A_133 : memref<32x128xf32, #tpu.memory_space<hbm>>) target(%dma_start3A_131 : memref<32x128xf32, #tpu.memory_space<vmem>>) target_semaphore(%arg9 : memref<!tpu.dma_semaphore, #tpu.memory_space<semaphore_mem>>)
      } else {
      }
      %eq3A_39 = arith.constant 976 : i32
      %eq3A_40 = arith.cmpi eq, %add3A_22, %eq3A_39 : i32
      %convert_element_type3A_41 = arith.extui %eq3A_40 : i1 to i32
      %cond3A_42 = arith.constant 0 : i32
      %cond3A_43 = arith.constant 0 : i32
      %cond3A_44 = arith.cmpi ne, %convert_element_type3A_41, %cond3A_43 : i32
      scf.if %cond3A_44 {
        %dma_start3A = arith.constant 32 : i32
        %dma_start3A_117 = arith.constant 0 : i32
        %dma_start3A_118 = tpu.memref_slice %arg8[%cond3A_42, %dma_start3A, %dma_start3A_117] : memref<2x256x128xf32, #tpu.memory_space<vmem>> -> memref<1x32x128xf32, #tpu.memory_space<vmem>>
        %dma_start3A_119 = tpu.memref_squeeze %dma_start3A_118 : memref<1x32x128xf32, #tpu.memory_space<vmem>> -> memref<32x128xf32, #tpu.memory_space<vmem>>
        %dma_start3A_120 = arith.constant 0 : i32
        %dma_start3A_121 = arith.constant 128 : i32
        %dma_start3A_122 = tpu.memref_slice %arg4[%dma_start3A_120, %dma_start3A_121] : memref<32x1024xf32, #tpu.memory_space<hbm>> -> memref<32x128xf32, #tpu.memory_space<hbm>>
        %dma_start3A_123 = arith.constant 32 : i32
        %dma_start3A_124 = arith.constant 0 : i32
        %dma_start3A_125 = tpu.memref_slice %arg8[%cond3A_42, %dma_start3A_123, %dma_start3A_124] : memref<2x256x128xf32, #tpu.memory_space<vmem>> -> memref<1x32x128xf32, #tpu.memory_space<vmem>>
        %dma_start3A_126 = tpu.memref_squeeze %dma_start3A_125 : memref<1x32x128xf32, #tpu.memory_space<vmem>> -> memref<32x128xf32, #tpu.memory_space<vmem>>
        %dma_start3A_127 = arith.constant 0 : i32
        %dma_start3A_128 = arith.constant 128 : i32
        %dma_start3A_129 = tpu.memref_slice %arg4[%dma_start3A_127, %dma_start3A_128] : memref<32x1024xf32, #tpu.memory_space<hbm>> -> memref<32x128xf32, #tpu.memory_space<hbm>>
        tpu.enqueue_dma source(%dma_start3A_129 : memref<32x128xf32, #tpu.memory_space<hbm>>) target(%dma_start3A_126 : memref<32x128xf32, #tpu.memory_space<vmem>>) target_semaphore(%arg9 : memref<!tpu.dma_semaphore, #tpu.memory_space<semaphore_mem>>)
      } else {
      }
      %lt3A_45 = arith.constant 976 : i32
      %lt3A_46 = arith.cmpi slt, %add3A_22, %lt3A_45 : i32
      %convert_element_type3A_47 = arith.extui %lt3A_46 : i1 to i32
      %cond3A_48 = arith.constant 0 : i32
      %cond3A_49 = arith.constant 0 : i32
      %cond3A_50 = arith.cmpi ne, %convert_element_type3A_47, %cond3A_49 : i32
      scf.if %cond3A_50 {
        %mul3A_117 = arith.constant 8 : i32
        %mul3A_118 = arith.muli %add3A_22, %mul3A_117 : i32
        %add3A_119 = arith.constant 2 : i32
        %add3A_120 = arith.addi %mul3A_118, %add3A_119 : i32
        %mul3A_121 = arith.constant 128 : i32
        %mul3A_122 = arith.muli %add3A_120, %mul3A_121 : i32
        %multiple_of3A = tpu.assume_multiple %mul3A_122, 128 : i32
        %dma_start3A = arith.constant 64 : i32
        %dma_start3A_123 = arith.constant 0 : i32
        %dma_start3A_124 = tpu.memref_slice %arg8[%cond3A_48, %dma_start3A, %dma_start3A_123] : memref<2x256x128xf32, #tpu.memory_space<vmem>> -> memref<1x32x128xf32, #tpu.memory_space<vmem>>
        %dma_start3A_125 = tpu.memref_squeeze %dma_start3A_124 : memref<1x32x128xf32, #tpu.memory_space<vmem>> -> memref<32x128xf32, #tpu.memory_space<vmem>>
        %dma_start3A_126 = arith.constant 0 : i32
        %dma_start3A_127 = tpu.memref_slice %arg2[%dma_start3A_126, %multiple_of3A] : memref<32x1000000xf32, #tpu.memory_space<hbm>> -> memref<32x128xf32, #tpu.memory_space<hbm>>
        %dma_start3A_128 = arith.constant 64 : i32
        %dma_start3A_129 = arith.constant 0 : i32
        %dma_start3A_130 = tpu.memref_slice %arg8[%cond3A_48, %dma_start3A_128, %dma_start3A_129] : memref<2x256x128xf32, #tpu.memory_space<vmem>> -> memref<1x32x128xf32, #tpu.memory_space<vmem>>
        %dma_start3A_131 = tpu.memref_squeeze %dma_start3A_130 : memref<1x32x128xf32, #tpu.memory_space<vmem>> -> memref<32x128xf32, #tpu.memory_space<vmem>>
        %dma_start3A_132 = arith.constant 0 : i32
        %dma_start3A_133 = tpu.memref_slice %arg2[%dma_start3A_132, %multiple_of3A] : memref<32x1000000xf32, #tpu.memory_space<hbm>> -> memref<32x128xf32, #tpu.memory_space<hbm>>
        tpu.enqueue_dma source(%dma_start3A_133 : memref<32x128xf32, #tpu.memory_space<hbm>>) target(%dma_start3A_131 : memref<32x128xf32, #tpu.memory_space<vmem>>) target_semaphore(%arg9 : memref<!tpu.dma_semaphore, #tpu.memory_space<semaphore_mem>>)
      } else {
      }
      %eq3A_51 = arith.constant 976 : i32
      %eq3A_52 = arith.cmpi eq, %add3A_22, %eq3A_51 : i32
      %convert_element_type3A_53 = arith.extui %eq3A_52 : i1 to i32
      %cond3A_54 = arith.constant 0 : i32
      %cond3A_55 = arith.constant 0 : i32
      %cond3A_56 = arith.cmpi ne, %convert_element_type3A_53, %cond3A_55 : i32
      scf.if %cond3A_56 {
        %dma_start3A = arith.constant 64 : i32
        %dma_start3A_117 = arith.constant 0 : i32
        %dma_start3A_118 = tpu.memref_slice %arg8[%cond3A_54, %dma_start3A, %dma_start3A_117] : memref<2x256x128xf32, #tpu.memory_space<vmem>> -> memref<1x32x128xf32, #tpu.memory_space<vmem>>
        %dma_start3A_119 = tpu.memref_squeeze %dma_start3A_118 : memref<1x32x128xf32, #tpu.memory_space<vmem>> -> memref<32x128xf32, #tpu.memory_space<vmem>>
        %dma_start3A_120 = arith.constant 0 : i32
        %dma_start3A_121 = arith.constant 256 : i32
        %dma_start3A_122 = tpu.memref_slice %arg4[%dma_start3A_120, %dma_start3A_121] : memref<32x1024xf32, #tpu.memory_space<hbm>> -> memref<32x128xf32, #tpu.memory_space<hbm>>
        %dma_start3A_123 = arith.constant 64 : i32
        %dma_start3A_124 = arith.constant 0 : i32
        %dma_start3A_125 = tpu.memref_slice %arg8[%cond3A_54, %dma_start3A_123, %dma_start3A_124] : memref<2x256x128xf32, #tpu.memory_space<vmem>> -> memref<1x32x128xf32, #tpu.memory_space<vmem>>
        %dma_start3A_126 = tpu.memref_squeeze %dma_start3A_125 : memref<1x32x128xf32, #tpu.memory_space<vmem>> -> memref<32x128xf32, #tpu.memory_space<vmem>>
        %dma_start3A_127 = arith.constant 0 : i32
        %dma_start3A_128 = arith.constant 256 : i32
        %dma_start3A_129 = tpu.memref_slice %arg4[%dma_start3A_127, %dma_start3A_128] : memref<32x1024xf32, #tpu.memory_space<hbm>> -> memref<32x128xf32, #tpu.memory_space<hbm>>
        tpu.enqueue_dma source(%dma_start3A_129 : memref<32x128xf32, #tpu.memory_space<hbm>>) target(%dma_start3A_126 : memref<32x128xf32, #tpu.memory_space<vmem>>) target_semaphore(%arg9 : memref<!tpu.dma_semaphore, #tpu.memory_space<semaphore_mem>>)
      } else {
      }
      %lt3A_57 = arith.constant 976 : i32
      %lt3A_58 = arith.cmpi slt, %add3A_22, %lt3A_57 : i32
      %convert_element_type3A_59 = arith.extui %lt3A_58 : i1 to i32
      %cond3A_60 = arith.constant 0 : i32
      %cond3A_61 = arith.constant 0 : i32
      %cond3A_62 = arith.cmpi ne, %convert_element_type3A_59, %cond3A_61 : i32
      scf.if %cond3A_62 {
        %mul3A_117 = arith.constant 8 : i32
        %mul3A_118 = arith.muli %add3A_22, %mul3A_117 : i32
        %add3A_119 = arith.constant 3 : i32
        %add3A_120 = arith.addi %mul3A_118, %add3A_119 : i32
        %mul3A_121 = arith.constant 128 : i32
        %mul3A_122 = arith.muli %add3A_120, %mul3A_121 : i32
        %multiple_of3A = tpu.assume_multiple %mul3A_122, 128 : i32
        %dma_start3A = arith.constant 96 : i32
        %dma_start3A_123 = arith.constant 0 : i32
        %dma_start3A_124 = tpu.memref_slice %arg8[%cond3A_60, %dma_start3A, %dma_start3A_123] : memref<2x256x128xf32, #tpu.memory_space<vmem>> -> memref<1x32x128xf32, #tpu.memory_space<vmem>>
        %dma_start3A_125 = tpu.memref_squeeze %dma_start3A_124 : memref<1x32x128xf32, #tpu.memory_space<vmem>> -> memref<32x128xf32, #tpu.memory_space<vmem>>
        %dma_start3A_126 = arith.constant 0 : i32
        %dma_start3A_127 = tpu.memref_slice %arg2[%dma_start3A_126, %multiple_of3A] : memref<32x1000000xf32, #tpu.memory_space<hbm>> -> memref<32x128xf32, #tpu.memory_space<hbm>>
        %dma_start3A_128 = arith.constant 96 : i32
        %dma_start3A_129 = arith.constant 0 : i32
        %dma_start3A_130 = tpu.memref_slice %arg8[%cond3A_60, %dma_start3A_128, %dma_start3A_129] : memref<2x256x128xf32, #tpu.memory_space<vmem>> -> memref<1x32x128xf32, #tpu.memory_space<vmem>>
        %dma_start3A_131 = tpu.memref_squeeze %dma_start3A_130 : memref<1x32x128xf32, #tpu.memory_space<vmem>> -> memref<32x128xf32, #tpu.memory_space<vmem>>
        %dma_start3A_132 = arith.constant 0 : i32
        %dma_start3A_133 = tpu.memref_slice %arg2[%dma_start3A_132, %multiple_of3A] : memref<32x1000000xf32, #tpu.memory_space<hbm>> -> memref<32x128xf32, #tpu.memory_space<hbm>>
        tpu.enqueue_dma source(%dma_start3A_133 : memref<32x128xf32, #tpu.memory_space<hbm>>) target(%dma_start3A_131 : memref<32x128xf32, #tpu.memory_space<vmem>>) target_semaphore(%arg9 : memref<!tpu.dma_semaphore, #tpu.memory_space<semaphore_mem>>)
      } else {
      }
      %eq3A_63 = arith.constant 976 : i32
      %eq3A_64 = arith.cmpi eq, %add3A_22, %eq3A_63 : i32
      %convert_element_type3A_65 = arith.extui %eq3A_64 : i1 to i32
      %cond3A_66 = arith.constant 0 : i32
      %cond3A_67 = arith.constant 0 : i32
      %cond3A_68 = arith.cmpi ne, %convert_element_type3A_65, %cond3A_67 : i32
      scf.if %cond3A_68 {
        %dma_start3A = arith.constant 96 : i32
        %dma_start3A_117 = arith.constant 0 : i32
        %dma_start3A_118 = tpu.memref_slice %arg8[%cond3A_66, %dma_start3A, %dma_start3A_117] : memref<2x256x128xf32, #tpu.memory_space<vmem>> -> memref<1x32x128xf32, #tpu.memory_space<vmem>>
        %dma_start3A_119 = tpu.memref_squeeze %dma_start3A_118 : memref<1x32x128xf32, #tpu.memory_space<vmem>> -> memref<32x128xf32, #tpu.memory_space<vmem>>
        %dma_start3A_120 = arith.constant 0 : i32
        %dma_start3A_121 = arith.constant 384 : i32
        %dma_start3A_122 = tpu.memref_slice %arg4[%dma_start3A_120, %dma_start3A_121] : memref<32x1024xf32, #tpu.memory_space<hbm>> -> memref<32x128xf32, #tpu.memory_space<hbm>>
        %dma_start3A_123 = arith.constant 96 : i32
        %dma_start3A_124 = arith.constant 0 : i32
        %dma_start3A_125 = tpu.memref_slice %arg8[%cond3A_66, %dma_start3A_123, %dma_start3A_124] : memref<2x256x128xf32, #tpu.memory_space<vmem>> -> memref<1x32x128xf32, #tpu.memory_space<vmem>>
        %dma_start3A_126 = tpu.memref_squeeze %dma_start3A_125 : memref<1x32x128xf32, #tpu.memory_space<vmem>> -> memref<32x128xf32, #tpu.memory_space<vmem>>
        %dma_start3A_127 = arith.constant 0 : i32
        %dma_start3A_128 = arith.constant 384 : i32
        %dma_start3A_129 = tpu.memref_slice %arg4[%dma_start3A_127, %dma_start3A_128] : memref<32x1024xf32, #tpu.memory_space<hbm>> -> memref<32x128xf32, #tpu.memory_space<hbm>>
        tpu.enqueue_dma source(%dma_start3A_129 : memref<32x128xf32, #tpu.memory_space<hbm>>) target(%dma_start3A_126 : memref<32x128xf32, #tpu.memory_space<vmem>>) target_semaphore(%arg9 : memref<!tpu.dma_semaphore, #tpu.memory_space<semaphore_mem>>)
      } else {
      }
      %lt3A_69 = arith.constant 976 : i32
      %lt3A_70 = arith.cmpi slt, %add3A_22, %lt3A_69 : i32
      %convert_element_type3A_71 = arith.extui %lt3A_70 : i1 to i32
      %cond3A_72 = arith.constant 0 : i32
      %cond3A_73 = arith.constant 0 : i32
      %cond3A_74 = arith.cmpi ne, %convert_element_type3A_71, %cond3A_73 : i32
      scf.if %cond3A_74 {
        %mul3A_117 = arith.constant 8 : i32
        %mul3A_118 = arith.muli %add3A_22, %mul3A_117 : i32
        %add3A_119 = arith.constant 4 : i32
        %add3A_120 = arith.addi %mul3A_118, %add3A_119 : i32
        %mul3A_121 = arith.constant 128 : i32
        %mul3A_122 = arith.muli %add3A_120, %mul3A_121 : i32
        %multiple_of3A = tpu.assume_multiple %mul3A_122, 128 : i32
        %dma_start3A = arith.constant 128 : i32
        %dma_start3A_123 = arith.constant 0 : i32
        %dma_start3A_124 = tpu.memref_slice %arg8[%cond3A_72, %dma_start3A, %dma_start3A_123] : memref<2x256x128xf32, #tpu.memory_space<vmem>> -> memref<1x32x128xf32, #tpu.memory_space<vmem>>
        %dma_start3A_125 = tpu.memref_squeeze %dma_start3A_124 : memref<1x32x128xf32, #tpu.memory_space<vmem>> -> memref<32x128xf32, #tpu.memory_space<vmem>>
        %dma_start3A_126 = arith.constant 0 : i32
        %dma_start3A_127 = tpu.memref_slice %arg2[%dma_start3A_126, %multiple_of3A] : memref<32x1000000xf32, #tpu.memory_space<hbm>> -> memref<32x128xf32, #tpu.memory_space<hbm>>
        %dma_start3A_128 = arith.constant 128 : i32
        %dma_start3A_129 = arith.constant 0 : i32
        %dma_start3A_130 = tpu.memref_slice %arg8[%cond3A_72, %dma_start3A_128, %dma_start3A_129] : memref<2x256x128xf32, #tpu.memory_space<vmem>> -> memref<1x32x128xf32, #tpu.memory_space<vmem>>
        %dma_start3A_131 = tpu.memref_squeeze %dma_start3A_130 : memref<1x32x128xf32, #tpu.memory_space<vmem>> -> memref<32x128xf32, #tpu.memory_space<vmem>>
        %dma_start3A_132 = arith.constant 0 : i32
        %dma_start3A_133 = tpu.memref_slice %arg2[%dma_start3A_132, %multiple_of3A] : memref<32x1000000xf32, #tpu.memory_space<hbm>> -> memref<32x128xf32, #tpu.memory_space<hbm>>
        tpu.enqueue_dma source(%dma_start3A_133 : memref<32x128xf32, #tpu.memory_space<hbm>>) target(%dma_start3A_131 : memref<32x128xf32, #tpu.memory_space<vmem>>) target_semaphore(%arg9 : memref<!tpu.dma_semaphore, #tpu.memory_space<semaphore_mem>>)
      } else {
      }
      %eq3A_75 = arith.constant 976 : i32
      %eq3A_76 = arith.cmpi eq, %add3A_22, %eq3A_75 : i32
      %convert_element_type3A_77 = arith.extui %eq3A_76 : i1 to i32
      %cond3A_78 = arith.constant 0 : i32
      %cond3A_79 = arith.constant 0 : i32
      %cond3A_80 = arith.cmpi ne, %convert_element_type3A_77, %cond3A_79 : i32
      scf.if %cond3A_80 {
        %dma_start3A = arith.constant 128 : i32
        %dma_start3A_117 = arith.constant 0 : i32
        %dma_start3A_118 = tpu.memref_slice %arg8[%cond3A_78, %dma_start3A, %dma_start3A_117] : memref<2x256x128xf32, #tpu.memory_space<vmem>> -> memref<1x32x128xf32, #tpu.memory_space<vmem>>
        %dma_start3A_119 = tpu.memref_squeeze %dma_start3A_118 : memref<1x32x128xf32, #tpu.memory_space<vmem>> -> memref<32x128xf32, #tpu.memory_space<vmem>>
        %dma_start3A_120 = arith.constant 0 : i32
        %dma_start3A_121 = arith.constant 512 : i32
        %dma_start3A_122 = tpu.memref_slice %arg4[%dma_start3A_120, %dma_start3A_121] : memref<32x1024xf32, #tpu.memory_space<hbm>> -> memref<32x128xf32, #tpu.memory_space<hbm>>
        %dma_start3A_123 = arith.constant 128 : i32
        %dma_start3A_124 = arith.constant 0 : i32
        %dma_start3A_125 = tpu.memref_slice %arg8[%cond3A_78, %dma_start3A_123, %dma_start3A_124] : memref<2x256x128xf32, #tpu.memory_space<vmem>> -> memref<1x32x128xf32, #tpu.memory_space<vmem>>
        %dma_start3A_126 = tpu.memref_squeeze %dma_start3A_125 : memref<1x32x128xf32, #tpu.memory_space<vmem>> -> memref<32x128xf32, #tpu.memory_space<vmem>>
        %dma_start3A_127 = arith.constant 0 : i32
        %dma_start3A_128 = arith.constant 512 : i32
        %dma_start3A_129 = tpu.memref_slice %arg4[%dma_start3A_127, %dma_start3A_128] : memref<32x1024xf32, #tpu.memory_space<hbm>> -> memref<32x128xf32, #tpu.memory_space<hbm>>
        tpu.enqueue_dma source(%dma_start3A_129 : memref<32x128xf32, #tpu.memory_space<hbm>>) target(%dma_start3A_126 : memref<32x128xf32, #tpu.memory_space<vmem>>) target_semaphore(%arg9 : memref<!tpu.dma_semaphore, #tpu.memory_space<semaphore_mem>>)
      } else {
      }
      %lt3A_81 = arith.constant 976 : i32
      %lt3A_82 = arith.cmpi slt, %add3A_22, %lt3A_81 : i32
      %convert_element_type3A_83 = arith.extui %lt3A_82 : i1 to i32
      %cond3A_84 = arith.constant 0 : i32
      %cond3A_85 = arith.constant 0 : i32
      %cond3A_86 = arith.cmpi ne, %convert_element_type3A_83, %cond3A_85 : i32
      scf.if %cond3A_86 {
        %mul3A_117 = arith.constant 8 : i32
        %mul3A_118 = arith.muli %add3A_22, %mul3A_117 : i32
        %add3A_119 = arith.constant 5 : i32
        %add3A_120 = arith.addi %mul3A_118, %add3A_119 : i32
        %mul3A_121 = arith.constant 128 : i32
        %mul3A_122 = arith.muli %add3A_120, %mul3A_121 : i32
        %multiple_of3A = tpu.assume_multiple %mul3A_122, 128 : i32
        %dma_start3A = arith.constant 160 : i32
        %dma_start3A_123 = arith.constant 0 : i32
        %dma_start3A_124 = tpu.memref_slice %arg8[%cond3A_84, %dma_start3A, %dma_start3A_123] : memref<2x256x128xf32, #tpu.memory_space<vmem>> -> memref<1x32x128xf32, #tpu.memory_space<vmem>>
        %dma_start3A_125 = tpu.memref_squeeze %dma_start3A_124 : memref<1x32x128xf32, #tpu.memory_space<vmem>> -> memref<32x128xf32, #tpu.memory_space<vmem>>
        %dma_start3A_126 = arith.constant 0 : i32
        %dma_start3A_127 = tpu.memref_slice %arg2[%dma_start3A_126, %multiple_of3A] : memref<32x1000000xf32, #tpu.memory_space<hbm>> -> memref<32x128xf32, #tpu.memory_space<hbm>>
        %dma_start3A_128 = arith.constant 160 : i32
        %dma_start3A_129 = arith.constant 0 : i32
        %dma_start3A_130 = tpu.memref_slice %arg8[%cond3A_84, %dma_start3A_128, %dma_start3A_129] : memref<2x256x128xf32, #tpu.memory_space<vmem>> -> memref<1x32x128xf32, #tpu.memory_space<vmem>>
        %dma_start3A_131 = tpu.memref_squeeze %dma_start3A_130 : memref<1x32x128xf32, #tpu.memory_space<vmem>> -> memref<32x128xf32, #tpu.memory_space<vmem>>
        %dma_start3A_132 = arith.constant 0 : i32
        %dma_start3A_133 = tpu.memref_slice %arg2[%dma_start3A_132, %multiple_of3A] : memref<32x1000000xf32, #tpu.memory_space<hbm>> -> memref<32x128xf32, #tpu.memory_space<hbm>>
        tpu.enqueue_dma source(%dma_start3A_133 : memref<32x128xf32, #tpu.memory_space<hbm>>) target(%dma_start3A_131 : memref<32x128xf32, #tpu.memory_space<vmem>>) target_semaphore(%arg9 : memref<!tpu.dma_semaphore, #tpu.memory_space<semaphore_mem>>)
      } else {
      }
      %eq3A_87 = arith.constant 976 : i32
      %eq3A_88 = arith.cmpi eq, %add3A_22, %eq3A_87 : i32
      %convert_element_type3A_89 = arith.extui %eq3A_88 : i1 to i32
      %cond3A_90 = arith.constant 0 : i32
      %cond3A_91 = arith.constant 0 : i32
      %cond3A_92 = arith.cmpi ne, %convert_element_type3A_89, %cond3A_91 : i32
      scf.if %cond3A_92 {
        %dma_start3A = arith.constant 160 : i32
        %dma_start3A_117 = arith.constant 0 : i32
        %dma_start3A_118 = tpu.memref_slice %arg8[%cond3A_90, %dma_start3A, %dma_start3A_117] : memref<2x256x128xf32, #tpu.memory_space<vmem>> -> memref<1x32x128xf32, #tpu.memory_space<vmem>>
        %dma_start3A_119 = tpu.memref_squeeze %dma_start3A_118 : memref<1x32x128xf32, #tpu.memory_space<vmem>> -> memref<32x128xf32, #tpu.memory_space<vmem>>
        %dma_start3A_120 = arith.constant 0 : i32
        %dma_start3A_121 = arith.constant 640 : i32
        %dma_start3A_122 = tpu.memref_slice %arg4[%dma_start3A_120, %dma_start3A_121] : memref<32x1024xf32, #tpu.memory_space<hbm>> -> memref<32x128xf32, #tpu.memory_space<hbm>>
        %dma_start3A_123 = arith.constant 160 : i32
        %dma_start3A_124 = arith.constant 0 : i32
        %dma_start3A_125 = tpu.memref_slice %arg8[%cond3A_90, %dma_start3A_123, %dma_start3A_124] : memref<2x256x128xf32, #tpu.memory_space<vmem>> -> memref<1x32x128xf32, #tpu.memory_space<vmem>>
        %dma_start3A_126 = tpu.memref_squeeze %dma_start3A_125 : memref<1x32x128xf32, #tpu.memory_space<vmem>> -> memref<32x128xf32, #tpu.memory_space<vmem>>
        %dma_start3A_127 = arith.constant 0 : i32
        %dma_start3A_128 = arith.constant 640 : i32
        %dma_start3A_129 = tpu.memref_slice %arg4[%dma_start3A_127, %dma_start3A_128] : memref<32x1024xf32, #tpu.memory_space<hbm>> -> memref<32x128xf32, #tpu.memory_space<hbm>>
        tpu.enqueue_dma source(%dma_start3A_129 : memref<32x128xf32, #tpu.memory_space<hbm>>) target(%dma_start3A_126 : memref<32x128xf32, #tpu.memory_space<vmem>>) target_semaphore(%arg9 : memref<!tpu.dma_semaphore, #tpu.memory_space<semaphore_mem>>)
      } else {
      }
      %lt3A_93 = arith.constant 976 : i32
      %lt3A_94 = arith.cmpi slt, %add3A_22, %lt3A_93 : i32
      %convert_element_type3A_95 = arith.extui %lt3A_94 : i1 to i32
      %cond3A_96 = arith.constant 0 : i32
      %cond3A_97 = arith.constant 0 : i32
      %cond3A_98 = arith.cmpi ne, %convert_element_type3A_95, %cond3A_97 : i32
      scf.if %cond3A_98 {
        %mul3A_117 = arith.constant 8 : i32
        %mul3A_118 = arith.muli %add3A_22, %mul3A_117 : i32
        %add3A_119 = arith.constant 6 : i32
        %add3A_120 = arith.addi %mul3A_118, %add3A_119 : i32
        %mul3A_121 = arith.constant 128 : i32
        %mul3A_122 = arith.muli %add3A_120, %mul3A_121 : i32
        %multiple_of3A = tpu.assume_multiple %mul3A_122, 128 : i32
        %dma_start3A = arith.constant 192 : i32
        %dma_start3A_123 = arith.constant 0 : i32
        %dma_start3A_124 = tpu.memref_slice %arg8[%cond3A_96, %dma_start3A, %dma_start3A_123] : memref<2x256x128xf32, #tpu.memory_space<vmem>> -> memref<1x32x128xf32, #tpu.memory_space<vmem>>
        %dma_start3A_125 = tpu.memref_squeeze %dma_start3A_124 : memref<1x32x128xf32, #tpu.memory_space<vmem>> -> memref<32x128xf32, #tpu.memory_space<vmem>>
        %dma_start3A_126 = arith.constant 0 : i32
        %dma_start3A_127 = tpu.memref_slice %arg2[%dma_start3A_126, %multiple_of3A] : memref<32x1000000xf32, #tpu.memory_space<hbm>> -> memref<32x128xf32, #tpu.memory_space<hbm>>
        %dma_start3A_128 = arith.constant 192 : i32
        %dma_start3A_129 = arith.constant 0 : i32
        %dma_start3A_130 = tpu.memref_slice %arg8[%cond3A_96, %dma_start3A_128, %dma_start3A_129] : memref<2x256x128xf32, #tpu.memory_space<vmem>> -> memref<1x32x128xf32, #tpu.memory_space<vmem>>
        %dma_start3A_131 = tpu.memref_squeeze %dma_start3A_130 : memref<1x32x128xf32, #tpu.memory_space<vmem>> -> memref<32x128xf32, #tpu.memory_space<vmem>>
        %dma_start3A_132 = arith.constant 0 : i32
        %dma_start3A_133 = tpu.memref_slice %arg2[%dma_start3A_132, %multiple_of3A] : memref<32x1000000xf32, #tpu.memory_space<hbm>> -> memref<32x128xf32, #tpu.memory_space<hbm>>
        tpu.enqueue_dma source(%dma_start3A_133 : memref<32x128xf32, #tpu.memory_space<hbm>>) target(%dma_start3A_131 : memref<32x128xf32, #tpu.memory_space<vmem>>) target_semaphore(%arg9 : memref<!tpu.dma_semaphore, #tpu.memory_space<semaphore_mem>>)
      } else {
      }
      %eq3A_99 = arith.constant 976 : i32
      %eq3A_100 = arith.cmpi eq, %add3A_22, %eq3A_99 : i32
      %convert_element_type3A_101 = arith.extui %eq3A_100 : i1 to i32
      %cond3A_102 = arith.constant 0 : i32
      %cond3A_103 = arith.constant 0 : i32
      %cond3A_104 = arith.cmpi ne, %convert_element_type3A_101, %cond3A_103 : i32
      scf.if %cond3A_104 {
        %dma_start3A = arith.constant 192 : i32
        %dma_start3A_117 = arith.constant 0 : i32
        %dma_start3A_118 = tpu.memref_slice %arg8[%cond3A_102, %dma_start3A, %dma_start3A_117] : memref<2x256x128xf32, #tpu.memory_space<vmem>> -> memref<1x32x128xf32, #tpu.memory_space<vmem>>
        %dma_start3A_119 = tpu.memref_squeeze %dma_start3A_118 : memref<1x32x128xf32, #tpu.memory_space<vmem>> -> memref<32x128xf32, #tpu.memory_space<vmem>>
        %dma_start3A_120 = arith.constant 0 : i32
        %dma_start3A_121 = arith.constant 768 : i32
        %dma_start3A_122 = tpu.memref_slice %arg4[%dma_start3A_120, %dma_start3A_121] : memref<32x1024xf32, #tpu.memory_space<hbm>> -> memref<32x128xf32, #tpu.memory_space<hbm>>
        %dma_start3A_123 = arith.constant 192 : i32
        %dma_start3A_124 = arith.constant 0 : i32
        %dma_start3A_125 = tpu.memref_slice %arg8[%cond3A_102, %dma_start3A_123, %dma_start3A_124] : memref<2x256x128xf32, #tpu.memory_space<vmem>> -> memref<1x32x128xf32, #tpu.memory_space<vmem>>
        %dma_start3A_126 = tpu.memref_squeeze %dma_start3A_125 : memref<1x32x128xf32, #tpu.memory_space<vmem>> -> memref<32x128xf32, #tpu.memory_space<vmem>>
        %dma_start3A_127 = arith.constant 0 : i32
        %dma_start3A_128 = arith.constant 768 : i32
        %dma_start3A_129 = tpu.memref_slice %arg4[%dma_start3A_127, %dma_start3A_128] : memref<32x1024xf32, #tpu.memory_space<hbm>> -> memref<32x128xf32, #tpu.memory_space<hbm>>
        tpu.enqueue_dma source(%dma_start3A_129 : memref<32x128xf32, #tpu.memory_space<hbm>>) target(%dma_start3A_126 : memref<32x128xf32, #tpu.memory_space<vmem>>) target_semaphore(%arg9 : memref<!tpu.dma_semaphore, #tpu.memory_space<semaphore_mem>>)
      } else {
      }
      %lt3A_105 = arith.constant 976 : i32
      %lt3A_106 = arith.cmpi slt, %add3A_22, %lt3A_105 : i32
      %convert_element_type3A_107 = arith.extui %lt3A_106 : i1 to i32
      %cond3A_108 = arith.constant 0 : i32
      %cond3A_109 = arith.constant 0 : i32
      %cond3A_110 = arith.cmpi ne, %convert_element_type3A_107, %cond3A_109 : i32
      scf.if %cond3A_110 {
        %mul3A_117 = arith.constant 8 : i32
        %mul3A_118 = arith.muli %add3A_22, %mul3A_117 : i32
        %add3A_119 = arith.constant 7 : i32
        %add3A_120 = arith.addi %mul3A_118, %add3A_119 : i32
        %mul3A_121 = arith.constant 128 : i32
        %mul3A_122 = arith.muli %add3A_120, %mul3A_121 : i32
        %multiple_of3A = tpu.assume_multiple %mul3A_122, 128 : i32
        %dma_start3A = arith.constant 224 : i32
        %dma_start3A_123 = arith.constant 0 : i32
        %dma_start3A_124 = tpu.memref_slice %arg8[%cond3A_108, %dma_start3A, %dma_start3A_123] : memref<2x256x128xf32, #tpu.memory_space<vmem>> -> memref<1x32x128xf32, #tpu.memory_space<vmem>>
        %dma_start3A_125 = tpu.memref_squeeze %dma_start3A_124 : memref<1x32x128xf32, #tpu.memory_space<vmem>> -> memref<32x128xf32, #tpu.memory_space<vmem>>
        %dma_start3A_126 = arith.constant 0 : i32
        %dma_start3A_127 = tpu.memref_slice %arg2[%dma_start3A_126, %multiple_of3A] : memref<32x1000000xf32, #tpu.memory_space<hbm>> -> memref<32x128xf32, #tpu.memory_space<hbm>>
        %dma_start3A_128 = arith.constant 224 : i32
        %dma_start3A_129 = arith.constant 0 : i32
        %dma_start3A_130 = tpu.memref_slice %arg8[%cond3A_108, %dma_start3A_128, %dma_start3A_129] : memref<2x256x128xf32, #tpu.memory_space<vmem>> -> memref<1x32x128xf32, #tpu.memory_space<vmem>>
        %dma_start3A_131 = tpu.memref_squeeze %dma_start3A_130 : memref<1x32x128xf32, #tpu.memory_space<vmem>> -> memref<32x128xf32, #tpu.memory_space<vmem>>
        %dma_start3A_132 = arith.constant 0 : i32
        %dma_start3A_133 = tpu.memref_slice %arg2[%dma_start3A_132, %multiple_of3A] : memref<32x1000000xf32, #tpu.memory_space<hbm>> -> memref<32x128xf32, #tpu.memory_space<hbm>>
        tpu.enqueue_dma source(%dma_start3A_133 : memref<32x128xf32, #tpu.memory_space<hbm>>) target(%dma_start3A_131 : memref<32x128xf32, #tpu.memory_space<vmem>>) target_semaphore(%arg9 : memref<!tpu.dma_semaphore, #tpu.memory_space<semaphore_mem>>)
      } else {
      }
      %eq3A_111 = arith.constant 976 : i32
      %eq3A_112 = arith.cmpi eq, %add3A_22, %eq3A_111 : i32
      %convert_element_type3A_113 = arith.extui %eq3A_112 : i1 to i32
      %cond3A_114 = arith.constant 0 : i32
      %cond3A_115 = arith.constant 0 : i32
      %cond3A_116 = arith.cmpi ne, %convert_element_type3A_113, %cond3A_115 : i32
      scf.if %cond3A_116 {
        %dma_start3A = arith.constant 224 : i32
        %dma_start3A_117 = arith.constant 0 : i32
        %dma_start3A_118 = tpu.memref_slice %arg8[%cond3A_114, %dma_start3A, %dma_start3A_117] : memref<2x256x128xf32, #tpu.memory_space<vmem>> -> memref<1x32x128xf32, #tpu.memory_space<vmem>>
        %dma_start3A_119 = tpu.memref_squeeze %dma_start3A_118 : memref<1x32x128xf32, #tpu.memory_space<vmem>> -> memref<32x128xf32, #tpu.memory_space<vmem>>
        %dma_start3A_120 = arith.constant 0 : i32
        %dma_start3A_121 = arith.constant 896 : i32
        %dma_start3A_122 = tpu.memref_slice %arg4[%dma_start3A_120, %dma_start3A_121] : memref<32x1024xf32, #tpu.memory_space<hbm>> -> memref<32x128xf32, #tpu.memory_space<hbm>>
        %dma_start3A_123 = arith.constant 224 : i32
        %dma_start3A_124 = arith.constant 0 : i32
        %dma_start3A_125 = tpu.memref_slice %arg8[%cond3A_114, %dma_start3A_123, %dma_start3A_124] : memref<2x256x128xf32, #tpu.memory_space<vmem>> -> memref<1x32x128xf32, #tpu.memory_space<vmem>>
        %dma_start3A_126 = tpu.memref_squeeze %dma_start3A_125 : memref<1x32x128xf32, #tpu.memory_space<vmem>> -> memref<32x128xf32, #tpu.memory_space<vmem>>
        %dma_start3A_127 = arith.constant 0 : i32
        %dma_start3A_128 = arith.constant 896 : i32
        %dma_start3A_129 = tpu.memref_slice %arg4[%dma_start3A_127, %dma_start3A_128] : memref<32x1024xf32, #tpu.memory_space<hbm>> -> memref<32x128xf32, #tpu.memory_space<hbm>>
        tpu.enqueue_dma source(%dma_start3A_129 : memref<32x128xf32, #tpu.memory_space<hbm>>) target(%dma_start3A_126 : memref<32x128xf32, #tpu.memory_space<vmem>>) target_semaphore(%arg9 : memref<!tpu.dma_semaphore, #tpu.memory_space<semaphore_mem>>)
      } else {
      }
    } else {
    }
    %scan3A = arith.constant 0 : i32
    %scan3A_3 = arith.constant 0 : i32
    %scan3A_4 = arith.constant 31 : i32
    %scan3A_5 = arith.addi %scan3A_3, %scan3A_4 : i32
    %scan3A_6 = arith.constant 1 : i32
    %scan3A_7 = scf.for %scan3A_21 = %scan3A_3 to %scan3A_5 step %scan3A_6 iter_args(%scan3A_22 = %scan3A) -> (i32)  : i32 {
      %mul3A_23 = arith.constant 32 : i32
      %mul3A_24 = arith.muli %mul3A_23, %scan3A_21 : i32
      %add3A_25 = arith.addi %add3A, %mul3A_24 : i32
      %le3A_26 = arith.constant 976 : i32
      %le3A_27 = arith.cmpi sle, %add3A_25, %le3A_26 : i32
      %convert_element_type3A_28 = arith.extui %le3A_27 : i1 to i32
      %cond3A_29 = arith.constant 0 : i32
      %cond3A_30 = arith.cmpi ne, %convert_element_type3A_28, %cond3A_29 : i32
      scf.if %cond3A_30 {
        %and3A = arith.constant 1 : i32
        %and3A_47 = arith.andi %scan3A_21, %and3A : i32
        %dma_wait3A = arith.constant 0 : i32
        %dma_wait3A_48 = arith.constant 0 : i32
        %dma_wait3A_49 = tpu.memref_slice %arg8[%and3A_47, %dma_wait3A, %dma_wait3A_48] : memref<2x256x128xf32, #tpu.memory_space<vmem>> -> memref<1x32x128xf32, #tpu.memory_space<vmem>>
        %dma_wait3A_50 = tpu.memref_squeeze %dma_wait3A_49 : memref<1x32x128xf32, #tpu.memory_space<vmem>> -> memref<32x128xf32, #tpu.memory_space<vmem>>
        %dma_wait3A_51 = arith.constant 0 : i32
        %dma_wait3A_52 = arith.constant 0 : i32
        %dma_wait3A_53 = tpu.memref_slice %arg4[%dma_wait3A_51, %dma_wait3A_52] : memref<32x1024xf32, #tpu.memory_space<hbm>> -> memref<32x128xf32, #tpu.memory_space<hbm>>
        %dma_wait3A_54 = arith.constant 0 : i32
        %dma_wait3A_55 = arith.constant 0 : i32
        %dma_wait3A_56 = tpu.memref_slice %arg8[%and3A_47, %dma_wait3A_54, %dma_wait3A_55] : memref<2x256x128xf32, #tpu.memory_space<vmem>> -> memref<1x32x128xf32, #tpu.memory_space<vmem>>
        %dma_wait3A_57 = tpu.memref_squeeze %dma_wait3A_56 : memref<1x32x128xf32, #tpu.memory_space<vmem>> -> memref<32x128xf32, #tpu.memory_space<vmem>>
        %dma_wait3A_58 = arith.constant 0 : i32
        %dma_wait3A_59 = arith.constant 0 : i32
        %dma_wait3A_60 = tpu.memref_slice %arg4[%dma_wait3A_58, %dma_wait3A_59] : memref<32x1024xf32, #tpu.memory_space<hbm>> -> memref<32x128xf32, #tpu.memory_space<hbm>>
        tpu.wait_dma2 semaphore(%arg9 : memref<!tpu.dma_semaphore, #tpu.memory_space<semaphore_mem>>) src(%dma_wait3A_60 : memref<32x128xf32, #tpu.memory_space<hbm>>) dst(%dma_wait3A_57 : memref<32x128xf32, #tpu.memory_space<vmem>>)
        %dma_wait3A_61 = arith.constant 32 : i32
        %dma_wait3A_62 = arith.constant 0 : i32
        %dma_wait3A_63 = tpu.memref_slice %arg8[%and3A_47, %dma_wait3A_61, %dma_wait3A_62] : memref<2x256x128xf32, #tpu.memory_space<vmem>> -> memref<1x32x128xf32, #tpu.memory_space<vmem>>
        %dma_wait3A_64 = tpu.memref_squeeze %dma_wait3A_63 : memref<1x32x128xf32, #tpu.memory_space<vmem>> -> memref<32x128xf32, #tpu.memory_space<vmem>>
        %dma_wait3A_65 = arith.constant 0 : i32
        %dma_wait3A_66 = arith.constant 128 : i32
        %dma_wait3A_67 = tpu.memref_slice %arg4[%dma_wait3A_65, %dma_wait3A_66] : memref<32x1024xf32, #tpu.memory_space<hbm>> -> memref<32x128xf32, #tpu.memory_space<hbm>>
        %dma_wait3A_68 = arith.constant 32 : i32
        %dma_wait3A_69 = arith.constant 0 : i32
        %dma_wait3A_70 = tpu.memref_slice %arg8[%and3A_47, %dma_wait3A_68, %dma_wait3A_69] : memref<2x256x128xf32, #tpu.memory_space<vmem>> -> memref<1x32x128xf32, #tpu.memory_space<vmem>>
        %dma_wait3A_71 = tpu.memref_squeeze %dma_wait3A_70 : memref<1x32x128xf32, #tpu.memory_space<vmem>> -> memref<32x128xf32, #tpu.memory_space<vmem>>
        %dma_wait3A_72 = arith.constant 0 : i32
        %dma_wait3A_73 = arith.constant 128 : i32
        %dma_wait3A_74 = tpu.memref_slice %arg4[%dma_wait3A_72, %dma_wait3A_73] : memref<32x1024xf32, #tpu.memory_space<hbm>> -> memref<32x128xf32, #tpu.memory_space<hbm>>
        tpu.wait_dma2 semaphore(%arg9 : memref<!tpu.dma_semaphore, #tpu.memory_space<semaphore_mem>>) src(%dma_wait3A_74 : memref<32x128xf32, #tpu.memory_space<hbm>>) dst(%dma_wait3A_71 : memref<32x128xf32, #tpu.memory_space<vmem>>)
        %dma_wait3A_75 = arith.constant 64 : i32
        %dma_wait3A_76 = arith.constant 0 : i32
        %dma_wait3A_77 = tpu.memref_slice %arg8[%and3A_47, %dma_wait3A_75, %dma_wait3A_76] : memref<2x256x128xf32, #tpu.memory_space<vmem>> -> memref<1x32x128xf32, #tpu.memory_space<vmem>>
        %dma_wait3A_78 = tpu.memref_squeeze %dma_wait3A_77 : memref<1x32x128xf32, #tpu.memory_space<vmem>> -> memref<32x128xf32, #tpu.memory_space<vmem>>
        %dma_wait3A_79 = arith.constant 0 : i32
        %dma_wait3A_80 = arith.constant 256 : i32
        %dma_wait3A_81 = tpu.memref_slice %arg4[%dma_wait3A_79, %dma_wait3A_80] : memref<32x1024xf32, #tpu.memory_space<hbm>> -> memref<32x128xf32, #tpu.memory_space<hbm>>
        %dma_wait3A_82 = arith.constant 64 : i32
        %dma_wait3A_83 = arith.constant 0 : i32
        %dma_wait3A_84 = tpu.memref_slice %arg8[%and3A_47, %dma_wait3A_82, %dma_wait3A_83] : memref<2x256x128xf32, #tpu.memory_space<vmem>> -> memref<1x32x128xf32, #tpu.memory_space<vmem>>
        %dma_wait3A_85 = tpu.memref_squeeze %dma_wait3A_84 : memref<1x32x128xf32, #tpu.memory_space<vmem>> -> memref<32x128xf32, #tpu.memory_space<vmem>>
        %dma_wait3A_86 = arith.constant 0 : i32
        %dma_wait3A_87 = arith.constant 256 : i32
        %dma_wait3A_88 = tpu.memref_slice %arg4[%dma_wait3A_86, %dma_wait3A_87] : memref<32x1024xf32, #tpu.memory_space<hbm>> -> memref<32x128xf32, #tpu.memory_space<hbm>>
        tpu.wait_dma2 semaphore(%arg9 : memref<!tpu.dma_semaphore, #tpu.memory_space<semaphore_mem>>) src(%dma_wait3A_88 : memref<32x128xf32, #tpu.memory_space<hbm>>) dst(%dma_wait3A_85 : memref<32x128xf32, #tpu.memory_space<vmem>>)
        %dma_wait3A_89 = arith.constant 96 : i32
        %dma_wait3A_90 = arith.constant 0 : i32
        %dma_wait3A_91 = tpu.memref_slice %arg8[%and3A_47, %dma_wait3A_89, %dma_wait3A_90] : memref<2x256x128xf32, #tpu.memory_space<vmem>> -> memref<1x32x128xf32, #tpu.memory_space<vmem>>
        %dma_wait3A_92 = tpu.memref_squeeze %dma_wait3A_91 : memref<1x32x128xf32, #tpu.memory_space<vmem>> -> memref<32x128xf32, #tpu.memory_space<vmem>>
        %dma_wait3A_93 = arith.constant 0 : i32
        %dma_wait3A_94 = arith.constant 384 : i32
        %dma_wait3A_95 = tpu.memref_slice %arg4[%dma_wait3A_93, %dma_wait3A_94] : memref<32x1024xf32, #tpu.memory_space<hbm>> -> memref<32x128xf32, #tpu.memory_space<hbm>>
        %dma_wait3A_96 = arith.constant 96 : i32
        %dma_wait3A_97 = arith.constant 0 : i32
        %dma_wait3A_98 = tpu.memref_slice %arg8[%and3A_47, %dma_wait3A_96, %dma_wait3A_97] : memref<2x256x128xf32, #tpu.memory_space<vmem>> -> memref<1x32x128xf32, #tpu.memory_space<vmem>>
        %dma_wait3A_99 = tpu.memref_squeeze %dma_wait3A_98 : memref<1x32x128xf32, #tpu.memory_space<vmem>> -> memref<32x128xf32, #tpu.memory_space<vmem>>
        %dma_wait3A_100 = arith.constant 0 : i32
        %dma_wait3A_101 = arith.constant 384 : i32
        %dma_wait3A_102 = tpu.memref_slice %arg4[%dma_wait3A_100, %dma_wait3A_101] : memref<32x1024xf32, #tpu.memory_space<hbm>> -> memref<32x128xf32, #tpu.memory_space<hbm>>
        tpu.wait_dma2 semaphore(%arg9 : memref<!tpu.dma_semaphore, #tpu.memory_space<semaphore_mem>>) src(%dma_wait3A_102 : memref<32x128xf32, #tpu.memory_space<hbm>>) dst(%dma_wait3A_99 : memref<32x128xf32, #tpu.memory_space<vmem>>)
        %dma_wait3A_103 = arith.constant 128 : i32
        %dma_wait3A_104 = arith.constant 0 : i32
        %dma_wait3A_105 = tpu.memref_slice %arg8[%and3A_47, %dma_wait3A_103, %dma_wait3A_104] : memref<2x256x128xf32, #tpu.memory_space<vmem>> -> memref<1x32x128xf32, #tpu.memory_space<vmem>>
        %dma_wait3A_106 = tpu.memref_squeeze %dma_wait3A_105 : memref<1x32x128xf32, #tpu.memory_space<vmem>> -> memref<32x128xf32, #tpu.memory_space<vmem>>
        %dma_wait3A_107 = arith.constant 0 : i32
        %dma_wait3A_108 = arith.constant 512 : i32
        %dma_wait3A_109 = tpu.memref_slice %arg4[%dma_wait3A_107, %dma_wait3A_108] : memref<32x1024xf32, #tpu.memory_space<hbm>> -> memref<32x128xf32, #tpu.memory_space<hbm>>
        %dma_wait3A_110 = arith.constant 128 : i32
        %dma_wait3A_111 = arith.constant 0 : i32
        %dma_wait3A_112 = tpu.memref_slice %arg8[%and3A_47, %dma_wait3A_110, %dma_wait3A_111] : memref<2x256x128xf32, #tpu.memory_space<vmem>> -> memref<1x32x128xf32, #tpu.memory_space<vmem>>
        %dma_wait3A_113 = tpu.memref_squeeze %dma_wait3A_112 : memref<1x32x128xf32, #tpu.memory_space<vmem>> -> memref<32x128xf32, #tpu.memory_space<vmem>>
        %dma_wait3A_114 = arith.constant 0 : i32
        %dma_wait3A_115 = arith.constant 512 : i32
        %dma_wait3A_116 = tpu.memref_slice %arg4[%dma_wait3A_114, %dma_wait3A_115] : memref<32x1024xf32, #tpu.memory_space<hbm>> -> memref<32x128xf32, #tpu.memory_space<hbm>>
        tpu.wait_dma2 semaphore(%arg9 : memref<!tpu.dma_semaphore, #tpu.memory_space<semaphore_mem>>) src(%dma_wait3A_116 : memref<32x128xf32, #tpu.memory_space<hbm>>) dst(%dma_wait3A_113 : memref<32x128xf32, #tpu.memory_space<vmem>>)
        %dma_wait3A_117 = arith.constant 160 : i32
        %dma_wait3A_118 = arith.constant 0 : i32
        %dma_wait3A_119 = tpu.memref_slice %arg8[%and3A_47, %dma_wait3A_117, %dma_wait3A_118] : memref<2x256x128xf32, #tpu.memory_space<vmem>> -> memref<1x32x128xf32, #tpu.memory_space<vmem>>
        %dma_wait3A_120 = tpu.memref_squeeze %dma_wait3A_119 : memref<1x32x128xf32, #tpu.memory_space<vmem>> -> memref<32x128xf32, #tpu.memory_space<vmem>>
        %dma_wait3A_121 = arith.constant 0 : i32
        %dma_wait3A_122 = arith.constant 640 : i32
        %dma_wait3A_123 = tpu.memref_slice %arg4[%dma_wait3A_121, %dma_wait3A_122] : memref<32x1024xf32, #tpu.memory_space<hbm>> -> memref<32x128xf32, #tpu.memory_space<hbm>>
        %dma_wait3A_124 = arith.constant 160 : i32
        %dma_wait3A_125 = arith.constant 0 : i32
        %dma_wait3A_126 = tpu.memref_slice %arg8[%and3A_47, %dma_wait3A_124, %dma_wait3A_125] : memref<2x256x128xf32, #tpu.memory_space<vmem>> -> memref<1x32x128xf32, #tpu.memory_space<vmem>>
        %dma_wait3A_127 = tpu.memref_squeeze %dma_wait3A_126 : memref<1x32x128xf32, #tpu.memory_space<vmem>> -> memref<32x128xf32, #tpu.memory_space<vmem>>
        %dma_wait3A_128 = arith.constant 0 : i32
        %dma_wait3A_129 = arith.constant 640 : i32
        %dma_wait3A_130 = tpu.memref_slice %arg4[%dma_wait3A_128, %dma_wait3A_129] : memref<32x1024xf32, #tpu.memory_space<hbm>> -> memref<32x128xf32, #tpu.memory_space<hbm>>
        tpu.wait_dma2 semaphore(%arg9 : memref<!tpu.dma_semaphore, #tpu.memory_space<semaphore_mem>>) src(%dma_wait3A_130 : memref<32x128xf32, #tpu.memory_space<hbm>>) dst(%dma_wait3A_127 : memref<32x128xf32, #tpu.memory_space<vmem>>)
        %dma_wait3A_131 = arith.constant 192 : i32
        %dma_wait3A_132 = arith.constant 0 : i32
        %dma_wait3A_133 = tpu.memref_slice %arg8[%and3A_47, %dma_wait3A_131, %dma_wait3A_132] : memref<2x256x128xf32, #tpu.memory_space<vmem>> -> memref<1x32x128xf32, #tpu.memory_space<vmem>>
        %dma_wait3A_134 = tpu.memref_squeeze %dma_wait3A_133 : memref<1x32x128xf32, #tpu.memory_space<vmem>> -> memref<32x128xf32, #tpu.memory_space<vmem>>
        %dma_wait3A_135 = arith.constant 0 : i32
        %dma_wait3A_136 = arith.constant 768 : i32
        %dma_wait3A_137 = tpu.memref_slice %arg4[%dma_wait3A_135, %dma_wait3A_136] : memref<32x1024xf32, #tpu.memory_space<hbm>> -> memref<32x128xf32, #tpu.memory_space<hbm>>
        %dma_wait3A_138 = arith.constant 192 : i32
        %dma_wait3A_139 = arith.constant 0 : i32
        %dma_wait3A_140 = tpu.memref_slice %arg8[%and3A_47, %dma_wait3A_138, %dma_wait3A_139] : memref<2x256x128xf32, #tpu.memory_space<vmem>> -> memref<1x32x128xf32, #tpu.memory_space<vmem>>
        %dma_wait3A_141 = tpu.memref_squeeze %dma_wait3A_140 : memref<1x32x128xf32, #tpu.memory_space<vmem>> -> memref<32x128xf32, #tpu.memory_space<vmem>>
        %dma_wait3A_142 = arith.constant 0 : i32
        %dma_wait3A_143 = arith.constant 768 : i32
        %dma_wait3A_144 = tpu.memref_slice %arg4[%dma_wait3A_142, %dma_wait3A_143] : memref<32x1024xf32, #tpu.memory_space<hbm>> -> memref<32x128xf32, #tpu.memory_space<hbm>>
        tpu.wait_dma2 semaphore(%arg9 : memref<!tpu.dma_semaphore, #tpu.memory_space<semaphore_mem>>) src(%dma_wait3A_144 : memref<32x128xf32, #tpu.memory_space<hbm>>) dst(%dma_wait3A_141 : memref<32x128xf32, #tpu.memory_space<vmem>>)
        %dma_wait3A_145 = arith.constant 224 : i32
        %dma_wait3A_146 = arith.constant 0 : i32
        %dma_wait3A_147 = tpu.memref_slice %arg8[%and3A_47, %dma_wait3A_145, %dma_wait3A_146] : memref<2x256x128xf32, #tpu.memory_space<vmem>> -> memref<1x32x128xf32, #tpu.memory_space<vmem>>
        %dma_wait3A_148 = tpu.memref_squeeze %dma_wait3A_147 : memref<1x32x128xf32, #tpu.memory_space<vmem>> -> memref<32x128xf32, #tpu.memory_space<vmem>>
        %dma_wait3A_149 = arith.constant 0 : i32
        %dma_wait3A_150 = arith.constant 896 : i32
        %dma_wait3A_151 = tpu.memref_slice %arg4[%dma_wait3A_149, %dma_wait3A_150] : memref<32x1024xf32, #tpu.memory_space<hbm>> -> memref<32x128xf32, #tpu.memory_space<hbm>>
        %dma_wait3A_152 = arith.constant 224 : i32
        %dma_wait3A_153 = arith.constant 0 : i32
        %dma_wait3A_154 = tpu.memref_slice %arg8[%and3A_47, %dma_wait3A_152, %dma_wait3A_153] : memref<2x256x128xf32, #tpu.memory_space<vmem>> -> memref<1x32x128xf32, #tpu.memory_space<vmem>>
        %dma_wait3A_155 = tpu.memref_squeeze %dma_wait3A_154 : memref<1x32x128xf32, #tpu.memory_space<vmem>> -> memref<32x128xf32, #tpu.memory_space<vmem>>
        %dma_wait3A_156 = arith.constant 0 : i32
        %dma_wait3A_157 = arith.constant 896 : i32
        %dma_wait3A_158 = tpu.memref_slice %arg4[%dma_wait3A_156, %dma_wait3A_157] : memref<32x1024xf32, #tpu.memory_space<hbm>> -> memref<32x128xf32, #tpu.memory_space<hbm>>
        tpu.wait_dma2 semaphore(%arg9 : memref<!tpu.dma_semaphore, #tpu.memory_space<semaphore_mem>>) src(%dma_wait3A_158 : memref<32x128xf32, #tpu.memory_space<hbm>>) dst(%dma_wait3A_155 : memref<32x128xf32, #tpu.memory_space<vmem>>)
        %mul3A_159 = arith.constant 32 : i32
        %mul3A_160 = arith.muli %mul3A_159, %scan3A_21 : i32
        %add3A_161 = arith.addi %add3A, %mul3A_160 : i32
        %and3A_162 = arith.constant 1 : i32
        %and3A_163 = arith.andi %scan3A_21, %and3A_162 : i32
        %mul3A_164 = arith.constant 256 : i32
        %mul3A_165 = arith.muli %add3A_161, %mul3A_164 : i32
        %multiple_of3A = tpu.assume_multiple %mul3A_165, 8 : i32
        %dma_start3A = arith.constant 0 : i32
        %dma_start3A_166 = arith.constant 0 : i32
        %dma_start3A_167 = tpu.memref_slice %arg8[%and3A_163, %dma_start3A, %dma_start3A_166] : memref<2x256x128xf32, #tpu.memory_space<vmem>> -> memref<1x256x128xf32, #tpu.memory_space<vmem>>
        %dma_start3A_168 = tpu.memref_squeeze %dma_start3A_167 : memref<1x256x128xf32, #tpu.memory_space<vmem>> -> memref<256x128xf32, #tpu.memory_space<vmem>>
        %dma_start3A_169 = arith.constant 0 : i32
        %dma_start3A_170 = tpu.memref_slice %arg6[%multiple_of3A, %dma_start3A_169] : memref<250112x128xf32, #tpu.memory_space<hbm>> -> memref<256x128xf32, #tpu.memory_space<hbm>>
        %dma_start3A_171 = arith.constant 0 : i32
        %dma_start3A_172 = tpu.memref_slice %arg6[%multiple_of3A, %dma_start3A_171] : memref<250112x128xf32, #tpu.memory_space<hbm>> -> memref<256x128xf32, #tpu.memory_space<hbm>>
        %dma_start3A_173 = arith.constant 0 : i32
        %dma_start3A_174 = arith.constant 0 : i32
        %dma_start3A_175 = tpu.memref_slice %arg8[%and3A_163, %dma_start3A_173, %dma_start3A_174] : memref<2x256x128xf32, #tpu.memory_space<vmem>> -> memref<1x256x128xf32, #tpu.memory_space<vmem>>
        %dma_start3A_176 = tpu.memref_squeeze %dma_start3A_175 : memref<1x256x128xf32, #tpu.memory_space<vmem>> -> memref<256x128xf32, #tpu.memory_space<vmem>>
        tpu.enqueue_dma source(%dma_start3A_176 : memref<256x128xf32, #tpu.memory_space<vmem>>) target(%dma_start3A_172 : memref<256x128xf32, #tpu.memory_space<hbm>>) target_semaphore(%arg10 : memref<!tpu.dma_semaphore, #tpu.memory_space<semaphore_mem>>)
      } else {
      }
      %add3A_31 = arith.constant 1 : i32
      %add3A_32 = arith.addi %scan3A_21, %add3A_31 : i32
      %mul3A_33 = arith.constant 32 : i32
      %mul3A_34 = arith.muli %mul3A_33, %add3A_32 : i32
      %add3A_35 = arith.addi %add3A, %mul3A_34 : i32
      %le3A_36 = arith.constant 976 : i32
      %le3A_37 = arith.cmpi sle, %add3A_35, %le3A_36 : i32
      %convert_element_type3A_38 = arith.extui %le3A_37 : i1 to i32
      %cond3A_39 = arith.constant 0 : i32
      %cond3A_40 = arith.cmpi ne, %convert_element_type3A_38, %cond3A_39 : i32
      scf.if %cond3A_40 {
        %add3A_47 = arith.constant 1 : i32
        %add3A_48 = arith.addi %scan3A_21, %add3A_47 : i32
        %mul3A_49 = arith.constant 32 : i32
        %mul3A_50 = arith.muli %mul3A_49, %add3A_48 : i32
        %add3A_51 = arith.addi %add3A, %mul3A_50 : i32
        %and3A = arith.constant 1 : i32
        %and3A_52 = arith.andi %add3A_48, %and3A : i32
        %lt3A = arith.constant 976 : i32
        %lt3A_53 = arith.cmpi slt, %add3A_51, %lt3A : i32
        %convert_element_type3A_54 = arith.extui %lt3A_53 : i1 to i32
        %cond3A_55 = arith.constant 0 : i32
        %cond3A_56 = arith.cmpi ne, %convert_element_type3A_54, %cond3A_55 : i32
        scf.if %cond3A_56 {
          %mul3A_131 = arith.constant 8 : i32
          %mul3A_132 = arith.muli %add3A_51, %mul3A_131 : i32
          %add3A_133 = arith.constant 0 : i32
          %add3A_134 = arith.addi %mul3A_132, %add3A_133 : i32
          %mul3A_135 = arith.constant 128 : i32
          %mul3A_136 = arith.muli %add3A_134, %mul3A_135 : i32
          %multiple_of3A = tpu.assume_multiple %mul3A_136, 128 : i32
          %dma_start3A = arith.constant 0 : i32
          %dma_start3A_137 = arith.constant 0 : i32
          %dma_start3A_138 = tpu.memref_slice %arg8[%and3A_52, %dma_start3A, %dma_start3A_137] : memref<2x256x128xf32, #tpu.memory_space<vmem>> -> memref<1x32x128xf32, #tpu.memory_space<vmem>>
          %dma_start3A_139 = tpu.memref_squeeze %dma_start3A_138 : memref<1x32x128xf32, #tpu.memory_space<vmem>> -> memref<32x128xf32, #tpu.memory_space<vmem>>
          %dma_start3A_140 = arith.constant 0 : i32
          %dma_start3A_141 = tpu.memref_slice %arg2[%dma_start3A_140, %multiple_of3A] : memref<32x1000000xf32, #tpu.memory_space<hbm>> -> memref<32x128xf32, #tpu.memory_space<hbm>>
          %dma_start3A_142 = arith.constant 0 : i32
          %dma_start3A_143 = arith.constant 0 : i32
          %dma_start3A_144 = tpu.memref_slice %arg8[%and3A_52, %dma_start3A_142, %dma_start3A_143] : memref<2x256x128xf32, #tpu.memory_space<vmem>> -> memref<1x32x128xf32, #tpu.memory_space<vmem>>
          %dma_start3A_145 = tpu.memref_squeeze %dma_start3A_144 : memref<1x32x128xf32, #tpu.memory_space<vmem>> -> memref<32x128xf32, #tpu.memory_space<vmem>>
          %dma_start3A_146 = arith.constant 0 : i32
          %dma_start3A_147 = tpu.memref_slice %arg2[%dma_start3A_146, %multiple_of3A] : memref<32x1000000xf32, #tpu.memory_space<hbm>> -> memref<32x128xf32, #tpu.memory_space<hbm>>
          tpu.enqueue_dma source(%dma_start3A_147 : memref<32x128xf32, #tpu.memory_space<hbm>>) target(%dma_start3A_145 : memref<32x128xf32, #tpu.memory_space<vmem>>) target_semaphore(%arg9 : memref<!tpu.dma_semaphore, #tpu.memory_space<semaphore_mem>>)
        } else {
        }
        %eq3A = arith.constant 976 : i32
        %eq3A_57 = arith.cmpi eq, %add3A_51, %eq3A : i32
        %convert_element_type3A_58 = arith.extui %eq3A_57 : i1 to i32
        %cond3A_59 = arith.constant 0 : i32
        %cond3A_60 = arith.cmpi ne, %convert_element_type3A_58, %cond3A_59 : i32
        scf.if %cond3A_60 {
          %dma_start3A = arith.constant 0 : i32
          %dma_start3A_131 = arith.constant 0 : i32
          %dma_start3A_132 = tpu.memref_slice %arg8[%and3A_52, %dma_start3A, %dma_start3A_131] : memref<2x256x128xf32, #tpu.memory_space<vmem>> -> memref<1x32x128xf32, #tpu.memory_space<vmem>>
          %dma_start3A_133 = tpu.memref_squeeze %dma_start3A_132 : memref<1x32x128xf32, #tpu.memory_space<vmem>> -> memref<32x128xf32, #tpu.memory_space<vmem>>
          %dma_start3A_134 = arith.constant 0 : i32
          %dma_start3A_135 = arith.constant 0 : i32
          %dma_start3A_136 = tpu.memref_slice %arg4[%dma_start3A_134, %dma_start3A_135] : memref<32x1024xf32, #tpu.memory_space<hbm>> -> memref<32x128xf32, #tpu.memory_space<hbm>>
          %dma_start3A_137 = arith.constant 0 : i32
          %dma_start3A_138 = arith.constant 0 : i32
          %dma_start3A_139 = tpu.memref_slice %arg8[%and3A_52, %dma_start3A_137, %dma_start3A_138] : memref<2x256x128xf32, #tpu.memory_space<vmem>> -> memref<1x32x128xf32, #tpu.memory_space<vmem>>
          %dma_start3A_140 = tpu.memref_squeeze %dma_start3A_139 : memref<1x32x128xf32, #tpu.memory_space<vmem>> -> memref<32x128xf32, #tpu.memory_space<vmem>>
          %dma_start3A_141 = arith.constant 0 : i32
          %dma_start3A_142 = arith.constant 0 : i32
          %dma_start3A_143 = tpu.memref_slice %arg4[%dma_start3A_141, %dma_start3A_142] : memref<32x1024xf32, #tpu.memory_space<hbm>> -> memref<32x128xf32, #tpu.memory_space<hbm>>
          tpu.enqueue_dma source(%dma_start3A_143 : memref<32x128xf32, #tpu.memory_space<hbm>>) target(%dma_start3A_140 : memref<32x128xf32, #tpu.memory_space<vmem>>) target_semaphore(%arg9 : memref<!tpu.dma_semaphore, #tpu.memory_space<semaphore_mem>>)
        } else {
        }
        %lt3A_61 = arith.constant 976 : i32
        %lt3A_62 = arith.cmpi slt, %add3A_51, %lt3A_61 : i32
        %convert_element_type3A_63 = arith.extui %lt3A_62 : i1 to i32
        %cond3A_64 = arith.constant 0 : i32
        %cond3A_65 = arith.cmpi ne, %convert_element_type3A_63, %cond3A_64 : i32
        scf.if %cond3A_65 {
          %mul3A_131 = arith.constant 8 : i32
          %mul3A_132 = arith.muli %add3A_51, %mul3A_131 : i32
          %add3A_133 = arith.constant 1 : i32
          %add3A_134 = arith.addi %mul3A_132, %add3A_133 : i32
          %mul3A_135 = arith.constant 128 : i32
          %mul3A_136 = arith.muli %add3A_134, %mul3A_135 : i32
          %multiple_of3A = tpu.assume_multiple %mul3A_136, 128 : i32
          %dma_start3A = arith.constant 32 : i32
          %dma_start3A_137 = arith.constant 0 : i32
          %dma_start3A_138 = tpu.memref_slice %arg8[%and3A_52, %dma_start3A, %dma_start3A_137] : memref<2x256x128xf32, #tpu.memory_space<vmem>> -> memref<1x32x128xf32, #tpu.memory_space<vmem>>
          %dma_start3A_139 = tpu.memref_squeeze %dma_start3A_138 : memref<1x32x128xf32, #tpu.memory_space<vmem>> -> memref<32x128xf32, #tpu.memory_space<vmem>>
          %dma_start3A_140 = arith.constant 0 : i32
          %dma_start3A_141 = tpu.memref_slice %arg2[%dma_start3A_140, %multiple_of3A] : memref<32x1000000xf32, #tpu.memory_space<hbm>> -> memref<32x128xf32, #tpu.memory_space<hbm>>
          %dma_start3A_142 = arith.constant 32 : i32
          %dma_start3A_143 = arith.constant 0 : i32
          %dma_start3A_144 = tpu.memref_slice %arg8[%and3A_52, %dma_start3A_142, %dma_start3A_143] : memref<2x256x128xf32, #tpu.memory_space<vmem>> -> memref<1x32x128xf32, #tpu.memory_space<vmem>>
          %dma_start3A_145 = tpu.memref_squeeze %dma_start3A_144 : memref<1x32x128xf32, #tpu.memory_space<vmem>> -> memref<32x128xf32, #tpu.memory_space<vmem>>
          %dma_start3A_146 = arith.constant 0 : i32
          %dma_start3A_147 = tpu.memref_slice %arg2[%dma_start3A_146, %multiple_of3A] : memref<32x1000000xf32, #tpu.memory_space<hbm>> -> memref<32x128xf32, #tpu.memory_space<hbm>>
          tpu.enqueue_dma source(%dma_start3A_147 : memref<32x128xf32, #tpu.memory_space<hbm>>) target(%dma_start3A_145 : memref<32x128xf32, #tpu.memory_space<vmem>>) target_semaphore(%arg9 : memref<!tpu.dma_semaphore, #tpu.memory_space<semaphore_mem>>)
        } else {
        }
        %eq3A_66 = arith.constant 976 : i32
        %eq3A_67 = arith.cmpi eq, %add3A_51, %eq3A_66 : i32
        %convert_element_type3A_68 = arith.extui %eq3A_67 : i1 to i32
        %cond3A_69 = arith.constant 0 : i32
        %cond3A_70 = arith.cmpi ne, %convert_element_type3A_68, %cond3A_69 : i32
        scf.if %cond3A_70 {
          %dma_start3A = arith.constant 32 : i32
          %dma_start3A_131 = arith.constant 0 : i32
          %dma_start3A_132 = tpu.memref_slice %arg8[%and3A_52, %dma_start3A, %dma_start3A_131] : memref<2x256x128xf32, #tpu.memory_space<vmem>> -> memref<1x32x128xf32, #tpu.memory_space<vmem>>
          %dma_start3A_133 = tpu.memref_squeeze %dma_start3A_132 : memref<1x32x128xf32, #tpu.memory_space<vmem>> -> memref<32x128xf32, #tpu.memory_space<vmem>>
          %dma_start3A_134 = arith.constant 0 : i32
          %dma_start3A_135 = arith.constant 128 : i32
          %dma_start3A_136 = tpu.memref_slice %arg4[%dma_start3A_134, %dma_start3A_135] : memref<32x1024xf32, #tpu.memory_space<hbm>> -> memref<32x128xf32, #tpu.memory_space<hbm>>
          %dma_start3A_137 = arith.constant 32 : i32
          %dma_start3A_138 = arith.constant 0 : i32
          %dma_start3A_139 = tpu.memref_slice %arg8[%and3A_52, %dma_start3A_137, %dma_start3A_138] : memref<2x256x128xf32, #tpu.memory_space<vmem>> -> memref<1x32x128xf32, #tpu.memory_space<vmem>>
          %dma_start3A_140 = tpu.memref_squeeze %dma_start3A_139 : memref<1x32x128xf32, #tpu.memory_space<vmem>> -> memref<32x128xf32, #tpu.memory_space<vmem>>
          %dma_start3A_141 = arith.constant 0 : i32
          %dma_start3A_142 = arith.constant 128 : i32
          %dma_start3A_143 = tpu.memref_slice %arg4[%dma_start3A_141, %dma_start3A_142] : memref<32x1024xf32, #tpu.memory_space<hbm>> -> memref<32x128xf32, #tpu.memory_space<hbm>>
          tpu.enqueue_dma source(%dma_start3A_143 : memref<32x128xf32, #tpu.memory_space<hbm>>) target(%dma_start3A_140 : memref<32x128xf32, #tpu.memory_space<vmem>>) target_semaphore(%arg9 : memref<!tpu.dma_semaphore, #tpu.memory_space<semaphore_mem>>)
        } else {
        }
        %lt3A_71 = arith.constant 976 : i32
        %lt3A_72 = arith.cmpi slt, %add3A_51, %lt3A_71 : i32
        %convert_element_type3A_73 = arith.extui %lt3A_72 : i1 to i32
        %cond3A_74 = arith.constant 0 : i32
        %cond3A_75 = arith.cmpi ne, %convert_element_type3A_73, %cond3A_74 : i32
        scf.if %cond3A_75 {
          %mul3A_131 = arith.constant 8 : i32
          %mul3A_132 = arith.muli %add3A_51, %mul3A_131 : i32
          %add3A_133 = arith.constant 2 : i32
          %add3A_134 = arith.addi %mul3A_132, %add3A_133 : i32
          %mul3A_135 = arith.constant 128 : i32
          %mul3A_136 = arith.muli %add3A_134, %mul3A_135 : i32
          %multiple_of3A = tpu.assume_multiple %mul3A_136, 128 : i32
          %dma_start3A = arith.constant 64 : i32
          %dma_start3A_137 = arith.constant 0 : i32
          %dma_start3A_138 = tpu.memref_slice %arg8[%and3A_52, %dma_start3A, %dma_start3A_137] : memref<2x256x128xf32, #tpu.memory_space<vmem>> -> memref<1x32x128xf32, #tpu.memory_space<vmem>>
          %dma_start3A_139 = tpu.memref_squeeze %dma_start3A_138 : memref<1x32x128xf32, #tpu.memory_space<vmem>> -> memref<32x128xf32, #tpu.memory_space<vmem>>
          %dma_start3A_140 = arith.constant 0 : i32
          %dma_start3A_141 = tpu.memref_slice %arg2[%dma_start3A_140, %multiple_of3A] : memref<32x1000000xf32, #tpu.memory_space<hbm>> -> memref<32x128xf32, #tpu.memory_space<hbm>>
          %dma_start3A_142 = arith.constant 64 : i32
          %dma_start3A_143 = arith.constant 0 : i32
          %dma_start3A_144 = tpu.memref_slice %arg8[%and3A_52, %dma_start3A_142, %dma_start3A_143] : memref<2x256x128xf32, #tpu.memory_space<vmem>> -> memref<1x32x128xf32, #tpu.memory_space<vmem>>
          %dma_start3A_145 = tpu.memref_squeeze %dma_start3A_144 : memref<1x32x128xf32, #tpu.memory_space<vmem>> -> memref<32x128xf32, #tpu.memory_space<vmem>>
          %dma_start3A_146 = arith.constant 0 : i32
          %dma_start3A_147 = tpu.memref_slice %arg2[%dma_start3A_146, %multiple_of3A] : memref<32x1000000xf32, #tpu.memory_space<hbm>> -> memref<32x128xf32, #tpu.memory_space<hbm>>
          tpu.enqueue_dma source(%dma_start3A_147 : memref<32x128xf32, #tpu.memory_space<hbm>>) target(%dma_start3A_145 : memref<32x128xf32, #tpu.memory_space<vmem>>) target_semaphore(%arg9 : memref<!tpu.dma_semaphore, #tpu.memory_space<semaphore_mem>>)
        } else {
        }
        %eq3A_76 = arith.constant 976 : i32
        %eq3A_77 = arith.cmpi eq, %add3A_51, %eq3A_76 : i32
        %convert_element_type3A_78 = arith.extui %eq3A_77 : i1 to i32
        %cond3A_79 = arith.constant 0 : i32
        %cond3A_80 = arith.cmpi ne, %convert_element_type3A_78, %cond3A_79 : i32
        scf.if %cond3A_80 {
          %dma_start3A = arith.constant 64 : i32
          %dma_start3A_131 = arith.constant 0 : i32
          %dma_start3A_132 = tpu.memref_slice %arg8[%and3A_52, %dma_start3A, %dma_start3A_131] : memref<2x256x128xf32, #tpu.memory_space<vmem>> -> memref<1x32x128xf32, #tpu.memory_space<vmem>>
          %dma_start3A_133 = tpu.memref_squeeze %dma_start3A_132 : memref<1x32x128xf32, #tpu.memory_space<vmem>> -> memref<32x128xf32, #tpu.memory_space<vmem>>
          %dma_start3A_134 = arith.constant 0 : i32
          %dma_start3A_135 = arith.constant 256 : i32
          %dma_start3A_136 = tpu.memref_slice %arg4[%dma_start3A_134, %dma_start3A_135] : memref<32x1024xf32, #tpu.memory_space<hbm>> -> memref<32x128xf32, #tpu.memory_space<hbm>>
          %dma_start3A_137 = arith.constant 64 : i32
          %dma_start3A_138 = arith.constant 0 : i32
          %dma_start3A_139 = tpu.memref_slice %arg8[%and3A_52, %dma_start3A_137, %dma_start3A_138] : memref<2x256x128xf32, #tpu.memory_space<vmem>> -> memref<1x32x128xf32, #tpu.memory_space<vmem>>
          %dma_start3A_140 = tpu.memref_squeeze %dma_start3A_139 : memref<1x32x128xf32, #tpu.memory_space<vmem>> -> memref<32x128xf32, #tpu.memory_space<vmem>>
          %dma_start3A_141 = arith.constant 0 : i32
          %dma_start3A_142 = arith.constant 256 : i32
          %dma_start3A_143 = tpu.memref_slice %arg4[%dma_start3A_141, %dma_start3A_142] : memref<32x1024xf32, #tpu.memory_space<hbm>> -> memref<32x128xf32, #tpu.memory_space<hbm>>
          tpu.enqueue_dma source(%dma_start3A_143 : memref<32x128xf32, #tpu.memory_space<hbm>>) target(%dma_start3A_140 : memref<32x128xf32, #tpu.memory_space<vmem>>) target_semaphore(%arg9 : memref<!tpu.dma_semaphore, #tpu.memory_space<semaphore_mem>>)
        } else {
        }
        %lt3A_81 = arith.constant 976 : i32
        %lt3A_82 = arith.cmpi slt, %add3A_51, %lt3A_81 : i32
        %convert_element_type3A_83 = arith.extui %lt3A_82 : i1 to i32
        %cond3A_84 = arith.constant 0 : i32
        %cond3A_85 = arith.cmpi ne, %convert_element_type3A_83, %cond3A_84 : i32
        scf.if %cond3A_85 {
          %mul3A_131 = arith.constant 8 : i32
          %mul3A_132 = arith.muli %add3A_51, %mul3A_131 : i32
          %add3A_133 = arith.constant 3 : i32
          %add3A_134 = arith.addi %mul3A_132, %add3A_133 : i32
          %mul3A_135 = arith.constant 128 : i32
          %mul3A_136 = arith.muli %add3A_134, %mul3A_135 : i32
          %multiple_of3A = tpu.assume_multiple %mul3A_136, 128 : i32
          %dma_start3A = arith.constant 96 : i32
          %dma_start3A_137 = arith.constant 0 : i32
          %dma_start3A_138 = tpu.memref_slice %arg8[%and3A_52, %dma_start3A, %dma_start3A_137] : memref<2x256x128xf32, #tpu.memory_space<vmem>> -> memref<1x32x128xf32, #tpu.memory_space<vmem>>
          %dma_start3A_139 = tpu.memref_squeeze %dma_start3A_138 : memref<1x32x128xf32, #tpu.memory_space<vmem>> -> memref<32x128xf32, #tpu.memory_space<vmem>>
          %dma_start3A_140 = arith.constant 0 : i32
          %dma_start3A_141 = tpu.memref_slice %arg2[%dma_start3A_140, %multiple_of3A] : memref<32x1000000xf32, #tpu.memory_space<hbm>> -> memref<32x128xf32, #tpu.memory_space<hbm>>
          %dma_start3A_142 = arith.constant 96 : i32
          %dma_start3A_143 = arith.constant 0 : i32
          %dma_start3A_144 = tpu.memref_slice %arg8[%and3A_52, %dma_start3A_142, %dma_start3A_143] : memref<2x256x128xf32, #tpu.memory_space<vmem>> -> memref<1x32x128xf32, #tpu.memory_space<vmem>>
          %dma_start3A_145 = tpu.memref_squeeze %dma_start3A_144 : memref<1x32x128xf32, #tpu.memory_space<vmem>> -> memref<32x128xf32, #tpu.memory_space<vmem>>
          %dma_start3A_146 = arith.constant 0 : i32
          %dma_start3A_147 = tpu.memref_slice %arg2[%dma_start3A_146, %multiple_of3A] : memref<32x1000000xf32, #tpu.memory_space<hbm>> -> memref<32x128xf32, #tpu.memory_space<hbm>>
          tpu.enqueue_dma source(%dma_start3A_147 : memref<32x128xf32, #tpu.memory_space<hbm>>) target(%dma_start3A_145 : memref<32x128xf32, #tpu.memory_space<vmem>>) target_semaphore(%arg9 : memref<!tpu.dma_semaphore, #tpu.memory_space<semaphore_mem>>)
        } else {
        }
        %eq3A_86 = arith.constant 976 : i32
        %eq3A_87 = arith.cmpi eq, %add3A_51, %eq3A_86 : i32
        %convert_element_type3A_88 = arith.extui %eq3A_87 : i1 to i32
        %cond3A_89 = arith.constant 0 : i32
        %cond3A_90 = arith.cmpi ne, %convert_element_type3A_88, %cond3A_89 : i32
        scf.if %cond3A_90 {
          %dma_start3A = arith.constant 96 : i32
          %dma_start3A_131 = arith.constant 0 : i32
          %dma_start3A_132 = tpu.memref_slice %arg8[%and3A_52, %dma_start3A, %dma_start3A_131] : memref<2x256x128xf32, #tpu.memory_space<vmem>> -> memref<1x32x128xf32, #tpu.memory_space<vmem>>
          %dma_start3A_133 = tpu.memref_squeeze %dma_start3A_132 : memref<1x32x128xf32, #tpu.memory_space<vmem>> -> memref<32x128xf32, #tpu.memory_space<vmem>>
          %dma_start3A_134 = arith.constant 0 : i32
          %dma_start3A_135 = arith.constant 384 : i32
          %dma_start3A_136 = tpu.memref_slice %arg4[%dma_start3A_134, %dma_start3A_135] : memref<32x1024xf32, #tpu.memory_space<hbm>> -> memref<32x128xf32, #tpu.memory_space<hbm>>
          %dma_start3A_137 = arith.constant 96 : i32
          %dma_start3A_138 = arith.constant 0 : i32
          %dma_start3A_139 = tpu.memref_slice %arg8[%and3A_52, %dma_start3A_137, %dma_start3A_138] : memref<2x256x128xf32, #tpu.memory_space<vmem>> -> memref<1x32x128xf32, #tpu.memory_space<vmem>>
          %dma_start3A_140 = tpu.memref_squeeze %dma_start3A_139 : memref<1x32x128xf32, #tpu.memory_space<vmem>> -> memref<32x128xf32, #tpu.memory_space<vmem>>
          %dma_start3A_141 = arith.constant 0 : i32
          %dma_start3A_142 = arith.constant 384 : i32
          %dma_start3A_143 = tpu.memref_slice %arg4[%dma_start3A_141, %dma_start3A_142] : memref<32x1024xf32, #tpu.memory_space<hbm>> -> memref<32x128xf32, #tpu.memory_space<hbm>>
          tpu.enqueue_dma source(%dma_start3A_143 : memref<32x128xf32, #tpu.memory_space<hbm>>) target(%dma_start3A_140 : memref<32x128xf32, #tpu.memory_space<vmem>>) target_semaphore(%arg9 : memref<!tpu.dma_semaphore, #tpu.memory_space<semaphore_mem>>)
        } else {
        }
        %lt3A_91 = arith.constant 976 : i32
        %lt3A_92 = arith.cmpi slt, %add3A_51, %lt3A_91 : i32
        %convert_element_type3A_93 = arith.extui %lt3A_92 : i1 to i32
        %cond3A_94 = arith.constant 0 : i32
        %cond3A_95 = arith.cmpi ne, %convert_element_type3A_93, %cond3A_94 : i32
        scf.if %cond3A_95 {
          %mul3A_131 = arith.constant 8 : i32
          %mul3A_132 = arith.muli %add3A_51, %mul3A_131 : i32
          %add3A_133 = arith.constant 4 : i32
          %add3A_134 = arith.addi %mul3A_132, %add3A_133 : i32
          %mul3A_135 = arith.constant 128 : i32
          %mul3A_136 = arith.muli %add3A_134, %mul3A_135 : i32
          %multiple_of3A = tpu.assume_multiple %mul3A_136, 128 : i32
          %dma_start3A = arith.constant 128 : i32
          %dma_start3A_137 = arith.constant 0 : i32
          %dma_start3A_138 = tpu.memref_slice %arg8[%and3A_52, %dma_start3A, %dma_start3A_137] : memref<2x256x128xf32, #tpu.memory_space<vmem>> -> memref<1x32x128xf32, #tpu.memory_space<vmem>>
          %dma_start3A_139 = tpu.memref_squeeze %dma_start3A_138 : memref<1x32x128xf32, #tpu.memory_space<vmem>> -> memref<32x128xf32, #tpu.memory_space<vmem>>
          %dma_start3A_140 = arith.constant 0 : i32
          %dma_start3A_141 = tpu.memref_slice %arg2[%dma_start3A_140, %multiple_of3A] : memref<32x1000000xf32, #tpu.memory_space<hbm>> -> memref<32x128xf32, #tpu.memory_space<hbm>>
          %dma_start3A_142 = arith.constant 128 : i32
          %dma_start3A_143 = arith.constant 0 : i32
          %dma_start3A_144 = tpu.memref_slice %arg8[%and3A_52, %dma_start3A_142, %dma_start3A_143] : memref<2x256x128xf32, #tpu.memory_space<vmem>> -> memref<1x32x128xf32, #tpu.memory_space<vmem>>
          %dma_start3A_145 = tpu.memref_squeeze %dma_start3A_144 : memref<1x32x128xf32, #tpu.memory_space<vmem>> -> memref<32x128xf32, #tpu.memory_space<vmem>>
          %dma_start3A_146 = arith.constant 0 : i32
          %dma_start3A_147 = tpu.memref_slice %arg2[%dma_start3A_146, %multiple_of3A] : memref<32x1000000xf32, #tpu.memory_space<hbm>> -> memref<32x128xf32, #tpu.memory_space<hbm>>
          tpu.enqueue_dma source(%dma_start3A_147 : memref<32x128xf32, #tpu.memory_space<hbm>>) target(%dma_start3A_145 : memref<32x128xf32, #tpu.memory_space<vmem>>) target_semaphore(%arg9 : memref<!tpu.dma_semaphore, #tpu.memory_space<semaphore_mem>>)
        } else {
        }
        %eq3A_96 = arith.constant 976 : i32
        %eq3A_97 = arith.cmpi eq, %add3A_51, %eq3A_96 : i32
        %convert_element_type3A_98 = arith.extui %eq3A_97 : i1 to i32
        %cond3A_99 = arith.constant 0 : i32
        %cond3A_100 = arith.cmpi ne, %convert_element_type3A_98, %cond3A_99 : i32
        scf.if %cond3A_100 {
          %dma_start3A = arith.constant 128 : i32
          %dma_start3A_131 = arith.constant 0 : i32
          %dma_start3A_132 = tpu.memref_slice %arg8[%and3A_52, %dma_start3A, %dma_start3A_131] : memref<2x256x128xf32, #tpu.memory_space<vmem>> -> memref<1x32x128xf32, #tpu.memory_space<vmem>>
          %dma_start3A_133 = tpu.memref_squeeze %dma_start3A_132 : memref<1x32x128xf32, #tpu.memory_space<vmem>> -> memref<32x128xf32, #tpu.memory_space<vmem>>
          %dma_start3A_134 = arith.constant 0 : i32
          %dma_start3A_135 = arith.constant 512 : i32
          %dma_start3A_136 = tpu.memref_slice %arg4[%dma_start3A_134, %dma_start3A_135] : memref<32x1024xf32, #tpu.memory_space<hbm>> -> memref<32x128xf32, #tpu.memory_space<hbm>>
          %dma_start3A_137 = arith.constant 128 : i32
          %dma_start3A_138 = arith.constant 0 : i32
          %dma_start3A_139 = tpu.memref_slice %arg8[%and3A_52, %dma_start3A_137, %dma_start3A_138] : memref<2x256x128xf32, #tpu.memory_space<vmem>> -> memref<1x32x128xf32, #tpu.memory_space<vmem>>
          %dma_start3A_140 = tpu.memref_squeeze %dma_start3A_139 : memref<1x32x128xf32, #tpu.memory_space<vmem>> -> memref<32x128xf32, #tpu.memory_space<vmem>>
          %dma_start3A_141 = arith.constant 0 : i32
          %dma_start3A_142 = arith.constant 512 : i32
          %dma_start3A_143 = tpu.memref_slice %arg4[%dma_start3A_141, %dma_start3A_142] : memref<32x1024xf32, #tpu.memory_space<hbm>> -> memref<32x128xf32, #tpu.memory_space<hbm>>
          tpu.enqueue_dma source(%dma_start3A_143 : memref<32x128xf32, #tpu.memory_space<hbm>>) target(%dma_start3A_140 : memref<32x128xf32, #tpu.memory_space<vmem>>) target_semaphore(%arg9 : memref<!tpu.dma_semaphore, #tpu.memory_space<semaphore_mem>>)
        } else {
        }
        %lt3A_101 = arith.constant 976 : i32
        %lt3A_102 = arith.cmpi slt, %add3A_51, %lt3A_101 : i32
        %convert_element_type3A_103 = arith.extui %lt3A_102 : i1 to i32
        %cond3A_104 = arith.constant 0 : i32
        %cond3A_105 = arith.cmpi ne, %convert_element_type3A_103, %cond3A_104 : i32
        scf.if %cond3A_105 {
          %mul3A_131 = arith.constant 8 : i32
          %mul3A_132 = arith.muli %add3A_51, %mul3A_131 : i32
          %add3A_133 = arith.constant 5 : i32
          %add3A_134 = arith.addi %mul3A_132, %add3A_133 : i32
          %mul3A_135 = arith.constant 128 : i32
          %mul3A_136 = arith.muli %add3A_134, %mul3A_135 : i32
          %multiple_of3A = tpu.assume_multiple %mul3A_136, 128 : i32
          %dma_start3A = arith.constant 160 : i32
          %dma_start3A_137 = arith.constant 0 : i32
          %dma_start3A_138 = tpu.memref_slice %arg8[%and3A_52, %dma_start3A, %dma_start3A_137] : memref<2x256x128xf32, #tpu.memory_space<vmem>> -> memref<1x32x128xf32, #tpu.memory_space<vmem>>
          %dma_start3A_139 = tpu.memref_squeeze %dma_start3A_138 : memref<1x32x128xf32, #tpu.memory_space<vmem>> -> memref<32x128xf32, #tpu.memory_space<vmem>>
          %dma_start3A_140 = arith.constant 0 : i32
          %dma_start3A_141 = tpu.memref_slice %arg2[%dma_start3A_140, %multiple_of3A] : memref<32x1000000xf32, #tpu.memory_space<hbm>> -> memref<32x128xf32, #tpu.memory_space<hbm>>
          %dma_start3A_142 = arith.constant 160 : i32
          %dma_start3A_143 = arith.constant 0 : i32
          %dma_start3A_144 = tpu.memref_slice %arg8[%and3A_52, %dma_start3A_142, %dma_start3A_143] : memref<2x256x128xf32, #tpu.memory_space<vmem>> -> memref<1x32x128xf32, #tpu.memory_space<vmem>>
          %dma_start3A_145 = tpu.memref_squeeze %dma_start3A_144 : memref<1x32x128xf32, #tpu.memory_space<vmem>> -> memref<32x128xf32, #tpu.memory_space<vmem>>
          %dma_start3A_146 = arith.constant 0 : i32
          %dma_start3A_147 = tpu.memref_slice %arg2[%dma_start3A_146, %multiple_of3A] : memref<32x1000000xf32, #tpu.memory_space<hbm>> -> memref<32x128xf32, #tpu.memory_space<hbm>>
          tpu.enqueue_dma source(%dma_start3A_147 : memref<32x128xf32, #tpu.memory_space<hbm>>) target(%dma_start3A_145 : memref<32x128xf32, #tpu.memory_space<vmem>>) target_semaphore(%arg9 : memref<!tpu.dma_semaphore, #tpu.memory_space<semaphore_mem>>)
        } else {
        }
        %eq3A_106 = arith.constant 976 : i32
        %eq3A_107 = arith.cmpi eq, %add3A_51, %eq3A_106 : i32
        %convert_element_type3A_108 = arith.extui %eq3A_107 : i1 to i32
        %cond3A_109 = arith.constant 0 : i32
        %cond3A_110 = arith.cmpi ne, %convert_element_type3A_108, %cond3A_109 : i32
        scf.if %cond3A_110 {
          %dma_start3A = arith.constant 160 : i32
          %dma_start3A_131 = arith.constant 0 : i32
          %dma_start3A_132 = tpu.memref_slice %arg8[%and3A_52, %dma_start3A, %dma_start3A_131] : memref<2x256x128xf32, #tpu.memory_space<vmem>> -> memref<1x32x128xf32, #tpu.memory_space<vmem>>
          %dma_start3A_133 = tpu.memref_squeeze %dma_start3A_132 : memref<1x32x128xf32, #tpu.memory_space<vmem>> -> memref<32x128xf32, #tpu.memory_space<vmem>>
          %dma_start3A_134 = arith.constant 0 : i32
          %dma_start3A_135 = arith.constant 640 : i32
          %dma_start3A_136 = tpu.memref_slice %arg4[%dma_start3A_134, %dma_start3A_135] : memref<32x1024xf32, #tpu.memory_space<hbm>> -> memref<32x128xf32, #tpu.memory_space<hbm>>
          %dma_start3A_137 = arith.constant 160 : i32
          %dma_start3A_138 = arith.constant 0 : i32
          %dma_start3A_139 = tpu.memref_slice %arg8[%and3A_52, %dma_start3A_137, %dma_start3A_138] : memref<2x256x128xf32, #tpu.memory_space<vmem>> -> memref<1x32x128xf32, #tpu.memory_space<vmem>>
          %dma_start3A_140 = tpu.memref_squeeze %dma_start3A_139 : memref<1x32x128xf32, #tpu.memory_space<vmem>> -> memref<32x128xf32, #tpu.memory_space<vmem>>
          %dma_start3A_141 = arith.constant 0 : i32
          %dma_start3A_142 = arith.constant 640 : i32
          %dma_start3A_143 = tpu.memref_slice %arg4[%dma_start3A_141, %dma_start3A_142] : memref<32x1024xf32, #tpu.memory_space<hbm>> -> memref<32x128xf32, #tpu.memory_space<hbm>>
          tpu.enqueue_dma source(%dma_start3A_143 : memref<32x128xf32, #tpu.memory_space<hbm>>) target(%dma_start3A_140 : memref<32x128xf32, #tpu.memory_space<vmem>>) target_semaphore(%arg9 : memref<!tpu.dma_semaphore, #tpu.memory_space<semaphore_mem>>)
        } else {
        }
        %lt3A_111 = arith.constant 976 : i32
        %lt3A_112 = arith.cmpi slt, %add3A_51, %lt3A_111 : i32
        %convert_element_type3A_113 = arith.extui %lt3A_112 : i1 to i32
        %cond3A_114 = arith.constant 0 : i32
        %cond3A_115 = arith.cmpi ne, %convert_element_type3A_113, %cond3A_114 : i32
        scf.if %cond3A_115 {
          %mul3A_131 = arith.constant 8 : i32
          %mul3A_132 = arith.muli %add3A_51, %mul3A_131 : i32
          %add3A_133 = arith.constant 6 : i32
          %add3A_134 = arith.addi %mul3A_132, %add3A_133 : i32
          %mul3A_135 = arith.constant 128 : i32
          %mul3A_136 = arith.muli %add3A_134, %mul3A_135 : i32
          %multiple_of3A = tpu.assume_multiple %mul3A_136, 128 : i32
          %dma_start3A = arith.constant 192 : i32
          %dma_start3A_137 = arith.constant 0 : i32
          %dma_start3A_138 = tpu.memref_slice %arg8[%and3A_52, %dma_start3A, %dma_start3A_137] : memref<2x256x128xf32, #tpu.memory_space<vmem>> -> memref<1x32x128xf32, #tpu.memory_space<vmem>>
          %dma_start3A_139 = tpu.memref_squeeze %dma_start3A_138 : memref<1x32x128xf32, #tpu.memory_space<vmem>> -> memref<32x128xf32, #tpu.memory_space<vmem>>
          %dma_start3A_140 = arith.constant 0 : i32
          %dma_start3A_141 = tpu.memref_slice %arg2[%dma_start3A_140, %multiple_of3A] : memref<32x1000000xf32, #tpu.memory_space<hbm>> -> memref<32x128xf32, #tpu.memory_space<hbm>>
          %dma_start3A_142 = arith.constant 192 : i32
          %dma_start3A_143 = arith.constant 0 : i32
          %dma_start3A_144 = tpu.memref_slice %arg8[%and3A_52, %dma_start3A_142, %dma_start3A_143] : memref<2x256x128xf32, #tpu.memory_space<vmem>> -> memref<1x32x128xf32, #tpu.memory_space<vmem>>
          %dma_start3A_145 = tpu.memref_squeeze %dma_start3A_144 : memref<1x32x128xf32, #tpu.memory_space<vmem>> -> memref<32x128xf32, #tpu.memory_space<vmem>>
          %dma_start3A_146 = arith.constant 0 : i32
          %dma_start3A_147 = tpu.memref_slice %arg2[%dma_start3A_146, %multiple_of3A] : memref<32x1000000xf32, #tpu.memory_space<hbm>> -> memref<32x128xf32, #tpu.memory_space<hbm>>
          tpu.enqueue_dma source(%dma_start3A_147 : memref<32x128xf32, #tpu.memory_space<hbm>>) target(%dma_start3A_145 : memref<32x128xf32, #tpu.memory_space<vmem>>) target_semaphore(%arg9 : memref<!tpu.dma_semaphore, #tpu.memory_space<semaphore_mem>>)
        } else {
        }
        %eq3A_116 = arith.constant 976 : i32
        %eq3A_117 = arith.cmpi eq, %add3A_51, %eq3A_116 : i32
        %convert_element_type3A_118 = arith.extui %eq3A_117 : i1 to i32
        %cond3A_119 = arith.constant 0 : i32
        %cond3A_120 = arith.cmpi ne, %convert_element_type3A_118, %cond3A_119 : i32
        scf.if %cond3A_120 {
          %dma_start3A = arith.constant 192 : i32
          %dma_start3A_131 = arith.constant 0 : i32
          %dma_start3A_132 = tpu.memref_slice %arg8[%and3A_52, %dma_start3A, %dma_start3A_131] : memref<2x256x128xf32, #tpu.memory_space<vmem>> -> memref<1x32x128xf32, #tpu.memory_space<vmem>>
          %dma_start3A_133 = tpu.memref_squeeze %dma_start3A_132 : memref<1x32x128xf32, #tpu.memory_space<vmem>> -> memref<32x128xf32, #tpu.memory_space<vmem>>
          %dma_start3A_134 = arith.constant 0 : i32
          %dma_start3A_135 = arith.constant 768 : i32
          %dma_start3A_136 = tpu.memref_slice %arg4[%dma_start3A_134, %dma_start3A_135] : memref<32x1024xf32, #tpu.memory_space<hbm>> -> memref<32x128xf32, #tpu.memory_space<hbm>>
          %dma_start3A_137 = arith.constant 192 : i32
          %dma_start3A_138 = arith.constant 0 : i32
          %dma_start3A_139 = tpu.memref_slice %arg8[%and3A_52, %dma_start3A_137, %dma_start3A_138] : memref<2x256x128xf32, #tpu.memory_space<vmem>> -> memref<1x32x128xf32, #tpu.memory_space<vmem>>
          %dma_start3A_140 = tpu.memref_squeeze %dma_start3A_139 : memref<1x32x128xf32, #tpu.memory_space<vmem>> -> memref<32x128xf32, #tpu.memory_space<vmem>>
          %dma_start3A_141 = arith.constant 0 : i32
          %dma_start3A_142 = arith.constant 768 : i32
          %dma_start3A_143 = tpu.memref_slice %arg4[%dma_start3A_141, %dma_start3A_142] : memref<32x1024xf32, #tpu.memory_space<hbm>> -> memref<32x128xf32, #tpu.memory_space<hbm>>
          tpu.enqueue_dma source(%dma_start3A_143 : memref<32x128xf32, #tpu.memory_space<hbm>>) target(%dma_start3A_140 : memref<32x128xf32, #tpu.memory_space<vmem>>) target_semaphore(%arg9 : memref<!tpu.dma_semaphore, #tpu.memory_space<semaphore_mem>>)
        } else {
        }
        %lt3A_121 = arith.constant 976 : i32
        %lt3A_122 = arith.cmpi slt, %add3A_51, %lt3A_121 : i32
        %convert_element_type3A_123 = arith.extui %lt3A_122 : i1 to i32
        %cond3A_124 = arith.constant 0 : i32
        %cond3A_125 = arith.cmpi ne, %convert_element_type3A_123, %cond3A_124 : i32
        scf.if %cond3A_125 {
          %mul3A_131 = arith.constant 8 : i32
          %mul3A_132 = arith.muli %add3A_51, %mul3A_131 : i32
          %add3A_133 = arith.constant 7 : i32
          %add3A_134 = arith.addi %mul3A_132, %add3A_133 : i32
          %mul3A_135 = arith.constant 128 : i32
          %mul3A_136 = arith.muli %add3A_134, %mul3A_135 : i32
          %multiple_of3A = tpu.assume_multiple %mul3A_136, 128 : i32
          %dma_start3A = arith.constant 224 : i32
          %dma_start3A_137 = arith.constant 0 : i32
          %dma_start3A_138 = tpu.memref_slice %arg8[%and3A_52, %dma_start3A, %dma_start3A_137] : memref<2x256x128xf32, #tpu.memory_space<vmem>> -> memref<1x32x128xf32, #tpu.memory_space<vmem>>
          %dma_start3A_139 = tpu.memref_squeeze %dma_start3A_138 : memref<1x32x128xf32, #tpu.memory_space<vmem>> -> memref<32x128xf32, #tpu.memory_space<vmem>>
          %dma_start3A_140 = arith.constant 0 : i32
          %dma_start3A_141 = tpu.memref_slice %arg2[%dma_start3A_140, %multiple_of3A] : memref<32x1000000xf32, #tpu.memory_space<hbm>> -> memref<32x128xf32, #tpu.memory_space<hbm>>
          %dma_start3A_142 = arith.constant 224 : i32
          %dma_start3A_143 = arith.constant 0 : i32
          %dma_start3A_144 = tpu.memref_slice %arg8[%and3A_52, %dma_start3A_142, %dma_start3A_143] : memref<2x256x128xf32, #tpu.memory_space<vmem>> -> memref<1x32x128xf32, #tpu.memory_space<vmem>>
          %dma_start3A_145 = tpu.memref_squeeze %dma_start3A_144 : memref<1x32x128xf32, #tpu.memory_space<vmem>> -> memref<32x128xf32, #tpu.memory_space<vmem>>
          %dma_start3A_146 = arith.constant 0 : i32
          %dma_start3A_147 = tpu.memref_slice %arg2[%dma_start3A_146, %multiple_of3A] : memref<32x1000000xf32, #tpu.memory_space<hbm>> -> memref<32x128xf32, #tpu.memory_space<hbm>>
          tpu.enqueue_dma source(%dma_start3A_147 : memref<32x128xf32, #tpu.memory_space<hbm>>) target(%dma_start3A_145 : memref<32x128xf32, #tpu.memory_space<vmem>>) target_semaphore(%arg9 : memref<!tpu.dma_semaphore, #tpu.memory_space<semaphore_mem>>)
        } else {
        }
        %eq3A_126 = arith.constant 976 : i32
        %eq3A_127 = arith.cmpi eq, %add3A_51, %eq3A_126 : i32
        %convert_element_type3A_128 = arith.extui %eq3A_127 : i1 to i32
        %cond3A_129 = arith.constant 0 : i32
        %cond3A_130 = arith.cmpi ne, %convert_element_type3A_128, %cond3A_129 : i32
        scf.if %cond3A_130 {
          %dma_start3A = arith.constant 224 : i32
          %dma_start3A_131 = arith.constant 0 : i32
          %dma_start3A_132 = tpu.memref_slice %arg8[%and3A_52, %dma_start3A, %dma_start3A_131] : memref<2x256x128xf32, #tpu.memory_space<vmem>> -> memref<1x32x128xf32, #tpu.memory_space<vmem>>
          %dma_start3A_133 = tpu.memref_squeeze %dma_start3A_132 : memref<1x32x128xf32, #tpu.memory_space<vmem>> -> memref<32x128xf32, #tpu.memory_space<vmem>>
          %dma_start3A_134 = arith.constant 0 : i32
          %dma_start3A_135 = arith.constant 896 : i32
          %dma_start3A_136 = tpu.memref_slice %arg4[%dma_start3A_134, %dma_start3A_135] : memref<32x1024xf32, #tpu.memory_space<hbm>> -> memref<32x128xf32, #tpu.memory_space<hbm>>
          %dma_start3A_137 = arith.constant 224 : i32
          %dma_start3A_138 = arith.constant 0 : i32
          %dma_start3A_139 = tpu.memref_slice %arg8[%and3A_52, %dma_start3A_137, %dma_start3A_138] : memref<2x256x128xf32, #tpu.memory_space<vmem>> -> memref<1x32x128xf32, #tpu.memory_space<vmem>>
          %dma_start3A_140 = tpu.memref_squeeze %dma_start3A_139 : memref<1x32x128xf32, #tpu.memory_space<vmem>> -> memref<32x128xf32, #tpu.memory_space<vmem>>
          %dma_start3A_141 = arith.constant 0 : i32
          %dma_start3A_142 = arith.constant 896 : i32
          %dma_start3A_143 = tpu.memref_slice %arg4[%dma_start3A_141, %dma_start3A_142] : memref<32x1024xf32, #tpu.memory_space<hbm>> -> memref<32x128xf32, #tpu.memory_space<hbm>>
          tpu.enqueue_dma source(%dma_start3A_143 : memref<32x128xf32, #tpu.memory_space<hbm>>) target(%dma_start3A_140 : memref<32x128xf32, #tpu.memory_space<vmem>>) target_semaphore(%arg9 : memref<!tpu.dma_semaphore, #tpu.memory_space<semaphore_mem>>)
        } else {
        }
      } else {
      }
      %le3A_41 = arith.constant 976 : i32
      %le3A_42 = arith.cmpi sle, %add3A_25, %le3A_41 : i32
      %convert_element_type3A_43 = arith.extui %le3A_42 : i1 to i32
      %cond3A_44 = arith.constant 0 : i32
      %cond3A_45 = arith.cmpi ne, %convert_element_type3A_43, %cond3A_44 : i32
      scf.if %cond3A_45 {
        %mul3A_47 = arith.constant 32 : i32
        %mul3A_48 = arith.muli %mul3A_47, %scan3A_21 : i32
        %add3A_49 = arith.addi %add3A, %mul3A_48 : i32
        %and3A = arith.constant 1 : i32
        %and3A_50 = arith.andi %scan3A_21, %and3A : i32
        %mul3A_51 = arith.constant 256 : i32
        %mul3A_52 = arith.muli %add3A_49, %mul3A_51 : i32
        %multiple_of3A = tpu.assume_multiple %mul3A_52, 8 : i32
        %dma_wait3A = arith.constant 0 : i32
        %dma_wait3A_53 = arith.constant 0 : i32
        %dma_wait3A_54 = tpu.memref_slice %arg8[%and3A_50, %dma_wait3A, %dma_wait3A_53] : memref<2x256x128xf32, #tpu.memory_space<vmem>> -> memref<1x256x128xf32, #tpu.memory_space<vmem>>
        %dma_wait3A_55 = tpu.memref_squeeze %dma_wait3A_54 : memref<1x256x128xf32, #tpu.memory_space<vmem>> -> memref<256x128xf32, #tpu.memory_space<vmem>>
        %dma_wait3A_56 = arith.constant 0 : i32
        %dma_wait3A_57 = tpu.memref_slice %arg6[%multiple_of3A, %dma_wait3A_56] : memref<250112x128xf32, #tpu.memory_space<hbm>> -> memref<256x128xf32, #tpu.memory_space<hbm>>
        %dma_wait3A_58 = arith.constant 0 : i32
        %dma_wait3A_59 = tpu.memref_slice %arg6[%multiple_of3A, %dma_wait3A_58] : memref<250112x128xf32, #tpu.memory_space<hbm>> -> memref<256x128xf32, #tpu.memory_space<hbm>>
        %dma_wait3A_60 = arith.constant 0 : i32
        %dma_wait3A_61 = arith.constant 0 : i32
        %dma_wait3A_62 = tpu.memref_slice %arg8[%and3A_50, %dma_wait3A_60, %dma_wait3A_61] : memref<2x256x128xf32, #tpu.memory_space<vmem>> -> memref<1x256x128xf32, #tpu.memory_space<vmem>>
        %dma_wait3A_63 = tpu.memref_squeeze %dma_wait3A_62 : memref<1x256x128xf32, #tpu.memory_space<vmem>> -> memref<256x128xf32, #tpu.memory_space<vmem>>
        tpu.wait_dma2 semaphore(%arg10 : memref<!tpu.dma_semaphore, #tpu.memory_space<semaphore_mem>>) src(%dma_wait3A_63 : memref<256x128xf32, #tpu.memory_space<vmem>>) dst(%dma_wait3A_59 : memref<256x128xf32, #tpu.memory_space<hbm>>)
      } else {
      }
      %scan3A_46 = arith.constant 0 : i32
      scf.yield %scan3A_46 : i32
    }
    %scan3A_8 = arith.constant 31 : i32
    %le3A_9 = arith.constant 97 : i32
    %le3A_10 = arith.cmpi sle, %add3A, %le3A_9 : i32
    %convert_element_type3A_11 = arith.extui %le3A_10 : i1 to i32
    %cond3A_12 = arith.constant 0 : i32
    %cond3A_13 = arith.cmpi ne, %convert_element_type3A_11, %cond3A_12 : i32
    scf.if %cond3A_13 {
      %add3A_21 = arith.constant 0 : i32
      %add3A_22 = arith.addi %add3A, %add3A_21 : i32
      %lt3A = arith.constant 97 : i32
      %lt3A_23 = arith.cmpi slt, %add3A_22, %lt3A : i32
      %convert_element_type3A_24 = arith.extui %lt3A_23 : i1 to i32
      %cond3A_25 = arith.constant 0 : i32
      %cond3A_26 = arith.constant 0 : i32
      %cond3A_27 = arith.cmpi ne, %convert_element_type3A_24, %cond3A_26 : i32
      scf.if %cond3A_27 {
        %mul3A_117 = arith.constant 8 : i32
        %mul3A_118 = arith.muli %add3A_22, %mul3A_117 : i32
        %add3A_119 = arith.constant 0 : i32
        %add3A_120 = arith.addi %mul3A_118, %add3A_119 : i32
        %mul3A_121 = arith.constant 128 : i32
        %mul3A_122 = arith.muli %add3A_120, %mul3A_121 : i32
        %multiple_of3A = tpu.assume_multiple %mul3A_122, 128 : i32
        %dma_start3A = arith.constant 0 : i32
        %dma_start3A_123 = arith.constant 0 : i32
        %dma_start3A_124 = tpu.memref_slice %arg8[%cond3A_25, %dma_start3A, %dma_start3A_123] : memref<2x256x128xf32, #tpu.memory_space<vmem>> -> memref<1x32x128xf32, #tpu.memory_space<vmem>>
        %dma_start3A_125 = tpu.memref_squeeze %dma_start3A_124 : memref<1x32x128xf32, #tpu.memory_space<vmem>> -> memref<32x128xf32, #tpu.memory_space<vmem>>
        %dma_start3A_126 = arith.constant 0 : i32
        %dma_start3A_127 = tpu.memref_slice %arg3[%dma_start3A_126, %multiple_of3A] : memref<32x100000xf32, #tpu.memory_space<hbm>> -> memref<32x128xf32, #tpu.memory_space<hbm>>
        %dma_start3A_128 = arith.constant 0 : i32
        %dma_start3A_129 = arith.constant 0 : i32
        %dma_start3A_130 = tpu.memref_slice %arg8[%cond3A_25, %dma_start3A_128, %dma_start3A_129] : memref<2x256x128xf32, #tpu.memory_space<vmem>> -> memref<1x32x128xf32, #tpu.memory_space<vmem>>
        %dma_start3A_131 = tpu.memref_squeeze %dma_start3A_130 : memref<1x32x128xf32, #tpu.memory_space<vmem>> -> memref<32x128xf32, #tpu.memory_space<vmem>>
        %dma_start3A_132 = arith.constant 0 : i32
        %dma_start3A_133 = tpu.memref_slice %arg3[%dma_start3A_132, %multiple_of3A] : memref<32x100000xf32, #tpu.memory_space<hbm>> -> memref<32x128xf32, #tpu.memory_space<hbm>>
        tpu.enqueue_dma source(%dma_start3A_133 : memref<32x128xf32, #tpu.memory_space<hbm>>) target(%dma_start3A_131 : memref<32x128xf32, #tpu.memory_space<vmem>>) target_semaphore(%arg9 : memref<!tpu.dma_semaphore, #tpu.memory_space<semaphore_mem>>)
      } else {
      }
      %eq3A = arith.constant 97 : i32
      %eq3A_28 = arith.cmpi eq, %add3A_22, %eq3A : i32
      %convert_element_type3A_29 = arith.extui %eq3A_28 : i1 to i32
      %cond3A_30 = arith.constant 0 : i32
      %cond3A_31 = arith.constant 0 : i32
      %cond3A_32 = arith.cmpi ne, %convert_element_type3A_29, %cond3A_31 : i32
      scf.if %cond3A_32 {
        %dma_start3A = arith.constant 0 : i32
        %dma_start3A_117 = arith.constant 0 : i32
        %dma_start3A_118 = tpu.memref_slice %arg8[%cond3A_30, %dma_start3A, %dma_start3A_117] : memref<2x256x128xf32, #tpu.memory_space<vmem>> -> memref<1x32x128xf32, #tpu.memory_space<vmem>>
        %dma_start3A_119 = tpu.memref_squeeze %dma_start3A_118 : memref<1x32x128xf32, #tpu.memory_space<vmem>> -> memref<32x128xf32, #tpu.memory_space<vmem>>
        %dma_start3A_120 = arith.constant 0 : i32
        %dma_start3A_121 = arith.constant 0 : i32
        %dma_start3A_122 = tpu.memref_slice %arg5[%dma_start3A_120, %dma_start3A_121] : memref<32x1024xf32, #tpu.memory_space<hbm>> -> memref<32x128xf32, #tpu.memory_space<hbm>>
        %dma_start3A_123 = arith.constant 0 : i32
        %dma_start3A_124 = arith.constant 0 : i32
        %dma_start3A_125 = tpu.memref_slice %arg8[%cond3A_30, %dma_start3A_123, %dma_start3A_124] : memref<2x256x128xf32, #tpu.memory_space<vmem>> -> memref<1x32x128xf32, #tpu.memory_space<vmem>>
        %dma_start3A_126 = tpu.memref_squeeze %dma_start3A_125 : memref<1x32x128xf32, #tpu.memory_space<vmem>> -> memref<32x128xf32, #tpu.memory_space<vmem>>
        %dma_start3A_127 = arith.constant 0 : i32
        %dma_start3A_128 = arith.constant 0 : i32
        %dma_start3A_129 = tpu.memref_slice %arg5[%dma_start3A_127, %dma_start3A_128] : memref<32x1024xf32, #tpu.memory_space<hbm>> -> memref<32x128xf32, #tpu.memory_space<hbm>>
        tpu.enqueue_dma source(%dma_start3A_129 : memref<32x128xf32, #tpu.memory_space<hbm>>) target(%dma_start3A_126 : memref<32x128xf32, #tpu.memory_space<vmem>>) target_semaphore(%arg9 : memref<!tpu.dma_semaphore, #tpu.memory_space<semaphore_mem>>)
      } else {
      }
      %lt3A_33 = arith.constant 97 : i32
      %lt3A_34 = arith.cmpi slt, %add3A_22, %lt3A_33 : i32
      %convert_element_type3A_35 = arith.extui %lt3A_34 : i1 to i32
      %cond3A_36 = arith.constant 0 : i32
      %cond3A_37 = arith.constant 0 : i32
      %cond3A_38 = arith.cmpi ne, %convert_element_type3A_35, %cond3A_37 : i32
      scf.if %cond3A_38 {
        %mul3A_117 = arith.constant 8 : i32
        %mul3A_118 = arith.muli %add3A_22, %mul3A_117 : i32
        %add3A_119 = arith.constant 1 : i32
        %add3A_120 = arith.addi %mul3A_118, %add3A_119 : i32
        %mul3A_121 = arith.constant 128 : i32
        %mul3A_122 = arith.muli %add3A_120, %mul3A_121 : i32
        %multiple_of3A = tpu.assume_multiple %mul3A_122, 128 : i32
        %dma_start3A = arith.constant 32 : i32
        %dma_start3A_123 = arith.constant 0 : i32
        %dma_start3A_124 = tpu.memref_slice %arg8[%cond3A_36, %dma_start3A, %dma_start3A_123] : memref<2x256x128xf32, #tpu.memory_space<vmem>> -> memref<1x32x128xf32, #tpu.memory_space<vmem>>
        %dma_start3A_125 = tpu.memref_squeeze %dma_start3A_124 : memref<1x32x128xf32, #tpu.memory_space<vmem>> -> memref<32x128xf32, #tpu.memory_space<vmem>>
        %dma_start3A_126 = arith.constant 0 : i32
        %dma_start3A_127 = tpu.memref_slice %arg3[%dma_start3A_126, %multiple_of3A] : memref<32x100000xf32, #tpu.memory_space<hbm>> -> memref<32x128xf32, #tpu.memory_space<hbm>>
        %dma_start3A_128 = arith.constant 32 : i32
        %dma_start3A_129 = arith.constant 0 : i32
        %dma_start3A_130 = tpu.memref_slice %arg8[%cond3A_36, %dma_start3A_128, %dma_start3A_129] : memref<2x256x128xf32, #tpu.memory_space<vmem>> -> memref<1x32x128xf32, #tpu.memory_space<vmem>>
        %dma_start3A_131 = tpu.memref_squeeze %dma_start3A_130 : memref<1x32x128xf32, #tpu.memory_space<vmem>> -> memref<32x128xf32, #tpu.memory_space<vmem>>
        %dma_start3A_132 = arith.constant 0 : i32
        %dma_start3A_133 = tpu.memref_slice %arg3[%dma_start3A_132, %multiple_of3A] : memref<32x100000xf32, #tpu.memory_space<hbm>> -> memref<32x128xf32, #tpu.memory_space<hbm>>
        tpu.enqueue_dma source(%dma_start3A_133 : memref<32x128xf32, #tpu.memory_space<hbm>>) target(%dma_start3A_131 : memref<32x128xf32, #tpu.memory_space<vmem>>) target_semaphore(%arg9 : memref<!tpu.dma_semaphore, #tpu.memory_space<semaphore_mem>>)
      } else {
      }
      %eq3A_39 = arith.constant 97 : i32
      %eq3A_40 = arith.cmpi eq, %add3A_22, %eq3A_39 : i32
      %convert_element_type3A_41 = arith.extui %eq3A_40 : i1 to i32
      %cond3A_42 = arith.constant 0 : i32
      %cond3A_43 = arith.constant 0 : i32
      %cond3A_44 = arith.cmpi ne, %convert_element_type3A_41, %cond3A_43 : i32
      scf.if %cond3A_44 {
        %dma_start3A = arith.constant 32 : i32
        %dma_start3A_117 = arith.constant 0 : i32
        %dma_start3A_118 = tpu.memref_slice %arg8[%cond3A_42, %dma_start3A, %dma_start3A_117] : memref<2x256x128xf32, #tpu.memory_space<vmem>> -> memref<1x32x128xf32, #tpu.memory_space<vmem>>
        %dma_start3A_119 = tpu.memref_squeeze %dma_start3A_118 : memref<1x32x128xf32, #tpu.memory_space<vmem>> -> memref<32x128xf32, #tpu.memory_space<vmem>>
        %dma_start3A_120 = arith.constant 0 : i32
        %dma_start3A_121 = arith.constant 128 : i32
        %dma_start3A_122 = tpu.memref_slice %arg5[%dma_start3A_120, %dma_start3A_121] : memref<32x1024xf32, #tpu.memory_space<hbm>> -> memref<32x128xf32, #tpu.memory_space<hbm>>
        %dma_start3A_123 = arith.constant 32 : i32
        %dma_start3A_124 = arith.constant 0 : i32
        %dma_start3A_125 = tpu.memref_slice %arg8[%cond3A_42, %dma_start3A_123, %dma_start3A_124] : memref<2x256x128xf32, #tpu.memory_space<vmem>> -> memref<1x32x128xf32, #tpu.memory_space<vmem>>
        %dma_start3A_126 = tpu.memref_squeeze %dma_start3A_125 : memref<1x32x128xf32, #tpu.memory_space<vmem>> -> memref<32x128xf32, #tpu.memory_space<vmem>>
        %dma_start3A_127 = arith.constant 0 : i32
        %dma_start3A_128 = arith.constant 128 : i32
        %dma_start3A_129 = tpu.memref_slice %arg5[%dma_start3A_127, %dma_start3A_128] : memref<32x1024xf32, #tpu.memory_space<hbm>> -> memref<32x128xf32, #tpu.memory_space<hbm>>
        tpu.enqueue_dma source(%dma_start3A_129 : memref<32x128xf32, #tpu.memory_space<hbm>>) target(%dma_start3A_126 : memref<32x128xf32, #tpu.memory_space<vmem>>) target_semaphore(%arg9 : memref<!tpu.dma_semaphore, #tpu.memory_space<semaphore_mem>>)
      } else {
      }
      %lt3A_45 = arith.constant 97 : i32
      %lt3A_46 = arith.cmpi slt, %add3A_22, %lt3A_45 : i32
      %convert_element_type3A_47 = arith.extui %lt3A_46 : i1 to i32
      %cond3A_48 = arith.constant 0 : i32
      %cond3A_49 = arith.constant 0 : i32
      %cond3A_50 = arith.cmpi ne, %convert_element_type3A_47, %cond3A_49 : i32
      scf.if %cond3A_50 {
        %mul3A_117 = arith.constant 8 : i32
        %mul3A_118 = arith.muli %add3A_22, %mul3A_117 : i32
        %add3A_119 = arith.constant 2 : i32
        %add3A_120 = arith.addi %mul3A_118, %add3A_119 : i32
        %mul3A_121 = arith.constant 128 : i32
        %mul3A_122 = arith.muli %add3A_120, %mul3A_121 : i32
        %multiple_of3A = tpu.assume_multiple %mul3A_122, 128 : i32
        %dma_start3A = arith.constant 64 : i32
        %dma_start3A_123 = arith.constant 0 : i32
        %dma_start3A_124 = tpu.memref_slice %arg8[%cond3A_48, %dma_start3A, %dma_start3A_123] : memref<2x256x128xf32, #tpu.memory_space<vmem>> -> memref<1x32x128xf32, #tpu.memory_space<vmem>>
        %dma_start3A_125 = tpu.memref_squeeze %dma_start3A_124 : memref<1x32x128xf32, #tpu.memory_space<vmem>> -> memref<32x128xf32, #tpu.memory_space<vmem>>
        %dma_start3A_126 = arith.constant 0 : i32
        %dma_start3A_127 = tpu.memref_slice %arg3[%dma_start3A_126, %multiple_of3A] : memref<32x100000xf32, #tpu.memory_space<hbm>> -> memref<32x128xf32, #tpu.memory_space<hbm>>
        %dma_start3A_128 = arith.constant 64 : i32
        %dma_start3A_129 = arith.constant 0 : i32
        %dma_start3A_130 = tpu.memref_slice %arg8[%cond3A_48, %dma_start3A_128, %dma_start3A_129] : memref<2x256x128xf32, #tpu.memory_space<vmem>> -> memref<1x32x128xf32, #tpu.memory_space<vmem>>
        %dma_start3A_131 = tpu.memref_squeeze %dma_start3A_130 : memref<1x32x128xf32, #tpu.memory_space<vmem>> -> memref<32x128xf32, #tpu.memory_space<vmem>>
        %dma_start3A_132 = arith.constant 0 : i32
        %dma_start3A_133 = tpu.memref_slice %arg3[%dma_start3A_132, %multiple_of3A] : memref<32x100000xf32, #tpu.memory_space<hbm>> -> memref<32x128xf32, #tpu.memory_space<hbm>>
        tpu.enqueue_dma source(%dma_start3A_133 : memref<32x128xf32, #tpu.memory_space<hbm>>) target(%dma_start3A_131 : memref<32x128xf32, #tpu.memory_space<vmem>>) target_semaphore(%arg9 : memref<!tpu.dma_semaphore, #tpu.memory_space<semaphore_mem>>)
      } else {
      }
      %eq3A_51 = arith.constant 97 : i32
      %eq3A_52 = arith.cmpi eq, %add3A_22, %eq3A_51 : i32
      %convert_element_type3A_53 = arith.extui %eq3A_52 : i1 to i32
      %cond3A_54 = arith.constant 0 : i32
      %cond3A_55 = arith.constant 0 : i32
      %cond3A_56 = arith.cmpi ne, %convert_element_type3A_53, %cond3A_55 : i32
      scf.if %cond3A_56 {
        %dma_start3A = arith.constant 64 : i32
        %dma_start3A_117 = arith.constant 0 : i32
        %dma_start3A_118 = tpu.memref_slice %arg8[%cond3A_54, %dma_start3A, %dma_start3A_117] : memref<2x256x128xf32, #tpu.memory_space<vmem>> -> memref<1x32x128xf32, #tpu.memory_space<vmem>>
        %dma_start3A_119 = tpu.memref_squeeze %dma_start3A_118 : memref<1x32x128xf32, #tpu.memory_space<vmem>> -> memref<32x128xf32, #tpu.memory_space<vmem>>
        %dma_start3A_120 = arith.constant 0 : i32
        %dma_start3A_121 = arith.constant 256 : i32
        %dma_start3A_122 = tpu.memref_slice %arg5[%dma_start3A_120, %dma_start3A_121] : memref<32x1024xf32, #tpu.memory_space<hbm>> -> memref<32x128xf32, #tpu.memory_space<hbm>>
        %dma_start3A_123 = arith.constant 64 : i32
        %dma_start3A_124 = arith.constant 0 : i32
        %dma_start3A_125 = tpu.memref_slice %arg8[%cond3A_54, %dma_start3A_123, %dma_start3A_124] : memref<2x256x128xf32, #tpu.memory_space<vmem>> -> memref<1x32x128xf32, #tpu.memory_space<vmem>>
        %dma_start3A_126 = tpu.memref_squeeze %dma_start3A_125 : memref<1x32x128xf32, #tpu.memory_space<vmem>> -> memref<32x128xf32, #tpu.memory_space<vmem>>
        %dma_start3A_127 = arith.constant 0 : i32
        %dma_start3A_128 = arith.constant 256 : i32
        %dma_start3A_129 = tpu.memref_slice %arg5[%dma_start3A_127, %dma_start3A_128] : memref<32x1024xf32, #tpu.memory_space<hbm>> -> memref<32x128xf32, #tpu.memory_space<hbm>>
        tpu.enqueue_dma source(%dma_start3A_129 : memref<32x128xf32, #tpu.memory_space<hbm>>) target(%dma_start3A_126 : memref<32x128xf32, #tpu.memory_space<vmem>>) target_semaphore(%arg9 : memref<!tpu.dma_semaphore, #tpu.memory_space<semaphore_mem>>)
      } else {
      }
      %lt3A_57 = arith.constant 97 : i32
      %lt3A_58 = arith.cmpi slt, %add3A_22, %lt3A_57 : i32
      %convert_element_type3A_59 = arith.extui %lt3A_58 : i1 to i32
      %cond3A_60 = arith.constant 0 : i32
      %cond3A_61 = arith.constant 0 : i32
      %cond3A_62 = arith.cmpi ne, %convert_element_type3A_59, %cond3A_61 : i32
      scf.if %cond3A_62 {
        %mul3A_117 = arith.constant 8 : i32
        %mul3A_118 = arith.muli %add3A_22, %mul3A_117 : i32
        %add3A_119 = arith.constant 3 : i32
        %add3A_120 = arith.addi %mul3A_118, %add3A_119 : i32
        %mul3A_121 = arith.constant 128 : i32
        %mul3A_122 = arith.muli %add3A_120, %mul3A_121 : i32
        %multiple_of3A = tpu.assume_multiple %mul3A_122, 128 : i32
        %dma_start3A = arith.constant 96 : i32
        %dma_start3A_123 = arith.constant 0 : i32
        %dma_start3A_124 = tpu.memref_slice %arg8[%cond3A_60, %dma_start3A, %dma_start3A_123] : memref<2x256x128xf32, #tpu.memory_space<vmem>> -> memref<1x32x128xf32, #tpu.memory_space<vmem>>
        %dma_start3A_125 = tpu.memref_squeeze %dma_start3A_124 : memref<1x32x128xf32, #tpu.memory_space<vmem>> -> memref<32x128xf32, #tpu.memory_space<vmem>>
        %dma_start3A_126 = arith.constant 0 : i32
        %dma_start3A_127 = tpu.memref_slice %arg3[%dma_start3A_126, %multiple_of3A] : memref<32x100000xf32, #tpu.memory_space<hbm>> -> memref<32x128xf32, #tpu.memory_space<hbm>>
        %dma_start3A_128 = arith.constant 96 : i32
        %dma_start3A_129 = arith.constant 0 : i32
        %dma_start3A_130 = tpu.memref_slice %arg8[%cond3A_60, %dma_start3A_128, %dma_start3A_129] : memref<2x256x128xf32, #tpu.memory_space<vmem>> -> memref<1x32x128xf32, #tpu.memory_space<vmem>>
        %dma_start3A_131 = tpu.memref_squeeze %dma_start3A_130 : memref<1x32x128xf32, #tpu.memory_space<vmem>> -> memref<32x128xf32, #tpu.memory_space<vmem>>
        %dma_start3A_132 = arith.constant 0 : i32
        %dma_start3A_133 = tpu.memref_slice %arg3[%dma_start3A_132, %multiple_of3A] : memref<32x100000xf32, #tpu.memory_space<hbm>> -> memref<32x128xf32, #tpu.memory_space<hbm>>
        tpu.enqueue_dma source(%dma_start3A_133 : memref<32x128xf32, #tpu.memory_space<hbm>>) target(%dma_start3A_131 : memref<32x128xf32, #tpu.memory_space<vmem>>) target_semaphore(%arg9 : memref<!tpu.dma_semaphore, #tpu.memory_space<semaphore_mem>>)
      } else {
      }
      %eq3A_63 = arith.constant 97 : i32
      %eq3A_64 = arith.cmpi eq, %add3A_22, %eq3A_63 : i32
      %convert_element_type3A_65 = arith.extui %eq3A_64 : i1 to i32
      %cond3A_66 = arith.constant 0 : i32
      %cond3A_67 = arith.constant 0 : i32
      %cond3A_68 = arith.cmpi ne, %convert_element_type3A_65, %cond3A_67 : i32
      scf.if %cond3A_68 {
        %dma_start3A = arith.constant 96 : i32
        %dma_start3A_117 = arith.constant 0 : i32
        %dma_start3A_118 = tpu.memref_slice %arg8[%cond3A_66, %dma_start3A, %dma_start3A_117] : memref<2x256x128xf32, #tpu.memory_space<vmem>> -> memref<1x32x128xf32, #tpu.memory_space<vmem>>
        %dma_start3A_119 = tpu.memref_squeeze %dma_start3A_118 : memref<1x32x128xf32, #tpu.memory_space<vmem>> -> memref<32x128xf32, #tpu.memory_space<vmem>>
        %dma_start3A_120 = arith.constant 0 : i32
        %dma_start3A_121 = arith.constant 384 : i32
        %dma_start3A_122 = tpu.memref_slice %arg5[%dma_start3A_120, %dma_start3A_121] : memref<32x1024xf32, #tpu.memory_space<hbm>> -> memref<32x128xf32, #tpu.memory_space<hbm>>
        %dma_start3A_123 = arith.constant 96 : i32
        %dma_start3A_124 = arith.constant 0 : i32
        %dma_start3A_125 = tpu.memref_slice %arg8[%cond3A_66, %dma_start3A_123, %dma_start3A_124] : memref<2x256x128xf32, #tpu.memory_space<vmem>> -> memref<1x32x128xf32, #tpu.memory_space<vmem>>
        %dma_start3A_126 = tpu.memref_squeeze %dma_start3A_125 : memref<1x32x128xf32, #tpu.memory_space<vmem>> -> memref<32x128xf32, #tpu.memory_space<vmem>>
        %dma_start3A_127 = arith.constant 0 : i32
        %dma_start3A_128 = arith.constant 384 : i32
        %dma_start3A_129 = tpu.memref_slice %arg5[%dma_start3A_127, %dma_start3A_128] : memref<32x1024xf32, #tpu.memory_space<hbm>> -> memref<32x128xf32, #tpu.memory_space<hbm>>
        tpu.enqueue_dma source(%dma_start3A_129 : memref<32x128xf32, #tpu.memory_space<hbm>>) target(%dma_start3A_126 : memref<32x128xf32, #tpu.memory_space<vmem>>) target_semaphore(%arg9 : memref<!tpu.dma_semaphore, #tpu.memory_space<semaphore_mem>>)
      } else {
      }
      %lt3A_69 = arith.constant 97 : i32
      %lt3A_70 = arith.cmpi slt, %add3A_22, %lt3A_69 : i32
      %convert_element_type3A_71 = arith.extui %lt3A_70 : i1 to i32
      %cond3A_72 = arith.constant 0 : i32
      %cond3A_73 = arith.constant 0 : i32
      %cond3A_74 = arith.cmpi ne, %convert_element_type3A_71, %cond3A_73 : i32
      scf.if %cond3A_74 {
        %mul3A_117 = arith.constant 8 : i32
        %mul3A_118 = arith.muli %add3A_22, %mul3A_117 : i32
        %add3A_119 = arith.constant 4 : i32
        %add3A_120 = arith.addi %mul3A_118, %add3A_119 : i32
        %mul3A_121 = arith.constant 128 : i32
        %mul3A_122 = arith.muli %add3A_120, %mul3A_121 : i32
        %multiple_of3A = tpu.assume_multiple %mul3A_122, 128 : i32
        %dma_start3A = arith.constant 128 : i32
        %dma_start3A_123 = arith.constant 0 : i32
        %dma_start3A_124 = tpu.memref_slice %arg8[%cond3A_72, %dma_start3A, %dma_start3A_123] : memref<2x256x128xf32, #tpu.memory_space<vmem>> -> memref<1x32x128xf32, #tpu.memory_space<vmem>>
        %dma_start3A_125 = tpu.memref_squeeze %dma_start3A_124 : memref<1x32x128xf32, #tpu.memory_space<vmem>> -> memref<32x128xf32, #tpu.memory_space<vmem>>
        %dma_start3A_126 = arith.constant 0 : i32
        %dma_start3A_127 = tpu.memref_slice %arg3[%dma_start3A_126, %multiple_of3A] : memref<32x100000xf32, #tpu.memory_space<hbm>> -> memref<32x128xf32, #tpu.memory_space<hbm>>
        %dma_start3A_128 = arith.constant 128 : i32
        %dma_start3A_129 = arith.constant 0 : i32
        %dma_start3A_130 = tpu.memref_slice %arg8[%cond3A_72, %dma_start3A_128, %dma_start3A_129] : memref<2x256x128xf32, #tpu.memory_space<vmem>> -> memref<1x32x128xf32, #tpu.memory_space<vmem>>
        %dma_start3A_131 = tpu.memref_squeeze %dma_start3A_130 : memref<1x32x128xf32, #tpu.memory_space<vmem>> -> memref<32x128xf32, #tpu.memory_space<vmem>>
        %dma_start3A_132 = arith.constant 0 : i32
        %dma_start3A_133 = tpu.memref_slice %arg3[%dma_start3A_132, %multiple_of3A] : memref<32x100000xf32, #tpu.memory_space<hbm>> -> memref<32x128xf32, #tpu.memory_space<hbm>>
        tpu.enqueue_dma source(%dma_start3A_133 : memref<32x128xf32, #tpu.memory_space<hbm>>) target(%dma_start3A_131 : memref<32x128xf32, #tpu.memory_space<vmem>>) target_semaphore(%arg9 : memref<!tpu.dma_semaphore, #tpu.memory_space<semaphore_mem>>)
      } else {
      }
      %eq3A_75 = arith.constant 97 : i32
      %eq3A_76 = arith.cmpi eq, %add3A_22, %eq3A_75 : i32
      %convert_element_type3A_77 = arith.extui %eq3A_76 : i1 to i32
      %cond3A_78 = arith.constant 0 : i32
      %cond3A_79 = arith.constant 0 : i32
      %cond3A_80 = arith.cmpi ne, %convert_element_type3A_77, %cond3A_79 : i32
      scf.if %cond3A_80 {
        %dma_start3A = arith.constant 128 : i32
        %dma_start3A_117 = arith.constant 0 : i32
        %dma_start3A_118 = tpu.memref_slice %arg8[%cond3A_78, %dma_start3A, %dma_start3A_117] : memref<2x256x128xf32, #tpu.memory_space<vmem>> -> memref<1x32x128xf32, #tpu.memory_space<vmem>>
        %dma_start3A_119 = tpu.memref_squeeze %dma_start3A_118 : memref<1x32x128xf32, #tpu.memory_space<vmem>> -> memref<32x128xf32, #tpu.memory_space<vmem>>
        %dma_start3A_120 = arith.constant 0 : i32
        %dma_start3A_121 = arith.constant 512 : i32
        %dma_start3A_122 = tpu.memref_slice %arg5[%dma_start3A_120, %dma_start3A_121] : memref<32x1024xf32, #tpu.memory_space<hbm>> -> memref<32x128xf32, #tpu.memory_space<hbm>>
        %dma_start3A_123 = arith.constant 128 : i32
        %dma_start3A_124 = arith.constant 0 : i32
        %dma_start3A_125 = tpu.memref_slice %arg8[%cond3A_78, %dma_start3A_123, %dma_start3A_124] : memref<2x256x128xf32, #tpu.memory_space<vmem>> -> memref<1x32x128xf32, #tpu.memory_space<vmem>>
        %dma_start3A_126 = tpu.memref_squeeze %dma_start3A_125 : memref<1x32x128xf32, #tpu.memory_space<vmem>> -> memref<32x128xf32, #tpu.memory_space<vmem>>
        %dma_start3A_127 = arith.constant 0 : i32
        %dma_start3A_128 = arith.constant 512 : i32
        %dma_start3A_129 = tpu.memref_slice %arg5[%dma_start3A_127, %dma_start3A_128] : memref<32x1024xf32, #tpu.memory_space<hbm>> -> memref<32x128xf32, #tpu.memory_space<hbm>>
        tpu.enqueue_dma source(%dma_start3A_129 : memref<32x128xf32, #tpu.memory_space<hbm>>) target(%dma_start3A_126 : memref<32x128xf32, #tpu.memory_space<vmem>>) target_semaphore(%arg9 : memref<!tpu.dma_semaphore, #tpu.memory_space<semaphore_mem>>)
      } else {
      }
      %lt3A_81 = arith.constant 97 : i32
      %lt3A_82 = arith.cmpi slt, %add3A_22, %lt3A_81 : i32
      %convert_element_type3A_83 = arith.extui %lt3A_82 : i1 to i32
      %cond3A_84 = arith.constant 0 : i32
      %cond3A_85 = arith.constant 0 : i32
      %cond3A_86 = arith.cmpi ne, %convert_element_type3A_83, %cond3A_85 : i32
      scf.if %cond3A_86 {
        %mul3A_117 = arith.constant 8 : i32
        %mul3A_118 = arith.muli %add3A_22, %mul3A_117 : i32
        %add3A_119 = arith.constant 5 : i32
        %add3A_120 = arith.addi %mul3A_118, %add3A_119 : i32
        %mul3A_121 = arith.constant 128 : i32
        %mul3A_122 = arith.muli %add3A_120, %mul3A_121 : i32
        %multiple_of3A = tpu.assume_multiple %mul3A_122, 128 : i32
        %dma_start3A = arith.constant 160 : i32
        %dma_start3A_123 = arith.constant 0 : i32
        %dma_start3A_124 = tpu.memref_slice %arg8[%cond3A_84, %dma_start3A, %dma_start3A_123] : memref<2x256x128xf32, #tpu.memory_space<vmem>> -> memref<1x32x128xf32, #tpu.memory_space<vmem>>
        %dma_start3A_125 = tpu.memref_squeeze %dma_start3A_124 : memref<1x32x128xf32, #tpu.memory_space<vmem>> -> memref<32x128xf32, #tpu.memory_space<vmem>>
        %dma_start3A_126 = arith.constant 0 : i32
        %dma_start3A_127 = tpu.memref_slice %arg3[%dma_start3A_126, %multiple_of3A] : memref<32x100000xf32, #tpu.memory_space<hbm>> -> memref<32x128xf32, #tpu.memory_space<hbm>>
        %dma_start3A_128 = arith.constant 160 : i32
        %dma_start3A_129 = arith.constant 0 : i32
        %dma_start3A_130 = tpu.memref_slice %arg8[%cond3A_84, %dma_start3A_128, %dma_start3A_129] : memref<2x256x128xf32, #tpu.memory_space<vmem>> -> memref<1x32x128xf32, #tpu.memory_space<vmem>>
        %dma_start3A_131 = tpu.memref_squeeze %dma_start3A_130 : memref<1x32x128xf32, #tpu.memory_space<vmem>> -> memref<32x128xf32, #tpu.memory_space<vmem>>
        %dma_start3A_132 = arith.constant 0 : i32
        %dma_start3A_133 = tpu.memref_slice %arg3[%dma_start3A_132, %multiple_of3A] : memref<32x100000xf32, #tpu.memory_space<hbm>> -> memref<32x128xf32, #tpu.memory_space<hbm>>
        tpu.enqueue_dma source(%dma_start3A_133 : memref<32x128xf32, #tpu.memory_space<hbm>>) target(%dma_start3A_131 : memref<32x128xf32, #tpu.memory_space<vmem>>) target_semaphore(%arg9 : memref<!tpu.dma_semaphore, #tpu.memory_space<semaphore_mem>>)
      } else {
      }
      %eq3A_87 = arith.constant 97 : i32
      %eq3A_88 = arith.cmpi eq, %add3A_22, %eq3A_87 : i32
      %convert_element_type3A_89 = arith.extui %eq3A_88 : i1 to i32
      %cond3A_90 = arith.constant 0 : i32
      %cond3A_91 = arith.constant 0 : i32
      %cond3A_92 = arith.cmpi ne, %convert_element_type3A_89, %cond3A_91 : i32
      scf.if %cond3A_92 {
        %dma_start3A = arith.constant 160 : i32
        %dma_start3A_117 = arith.constant 0 : i32
        %dma_start3A_118 = tpu.memref_slice %arg8[%cond3A_90, %dma_start3A, %dma_start3A_117] : memref<2x256x128xf32, #tpu.memory_space<vmem>> -> memref<1x32x128xf32, #tpu.memory_space<vmem>>
        %dma_start3A_119 = tpu.memref_squeeze %dma_start3A_118 : memref<1x32x128xf32, #tpu.memory_space<vmem>> -> memref<32x128xf32, #tpu.memory_space<vmem>>
        %dma_start3A_120 = arith.constant 0 : i32
        %dma_start3A_121 = arith.constant 640 : i32
        %dma_start3A_122 = tpu.memref_slice %arg5[%dma_start3A_120, %dma_start3A_121] : memref<32x1024xf32, #tpu.memory_space<hbm>> -> memref<32x128xf32, #tpu.memory_space<hbm>>
        %dma_start3A_123 = arith.constant 160 : i32
        %dma_start3A_124 = arith.constant 0 : i32
        %dma_start3A_125 = tpu.memref_slice %arg8[%cond3A_90, %dma_start3A_123, %dma_start3A_124] : memref<2x256x128xf32, #tpu.memory_space<vmem>> -> memref<1x32x128xf32, #tpu.memory_space<vmem>>
        %dma_start3A_126 = tpu.memref_squeeze %dma_start3A_125 : memref<1x32x128xf32, #tpu.memory_space<vmem>> -> memref<32x128xf32, #tpu.memory_space<vmem>>
        %dma_start3A_127 = arith.constant 0 : i32
        %dma_start3A_128 = arith.constant 640 : i32
        %dma_start3A_129 = tpu.memref_slice %arg5[%dma_start3A_127, %dma_start3A_128] : memref<32x1024xf32, #tpu.memory_space<hbm>> -> memref<32x128xf32, #tpu.memory_space<hbm>>
        tpu.enqueue_dma source(%dma_start3A_129 : memref<32x128xf32, #tpu.memory_space<hbm>>) target(%dma_start3A_126 : memref<32x128xf32, #tpu.memory_space<vmem>>) target_semaphore(%arg9 : memref<!tpu.dma_semaphore, #tpu.memory_space<semaphore_mem>>)
      } else {
      }
      %lt3A_93 = arith.constant 97 : i32
      %lt3A_94 = arith.cmpi slt, %add3A_22, %lt3A_93 : i32
      %convert_element_type3A_95 = arith.extui %lt3A_94 : i1 to i32
      %cond3A_96 = arith.constant 0 : i32
      %cond3A_97 = arith.constant 0 : i32
      %cond3A_98 = arith.cmpi ne, %convert_element_type3A_95, %cond3A_97 : i32
      scf.if %cond3A_98 {
        %mul3A_117 = arith.constant 8 : i32
        %mul3A_118 = arith.muli %add3A_22, %mul3A_117 : i32
        %add3A_119 = arith.constant 6 : i32
        %add3A_120 = arith.addi %mul3A_118, %add3A_119 : i32
        %mul3A_121 = arith.constant 128 : i32
        %mul3A_122 = arith.muli %add3A_120, %mul3A_121 : i32
        %multiple_of3A = tpu.assume_multiple %mul3A_122, 128 : i32
        %dma_start3A = arith.constant 192 : i32
        %dma_start3A_123 = arith.constant 0 : i32
        %dma_start3A_124 = tpu.memref_slice %arg8[%cond3A_96, %dma_start3A, %dma_start3A_123] : memref<2x256x128xf32, #tpu.memory_space<vmem>> -> memref<1x32x128xf32, #tpu.memory_space<vmem>>
        %dma_start3A_125 = tpu.memref_squeeze %dma_start3A_124 : memref<1x32x128xf32, #tpu.memory_space<vmem>> -> memref<32x128xf32, #tpu.memory_space<vmem>>
        %dma_start3A_126 = arith.constant 0 : i32
        %dma_start3A_127 = tpu.memref_slice %arg3[%dma_start3A_126, %multiple_of3A] : memref<32x100000xf32, #tpu.memory_space<hbm>> -> memref<32x128xf32, #tpu.memory_space<hbm>>
        %dma_start3A_128 = arith.constant 192 : i32
        %dma_start3A_129 = arith.constant 0 : i32
        %dma_start3A_130 = tpu.memref_slice %arg8[%cond3A_96, %dma_start3A_128, %dma_start3A_129] : memref<2x256x128xf32, #tpu.memory_space<vmem>> -> memref<1x32x128xf32, #tpu.memory_space<vmem>>
        %dma_start3A_131 = tpu.memref_squeeze %dma_start3A_130 : memref<1x32x128xf32, #tpu.memory_space<vmem>> -> memref<32x128xf32, #tpu.memory_space<vmem>>
        %dma_start3A_132 = arith.constant 0 : i32
        %dma_start3A_133 = tpu.memref_slice %arg3[%dma_start3A_132, %multiple_of3A] : memref<32x100000xf32, #tpu.memory_space<hbm>> -> memref<32x128xf32, #tpu.memory_space<hbm>>
        tpu.enqueue_dma source(%dma_start3A_133 : memref<32x128xf32, #tpu.memory_space<hbm>>) target(%dma_start3A_131 : memref<32x128xf32, #tpu.memory_space<vmem>>) target_semaphore(%arg9 : memref<!tpu.dma_semaphore, #tpu.memory_space<semaphore_mem>>)
      } else {
      }
      %eq3A_99 = arith.constant 97 : i32
      %eq3A_100 = arith.cmpi eq, %add3A_22, %eq3A_99 : i32
      %convert_element_type3A_101 = arith.extui %eq3A_100 : i1 to i32
      %cond3A_102 = arith.constant 0 : i32
      %cond3A_103 = arith.constant 0 : i32
      %cond3A_104 = arith.cmpi ne, %convert_element_type3A_101, %cond3A_103 : i32
      scf.if %cond3A_104 {
        %dma_start3A = arith.constant 192 : i32
        %dma_start3A_117 = arith.constant 0 : i32
        %dma_start3A_118 = tpu.memref_slice %arg8[%cond3A_102, %dma_start3A, %dma_start3A_117] : memref<2x256x128xf32, #tpu.memory_space<vmem>> -> memref<1x32x128xf32, #tpu.memory_space<vmem>>
        %dma_start3A_119 = tpu.memref_squeeze %dma_start3A_118 : memref<1x32x128xf32, #tpu.memory_space<vmem>> -> memref<32x128xf32, #tpu.memory_space<vmem>>
        %dma_start3A_120 = arith.constant 0 : i32
        %dma_start3A_121 = arith.constant 768 : i32
        %dma_start3A_122 = tpu.memref_slice %arg5[%dma_start3A_120, %dma_start3A_121] : memref<32x1024xf32, #tpu.memory_space<hbm>> -> memref<32x128xf32, #tpu.memory_space<hbm>>
        %dma_start3A_123 = arith.constant 192 : i32
        %dma_start3A_124 = arith.constant 0 : i32
        %dma_start3A_125 = tpu.memref_slice %arg8[%cond3A_102, %dma_start3A_123, %dma_start3A_124] : memref<2x256x128xf32, #tpu.memory_space<vmem>> -> memref<1x32x128xf32, #tpu.memory_space<vmem>>
        %dma_start3A_126 = tpu.memref_squeeze %dma_start3A_125 : memref<1x32x128xf32, #tpu.memory_space<vmem>> -> memref<32x128xf32, #tpu.memory_space<vmem>>
        %dma_start3A_127 = arith.constant 0 : i32
        %dma_start3A_128 = arith.constant 768 : i32
        %dma_start3A_129 = tpu.memref_slice %arg5[%dma_start3A_127, %dma_start3A_128] : memref<32x1024xf32, #tpu.memory_space<hbm>> -> memref<32x128xf32, #tpu.memory_space<hbm>>
        tpu.enqueue_dma source(%dma_start3A_129 : memref<32x128xf32, #tpu.memory_space<hbm>>) target(%dma_start3A_126 : memref<32x128xf32, #tpu.memory_space<vmem>>) target_semaphore(%arg9 : memref<!tpu.dma_semaphore, #tpu.memory_space<semaphore_mem>>)
      } else {
      }
      %lt3A_105 = arith.constant 97 : i32
      %lt3A_106 = arith.cmpi slt, %add3A_22, %lt3A_105 : i32
      %convert_element_type3A_107 = arith.extui %lt3A_106 : i1 to i32
      %cond3A_108 = arith.constant 0 : i32
      %cond3A_109 = arith.constant 0 : i32
      %cond3A_110 = arith.cmpi ne, %convert_element_type3A_107, %cond3A_109 : i32
      scf.if %cond3A_110 {
        %mul3A_117 = arith.constant 8 : i32
        %mul3A_118 = arith.muli %add3A_22, %mul3A_117 : i32
        %add3A_119 = arith.constant 7 : i32
        %add3A_120 = arith.addi %mul3A_118, %add3A_119 : i32
        %mul3A_121 = arith.constant 128 : i32
        %mul3A_122 = arith.muli %add3A_120, %mul3A_121 : i32
        %multiple_of3A = tpu.assume_multiple %mul3A_122, 128 : i32
        %dma_start3A = arith.constant 224 : i32
        %dma_start3A_123 = arith.constant 0 : i32
        %dma_start3A_124 = tpu.memref_slice %arg8[%cond3A_108, %dma_start3A, %dma_start3A_123] : memref<2x256x128xf32, #tpu.memory_space<vmem>> -> memref<1x32x128xf32, #tpu.memory_space<vmem>>
        %dma_start3A_125 = tpu.memref_squeeze %dma_start3A_124 : memref<1x32x128xf32, #tpu.memory_space<vmem>> -> memref<32x128xf32, #tpu.memory_space<vmem>>
        %dma_start3A_126 = arith.constant 0 : i32
        %dma_start3A_127 = tpu.memref_slice %arg3[%dma_start3A_126, %multiple_of3A] : memref<32x100000xf32, #tpu.memory_space<hbm>> -> memref<32x128xf32, #tpu.memory_space<hbm>>
        %dma_start3A_128 = arith.constant 224 : i32
        %dma_start3A_129 = arith.constant 0 : i32
        %dma_start3A_130 = tpu.memref_slice %arg8[%cond3A_108, %dma_start3A_128, %dma_start3A_129] : memref<2x256x128xf32, #tpu.memory_space<vmem>> -> memref<1x32x128xf32, #tpu.memory_space<vmem>>
        %dma_start3A_131 = tpu.memref_squeeze %dma_start3A_130 : memref<1x32x128xf32, #tpu.memory_space<vmem>> -> memref<32x128xf32, #tpu.memory_space<vmem>>
        %dma_start3A_132 = arith.constant 0 : i32
        %dma_start3A_133 = tpu.memref_slice %arg3[%dma_start3A_132, %multiple_of3A] : memref<32x100000xf32, #tpu.memory_space<hbm>> -> memref<32x128xf32, #tpu.memory_space<hbm>>
        tpu.enqueue_dma source(%dma_start3A_133 : memref<32x128xf32, #tpu.memory_space<hbm>>) target(%dma_start3A_131 : memref<32x128xf32, #tpu.memory_space<vmem>>) target_semaphore(%arg9 : memref<!tpu.dma_semaphore, #tpu.memory_space<semaphore_mem>>)
      } else {
      }
      %eq3A_111 = arith.constant 97 : i32
      %eq3A_112 = arith.cmpi eq, %add3A_22, %eq3A_111 : i32
      %convert_element_type3A_113 = arith.extui %eq3A_112 : i1 to i32
      %cond3A_114 = arith.constant 0 : i32
      %cond3A_115 = arith.constant 0 : i32
      %cond3A_116 = arith.cmpi ne, %convert_element_type3A_113, %cond3A_115 : i32
      scf.if %cond3A_116 {
        %dma_start3A = arith.constant 224 : i32
        %dma_start3A_117 = arith.constant 0 : i32
        %dma_start3A_118 = tpu.memref_slice %arg8[%cond3A_114, %dma_start3A, %dma_start3A_117] : memref<2x256x128xf32, #tpu.memory_space<vmem>> -> memref<1x32x128xf32, #tpu.memory_space<vmem>>
        %dma_start3A_119 = tpu.memref_squeeze %dma_start3A_118 : memref<1x32x128xf32, #tpu.memory_space<vmem>> -> memref<32x128xf32, #tpu.memory_space<vmem>>
        %dma_start3A_120 = arith.constant 0 : i32
        %dma_start3A_121 = arith.constant 896 : i32
        %dma_start3A_122 = tpu.memref_slice %arg5[%dma_start3A_120, %dma_start3A_121] : memref<32x1024xf32, #tpu.memory_space<hbm>> -> memref<32x128xf32, #tpu.memory_space<hbm>>
        %dma_start3A_123 = arith.constant 224 : i32
        %dma_start3A_124 = arith.constant 0 : i32
        %dma_start3A_125 = tpu.memref_slice %arg8[%cond3A_114, %dma_start3A_123, %dma_start3A_124] : memref<2x256x128xf32, #tpu.memory_space<vmem>> -> memref<1x32x128xf32, #tpu.memory_space<vmem>>
        %dma_start3A_126 = tpu.memref_squeeze %dma_start3A_125 : memref<1x32x128xf32, #tpu.memory_space<vmem>> -> memref<32x128xf32, #tpu.memory_space<vmem>>
        %dma_start3A_127 = arith.constant 0 : i32
        %dma_start3A_128 = arith.constant 896 : i32
        %dma_start3A_129 = tpu.memref_slice %arg5[%dma_start3A_127, %dma_start3A_128] : memref<32x1024xf32, #tpu.memory_space<hbm>> -> memref<32x128xf32, #tpu.memory_space<hbm>>
        tpu.enqueue_dma source(%dma_start3A_129 : memref<32x128xf32, #tpu.memory_space<hbm>>) target(%dma_start3A_126 : memref<32x128xf32, #tpu.memory_space<vmem>>) target_semaphore(%arg9 : memref<!tpu.dma_semaphore, #tpu.memory_space<semaphore_mem>>)
      } else {
      }
    } else {
    }
    %scan3A_14 = arith.constant 0 : i32
    %scan3A_15 = arith.constant 0 : i32
    %scan3A_16 = arith.constant 4 : i32
    %scan3A_17 = arith.addi %scan3A_15, %scan3A_16 : i32
    %scan3A_18 = arith.constant 1 : i32
    %scan3A_19 = scf.for %scan3A_21 = %scan3A_15 to %scan3A_17 step %scan3A_18 iter_args(%scan3A_22 = %scan3A_14) -> (i32)  : i32 {
      %mul3A_23 = arith.constant 32 : i32
      %mul3A_24 = arith.muli %mul3A_23, %scan3A_21 : i32
      %add3A_25 = arith.addi %add3A, %mul3A_24 : i32
      %le3A_26 = arith.constant 97 : i32
      %le3A_27 = arith.cmpi sle, %add3A_25, %le3A_26 : i32
      %convert_element_type3A_28 = arith.extui %le3A_27 : i1 to i32
      %cond3A_29 = arith.constant 0 : i32
      %cond3A_30 = arith.cmpi ne, %convert_element_type3A_28, %cond3A_29 : i32
      scf.if %cond3A_30 {
        %and3A = arith.constant 1 : i32
        %and3A_47 = arith.andi %scan3A_21, %and3A : i32
        %dma_wait3A = arith.constant 0 : i32
        %dma_wait3A_48 = arith.constant 0 : i32
        %dma_wait3A_49 = tpu.memref_slice %arg8[%and3A_47, %dma_wait3A, %dma_wait3A_48] : memref<2x256x128xf32, #tpu.memory_space<vmem>> -> memref<1x32x128xf32, #tpu.memory_space<vmem>>
        %dma_wait3A_50 = tpu.memref_squeeze %dma_wait3A_49 : memref<1x32x128xf32, #tpu.memory_space<vmem>> -> memref<32x128xf32, #tpu.memory_space<vmem>>
        %dma_wait3A_51 = arith.constant 0 : i32
        %dma_wait3A_52 = arith.constant 0 : i32
        %dma_wait3A_53 = tpu.memref_slice %arg5[%dma_wait3A_51, %dma_wait3A_52] : memref<32x1024xf32, #tpu.memory_space<hbm>> -> memref<32x128xf32, #tpu.memory_space<hbm>>
        %dma_wait3A_54 = arith.constant 0 : i32
        %dma_wait3A_55 = arith.constant 0 : i32
        %dma_wait3A_56 = tpu.memref_slice %arg8[%and3A_47, %dma_wait3A_54, %dma_wait3A_55] : memref<2x256x128xf32, #tpu.memory_space<vmem>> -> memref<1x32x128xf32, #tpu.memory_space<vmem>>
        %dma_wait3A_57 = tpu.memref_squeeze %dma_wait3A_56 : memref<1x32x128xf32, #tpu.memory_space<vmem>> -> memref<32x128xf32, #tpu.memory_space<vmem>>
        %dma_wait3A_58 = arith.constant 0 : i32
        %dma_wait3A_59 = arith.constant 0 : i32
        %dma_wait3A_60 = tpu.memref_slice %arg5[%dma_wait3A_58, %dma_wait3A_59] : memref<32x1024xf32, #tpu.memory_space<hbm>> -> memref<32x128xf32, #tpu.memory_space<hbm>>
        tpu.wait_dma2 semaphore(%arg9 : memref<!tpu.dma_semaphore, #tpu.memory_space<semaphore_mem>>) src(%dma_wait3A_60 : memref<32x128xf32, #tpu.memory_space<hbm>>) dst(%dma_wait3A_57 : memref<32x128xf32, #tpu.memory_space<vmem>>)
        %dma_wait3A_61 = arith.constant 32 : i32
        %dma_wait3A_62 = arith.constant 0 : i32
        %dma_wait3A_63 = tpu.memref_slice %arg8[%and3A_47, %dma_wait3A_61, %dma_wait3A_62] : memref<2x256x128xf32, #tpu.memory_space<vmem>> -> memref<1x32x128xf32, #tpu.memory_space<vmem>>
        %dma_wait3A_64 = tpu.memref_squeeze %dma_wait3A_63 : memref<1x32x128xf32, #tpu.memory_space<vmem>> -> memref<32x128xf32, #tpu.memory_space<vmem>>
        %dma_wait3A_65 = arith.constant 0 : i32
        %dma_wait3A_66 = arith.constant 128 : i32
        %dma_wait3A_67 = tpu.memref_slice %arg5[%dma_wait3A_65, %dma_wait3A_66] : memref<32x1024xf32, #tpu.memory_space<hbm>> -> memref<32x128xf32, #tpu.memory_space<hbm>>
        %dma_wait3A_68 = arith.constant 32 : i32
        %dma_wait3A_69 = arith.constant 0 : i32
        %dma_wait3A_70 = tpu.memref_slice %arg8[%and3A_47, %dma_wait3A_68, %dma_wait3A_69] : memref<2x256x128xf32, #tpu.memory_space<vmem>> -> memref<1x32x128xf32, #tpu.memory_space<vmem>>
        %dma_wait3A_71 = tpu.memref_squeeze %dma_wait3A_70 : memref<1x32x128xf32, #tpu.memory_space<vmem>> -> memref<32x128xf32, #tpu.memory_space<vmem>>
        %dma_wait3A_72 = arith.constant 0 : i32
        %dma_wait3A_73 = arith.constant 128 : i32
        %dma_wait3A_74 = tpu.memref_slice %arg5[%dma_wait3A_72, %dma_wait3A_73] : memref<32x1024xf32, #tpu.memory_space<hbm>> -> memref<32x128xf32, #tpu.memory_space<hbm>>
        tpu.wait_dma2 semaphore(%arg9 : memref<!tpu.dma_semaphore, #tpu.memory_space<semaphore_mem>>) src(%dma_wait3A_74 : memref<32x128xf32, #tpu.memory_space<hbm>>) dst(%dma_wait3A_71 : memref<32x128xf32, #tpu.memory_space<vmem>>)
        %dma_wait3A_75 = arith.constant 64 : i32
        %dma_wait3A_76 = arith.constant 0 : i32
        %dma_wait3A_77 = tpu.memref_slice %arg8[%and3A_47, %dma_wait3A_75, %dma_wait3A_76] : memref<2x256x128xf32, #tpu.memory_space<vmem>> -> memref<1x32x128xf32, #tpu.memory_space<vmem>>
        %dma_wait3A_78 = tpu.memref_squeeze %dma_wait3A_77 : memref<1x32x128xf32, #tpu.memory_space<vmem>> -> memref<32x128xf32, #tpu.memory_space<vmem>>
        %dma_wait3A_79 = arith.constant 0 : i32
        %dma_wait3A_80 = arith.constant 256 : i32
        %dma_wait3A_81 = tpu.memref_slice %arg5[%dma_wait3A_79, %dma_wait3A_80] : memref<32x1024xf32, #tpu.memory_space<hbm>> -> memref<32x128xf32, #tpu.memory_space<hbm>>
        %dma_wait3A_82 = arith.constant 64 : i32
        %dma_wait3A_83 = arith.constant 0 : i32
        %dma_wait3A_84 = tpu.memref_slice %arg8[%and3A_47, %dma_wait3A_82, %dma_wait3A_83] : memref<2x256x128xf32, #tpu.memory_space<vmem>> -> memref<1x32x128xf32, #tpu.memory_space<vmem>>
        %dma_wait3A_85 = tpu.memref_squeeze %dma_wait3A_84 : memref<1x32x128xf32, #tpu.memory_space<vmem>> -> memref<32x128xf32, #tpu.memory_space<vmem>>
        %dma_wait3A_86 = arith.constant 0 : i32
        %dma_wait3A_87 = arith.constant 256 : i32
        %dma_wait3A_88 = tpu.memref_slice %arg5[%dma_wait3A_86, %dma_wait3A_87] : memref<32x1024xf32, #tpu.memory_space<hbm>> -> memref<32x128xf32, #tpu.memory_space<hbm>>
        tpu.wait_dma2 semaphore(%arg9 : memref<!tpu.dma_semaphore, #tpu.memory_space<semaphore_mem>>) src(%dma_wait3A_88 : memref<32x128xf32, #tpu.memory_space<hbm>>) dst(%dma_wait3A_85 : memref<32x128xf32, #tpu.memory_space<vmem>>)
        %dma_wait3A_89 = arith.constant 96 : i32
        %dma_wait3A_90 = arith.constant 0 : i32
        %dma_wait3A_91 = tpu.memref_slice %arg8[%and3A_47, %dma_wait3A_89, %dma_wait3A_90] : memref<2x256x128xf32, #tpu.memory_space<vmem>> -> memref<1x32x128xf32, #tpu.memory_space<vmem>>
        %dma_wait3A_92 = tpu.memref_squeeze %dma_wait3A_91 : memref<1x32x128xf32, #tpu.memory_space<vmem>> -> memref<32x128xf32, #tpu.memory_space<vmem>>
        %dma_wait3A_93 = arith.constant 0 : i32
        %dma_wait3A_94 = arith.constant 384 : i32
        %dma_wait3A_95 = tpu.memref_slice %arg5[%dma_wait3A_93, %dma_wait3A_94] : memref<32x1024xf32, #tpu.memory_space<hbm>> -> memref<32x128xf32, #tpu.memory_space<hbm>>
        %dma_wait3A_96 = arith.constant 96 : i32
        %dma_wait3A_97 = arith.constant 0 : i32
        %dma_wait3A_98 = tpu.memref_slice %arg8[%and3A_47, %dma_wait3A_96, %dma_wait3A_97] : memref<2x256x128xf32, #tpu.memory_space<vmem>> -> memref<1x32x128xf32, #tpu.memory_space<vmem>>
        %dma_wait3A_99 = tpu.memref_squeeze %dma_wait3A_98 : memref<1x32x128xf32, #tpu.memory_space<vmem>> -> memref<32x128xf32, #tpu.memory_space<vmem>>
        %dma_wait3A_100 = arith.constant 0 : i32
        %dma_wait3A_101 = arith.constant 384 : i32
        %dma_wait3A_102 = tpu.memref_slice %arg5[%dma_wait3A_100, %dma_wait3A_101] : memref<32x1024xf32, #tpu.memory_space<hbm>> -> memref<32x128xf32, #tpu.memory_space<hbm>>
        tpu.wait_dma2 semaphore(%arg9 : memref<!tpu.dma_semaphore, #tpu.memory_space<semaphore_mem>>) src(%dma_wait3A_102 : memref<32x128xf32, #tpu.memory_space<hbm>>) dst(%dma_wait3A_99 : memref<32x128xf32, #tpu.memory_space<vmem>>)
        %dma_wait3A_103 = arith.constant 128 : i32
        %dma_wait3A_104 = arith.constant 0 : i32
        %dma_wait3A_105 = tpu.memref_slice %arg8[%and3A_47, %dma_wait3A_103, %dma_wait3A_104] : memref<2x256x128xf32, #tpu.memory_space<vmem>> -> memref<1x32x128xf32, #tpu.memory_space<vmem>>
        %dma_wait3A_106 = tpu.memref_squeeze %dma_wait3A_105 : memref<1x32x128xf32, #tpu.memory_space<vmem>> -> memref<32x128xf32, #tpu.memory_space<vmem>>
        %dma_wait3A_107 = arith.constant 0 : i32
        %dma_wait3A_108 = arith.constant 512 : i32
        %dma_wait3A_109 = tpu.memref_slice %arg5[%dma_wait3A_107, %dma_wait3A_108] : memref<32x1024xf32, #tpu.memory_space<hbm>> -> memref<32x128xf32, #tpu.memory_space<hbm>>
        %dma_wait3A_110 = arith.constant 128 : i32
        %dma_wait3A_111 = arith.constant 0 : i32
        %dma_wait3A_112 = tpu.memref_slice %arg8[%and3A_47, %dma_wait3A_110, %dma_wait3A_111] : memref<2x256x128xf32, #tpu.memory_space<vmem>> -> memref<1x32x128xf32, #tpu.memory_space<vmem>>
        %dma_wait3A_113 = tpu.memref_squeeze %dma_wait3A_112 : memref<1x32x128xf32, #tpu.memory_space<vmem>> -> memref<32x128xf32, #tpu.memory_space<vmem>>
        %dma_wait3A_114 = arith.constant 0 : i32
        %dma_wait3A_115 = arith.constant 512 : i32
        %dma_wait3A_116 = tpu.memref_slice %arg5[%dma_wait3A_114, %dma_wait3A_115] : memref<32x1024xf32, #tpu.memory_space<hbm>> -> memref<32x128xf32, #tpu.memory_space<hbm>>
        tpu.wait_dma2 semaphore(%arg9 : memref<!tpu.dma_semaphore, #tpu.memory_space<semaphore_mem>>) src(%dma_wait3A_116 : memref<32x128xf32, #tpu.memory_space<hbm>>) dst(%dma_wait3A_113 : memref<32x128xf32, #tpu.memory_space<vmem>>)
        %dma_wait3A_117 = arith.constant 160 : i32
        %dma_wait3A_118 = arith.constant 0 : i32
        %dma_wait3A_119 = tpu.memref_slice %arg8[%and3A_47, %dma_wait3A_117, %dma_wait3A_118] : memref<2x256x128xf32, #tpu.memory_space<vmem>> -> memref<1x32x128xf32, #tpu.memory_space<vmem>>
        %dma_wait3A_120 = tpu.memref_squeeze %dma_wait3A_119 : memref<1x32x128xf32, #tpu.memory_space<vmem>> -> memref<32x128xf32, #tpu.memory_space<vmem>>
        %dma_wait3A_121 = arith.constant 0 : i32
        %dma_wait3A_122 = arith.constant 640 : i32
        %dma_wait3A_123 = tpu.memref_slice %arg5[%dma_wait3A_121, %dma_wait3A_122] : memref<32x1024xf32, #tpu.memory_space<hbm>> -> memref<32x128xf32, #tpu.memory_space<hbm>>
        %dma_wait3A_124 = arith.constant 160 : i32
        %dma_wait3A_125 = arith.constant 0 : i32
        %dma_wait3A_126 = tpu.memref_slice %arg8[%and3A_47, %dma_wait3A_124, %dma_wait3A_125] : memref<2x256x128xf32, #tpu.memory_space<vmem>> -> memref<1x32x128xf32, #tpu.memory_space<vmem>>
        %dma_wait3A_127 = tpu.memref_squeeze %dma_wait3A_126 : memref<1x32x128xf32, #tpu.memory_space<vmem>> -> memref<32x128xf32, #tpu.memory_space<vmem>>
        %dma_wait3A_128 = arith.constant 0 : i32
        %dma_wait3A_129 = arith.constant 640 : i32
        %dma_wait3A_130 = tpu.memref_slice %arg5[%dma_wait3A_128, %dma_wait3A_129] : memref<32x1024xf32, #tpu.memory_space<hbm>> -> memref<32x128xf32, #tpu.memory_space<hbm>>
        tpu.wait_dma2 semaphore(%arg9 : memref<!tpu.dma_semaphore, #tpu.memory_space<semaphore_mem>>) src(%dma_wait3A_130 : memref<32x128xf32, #tpu.memory_space<hbm>>) dst(%dma_wait3A_127 : memref<32x128xf32, #tpu.memory_space<vmem>>)
        %dma_wait3A_131 = arith.constant 192 : i32
        %dma_wait3A_132 = arith.constant 0 : i32
        %dma_wait3A_133 = tpu.memref_slice %arg8[%and3A_47, %dma_wait3A_131, %dma_wait3A_132] : memref<2x256x128xf32, #tpu.memory_space<vmem>> -> memref<1x32x128xf32, #tpu.memory_space<vmem>>
        %dma_wait3A_134 = tpu.memref_squeeze %dma_wait3A_133 : memref<1x32x128xf32, #tpu.memory_space<vmem>> -> memref<32x128xf32, #tpu.memory_space<vmem>>
        %dma_wait3A_135 = arith.constant 0 : i32
        %dma_wait3A_136 = arith.constant 768 : i32
        %dma_wait3A_137 = tpu.memref_slice %arg5[%dma_wait3A_135, %dma_wait3A_136] : memref<32x1024xf32, #tpu.memory_space<hbm>> -> memref<32x128xf32, #tpu.memory_space<hbm>>
        %dma_wait3A_138 = arith.constant 192 : i32
        %dma_wait3A_139 = arith.constant 0 : i32
        %dma_wait3A_140 = tpu.memref_slice %arg8[%and3A_47, %dma_wait3A_138, %dma_wait3A_139] : memref<2x256x128xf32, #tpu.memory_space<vmem>> -> memref<1x32x128xf32, #tpu.memory_space<vmem>>
        %dma_wait3A_141 = tpu.memref_squeeze %dma_wait3A_140 : memref<1x32x128xf32, #tpu.memory_space<vmem>> -> memref<32x128xf32, #tpu.memory_space<vmem>>
        %dma_wait3A_142 = arith.constant 0 : i32
        %dma_wait3A_143 = arith.constant 768 : i32
        %dma_wait3A_144 = tpu.memref_slice %arg5[%dma_wait3A_142, %dma_wait3A_143] : memref<32x1024xf32, #tpu.memory_space<hbm>> -> memref<32x128xf32, #tpu.memory_space<hbm>>
        tpu.wait_dma2 semaphore(%arg9 : memref<!tpu.dma_semaphore, #tpu.memory_space<semaphore_mem>>) src(%dma_wait3A_144 : memref<32x128xf32, #tpu.memory_space<hbm>>) dst(%dma_wait3A_141 : memref<32x128xf32, #tpu.memory_space<vmem>>)
        %dma_wait3A_145 = arith.constant 224 : i32
        %dma_wait3A_146 = arith.constant 0 : i32
        %dma_wait3A_147 = tpu.memref_slice %arg8[%and3A_47, %dma_wait3A_145, %dma_wait3A_146] : memref<2x256x128xf32, #tpu.memory_space<vmem>> -> memref<1x32x128xf32, #tpu.memory_space<vmem>>
        %dma_wait3A_148 = tpu.memref_squeeze %dma_wait3A_147 : memref<1x32x128xf32, #tpu.memory_space<vmem>> -> memref<32x128xf32, #tpu.memory_space<vmem>>
        %dma_wait3A_149 = arith.constant 0 : i32
        %dma_wait3A_150 = arith.constant 896 : i32
        %dma_wait3A_151 = tpu.memref_slice %arg5[%dma_wait3A_149, %dma_wait3A_150] : memref<32x1024xf32, #tpu.memory_space<hbm>> -> memref<32x128xf32, #tpu.memory_space<hbm>>
        %dma_wait3A_152 = arith.constant 224 : i32
        %dma_wait3A_153 = arith.constant 0 : i32
        %dma_wait3A_154 = tpu.memref_slice %arg8[%and3A_47, %dma_wait3A_152, %dma_wait3A_153] : memref<2x256x128xf32, #tpu.memory_space<vmem>> -> memref<1x32x128xf32, #tpu.memory_space<vmem>>
        %dma_wait3A_155 = tpu.memref_squeeze %dma_wait3A_154 : memref<1x32x128xf32, #tpu.memory_space<vmem>> -> memref<32x128xf32, #tpu.memory_space<vmem>>
        %dma_wait3A_156 = arith.constant 0 : i32
        %dma_wait3A_157 = arith.constant 896 : i32
        %dma_wait3A_158 = tpu.memref_slice %arg5[%dma_wait3A_156, %dma_wait3A_157] : memref<32x1024xf32, #tpu.memory_space<hbm>> -> memref<32x128xf32, #tpu.memory_space<hbm>>
        tpu.wait_dma2 semaphore(%arg9 : memref<!tpu.dma_semaphore, #tpu.memory_space<semaphore_mem>>) src(%dma_wait3A_158 : memref<32x128xf32, #tpu.memory_space<hbm>>) dst(%dma_wait3A_155 : memref<32x128xf32, #tpu.memory_space<vmem>>)
        %mul3A_159 = arith.constant 32 : i32
        %mul3A_160 = arith.muli %mul3A_159, %scan3A_21 : i32
        %add3A_161 = arith.addi %add3A, %mul3A_160 : i32
        %and3A_162 = arith.constant 1 : i32
        %and3A_163 = arith.andi %scan3A_21, %and3A_162 : i32
        %mul3A_164 = arith.constant 256 : i32
        %mul3A_165 = arith.muli %add3A_161, %mul3A_164 : i32
        %multiple_of3A = tpu.assume_multiple %mul3A_165, 8 : i32
        %dma_start3A = arith.constant 0 : i32
        %dma_start3A_166 = arith.constant 0 : i32
        %dma_start3A_167 = tpu.memref_slice %arg8[%and3A_163, %dma_start3A, %dma_start3A_166] : memref<2x256x128xf32, #tpu.memory_space<vmem>> -> memref<1x256x128xf32, #tpu.memory_space<vmem>>
        %dma_start3A_168 = tpu.memref_squeeze %dma_start3A_167 : memref<1x256x128xf32, #tpu.memory_space<vmem>> -> memref<256x128xf32, #tpu.memory_space<vmem>>
        %dma_start3A_169 = arith.constant 0 : i32
        %dma_start3A_170 = tpu.memref_slice %arg7[%multiple_of3A, %dma_start3A_169] : memref<25088x128xf32, #tpu.memory_space<hbm>> -> memref<256x128xf32, #tpu.memory_space<hbm>>
        %dma_start3A_171 = arith.constant 0 : i32
        %dma_start3A_172 = tpu.memref_slice %arg7[%multiple_of3A, %dma_start3A_171] : memref<25088x128xf32, #tpu.memory_space<hbm>> -> memref<256x128xf32, #tpu.memory_space<hbm>>
        %dma_start3A_173 = arith.constant 0 : i32
        %dma_start3A_174 = arith.constant 0 : i32
        %dma_start3A_175 = tpu.memref_slice %arg8[%and3A_163, %dma_start3A_173, %dma_start3A_174] : memref<2x256x128xf32, #tpu.memory_space<vmem>> -> memref<1x256x128xf32, #tpu.memory_space<vmem>>
        %dma_start3A_176 = tpu.memref_squeeze %dma_start3A_175 : memref<1x256x128xf32, #tpu.memory_space<vmem>> -> memref<256x128xf32, #tpu.memory_space<vmem>>
        tpu.enqueue_dma source(%dma_start3A_176 : memref<256x128xf32, #tpu.memory_space<vmem>>) target(%dma_start3A_172 : memref<256x128xf32, #tpu.memory_space<hbm>>) target_semaphore(%arg10 : memref<!tpu.dma_semaphore, #tpu.memory_space<semaphore_mem>>)
      } else {
      }
      %add3A_31 = arith.constant 1 : i32
      %add3A_32 = arith.addi %scan3A_21, %add3A_31 : i32
      %mul3A_33 = arith.constant 32 : i32
      %mul3A_34 = arith.muli %mul3A_33, %add3A_32 : i32
      %add3A_35 = arith.addi %add3A, %mul3A_34 : i32
      %le3A_36 = arith.constant 97 : i32
      %le3A_37 = arith.cmpi sle, %add3A_35, %le3A_36 : i32
      %convert_element_type3A_38 = arith.extui %le3A_37 : i1 to i32
      %cond3A_39 = arith.constant 0 : i32
      %cond3A_40 = arith.cmpi ne, %convert_element_type3A_38, %cond3A_39 : i32
      scf.if %cond3A_40 {
        %add3A_47 = arith.constant 1 : i32
        %add3A_48 = arith.addi %scan3A_21, %add3A_47 : i32
        %mul3A_49 = arith.constant 32 : i32
        %mul3A_50 = arith.muli %mul3A_49, %add3A_48 : i32
        %add3A_51 = arith.addi %add3A, %mul3A_50 : i32
        %and3A = arith.constant 1 : i32
        %and3A_52 = arith.andi %add3A_48, %and3A : i32
        %lt3A = arith.constant 97 : i32
        %lt3A_53 = arith.cmpi slt, %add3A_51, %lt3A : i32
        %convert_element_type3A_54 = arith.extui %lt3A_53 : i1 to i32
        %cond3A_55 = arith.constant 0 : i32
        %cond3A_56 = arith.cmpi ne, %convert_element_type3A_54, %cond3A_55 : i32
        scf.if %cond3A_56 {
          %mul3A_131 = arith.constant 8 : i32
          %mul3A_132 = arith.muli %add3A_51, %mul3A_131 : i32
          %add3A_133 = arith.constant 0 : i32
          %add3A_134 = arith.addi %mul3A_132, %add3A_133 : i32
          %mul3A_135 = arith.constant 128 : i32
          %mul3A_136 = arith.muli %add3A_134, %mul3A_135 : i32
          %multiple_of3A = tpu.assume_multiple %mul3A_136, 128 : i32
          %dma_start3A = arith.constant 0 : i32
          %dma_start3A_137 = arith.constant 0 : i32
          %dma_start3A_138 = tpu.memref_slice %arg8[%and3A_52, %dma_start3A, %dma_start3A_137] : memref<2x256x128xf32, #tpu.memory_space<vmem>> -> memref<1x32x128xf32, #tpu.memory_space<vmem>>
          %dma_start3A_139 = tpu.memref_squeeze %dma_start3A_138 : memref<1x32x128xf32, #tpu.memory_space<vmem>> -> memref<32x128xf32, #tpu.memory_space<vmem>>
          %dma_start3A_140 = arith.constant 0 : i32
          %dma_start3A_141 = tpu.memref_slice %arg3[%dma_start3A_140, %multiple_of3A] : memref<32x100000xf32, #tpu.memory_space<hbm>> -> memref<32x128xf32, #tpu.memory_space<hbm>>
          %dma_start3A_142 = arith.constant 0 : i32
          %dma_start3A_143 = arith.constant 0 : i32
          %dma_start3A_144 = tpu.memref_slice %arg8[%and3A_52, %dma_start3A_142, %dma_start3A_143] : memref<2x256x128xf32, #tpu.memory_space<vmem>> -> memref<1x32x128xf32, #tpu.memory_space<vmem>>
          %dma_start3A_145 = tpu.memref_squeeze %dma_start3A_144 : memref<1x32x128xf32, #tpu.memory_space<vmem>> -> memref<32x128xf32, #tpu.memory_space<vmem>>
          %dma_start3A_146 = arith.constant 0 : i32
          %dma_start3A_147 = tpu.memref_slice %arg3[%dma_start3A_146, %multiple_of3A] : memref<32x100000xf32, #tpu.memory_space<hbm>> -> memref<32x128xf32, #tpu.memory_space<hbm>>
          tpu.enqueue_dma source(%dma_start3A_147 : memref<32x128xf32, #tpu.memory_space<hbm>>) target(%dma_start3A_145 : memref<32x128xf32, #tpu.memory_space<vmem>>) target_semaphore(%arg9 : memref<!tpu.dma_semaphore, #tpu.memory_space<semaphore_mem>>)
        } else {
        }
        %eq3A = arith.constant 97 : i32
        %eq3A_57 = arith.cmpi eq, %add3A_51, %eq3A : i32
        %convert_element_type3A_58 = arith.extui %eq3A_57 : i1 to i32
        %cond3A_59 = arith.constant 0 : i32
        %cond3A_60 = arith.cmpi ne, %convert_element_type3A_58, %cond3A_59 : i32
        scf.if %cond3A_60 {
          %dma_start3A = arith.constant 0 : i32
          %dma_start3A_131 = arith.constant 0 : i32
          %dma_start3A_132 = tpu.memref_slice %arg8[%and3A_52, %dma_start3A, %dma_start3A_131] : memref<2x256x128xf32, #tpu.memory_space<vmem>> -> memref<1x32x128xf32, #tpu.memory_space<vmem>>
          %dma_start3A_133 = tpu.memref_squeeze %dma_start3A_132 : memref<1x32x128xf32, #tpu.memory_space<vmem>> -> memref<32x128xf32, #tpu.memory_space<vmem>>
          %dma_start3A_134 = arith.constant 0 : i32
          %dma_start3A_135 = arith.constant 0 : i32
          %dma_start3A_136 = tpu.memref_slice %arg5[%dma_start3A_134, %dma_start3A_135] : memref<32x1024xf32, #tpu.memory_space<hbm>> -> memref<32x128xf32, #tpu.memory_space<hbm>>
          %dma_start3A_137 = arith.constant 0 : i32
          %dma_start3A_138 = arith.constant 0 : i32
          %dma_start3A_139 = tpu.memref_slice %arg8[%and3A_52, %dma_start3A_137, %dma_start3A_138] : memref<2x256x128xf32, #tpu.memory_space<vmem>> -> memref<1x32x128xf32, #tpu.memory_space<vmem>>
          %dma_start3A_140 = tpu.memref_squeeze %dma_start3A_139 : memref<1x32x128xf32, #tpu.memory_space<vmem>> -> memref<32x128xf32, #tpu.memory_space<vmem>>
          %dma_start3A_141 = arith.constant 0 : i32
          %dma_start3A_142 = arith.constant 0 : i32
          %dma_start3A_143 = tpu.memref_slice %arg5[%dma_start3A_141, %dma_start3A_142] : memref<32x1024xf32, #tpu.memory_space<hbm>> -> memref<32x128xf32, #tpu.memory_space<hbm>>
          tpu.enqueue_dma source(%dma_start3A_143 : memref<32x128xf32, #tpu.memory_space<hbm>>) target(%dma_start3A_140 : memref<32x128xf32, #tpu.memory_space<vmem>>) target_semaphore(%arg9 : memref<!tpu.dma_semaphore, #tpu.memory_space<semaphore_mem>>)
        } else {
        }
        %lt3A_61 = arith.constant 97 : i32
        %lt3A_62 = arith.cmpi slt, %add3A_51, %lt3A_61 : i32
        %convert_element_type3A_63 = arith.extui %lt3A_62 : i1 to i32
        %cond3A_64 = arith.constant 0 : i32
        %cond3A_65 = arith.cmpi ne, %convert_element_type3A_63, %cond3A_64 : i32
        scf.if %cond3A_65 {
          %mul3A_131 = arith.constant 8 : i32
          %mul3A_132 = arith.muli %add3A_51, %mul3A_131 : i32
          %add3A_133 = arith.constant 1 : i32
          %add3A_134 = arith.addi %mul3A_132, %add3A_133 : i32
          %mul3A_135 = arith.constant 128 : i32
          %mul3A_136 = arith.muli %add3A_134, %mul3A_135 : i32
          %multiple_of3A = tpu.assume_multiple %mul3A_136, 128 : i32
          %dma_start3A = arith.constant 32 : i32
          %dma_start3A_137 = arith.constant 0 : i32
          %dma_start3A_138 = tpu.memref_slice %arg8[%and3A_52, %dma_start3A, %dma_start3A_137] : memref<2x256x128xf32, #tpu.memory_space<vmem>> -> memref<1x32x128xf32, #tpu.memory_space<vmem>>
          %dma_start3A_139 = tpu.memref_squeeze %dma_start3A_138 : memref<1x32x128xf32, #tpu.memory_space<vmem>> -> memref<32x128xf32, #tpu.memory_space<vmem>>
          %dma_start3A_140 = arith.constant 0 : i32
          %dma_start3A_141 = tpu.memref_slice %arg3[%dma_start3A_140, %multiple_of3A] : memref<32x100000xf32, #tpu.memory_space<hbm>> -> memref<32x128xf32, #tpu.memory_space<hbm>>
          %dma_start3A_142 = arith.constant 32 : i32
          %dma_start3A_143 = arith.constant 0 : i32
          %dma_start3A_144 = tpu.memref_slice %arg8[%and3A_52, %dma_start3A_142, %dma_start3A_143] : memref<2x256x128xf32, #tpu.memory_space<vmem>> -> memref<1x32x128xf32, #tpu.memory_space<vmem>>
          %dma_start3A_145 = tpu.memref_squeeze %dma_start3A_144 : memref<1x32x128xf32, #tpu.memory_space<vmem>> -> memref<32x128xf32, #tpu.memory_space<vmem>>
          %dma_start3A_146 = arith.constant 0 : i32
          %dma_start3A_147 = tpu.memref_slice %arg3[%dma_start3A_146, %multiple_of3A] : memref<32x100000xf32, #tpu.memory_space<hbm>> -> memref<32x128xf32, #tpu.memory_space<hbm>>
          tpu.enqueue_dma source(%dma_start3A_147 : memref<32x128xf32, #tpu.memory_space<hbm>>) target(%dma_start3A_145 : memref<32x128xf32, #tpu.memory_space<vmem>>) target_semaphore(%arg9 : memref<!tpu.dma_semaphore, #tpu.memory_space<semaphore_mem>>)
        } else {
        }
        %eq3A_66 = arith.constant 97 : i32
        %eq3A_67 = arith.cmpi eq, %add3A_51, %eq3A_66 : i32
        %convert_element_type3A_68 = arith.extui %eq3A_67 : i1 to i32
        %cond3A_69 = arith.constant 0 : i32
        %cond3A_70 = arith.cmpi ne, %convert_element_type3A_68, %cond3A_69 : i32
        scf.if %cond3A_70 {
          %dma_start3A = arith.constant 32 : i32
          %dma_start3A_131 = arith.constant 0 : i32
          %dma_start3A_132 = tpu.memref_slice %arg8[%and3A_52, %dma_start3A, %dma_start3A_131] : memref<2x256x128xf32, #tpu.memory_space<vmem>> -> memref<1x32x128xf32, #tpu.memory_space<vmem>>
          %dma_start3A_133 = tpu.memref_squeeze %dma_start3A_132 : memref<1x32x128xf32, #tpu.memory_space<vmem>> -> memref<32x128xf32, #tpu.memory_space<vmem>>
          %dma_start3A_134 = arith.constant 0 : i32
          %dma_start3A_135 = arith.constant 128 : i32
          %dma_start3A_136 = tpu.memref_slice %arg5[%dma_start3A_134, %dma_start3A_135] : memref<32x1024xf32, #tpu.memory_space<hbm>> -> memref<32x128xf32, #tpu.memory_space<hbm>>
          %dma_start3A_137 = arith.constant 32 : i32
          %dma_start3A_138 = arith.constant 0 : i32
          %dma_start3A_139 = tpu.memref_slice %arg8[%and3A_52, %dma_start3A_137, %dma_start3A_138] : memref<2x256x128xf32, #tpu.memory_space<vmem>> -> memref<1x32x128xf32, #tpu.memory_space<vmem>>
          %dma_start3A_140 = tpu.memref_squeeze %dma_start3A_139 : memref<1x32x128xf32, #tpu.memory_space<vmem>> -> memref<32x128xf32, #tpu.memory_space<vmem>>
          %dma_start3A_141 = arith.constant 0 : i32
          %dma_start3A_142 = arith.constant 128 : i32
          %dma_start3A_143 = tpu.memref_slice %arg5[%dma_start3A_141, %dma_start3A_142] : memref<32x1024xf32, #tpu.memory_space<hbm>> -> memref<32x128xf32, #tpu.memory_space<hbm>>
          tpu.enqueue_dma source(%dma_start3A_143 : memref<32x128xf32, #tpu.memory_space<hbm>>) target(%dma_start3A_140 : memref<32x128xf32, #tpu.memory_space<vmem>>) target_semaphore(%arg9 : memref<!tpu.dma_semaphore, #tpu.memory_space<semaphore_mem>>)
        } else {
        }
        %lt3A_71 = arith.constant 97 : i32
        %lt3A_72 = arith.cmpi slt, %add3A_51, %lt3A_71 : i32
        %convert_element_type3A_73 = arith.extui %lt3A_72 : i1 to i32
        %cond3A_74 = arith.constant 0 : i32
        %cond3A_75 = arith.cmpi ne, %convert_element_type3A_73, %cond3A_74 : i32
        scf.if %cond3A_75 {
          %mul3A_131 = arith.constant 8 : i32
          %mul3A_132 = arith.muli %add3A_51, %mul3A_131 : i32
          %add3A_133 = arith.constant 2 : i32
          %add3A_134 = arith.addi %mul3A_132, %add3A_133 : i32
          %mul3A_135 = arith.constant 128 : i32
          %mul3A_136 = arith.muli %add3A_134, %mul3A_135 : i32
          %multiple_of3A = tpu.assume_multiple %mul3A_136, 128 : i32
          %dma_start3A = arith.constant 64 : i32
          %dma_start3A_137 = arith.constant 0 : i32
          %dma_start3A_138 = tpu.memref_slice %arg8[%and3A_52, %dma_start3A, %dma_start3A_137] : memref<2x256x128xf32, #tpu.memory_space<vmem>> -> memref<1x32x128xf32, #tpu.memory_space<vmem>>
          %dma_start3A_139 = tpu.memref_squeeze %dma_start3A_138 : memref<1x32x128xf32, #tpu.memory_space<vmem>> -> memref<32x128xf32, #tpu.memory_space<vmem>>
          %dma_start3A_140 = arith.constant 0 : i32
          %dma_start3A_141 = tpu.memref_slice %arg3[%dma_start3A_140, %multiple_of3A] : memref<32x100000xf32, #tpu.memory_space<hbm>> -> memref<32x128xf32, #tpu.memory_space<hbm>>
          %dma_start3A_142 = arith.constant 64 : i32
          %dma_start3A_143 = arith.constant 0 : i32
          %dma_start3A_144 = tpu.memref_slice %arg8[%and3A_52, %dma_start3A_142, %dma_start3A_143] : memref<2x256x128xf32, #tpu.memory_space<vmem>> -> memref<1x32x128xf32, #tpu.memory_space<vmem>>
          %dma_start3A_145 = tpu.memref_squeeze %dma_start3A_144 : memref<1x32x128xf32, #tpu.memory_space<vmem>> -> memref<32x128xf32, #tpu.memory_space<vmem>>
          %dma_start3A_146 = arith.constant 0 : i32
          %dma_start3A_147 = tpu.memref_slice %arg3[%dma_start3A_146, %multiple_of3A] : memref<32x100000xf32, #tpu.memory_space<hbm>> -> memref<32x128xf32, #tpu.memory_space<hbm>>
          tpu.enqueue_dma source(%dma_start3A_147 : memref<32x128xf32, #tpu.memory_space<hbm>>) target(%dma_start3A_145 : memref<32x128xf32, #tpu.memory_space<vmem>>) target_semaphore(%arg9 : memref<!tpu.dma_semaphore, #tpu.memory_space<semaphore_mem>>)
        } else {
        }
        %eq3A_76 = arith.constant 97 : i32
        %eq3A_77 = arith.cmpi eq, %add3A_51, %eq3A_76 : i32
        %convert_element_type3A_78 = arith.extui %eq3A_77 : i1 to i32
        %cond3A_79 = arith.constant 0 : i32
        %cond3A_80 = arith.cmpi ne, %convert_element_type3A_78, %cond3A_79 : i32
        scf.if %cond3A_80 {
          %dma_start3A = arith.constant 64 : i32
          %dma_start3A_131 = arith.constant 0 : i32
          %dma_start3A_132 = tpu.memref_slice %arg8[%and3A_52, %dma_start3A, %dma_start3A_131] : memref<2x256x128xf32, #tpu.memory_space<vmem>> -> memref<1x32x128xf32, #tpu.memory_space<vmem>>
          %dma_start3A_133 = tpu.memref_squeeze %dma_start3A_132 : memref<1x32x128xf32, #tpu.memory_space<vmem>> -> memref<32x128xf32, #tpu.memory_space<vmem>>
          %dma_start3A_134 = arith.constant 0 : i32
          %dma_start3A_135 = arith.constant 256 : i32
          %dma_start3A_136 = tpu.memref_slice %arg5[%dma_start3A_134, %dma_start3A_135] : memref<32x1024xf32, #tpu.memory_space<hbm>> -> memref<32x128xf32, #tpu.memory_space<hbm>>
          %dma_start3A_137 = arith.constant 64 : i32
          %dma_start3A_138 = arith.constant 0 : i32
          %dma_start3A_139 = tpu.memref_slice %arg8[%and3A_52, %dma_start3A_137, %dma_start3A_138] : memref<2x256x128xf32, #tpu.memory_space<vmem>> -> memref<1x32x128xf32, #tpu.memory_space<vmem>>
          %dma_start3A_140 = tpu.memref_squeeze %dma_start3A_139 : memref<1x32x128xf32, #tpu.memory_space<vmem>> -> memref<32x128xf32, #tpu.memory_space<vmem>>
          %dma_start3A_141 = arith.constant 0 : i32
          %dma_start3A_142 = arith.constant 256 : i32
          %dma_start3A_143 = tpu.memref_slice %arg5[%dma_start3A_141, %dma_start3A_142] : memref<32x1024xf32, #tpu.memory_space<hbm>> -> memref<32x128xf32, #tpu.memory_space<hbm>>
          tpu.enqueue_dma source(%dma_start3A_143 : memref<32x128xf32, #tpu.memory_space<hbm>>) target(%dma_start3A_140 : memref<32x128xf32, #tpu.memory_space<vmem>>) target_semaphore(%arg9 : memref<!tpu.dma_semaphore, #tpu.memory_space<semaphore_mem>>)
        } else {
        }
        %lt3A_81 = arith.constant 97 : i32
        %lt3A_82 = arith.cmpi slt, %add3A_51, %lt3A_81 : i32
        %convert_element_type3A_83 = arith.extui %lt3A_82 : i1 to i32
        %cond3A_84 = arith.constant 0 : i32
        %cond3A_85 = arith.cmpi ne, %convert_element_type3A_83, %cond3A_84 : i32
        scf.if %cond3A_85 {
          %mul3A_131 = arith.constant 8 : i32
          %mul3A_132 = arith.muli %add3A_51, %mul3A_131 : i32
          %add3A_133 = arith.constant 3 : i32
          %add3A_134 = arith.addi %mul3A_132, %add3A_133 : i32
          %mul3A_135 = arith.constant 128 : i32
          %mul3A_136 = arith.muli %add3A_134, %mul3A_135 : i32
          %multiple_of3A = tpu.assume_multiple %mul3A_136, 128 : i32
          %dma_start3A = arith.constant 96 : i32
          %dma_start3A_137 = arith.constant 0 : i32
          %dma_start3A_138 = tpu.memref_slice %arg8[%and3A_52, %dma_start3A, %dma_start3A_137] : memref<2x256x128xf32, #tpu.memory_space<vmem>> -> memref<1x32x128xf32, #tpu.memory_space<vmem>>
          %dma_start3A_139 = tpu.memref_squeeze %dma_start3A_138 : memref<1x32x128xf32, #tpu.memory_space<vmem>> -> memref<32x128xf32, #tpu.memory_space<vmem>>
          %dma_start3A_140 = arith.constant 0 : i32
          %dma_start3A_141 = tpu.memref_slice %arg3[%dma_start3A_140, %multiple_of3A] : memref<32x100000xf32, #tpu.memory_space<hbm>> -> memref<32x128xf32, #tpu.memory_space<hbm>>
          %dma_start3A_142 = arith.constant 96 : i32
          %dma_start3A_143 = arith.constant 0 : i32
          %dma_start3A_144 = tpu.memref_slice %arg8[%and3A_52, %dma_start3A_142, %dma_start3A_143] : memref<2x256x128xf32, #tpu.memory_space<vmem>> -> memref<1x32x128xf32, #tpu.memory_space<vmem>>
          %dma_start3A_145 = tpu.memref_squeeze %dma_start3A_144 : memref<1x32x128xf32, #tpu.memory_space<vmem>> -> memref<32x128xf32, #tpu.memory_space<vmem>>
          %dma_start3A_146 = arith.constant 0 : i32
          %dma_start3A_147 = tpu.memref_slice %arg3[%dma_start3A_146, %multiple_of3A] : memref<32x100000xf32, #tpu.memory_space<hbm>> -> memref<32x128xf32, #tpu.memory_space<hbm>>
          tpu.enqueue_dma source(%dma_start3A_147 : memref<32x128xf32, #tpu.memory_space<hbm>>) target(%dma_start3A_145 : memref<32x128xf32, #tpu.memory_space<vmem>>) target_semaphore(%arg9 : memref<!tpu.dma_semaphore, #tpu.memory_space<semaphore_mem>>)
        } else {
        }
        %eq3A_86 = arith.constant 97 : i32
        %eq3A_87 = arith.cmpi eq, %add3A_51, %eq3A_86 : i32
        %convert_element_type3A_88 = arith.extui %eq3A_87 : i1 to i32
        %cond3A_89 = arith.constant 0 : i32
        %cond3A_90 = arith.cmpi ne, %convert_element_type3A_88, %cond3A_89 : i32
        scf.if %cond3A_90 {
          %dma_start3A = arith.constant 96 : i32
          %dma_start3A_131 = arith.constant 0 : i32
          %dma_start3A_132 = tpu.memref_slice %arg8[%and3A_52, %dma_start3A, %dma_start3A_131] : memref<2x256x128xf32, #tpu.memory_space<vmem>> -> memref<1x32x128xf32, #tpu.memory_space<vmem>>
          %dma_start3A_133 = tpu.memref_squeeze %dma_start3A_132 : memref<1x32x128xf32, #tpu.memory_space<vmem>> -> memref<32x128xf32, #tpu.memory_space<vmem>>
          %dma_start3A_134 = arith.constant 0 : i32
          %dma_start3A_135 = arith.constant 384 : i32
          %dma_start3A_136 = tpu.memref_slice %arg5[%dma_start3A_134, %dma_start3A_135] : memref<32x1024xf32, #tpu.memory_space<hbm>> -> memref<32x128xf32, #tpu.memory_space<hbm>>
          %dma_start3A_137 = arith.constant 96 : i32
          %dma_start3A_138 = arith.constant 0 : i32
          %dma_start3A_139 = tpu.memref_slice %arg8[%and3A_52, %dma_start3A_137, %dma_start3A_138] : memref<2x256x128xf32, #tpu.memory_space<vmem>> -> memref<1x32x128xf32, #tpu.memory_space<vmem>>
          %dma_start3A_140 = tpu.memref_squeeze %dma_start3A_139 : memref<1x32x128xf32, #tpu.memory_space<vmem>> -> memref<32x128xf32, #tpu.memory_space<vmem>>
          %dma_start3A_141 = arith.constant 0 : i32
          %dma_start3A_142 = arith.constant 384 : i32
          %dma_start3A_143 = tpu.memref_slice %arg5[%dma_start3A_141, %dma_start3A_142] : memref<32x1024xf32, #tpu.memory_space<hbm>> -> memref<32x128xf32, #tpu.memory_space<hbm>>
          tpu.enqueue_dma source(%dma_start3A_143 : memref<32x128xf32, #tpu.memory_space<hbm>>) target(%dma_start3A_140 : memref<32x128xf32, #tpu.memory_space<vmem>>) target_semaphore(%arg9 : memref<!tpu.dma_semaphore, #tpu.memory_space<semaphore_mem>>)
        } else {
        }
        %lt3A_91 = arith.constant 97 : i32
        %lt3A_92 = arith.cmpi slt, %add3A_51, %lt3A_91 : i32
        %convert_element_type3A_93 = arith.extui %lt3A_92 : i1 to i32
        %cond3A_94 = arith.constant 0 : i32
        %cond3A_95 = arith.cmpi ne, %convert_element_type3A_93, %cond3A_94 : i32
        scf.if %cond3A_95 {
          %mul3A_131 = arith.constant 8 : i32
          %mul3A_132 = arith.muli %add3A_51, %mul3A_131 : i32
          %add3A_133 = arith.constant 4 : i32
          %add3A_134 = arith.addi %mul3A_132, %add3A_133 : i32
          %mul3A_135 = arith.constant 128 : i32
          %mul3A_136 = arith.muli %add3A_134, %mul3A_135 : i32
          %multiple_of3A = tpu.assume_multiple %mul3A_136, 128 : i32
          %dma_start3A = arith.constant 128 : i32
          %dma_start3A_137 = arith.constant 0 : i32
          %dma_start3A_138 = tpu.memref_slice %arg8[%and3A_52, %dma_start3A, %dma_start3A_137] : memref<2x256x128xf32, #tpu.memory_space<vmem>> -> memref<1x32x128xf32, #tpu.memory_space<vmem>>
          %dma_start3A_139 = tpu.memref_squeeze %dma_start3A_138 : memref<1x32x128xf32, #tpu.memory_space<vmem>> -> memref<32x128xf32, #tpu.memory_space<vmem>>
          %dma_start3A_140 = arith.constant 0 : i32
          %dma_start3A_141 = tpu.memref_slice %arg3[%dma_start3A_140, %multiple_of3A] : memref<32x100000xf32, #tpu.memory_space<hbm>> -> memref<32x128xf32, #tpu.memory_space<hbm>>
          %dma_start3A_142 = arith.constant 128 : i32
          %dma_start3A_143 = arith.constant 0 : i32
          %dma_start3A_144 = tpu.memref_slice %arg8[%and3A_52, %dma_start3A_142, %dma_start3A_143] : memref<2x256x128xf32, #tpu.memory_space<vmem>> -> memref<1x32x128xf32, #tpu.memory_space<vmem>>
          %dma_start3A_145 = tpu.memref_squeeze %dma_start3A_144 : memref<1x32x128xf32, #tpu.memory_space<vmem>> -> memref<32x128xf32, #tpu.memory_space<vmem>>
          %dma_start3A_146 = arith.constant 0 : i32
          %dma_start3A_147 = tpu.memref_slice %arg3[%dma_start3A_146, %multiple_of3A] : memref<32x100000xf32, #tpu.memory_space<hbm>> -> memref<32x128xf32, #tpu.memory_space<hbm>>
          tpu.enqueue_dma source(%dma_start3A_147 : memref<32x128xf32, #tpu.memory_space<hbm>>) target(%dma_start3A_145 : memref<32x128xf32, #tpu.memory_space<vmem>>) target_semaphore(%arg9 : memref<!tpu.dma_semaphore, #tpu.memory_space<semaphore_mem>>)
        } else {
        }
        %eq3A_96 = arith.constant 97 : i32
        %eq3A_97 = arith.cmpi eq, %add3A_51, %eq3A_96 : i32
        %convert_element_type3A_98 = arith.extui %eq3A_97 : i1 to i32
        %cond3A_99 = arith.constant 0 : i32
        %cond3A_100 = arith.cmpi ne, %convert_element_type3A_98, %cond3A_99 : i32
        scf.if %cond3A_100 {
          %dma_start3A = arith.constant 128 : i32
          %dma_start3A_131 = arith.constant 0 : i32
          %dma_start3A_132 = tpu.memref_slice %arg8[%and3A_52, %dma_start3A, %dma_start3A_131] : memref<2x256x128xf32, #tpu.memory_space<vmem>> -> memref<1x32x128xf32, #tpu.memory_space<vmem>>
          %dma_start3A_133 = tpu.memref_squeeze %dma_start3A_132 : memref<1x32x128xf32, #tpu.memory_space<vmem>> -> memref<32x128xf32, #tpu.memory_space<vmem>>
          %dma_start3A_134 = arith.constant 0 : i32
          %dma_start3A_135 = arith.constant 512 : i32
          %dma_start3A_136 = tpu.memref_slice %arg5[%dma_start3A_134, %dma_start3A_135] : memref<32x1024xf32, #tpu.memory_space<hbm>> -> memref<32x128xf32, #tpu.memory_space<hbm>>
          %dma_start3A_137 = arith.constant 128 : i32
          %dma_start3A_138 = arith.constant 0 : i32
          %dma_start3A_139 = tpu.memref_slice %arg8[%and3A_52, %dma_start3A_137, %dma_start3A_138] : memref<2x256x128xf32, #tpu.memory_space<vmem>> -> memref<1x32x128xf32, #tpu.memory_space<vmem>>
          %dma_start3A_140 = tpu.memref_squeeze %dma_start3A_139 : memref<1x32x128xf32, #tpu.memory_space<vmem>> -> memref<32x128xf32, #tpu.memory_space<vmem>>
          %dma_start3A_141 = arith.constant 0 : i32
          %dma_start3A_142 = arith.constant 512 : i32
          %dma_start3A_143 = tpu.memref_slice %arg5[%dma_start3A_141, %dma_start3A_142] : memref<32x1024xf32, #tpu.memory_space<hbm>> -> memref<32x128xf32, #tpu.memory_space<hbm>>
          tpu.enqueue_dma source(%dma_start3A_143 : memref<32x128xf32, #tpu.memory_space<hbm>>) target(%dma_start3A_140 : memref<32x128xf32, #tpu.memory_space<vmem>>) target_semaphore(%arg9 : memref<!tpu.dma_semaphore, #tpu.memory_space<semaphore_mem>>)
        } else {
        }
        %lt3A_101 = arith.constant 97 : i32
        %lt3A_102 = arith.cmpi slt, %add3A_51, %lt3A_101 : i32
        %convert_element_type3A_103 = arith.extui %lt3A_102 : i1 to i32
        %cond3A_104 = arith.constant 0 : i32
        %cond3A_105 = arith.cmpi ne, %convert_element_type3A_103, %cond3A_104 : i32
        scf.if %cond3A_105 {
          %mul3A_131 = arith.constant 8 : i32
          %mul3A_132 = arith.muli %add3A_51, %mul3A_131 : i32
          %add3A_133 = arith.constant 5 : i32
          %add3A_134 = arith.addi %mul3A_132, %add3A_133 : i32
          %mul3A_135 = arith.constant 128 : i32
          %mul3A_136 = arith.muli %add3A_134, %mul3A_135 : i32
          %multiple_of3A = tpu.assume_multiple %mul3A_136, 128 : i32
          %dma_start3A = arith.constant 160 : i32
          %dma_start3A_137 = arith.constant 0 : i32
          %dma_start3A_138 = tpu.memref_slice %arg8[%and3A_52, %dma_start3A, %dma_start3A_137] : memref<2x256x128xf32, #tpu.memory_space<vmem>> -> memref<1x32x128xf32, #tpu.memory_space<vmem>>
          %dma_start3A_139 = tpu.memref_squeeze %dma_start3A_138 : memref<1x32x128xf32, #tpu.memory_space<vmem>> -> memref<32x128xf32, #tpu.memory_space<vmem>>
          %dma_start3A_140 = arith.constant 0 : i32
          %dma_start3A_141 = tpu.memref_slice %arg3[%dma_start3A_140, %multiple_of3A] : memref<32x100000xf32, #tpu.memory_space<hbm>> -> memref<32x128xf32, #tpu.memory_space<hbm>>
          %dma_start3A_142 = arith.constant 160 : i32
          %dma_start3A_143 = arith.constant 0 : i32
          %dma_start3A_144 = tpu.memref_slice %arg8[%and3A_52, %dma_start3A_142, %dma_start3A_143] : memref<2x256x128xf32, #tpu.memory_space<vmem>> -> memref<1x32x128xf32, #tpu.memory_space<vmem>>
          %dma_start3A_145 = tpu.memref_squeeze %dma_start3A_144 : memref<1x32x128xf32, #tpu.memory_space<vmem>> -> memref<32x128xf32, #tpu.memory_space<vmem>>
          %dma_start3A_146 = arith.constant 0 : i32
          %dma_start3A_147 = tpu.memref_slice %arg3[%dma_start3A_146, %multiple_of3A] : memref<32x100000xf32, #tpu.memory_space<hbm>> -> memref<32x128xf32, #tpu.memory_space<hbm>>
          tpu.enqueue_dma source(%dma_start3A_147 : memref<32x128xf32, #tpu.memory_space<hbm>>) target(%dma_start3A_145 : memref<32x128xf32, #tpu.memory_space<vmem>>) target_semaphore(%arg9 : memref<!tpu.dma_semaphore, #tpu.memory_space<semaphore_mem>>)
        } else {
        }
        %eq3A_106 = arith.constant 97 : i32
        %eq3A_107 = arith.cmpi eq, %add3A_51, %eq3A_106 : i32
        %convert_element_type3A_108 = arith.extui %eq3A_107 : i1 to i32
        %cond3A_109 = arith.constant 0 : i32
        %cond3A_110 = arith.cmpi ne, %convert_element_type3A_108, %cond3A_109 : i32
        scf.if %cond3A_110 {
          %dma_start3A = arith.constant 160 : i32
          %dma_start3A_131 = arith.constant 0 : i32
          %dma_start3A_132 = tpu.memref_slice %arg8[%and3A_52, %dma_start3A, %dma_start3A_131] : memref<2x256x128xf32, #tpu.memory_space<vmem>> -> memref<1x32x128xf32, #tpu.memory_space<vmem>>
          %dma_start3A_133 = tpu.memref_squeeze %dma_start3A_132 : memref<1x32x128xf32, #tpu.memory_space<vmem>> -> memref<32x128xf32, #tpu.memory_space<vmem>>
          %dma_start3A_134 = arith.constant 0 : i32
          %dma_start3A_135 = arith.constant 640 : i32
          %dma_start3A_136 = tpu.memref_slice %arg5[%dma_start3A_134, %dma_start3A_135] : memref<32x1024xf32, #tpu.memory_space<hbm>> -> memref<32x128xf32, #tpu.memory_space<hbm>>
          %dma_start3A_137 = arith.constant 160 : i32
          %dma_start3A_138 = arith.constant 0 : i32
          %dma_start3A_139 = tpu.memref_slice %arg8[%and3A_52, %dma_start3A_137, %dma_start3A_138] : memref<2x256x128xf32, #tpu.memory_space<vmem>> -> memref<1x32x128xf32, #tpu.memory_space<vmem>>
          %dma_start3A_140 = tpu.memref_squeeze %dma_start3A_139 : memref<1x32x128xf32, #tpu.memory_space<vmem>> -> memref<32x128xf32, #tpu.memory_space<vmem>>
          %dma_start3A_141 = arith.constant 0 : i32
          %dma_start3A_142 = arith.constant 640 : i32
          %dma_start3A_143 = tpu.memref_slice %arg5[%dma_start3A_141, %dma_start3A_142] : memref<32x1024xf32, #tpu.memory_space<hbm>> -> memref<32x128xf32, #tpu.memory_space<hbm>>
          tpu.enqueue_dma source(%dma_start3A_143 : memref<32x128xf32, #tpu.memory_space<hbm>>) target(%dma_start3A_140 : memref<32x128xf32, #tpu.memory_space<vmem>>) target_semaphore(%arg9 : memref<!tpu.dma_semaphore, #tpu.memory_space<semaphore_mem>>)
        } else {
        }
        %lt3A_111 = arith.constant 97 : i32
        %lt3A_112 = arith.cmpi slt, %add3A_51, %lt3A_111 : i32
        %convert_element_type3A_113 = arith.extui %lt3A_112 : i1 to i32
        %cond3A_114 = arith.constant 0 : i32
        %cond3A_115 = arith.cmpi ne, %convert_element_type3A_113, %cond3A_114 : i32
        scf.if %cond3A_115 {
          %mul3A_131 = arith.constant 8 : i32
          %mul3A_132 = arith.muli %add3A_51, %mul3A_131 : i32
          %add3A_133 = arith.constant 6 : i32
          %add3A_134 = arith.addi %mul3A_132, %add3A_133 : i32
          %mul3A_135 = arith.constant 128 : i32
          %mul3A_136 = arith.muli %add3A_134, %mul3A_135 : i32
          %multiple_of3A = tpu.assume_multiple %mul3A_136, 128 : i32
          %dma_start3A = arith.constant 192 : i32
          %dma_start3A_137 = arith.constant 0 : i32
          %dma_start3A_138 = tpu.memref_slice %arg8[%and3A_52, %dma_start3A, %dma_start3A_137] : memref<2x256x128xf32, #tpu.memory_space<vmem>> -> memref<1x32x128xf32, #tpu.memory_space<vmem>>
          %dma_start3A_139 = tpu.memref_squeeze %dma_start3A_138 : memref<1x32x128xf32, #tpu.memory_space<vmem>> -> memref<32x128xf32, #tpu.memory_space<vmem>>
          %dma_start3A_140 = arith.constant 0 : i32
          %dma_start3A_141 = tpu.memref_slice %arg3[%dma_start3A_140, %multiple_of3A] : memref<32x100000xf32, #tpu.memory_space<hbm>> -> memref<32x128xf32, #tpu.memory_space<hbm>>
          %dma_start3A_142 = arith.constant 192 : i32
          %dma_start3A_143 = arith.constant 0 : i32
          %dma_start3A_144 = tpu.memref_slice %arg8[%and3A_52, %dma_start3A_142, %dma_start3A_143] : memref<2x256x128xf32, #tpu.memory_space<vmem>> -> memref<1x32x128xf32, #tpu.memory_space<vmem>>
          %dma_start3A_145 = tpu.memref_squeeze %dma_start3A_144 : memref<1x32x128xf32, #tpu.memory_space<vmem>> -> memref<32x128xf32, #tpu.memory_space<vmem>>
          %dma_start3A_146 = arith.constant 0 : i32
          %dma_start3A_147 = tpu.memref_slice %arg3[%dma_start3A_146, %multiple_of3A] : memref<32x100000xf32, #tpu.memory_space<hbm>> -> memref<32x128xf32, #tpu.memory_space<hbm>>
          tpu.enqueue_dma source(%dma_start3A_147 : memref<32x128xf32, #tpu.memory_space<hbm>>) target(%dma_start3A_145 : memref<32x128xf32, #tpu.memory_space<vmem>>) target_semaphore(%arg9 : memref<!tpu.dma_semaphore, #tpu.memory_space<semaphore_mem>>)
        } else {
        }
        %eq3A_116 = arith.constant 97 : i32
        %eq3A_117 = arith.cmpi eq, %add3A_51, %eq3A_116 : i32
        %convert_element_type3A_118 = arith.extui %eq3A_117 : i1 to i32
        %cond3A_119 = arith.constant 0 : i32
        %cond3A_120 = arith.cmpi ne, %convert_element_type3A_118, %cond3A_119 : i32
        scf.if %cond3A_120 {
          %dma_start3A = arith.constant 192 : i32
          %dma_start3A_131 = arith.constant 0 : i32
          %dma_start3A_132 = tpu.memref_slice %arg8[%and3A_52, %dma_start3A, %dma_start3A_131] : memref<2x256x128xf32, #tpu.memory_space<vmem>> -> memref<1x32x128xf32, #tpu.memory_space<vmem>>
          %dma_start3A_133 = tpu.memref_squeeze %dma_start3A_132 : memref<1x32x128xf32, #tpu.memory_space<vmem>> -> memref<32x128xf32, #tpu.memory_space<vmem>>
          %dma_start3A_134 = arith.constant 0 : i32
          %dma_start3A_135 = arith.constant 768 : i32
          %dma_start3A_136 = tpu.memref_slice %arg5[%dma_start3A_134, %dma_start3A_135] : memref<32x1024xf32, #tpu.memory_space<hbm>> -> memref<32x128xf32, #tpu.memory_space<hbm>>
          %dma_start3A_137 = arith.constant 192 : i32
          %dma_start3A_138 = arith.constant 0 : i32
          %dma_start3A_139 = tpu.memref_slice %arg8[%and3A_52, %dma_start3A_137, %dma_start3A_138] : memref<2x256x128xf32, #tpu.memory_space<vmem>> -> memref<1x32x128xf32, #tpu.memory_space<vmem>>
          %dma_start3A_140 = tpu.memref_squeeze %dma_start3A_139 : memref<1x32x128xf32, #tpu.memory_space<vmem>> -> memref<32x128xf32, #tpu.memory_space<vmem>>
          %dma_start3A_141 = arith.constant 0 : i32
          %dma_start3A_142 = arith.constant 768 : i32
          %dma_start3A_143 = tpu.memref_slice %arg5[%dma_start3A_141, %dma_start3A_142] : memref<32x1024xf32, #tpu.memory_space<hbm>> -> memref<32x128xf32, #tpu.memory_space<hbm>>
          tpu.enqueue_dma source(%dma_start3A_143 : memref<32x128xf32, #tpu.memory_space<hbm>>) target(%dma_start3A_140 : memref<32x128xf32, #tpu.memory_space<vmem>>) target_semaphore(%arg9 : memref<!tpu.dma_semaphore, #tpu.memory_space<semaphore_mem>>)
        } else {
        }
        %lt3A_121 = arith.constant 97 : i32
        %lt3A_122 = arith.cmpi slt, %add3A_51, %lt3A_121 : i32
        %convert_element_type3A_123 = arith.extui %lt3A_122 : i1 to i32
        %cond3A_124 = arith.constant 0 : i32
        %cond3A_125 = arith.cmpi ne, %convert_element_type3A_123, %cond3A_124 : i32
        scf.if %cond3A_125 {
          %mul3A_131 = arith.constant 8 : i32
          %mul3A_132 = arith.muli %add3A_51, %mul3A_131 : i32
          %add3A_133 = arith.constant 7 : i32
          %add3A_134 = arith.addi %mul3A_132, %add3A_133 : i32
          %mul3A_135 = arith.constant 128 : i32
          %mul3A_136 = arith.muli %add3A_134, %mul3A_135 : i32
          %multiple_of3A = tpu.assume_multiple %mul3A_136, 128 : i32
          %dma_start3A = arith.constant 224 : i32
          %dma_start3A_137 = arith.constant 0 : i32
          %dma_start3A_138 = tpu.memref_slice %arg8[%and3A_52, %dma_start3A, %dma_start3A_137] : memref<2x256x128xf32, #tpu.memory_space<vmem>> -> memref<1x32x128xf32, #tpu.memory_space<vmem>>
          %dma_start3A_139 = tpu.memref_squeeze %dma_start3A_138 : memref<1x32x128xf32, #tpu.memory_space<vmem>> -> memref<32x128xf32, #tpu.memory_space<vmem>>
          %dma_start3A_140 = arith.constant 0 : i32
          %dma_start3A_141 = tpu.memref_slice %arg3[%dma_start3A_140, %multiple_of3A] : memref<32x100000xf32, #tpu.memory_space<hbm>> -> memref<32x128xf32, #tpu.memory_space<hbm>>
          %dma_start3A_142 = arith.constant 224 : i32
          %dma_start3A_143 = arith.constant 0 : i32
          %dma_start3A_144 = tpu.memref_slice %arg8[%and3A_52, %dma_start3A_142, %dma_start3A_143] : memref<2x256x128xf32, #tpu.memory_space<vmem>> -> memref<1x32x128xf32, #tpu.memory_space<vmem>>
          %dma_start3A_145 = tpu.memref_squeeze %dma_start3A_144 : memref<1x32x128xf32, #tpu.memory_space<vmem>> -> memref<32x128xf32, #tpu.memory_space<vmem>>
          %dma_start3A_146 = arith.constant 0 : i32
          %dma_start3A_147 = tpu.memref_slice %arg3[%dma_start3A_146, %multiple_of3A] : memref<32x100000xf32, #tpu.memory_space<hbm>> -> memref<32x128xf32, #tpu.memory_space<hbm>>
          tpu.enqueue_dma source(%dma_start3A_147 : memref<32x128xf32, #tpu.memory_space<hbm>>) target(%dma_start3A_145 : memref<32x128xf32, #tpu.memory_space<vmem>>) target_semaphore(%arg9 : memref<!tpu.dma_semaphore, #tpu.memory_space<semaphore_mem>>)
        } else {
        }
        %eq3A_126 = arith.constant 97 : i32
        %eq3A_127 = arith.cmpi eq, %add3A_51, %eq3A_126 : i32
        %convert_element_type3A_128 = arith.extui %eq3A_127 : i1 to i32
        %cond3A_129 = arith.constant 0 : i32
        %cond3A_130 = arith.cmpi ne, %convert_element_type3A_128, %cond3A_129 : i32
        scf.if %cond3A_130 {
          %dma_start3A = arith.constant 224 : i32
          %dma_start3A_131 = arith.constant 0 : i32
          %dma_start3A_132 = tpu.memref_slice %arg8[%and3A_52, %dma_start3A, %dma_start3A_131] : memref<2x256x128xf32, #tpu.memory_space<vmem>> -> memref<1x32x128xf32, #tpu.memory_space<vmem>>
          %dma_start3A_133 = tpu.memref_squeeze %dma_start3A_132 : memref<1x32x128xf32, #tpu.memory_space<vmem>> -> memref<32x128xf32, #tpu.memory_space<vmem>>
          %dma_start3A_134 = arith.constant 0 : i32
          %dma_start3A_135 = arith.constant 896 : i32
          %dma_start3A_136 = tpu.memref_slice %arg5[%dma_start3A_134, %dma_start3A_135] : memref<32x1024xf32, #tpu.memory_space<hbm>> -> memref<32x128xf32, #tpu.memory_space<hbm>>
          %dma_start3A_137 = arith.constant 224 : i32
          %dma_start3A_138 = arith.constant 0 : i32
          %dma_start3A_139 = tpu.memref_slice %arg8[%and3A_52, %dma_start3A_137, %dma_start3A_138] : memref<2x256x128xf32, #tpu.memory_space<vmem>> -> memref<1x32x128xf32, #tpu.memory_space<vmem>>
          %dma_start3A_140 = tpu.memref_squeeze %dma_start3A_139 : memref<1x32x128xf32, #tpu.memory_space<vmem>> -> memref<32x128xf32, #tpu.memory_space<vmem>>
          %dma_start3A_141 = arith.constant 0 : i32
          %dma_start3A_142 = arith.constant 896 : i32
          %dma_start3A_143 = tpu.memref_slice %arg5[%dma_start3A_141, %dma_start3A_142] : memref<32x1024xf32, #tpu.memory_space<hbm>> -> memref<32x128xf32, #tpu.memory_space<hbm>>
          tpu.enqueue_dma source(%dma_start3A_143 : memref<32x128xf32, #tpu.memory_space<hbm>>) target(%dma_start3A_140 : memref<32x128xf32, #tpu.memory_space<vmem>>) target_semaphore(%arg9 : memref<!tpu.dma_semaphore, #tpu.memory_space<semaphore_mem>>)
        } else {
        }
      } else {
      }
      %le3A_41 = arith.constant 97 : i32
      %le3A_42 = arith.cmpi sle, %add3A_25, %le3A_41 : i32
      %convert_element_type3A_43 = arith.extui %le3A_42 : i1 to i32
      %cond3A_44 = arith.constant 0 : i32
      %cond3A_45 = arith.cmpi ne, %convert_element_type3A_43, %cond3A_44 : i32
      scf.if %cond3A_45 {
        %mul3A_47 = arith.constant 32 : i32
        %mul3A_48 = arith.muli %mul3A_47, %scan3A_21 : i32
        %add3A_49 = arith.addi %add3A, %mul3A_48 : i32
        %and3A = arith.constant 1 : i32
        %and3A_50 = arith.andi %scan3A_21, %and3A : i32
        %mul3A_51 = arith.constant 256 : i32
        %mul3A_52 = arith.muli %add3A_49, %mul3A_51 : i32
        %multiple_of3A = tpu.assume_multiple %mul3A_52, 8 : i32
        %dma_wait3A = arith.constant 0 : i32
        %dma_wait3A_53 = arith.constant 0 : i32
        %dma_wait3A_54 = tpu.memref_slice %arg8[%and3A_50, %dma_wait3A, %dma_wait3A_53] : memref<2x256x128xf32, #tpu.memory_space<vmem>> -> memref<1x256x128xf32, #tpu.memory_space<vmem>>
        %dma_wait3A_55 = tpu.memref_squeeze %dma_wait3A_54 : memref<1x256x128xf32, #tpu.memory_space<vmem>> -> memref<256x128xf32, #tpu.memory_space<vmem>>
        %dma_wait3A_56 = arith.constant 0 : i32
        %dma_wait3A_57 = tpu.memref_slice %arg7[%multiple_of3A, %dma_wait3A_56] : memref<25088x128xf32, #tpu.memory_space<hbm>> -> memref<256x128xf32, #tpu.memory_space<hbm>>
        %dma_wait3A_58 = arith.constant 0 : i32
        %dma_wait3A_59 = tpu.memref_slice %arg7[%multiple_of3A, %dma_wait3A_58] : memref<25088x128xf32, #tpu.memory_space<hbm>> -> memref<256x128xf32, #tpu.memory_space<hbm>>
        %dma_wait3A_60 = arith.constant 0 : i32
        %dma_wait3A_61 = arith.constant 0 : i32
        %dma_wait3A_62 = tpu.memref_slice %arg8[%and3A_50, %dma_wait3A_60, %dma_wait3A_61] : memref<2x256x128xf32, #tpu.memory_space<vmem>> -> memref<1x256x128xf32, #tpu.memory_space<vmem>>
        %dma_wait3A_63 = tpu.memref_squeeze %dma_wait3A_62 : memref<1x256x128xf32, #tpu.memory_space<vmem>> -> memref<256x128xf32, #tpu.memory_space<vmem>>
        tpu.wait_dma2 semaphore(%arg10 : memref<!tpu.dma_semaphore, #tpu.memory_space<semaphore_mem>>) src(%dma_wait3A_63 : memref<256x128xf32, #tpu.memory_space<vmem>>) dst(%dma_wait3A_59 : memref<256x128xf32, #tpu.memory_space<hbm>>)
      } else {
      }
      %scan3A_46 = arith.constant 0 : i32
      scf.yield %scan3A_46 : i32
    }
    %scan3A_20 = arith.constant 4 : i32
    return
  }
}

#map = affine_map<(d0, d1) -> (0)>
module attributes {stable_mosaic.version = 14 : i64} {
  func.func @_gather_body(%arg0: i32, %arg1: i32, %arg2: memref<16384xi32, #tpu.memory_space<hbm>>, %arg3: memref<16384xi32, #tpu.memory_space<hbm>>, %arg4: memref<32014336xf32, #tpu.memory_space<hbm>>, %arg5: memref<3211264xf32, #tpu.memory_space<hbm>>, %arg6: memref<16384xf32, #tpu.memory_space<hbm>>, %arg7: memref<4x128xi32, #tpu.memory_space<vmem>>, %arg8: memref<4x128xi32, #tpu.memory_space<vmem>>, %arg9: memref<32x4x128xi32, #tpu.memory_space<vmem>>, %arg10: memref<32x4x128xi32, #tpu.memory_space<vmem>>, %arg11: memref<32x512xf32, #tpu.memory_space<vmem>>, %arg12: memref<32x512xf32, #tpu.memory_space<vmem>>, %arg13: memref<512xf32, #tpu.memory_space<vmem>>, %arg14: memref<!tpu.dma_semaphore, #tpu.memory_space<semaphore_mem>>) attributes {dimension_semantics = [#tpu.dimension_semantics<core_parallel>, #tpu.dimension_semantics<subcore_parallel>], iteration_bounds = array<i64: 2, 16>, scalar_prefetch = 0 : i64, scratch_operands = 8 : i64, tpu.core_type = #tpu.core_type<sc_vector_subcore>, window_params = [{transform_indices = #map}, {transform_indices = #map}, {transform_indices = #map}, {transform_indices = #map}, {transform_indices = #map}]} {
    %mul3A = arith.constant 2 : i32
    %mul3A_0 = arith.muli %arg1, %mul3A : i32
    %add3A = arith.addi %mul3A_0, %arg0 : i32
    %mul3A_1 = arith.constant 512 : i32
    %mul3A_2 = arith.muli %add3A, %mul3A_1 : i32
    %add3A_3 = arith.constant 0 : i32
    %add3A_4 = arith.addi %mul3A_2, %add3A_3 : i32
    %run_scoped3A = arith.constant 0 : i32
    "tpu.region"() ({
      %run_scoped3A_53 = tpu.sem_alloc : memref<!tpu.dma_semaphore, #tpu.memory_space<semaphore_mem>>
      %dma_start3A = arith.constant 0 : i32
      %dma_start3A_54 = tpu.memref_slice %arg7[%run_scoped3A, %dma_start3A] : memref<4x128xi32, #tpu.memory_space<vmem>> -> memref<1x128xi32, #tpu.memory_space<vmem>>
      %dma_start3A_55 = tpu.memref_squeeze %dma_start3A_54 : memref<1x128xi32, #tpu.memory_space<vmem>> -> memref<128xi32, #tpu.memory_space<vmem>>
      %dma_start3A_56 = tpu.memref_slice %arg2[%add3A_4] : memref<16384xi32, #tpu.memory_space<hbm>> -> memref<128xi32, #tpu.memory_space<hbm>>
      %dma_start3A_57 = arith.constant 0 : i32
      %dma_start3A_58 = tpu.memref_slice %arg7[%run_scoped3A, %dma_start3A_57] : memref<4x128xi32, #tpu.memory_space<vmem>> -> memref<1x128xi32, #tpu.memory_space<vmem>>
      %dma_start3A_59 = tpu.memref_squeeze %dma_start3A_58 : memref<1x128xi32, #tpu.memory_space<vmem>> -> memref<128xi32, #tpu.memory_space<vmem>>
      %dma_start3A_60 = tpu.memref_slice %arg2[%add3A_4] : memref<16384xi32, #tpu.memory_space<hbm>> -> memref<128xi32, #tpu.memory_space<hbm>>
      tpu.enqueue_dma source(%dma_start3A_60 : memref<128xi32, #tpu.memory_space<hbm>>) target(%dma_start3A_59 : memref<128xi32, #tpu.memory_space<vmem>>) target_semaphore(%run_scoped3A_53 : memref<!tpu.dma_semaphore, #tpu.memory_space<semaphore_mem>>)
      %dma_wait3A = arith.constant 0 : i32
      %dma_wait3A_61 = tpu.memref_slice %arg7[%run_scoped3A, %dma_wait3A] : memref<4x128xi32, #tpu.memory_space<vmem>> -> memref<1x128xi32, #tpu.memory_space<vmem>>
      %dma_wait3A_62 = tpu.memref_squeeze %dma_wait3A_61 : memref<1x128xi32, #tpu.memory_space<vmem>> -> memref<128xi32, #tpu.memory_space<vmem>>
      %dma_wait3A_63 = tpu.memref_slice %arg2[%add3A_4] : memref<16384xi32, #tpu.memory_space<hbm>> -> memref<128xi32, #tpu.memory_space<hbm>>
      %dma_wait3A_64 = arith.constant 0 : i32
      %dma_wait3A_65 = tpu.memref_slice %arg7[%run_scoped3A, %dma_wait3A_64] : memref<4x128xi32, #tpu.memory_space<vmem>> -> memref<1x128xi32, #tpu.memory_space<vmem>>
      %dma_wait3A_66 = tpu.memref_squeeze %dma_wait3A_65 : memref<1x128xi32, #tpu.memory_space<vmem>> -> memref<128xi32, #tpu.memory_space<vmem>>
      %dma_wait3A_67 = tpu.memref_slice %arg2[%add3A_4] : memref<16384xi32, #tpu.memory_space<hbm>> -> memref<128xi32, #tpu.memory_space<hbm>>
      tpu.wait_dma2 semaphore(%run_scoped3A_53 : memref<!tpu.dma_semaphore, #tpu.memory_space<semaphore_mem>>) src(%dma_wait3A_67 : memref<128xi32, #tpu.memory_space<hbm>>) dst(%dma_wait3A_66 : memref<128xi32, #tpu.memory_space<vmem>>)
      tpu.yield
    }) : () -> ()
    %add3A_5 = arith.constant 0 : i32
    %add3A_6 = arith.addi %mul3A_2, %add3A_5 : i32
    %run_scoped3A_7 = arith.constant 0 : i32
    "tpu.region"() ({
      %run_scoped3A_53 = tpu.sem_alloc : memref<!tpu.dma_semaphore, #tpu.memory_space<semaphore_mem>>
      %dma_start3A = arith.constant 0 : i32
      %dma_start3A_54 = tpu.memref_slice %arg8[%run_scoped3A_7, %dma_start3A] : memref<4x128xi32, #tpu.memory_space<vmem>> -> memref<1x128xi32, #tpu.memory_space<vmem>>
      %dma_start3A_55 = tpu.memref_squeeze %dma_start3A_54 : memref<1x128xi32, #tpu.memory_space<vmem>> -> memref<128xi32, #tpu.memory_space<vmem>>
      %dma_start3A_56 = tpu.memref_slice %arg3[%add3A_6] : memref<16384xi32, #tpu.memory_space<hbm>> -> memref<128xi32, #tpu.memory_space<hbm>>
      %dma_start3A_57 = arith.constant 0 : i32
      %dma_start3A_58 = tpu.memref_slice %arg8[%run_scoped3A_7, %dma_start3A_57] : memref<4x128xi32, #tpu.memory_space<vmem>> -> memref<1x128xi32, #tpu.memory_space<vmem>>
      %dma_start3A_59 = tpu.memref_squeeze %dma_start3A_58 : memref<1x128xi32, #tpu.memory_space<vmem>> -> memref<128xi32, #tpu.memory_space<vmem>>
      %dma_start3A_60 = tpu.memref_slice %arg3[%add3A_6] : memref<16384xi32, #tpu.memory_space<hbm>> -> memref<128xi32, #tpu.memory_space<hbm>>
      tpu.enqueue_dma source(%dma_start3A_60 : memref<128xi32, #tpu.memory_space<hbm>>) target(%dma_start3A_59 : memref<128xi32, #tpu.memory_space<vmem>>) target_semaphore(%run_scoped3A_53 : memref<!tpu.dma_semaphore, #tpu.memory_space<semaphore_mem>>)
      %dma_wait3A = arith.constant 0 : i32
      %dma_wait3A_61 = tpu.memref_slice %arg8[%run_scoped3A_7, %dma_wait3A] : memref<4x128xi32, #tpu.memory_space<vmem>> -> memref<1x128xi32, #tpu.memory_space<vmem>>
      %dma_wait3A_62 = tpu.memref_squeeze %dma_wait3A_61 : memref<1x128xi32, #tpu.memory_space<vmem>> -> memref<128xi32, #tpu.memory_space<vmem>>
      %dma_wait3A_63 = tpu.memref_slice %arg3[%add3A_6] : memref<16384xi32, #tpu.memory_space<hbm>> -> memref<128xi32, #tpu.memory_space<hbm>>
      %dma_wait3A_64 = arith.constant 0 : i32
      %dma_wait3A_65 = tpu.memref_slice %arg8[%run_scoped3A_7, %dma_wait3A_64] : memref<4x128xi32, #tpu.memory_space<vmem>> -> memref<1x128xi32, #tpu.memory_space<vmem>>
      %dma_wait3A_66 = tpu.memref_squeeze %dma_wait3A_65 : memref<1x128xi32, #tpu.memory_space<vmem>> -> memref<128xi32, #tpu.memory_space<vmem>>
      %dma_wait3A_67 = tpu.memref_slice %arg3[%add3A_6] : memref<16384xi32, #tpu.memory_space<hbm>> -> memref<128xi32, #tpu.memory_space<hbm>>
      tpu.wait_dma2 semaphore(%run_scoped3A_53 : memref<!tpu.dma_semaphore, #tpu.memory_space<semaphore_mem>>) src(%dma_wait3A_67 : memref<128xi32, #tpu.memory_space<hbm>>) dst(%dma_wait3A_66 : memref<128xi32, #tpu.memory_space<vmem>>)
      tpu.yield
    }) : () -> ()
    %add3A_8 = arith.constant 128 : i32
    %add3A_9 = arith.addi %mul3A_2, %add3A_8 : i32
    %run_scoped3A_10 = arith.constant 1 : i32
    "tpu.region"() ({
      %run_scoped3A_53 = tpu.sem_alloc : memref<!tpu.dma_semaphore, #tpu.memory_space<semaphore_mem>>
      %dma_start3A = arith.constant 0 : i32
      %dma_start3A_54 = tpu.memref_slice %arg7[%run_scoped3A_10, %dma_start3A] : memref<4x128xi32, #tpu.memory_space<vmem>> -> memref<1x128xi32, #tpu.memory_space<vmem>>
      %dma_start3A_55 = tpu.memref_squeeze %dma_start3A_54 : memref<1x128xi32, #tpu.memory_space<vmem>> -> memref<128xi32, #tpu.memory_space<vmem>>
      %dma_start3A_56 = tpu.memref_slice %arg2[%add3A_9] : memref<16384xi32, #tpu.memory_space<hbm>> -> memref<128xi32, #tpu.memory_space<hbm>>
      %dma_start3A_57 = arith.constant 0 : i32
      %dma_start3A_58 = tpu.memref_slice %arg7[%run_scoped3A_10, %dma_start3A_57] : memref<4x128xi32, #tpu.memory_space<vmem>> -> memref<1x128xi32, #tpu.memory_space<vmem>>
      %dma_start3A_59 = tpu.memref_squeeze %dma_start3A_58 : memref<1x128xi32, #tpu.memory_space<vmem>> -> memref<128xi32, #tpu.memory_space<vmem>>
      %dma_start3A_60 = tpu.memref_slice %arg2[%add3A_9] : memref<16384xi32, #tpu.memory_space<hbm>> -> memref<128xi32, #tpu.memory_space<hbm>>
      tpu.enqueue_dma source(%dma_start3A_60 : memref<128xi32, #tpu.memory_space<hbm>>) target(%dma_start3A_59 : memref<128xi32, #tpu.memory_space<vmem>>) target_semaphore(%run_scoped3A_53 : memref<!tpu.dma_semaphore, #tpu.memory_space<semaphore_mem>>)
      %dma_wait3A = arith.constant 0 : i32
      %dma_wait3A_61 = tpu.memref_slice %arg7[%run_scoped3A_10, %dma_wait3A] : memref<4x128xi32, #tpu.memory_space<vmem>> -> memref<1x128xi32, #tpu.memory_space<vmem>>
      %dma_wait3A_62 = tpu.memref_squeeze %dma_wait3A_61 : memref<1x128xi32, #tpu.memory_space<vmem>> -> memref<128xi32, #tpu.memory_space<vmem>>
      %dma_wait3A_63 = tpu.memref_slice %arg2[%add3A_9] : memref<16384xi32, #tpu.memory_space<hbm>> -> memref<128xi32, #tpu.memory_space<hbm>>
      %dma_wait3A_64 = arith.constant 0 : i32
      %dma_wait3A_65 = tpu.memref_slice %arg7[%run_scoped3A_10, %dma_wait3A_64] : memref<4x128xi32, #tpu.memory_space<vmem>> -> memref<1x128xi32, #tpu.memory_space<vmem>>
      %dma_wait3A_66 = tpu.memref_squeeze %dma_wait3A_65 : memref<1x128xi32, #tpu.memory_space<vmem>> -> memref<128xi32, #tpu.memory_space<vmem>>
      %dma_wait3A_67 = tpu.memref_slice %arg2[%add3A_9] : memref<16384xi32, #tpu.memory_space<hbm>> -> memref<128xi32, #tpu.memory_space<hbm>>
      tpu.wait_dma2 semaphore(%run_scoped3A_53 : memref<!tpu.dma_semaphore, #tpu.memory_space<semaphore_mem>>) src(%dma_wait3A_67 : memref<128xi32, #tpu.memory_space<hbm>>) dst(%dma_wait3A_66 : memref<128xi32, #tpu.memory_space<vmem>>)
      tpu.yield
    }) : () -> ()
    %add3A_11 = arith.constant 128 : i32
    %add3A_12 = arith.addi %mul3A_2, %add3A_11 : i32
    %run_scoped3A_13 = arith.constant 1 : i32
    "tpu.region"() ({
      %run_scoped3A_53 = tpu.sem_alloc : memref<!tpu.dma_semaphore, #tpu.memory_space<semaphore_mem>>
      %dma_start3A = arith.constant 0 : i32
      %dma_start3A_54 = tpu.memref_slice %arg8[%run_scoped3A_13, %dma_start3A] : memref<4x128xi32, #tpu.memory_space<vmem>> -> memref<1x128xi32, #tpu.memory_space<vmem>>
      %dma_start3A_55 = tpu.memref_squeeze %dma_start3A_54 : memref<1x128xi32, #tpu.memory_space<vmem>> -> memref<128xi32, #tpu.memory_space<vmem>>
      %dma_start3A_56 = tpu.memref_slice %arg3[%add3A_12] : memref<16384xi32, #tpu.memory_space<hbm>> -> memref<128xi32, #tpu.memory_space<hbm>>
      %dma_start3A_57 = arith.constant 0 : i32
      %dma_start3A_58 = tpu.memref_slice %arg8[%run_scoped3A_13, %dma_start3A_57] : memref<4x128xi32, #tpu.memory_space<vmem>> -> memref<1x128xi32, #tpu.memory_space<vmem>>
      %dma_start3A_59 = tpu.memref_squeeze %dma_start3A_58 : memref<1x128xi32, #tpu.memory_space<vmem>> -> memref<128xi32, #tpu.memory_space<vmem>>
      %dma_start3A_60 = tpu.memref_slice %arg3[%add3A_12] : memref<16384xi32, #tpu.memory_space<hbm>> -> memref<128xi32, #tpu.memory_space<hbm>>
      tpu.enqueue_dma source(%dma_start3A_60 : memref<128xi32, #tpu.memory_space<hbm>>) target(%dma_start3A_59 : memref<128xi32, #tpu.memory_space<vmem>>) target_semaphore(%run_scoped3A_53 : memref<!tpu.dma_semaphore, #tpu.memory_space<semaphore_mem>>)
      %dma_wait3A = arith.constant 0 : i32
      %dma_wait3A_61 = tpu.memref_slice %arg8[%run_scoped3A_13, %dma_wait3A] : memref<4x128xi32, #tpu.memory_space<vmem>> -> memref<1x128xi32, #tpu.memory_space<vmem>>
      %dma_wait3A_62 = tpu.memref_squeeze %dma_wait3A_61 : memref<1x128xi32, #tpu.memory_space<vmem>> -> memref<128xi32, #tpu.memory_space<vmem>>
      %dma_wait3A_63 = tpu.memref_slice %arg3[%add3A_12] : memref<16384xi32, #tpu.memory_space<hbm>> -> memref<128xi32, #tpu.memory_space<hbm>>
      %dma_wait3A_64 = arith.constant 0 : i32
      %dma_wait3A_65 = tpu.memref_slice %arg8[%run_scoped3A_13, %dma_wait3A_64] : memref<4x128xi32, #tpu.memory_space<vmem>> -> memref<1x128xi32, #tpu.memory_space<vmem>>
      %dma_wait3A_66 = tpu.memref_squeeze %dma_wait3A_65 : memref<1x128xi32, #tpu.memory_space<vmem>> -> memref<128xi32, #tpu.memory_space<vmem>>
      %dma_wait3A_67 = tpu.memref_slice %arg3[%add3A_12] : memref<16384xi32, #tpu.memory_space<hbm>> -> memref<128xi32, #tpu.memory_space<hbm>>
      tpu.wait_dma2 semaphore(%run_scoped3A_53 : memref<!tpu.dma_semaphore, #tpu.memory_space<semaphore_mem>>) src(%dma_wait3A_67 : memref<128xi32, #tpu.memory_space<hbm>>) dst(%dma_wait3A_66 : memref<128xi32, #tpu.memory_space<vmem>>)
      tpu.yield
    }) : () -> ()
    %add3A_14 = arith.constant 256 : i32
    %add3A_15 = arith.addi %mul3A_2, %add3A_14 : i32
    %run_scoped3A_16 = arith.constant 2 : i32
    "tpu.region"() ({
      %run_scoped3A_53 = tpu.sem_alloc : memref<!tpu.dma_semaphore, #tpu.memory_space<semaphore_mem>>
      %dma_start3A = arith.constant 0 : i32
      %dma_start3A_54 = tpu.memref_slice %arg7[%run_scoped3A_16, %dma_start3A] : memref<4x128xi32, #tpu.memory_space<vmem>> -> memref<1x128xi32, #tpu.memory_space<vmem>>
      %dma_start3A_55 = tpu.memref_squeeze %dma_start3A_54 : memref<1x128xi32, #tpu.memory_space<vmem>> -> memref<128xi32, #tpu.memory_space<vmem>>
      %dma_start3A_56 = tpu.memref_slice %arg2[%add3A_15] : memref<16384xi32, #tpu.memory_space<hbm>> -> memref<128xi32, #tpu.memory_space<hbm>>
      %dma_start3A_57 = arith.constant 0 : i32
      %dma_start3A_58 = tpu.memref_slice %arg7[%run_scoped3A_16, %dma_start3A_57] : memref<4x128xi32, #tpu.memory_space<vmem>> -> memref<1x128xi32, #tpu.memory_space<vmem>>
      %dma_start3A_59 = tpu.memref_squeeze %dma_start3A_58 : memref<1x128xi32, #tpu.memory_space<vmem>> -> memref<128xi32, #tpu.memory_space<vmem>>
      %dma_start3A_60 = tpu.memref_slice %arg2[%add3A_15] : memref<16384xi32, #tpu.memory_space<hbm>> -> memref<128xi32, #tpu.memory_space<hbm>>
      tpu.enqueue_dma source(%dma_start3A_60 : memref<128xi32, #tpu.memory_space<hbm>>) target(%dma_start3A_59 : memref<128xi32, #tpu.memory_space<vmem>>) target_semaphore(%run_scoped3A_53 : memref<!tpu.dma_semaphore, #tpu.memory_space<semaphore_mem>>)
      %dma_wait3A = arith.constant 0 : i32
      %dma_wait3A_61 = tpu.memref_slice %arg7[%run_scoped3A_16, %dma_wait3A] : memref<4x128xi32, #tpu.memory_space<vmem>> -> memref<1x128xi32, #tpu.memory_space<vmem>>
      %dma_wait3A_62 = tpu.memref_squeeze %dma_wait3A_61 : memref<1x128xi32, #tpu.memory_space<vmem>> -> memref<128xi32, #tpu.memory_space<vmem>>
      %dma_wait3A_63 = tpu.memref_slice %arg2[%add3A_15] : memref<16384xi32, #tpu.memory_space<hbm>> -> memref<128xi32, #tpu.memory_space<hbm>>
      %dma_wait3A_64 = arith.constant 0 : i32
      %dma_wait3A_65 = tpu.memref_slice %arg7[%run_scoped3A_16, %dma_wait3A_64] : memref<4x128xi32, #tpu.memory_space<vmem>> -> memref<1x128xi32, #tpu.memory_space<vmem>>
      %dma_wait3A_66 = tpu.memref_squeeze %dma_wait3A_65 : memref<1x128xi32, #tpu.memory_space<vmem>> -> memref<128xi32, #tpu.memory_space<vmem>>
      %dma_wait3A_67 = tpu.memref_slice %arg2[%add3A_15] : memref<16384xi32, #tpu.memory_space<hbm>> -> memref<128xi32, #tpu.memory_space<hbm>>
      tpu.wait_dma2 semaphore(%run_scoped3A_53 : memref<!tpu.dma_semaphore, #tpu.memory_space<semaphore_mem>>) src(%dma_wait3A_67 : memref<128xi32, #tpu.memory_space<hbm>>) dst(%dma_wait3A_66 : memref<128xi32, #tpu.memory_space<vmem>>)
      tpu.yield
    }) : () -> ()
    %add3A_17 = arith.constant 256 : i32
    %add3A_18 = arith.addi %mul3A_2, %add3A_17 : i32
    %run_scoped3A_19 = arith.constant 2 : i32
    "tpu.region"() ({
      %run_scoped3A_53 = tpu.sem_alloc : memref<!tpu.dma_semaphore, #tpu.memory_space<semaphore_mem>>
      %dma_start3A = arith.constant 0 : i32
      %dma_start3A_54 = tpu.memref_slice %arg8[%run_scoped3A_19, %dma_start3A] : memref<4x128xi32, #tpu.memory_space<vmem>> -> memref<1x128xi32, #tpu.memory_space<vmem>>
      %dma_start3A_55 = tpu.memref_squeeze %dma_start3A_54 : memref<1x128xi32, #tpu.memory_space<vmem>> -> memref<128xi32, #tpu.memory_space<vmem>>
      %dma_start3A_56 = tpu.memref_slice %arg3[%add3A_18] : memref<16384xi32, #tpu.memory_space<hbm>> -> memref<128xi32, #tpu.memory_space<hbm>>
      %dma_start3A_57 = arith.constant 0 : i32
      %dma_start3A_58 = tpu.memref_slice %arg8[%run_scoped3A_19, %dma_start3A_57] : memref<4x128xi32, #tpu.memory_space<vmem>> -> memref<1x128xi32, #tpu.memory_space<vmem>>
      %dma_start3A_59 = tpu.memref_squeeze %dma_start3A_58 : memref<1x128xi32, #tpu.memory_space<vmem>> -> memref<128xi32, #tpu.memory_space<vmem>>
      %dma_start3A_60 = tpu.memref_slice %arg3[%add3A_18] : memref<16384xi32, #tpu.memory_space<hbm>> -> memref<128xi32, #tpu.memory_space<hbm>>
      tpu.enqueue_dma source(%dma_start3A_60 : memref<128xi32, #tpu.memory_space<hbm>>) target(%dma_start3A_59 : memref<128xi32, #tpu.memory_space<vmem>>) target_semaphore(%run_scoped3A_53 : memref<!tpu.dma_semaphore, #tpu.memory_space<semaphore_mem>>)
      %dma_wait3A = arith.constant 0 : i32
      %dma_wait3A_61 = tpu.memref_slice %arg8[%run_scoped3A_19, %dma_wait3A] : memref<4x128xi32, #tpu.memory_space<vmem>> -> memref<1x128xi32, #tpu.memory_space<vmem>>
      %dma_wait3A_62 = tpu.memref_squeeze %dma_wait3A_61 : memref<1x128xi32, #tpu.memory_space<vmem>> -> memref<128xi32, #tpu.memory_space<vmem>>
      %dma_wait3A_63 = tpu.memref_slice %arg3[%add3A_18] : memref<16384xi32, #tpu.memory_space<hbm>> -> memref<128xi32, #tpu.memory_space<hbm>>
      %dma_wait3A_64 = arith.constant 0 : i32
      %dma_wait3A_65 = tpu.memref_slice %arg8[%run_scoped3A_19, %dma_wait3A_64] : memref<4x128xi32, #tpu.memory_space<vmem>> -> memref<1x128xi32, #tpu.memory_space<vmem>>
      %dma_wait3A_66 = tpu.memref_squeeze %dma_wait3A_65 : memref<1x128xi32, #tpu.memory_space<vmem>> -> memref<128xi32, #tpu.memory_space<vmem>>
      %dma_wait3A_67 = tpu.memref_slice %arg3[%add3A_18] : memref<16384xi32, #tpu.memory_space<hbm>> -> memref<128xi32, #tpu.memory_space<hbm>>
      tpu.wait_dma2 semaphore(%run_scoped3A_53 : memref<!tpu.dma_semaphore, #tpu.memory_space<semaphore_mem>>) src(%dma_wait3A_67 : memref<128xi32, #tpu.memory_space<hbm>>) dst(%dma_wait3A_66 : memref<128xi32, #tpu.memory_space<vmem>>)
      tpu.yield
    }) : () -> ()
    %add3A_20 = arith.constant 384 : i32
    %add3A_21 = arith.addi %mul3A_2, %add3A_20 : i32
    %run_scoped3A_22 = arith.constant 3 : i32
    "tpu.region"() ({
      %run_scoped3A_53 = tpu.sem_alloc : memref<!tpu.dma_semaphore, #tpu.memory_space<semaphore_mem>>
      %dma_start3A = arith.constant 0 : i32
      %dma_start3A_54 = tpu.memref_slice %arg7[%run_scoped3A_22, %dma_start3A] : memref<4x128xi32, #tpu.memory_space<vmem>> -> memref<1x128xi32, #tpu.memory_space<vmem>>
      %dma_start3A_55 = tpu.memref_squeeze %dma_start3A_54 : memref<1x128xi32, #tpu.memory_space<vmem>> -> memref<128xi32, #tpu.memory_space<vmem>>
      %dma_start3A_56 = tpu.memref_slice %arg2[%add3A_21] : memref<16384xi32, #tpu.memory_space<hbm>> -> memref<128xi32, #tpu.memory_space<hbm>>
      %dma_start3A_57 = arith.constant 0 : i32
      %dma_start3A_58 = tpu.memref_slice %arg7[%run_scoped3A_22, %dma_start3A_57] : memref<4x128xi32, #tpu.memory_space<vmem>> -> memref<1x128xi32, #tpu.memory_space<vmem>>
      %dma_start3A_59 = tpu.memref_squeeze %dma_start3A_58 : memref<1x128xi32, #tpu.memory_space<vmem>> -> memref<128xi32, #tpu.memory_space<vmem>>
      %dma_start3A_60 = tpu.memref_slice %arg2[%add3A_21] : memref<16384xi32, #tpu.memory_space<hbm>> -> memref<128xi32, #tpu.memory_space<hbm>>
      tpu.enqueue_dma source(%dma_start3A_60 : memref<128xi32, #tpu.memory_space<hbm>>) target(%dma_start3A_59 : memref<128xi32, #tpu.memory_space<vmem>>) target_semaphore(%run_scoped3A_53 : memref<!tpu.dma_semaphore, #tpu.memory_space<semaphore_mem>>)
      %dma_wait3A = arith.constant 0 : i32
      %dma_wait3A_61 = tpu.memref_slice %arg7[%run_scoped3A_22, %dma_wait3A] : memref<4x128xi32, #tpu.memory_space<vmem>> -> memref<1x128xi32, #tpu.memory_space<vmem>>
      %dma_wait3A_62 = tpu.memref_squeeze %dma_wait3A_61 : memref<1x128xi32, #tpu.memory_space<vmem>> -> memref<128xi32, #tpu.memory_space<vmem>>
      %dma_wait3A_63 = tpu.memref_slice %arg2[%add3A_21] : memref<16384xi32, #tpu.memory_space<hbm>> -> memref<128xi32, #tpu.memory_space<hbm>>
      %dma_wait3A_64 = arith.constant 0 : i32
      %dma_wait3A_65 = tpu.memref_slice %arg7[%run_scoped3A_22, %dma_wait3A_64] : memref<4x128xi32, #tpu.memory_space<vmem>> -> memref<1x128xi32, #tpu.memory_space<vmem>>
      %dma_wait3A_66 = tpu.memref_squeeze %dma_wait3A_65 : memref<1x128xi32, #tpu.memory_space<vmem>> -> memref<128xi32, #tpu.memory_space<vmem>>
      %dma_wait3A_67 = tpu.memref_slice %arg2[%add3A_21] : memref<16384xi32, #tpu.memory_space<hbm>> -> memref<128xi32, #tpu.memory_space<hbm>>
      tpu.wait_dma2 semaphore(%run_scoped3A_53 : memref<!tpu.dma_semaphore, #tpu.memory_space<semaphore_mem>>) src(%dma_wait3A_67 : memref<128xi32, #tpu.memory_space<hbm>>) dst(%dma_wait3A_66 : memref<128xi32, #tpu.memory_space<vmem>>)
      tpu.yield
    }) : () -> ()
    %add3A_23 = arith.constant 384 : i32
    %add3A_24 = arith.addi %mul3A_2, %add3A_23 : i32
    %run_scoped3A_25 = arith.constant 3 : i32
    "tpu.region"() ({
      %run_scoped3A_53 = tpu.sem_alloc : memref<!tpu.dma_semaphore, #tpu.memory_space<semaphore_mem>>
      %dma_start3A = arith.constant 0 : i32
      %dma_start3A_54 = tpu.memref_slice %arg8[%run_scoped3A_25, %dma_start3A] : memref<4x128xi32, #tpu.memory_space<vmem>> -> memref<1x128xi32, #tpu.memory_space<vmem>>
      %dma_start3A_55 = tpu.memref_squeeze %dma_start3A_54 : memref<1x128xi32, #tpu.memory_space<vmem>> -> memref<128xi32, #tpu.memory_space<vmem>>
      %dma_start3A_56 = tpu.memref_slice %arg3[%add3A_24] : memref<16384xi32, #tpu.memory_space<hbm>> -> memref<128xi32, #tpu.memory_space<hbm>>
      %dma_start3A_57 = arith.constant 0 : i32
      %dma_start3A_58 = tpu.memref_slice %arg8[%run_scoped3A_25, %dma_start3A_57] : memref<4x128xi32, #tpu.memory_space<vmem>> -> memref<1x128xi32, #tpu.memory_space<vmem>>
      %dma_start3A_59 = tpu.memref_squeeze %dma_start3A_58 : memref<1x128xi32, #tpu.memory_space<vmem>> -> memref<128xi32, #tpu.memory_space<vmem>>
      %dma_start3A_60 = tpu.memref_slice %arg3[%add3A_24] : memref<16384xi32, #tpu.memory_space<hbm>> -> memref<128xi32, #tpu.memory_space<hbm>>
      tpu.enqueue_dma source(%dma_start3A_60 : memref<128xi32, #tpu.memory_space<hbm>>) target(%dma_start3A_59 : memref<128xi32, #tpu.memory_space<vmem>>) target_semaphore(%run_scoped3A_53 : memref<!tpu.dma_semaphore, #tpu.memory_space<semaphore_mem>>)
      %dma_wait3A = arith.constant 0 : i32
      %dma_wait3A_61 = tpu.memref_slice %arg8[%run_scoped3A_25, %dma_wait3A] : memref<4x128xi32, #tpu.memory_space<vmem>> -> memref<1x128xi32, #tpu.memory_space<vmem>>
      %dma_wait3A_62 = tpu.memref_squeeze %dma_wait3A_61 : memref<1x128xi32, #tpu.memory_space<vmem>> -> memref<128xi32, #tpu.memory_space<vmem>>
      %dma_wait3A_63 = tpu.memref_slice %arg3[%add3A_24] : memref<16384xi32, #tpu.memory_space<hbm>> -> memref<128xi32, #tpu.memory_space<hbm>>
      %dma_wait3A_64 = arith.constant 0 : i32
      %dma_wait3A_65 = tpu.memref_slice %arg8[%run_scoped3A_25, %dma_wait3A_64] : memref<4x128xi32, #tpu.memory_space<vmem>> -> memref<1x128xi32, #tpu.memory_space<vmem>>
      %dma_wait3A_66 = tpu.memref_squeeze %dma_wait3A_65 : memref<1x128xi32, #tpu.memory_space<vmem>> -> memref<128xi32, #tpu.memory_space<vmem>>
      %dma_wait3A_67 = tpu.memref_slice %arg3[%add3A_24] : memref<16384xi32, #tpu.memory_space<hbm>> -> memref<128xi32, #tpu.memory_space<hbm>>
      tpu.wait_dma2 semaphore(%run_scoped3A_53 : memref<!tpu.dma_semaphore, #tpu.memory_space<semaphore_mem>>) src(%dma_wait3A_67 : memref<128xi32, #tpu.memory_space<hbm>>) dst(%dma_wait3A_66 : memref<128xi32, #tpu.memory_space<vmem>>)
      tpu.yield
    }) : () -> ()
    %scan3A = arith.constant 0 : i32
    %scan3A_26 = arith.constant 0 : i32
    %scan3A_27 = arith.constant 32 : i32
    %scan3A_28 = arith.addi %scan3A_26, %scan3A_27 : i32
    %scan3A_29 = arith.constant 1 : i32
    %scan3A_30 = scf.for %scan3A_53 = %scan3A_26 to %scan3A_28 step %scan3A_29 iter_args(%scan3A_54 = %scan3A) -> (i32)  : i32 {
      %get3A = arith.constant 0 : i32
      %get3A_55 = arith.index_cast %get3A : i32 to index
      %get3A_56 = arith.constant 0 : index
      %get3A_57 = tpu.vector_load %arg7[%get3A_55, %get3A_56] {strides = array<i32>} : memref<4x128xi32, #tpu.memory_space<vmem>>, vector<16xi32>,
      %shift_right_arithmetic3A = arith.constant 7 : i32
      %shift_right_arithmetic3A_58 = vector.broadcast %shift_right_arithmetic3A : i32 to vector<16xi32>
      %shift_right_arithmetic3A_59 = arith.shrsi %get3A_57, %shift_right_arithmetic3A_58 : vector<16xi32>
      %mul3A_60 = arith.constant 4096 : i32
      %mul3A_61 = vector.broadcast %mul3A_60 : i32 to vector<16xi32>
      %mul3A_62 = arith.muli %shift_right_arithmetic3A_59, %mul3A_61 : vector<16xi32>
      %mul3A_63 = arith.constant 128 : i32
      %mul3A_64 = arith.muli %scan3A_53, %mul3A_63 : i32
      %add3A_65 = vector.broadcast %mul3A_64 : i32 to vector<16xi32>
      %add3A_66 = arith.addi %mul3A_62, %add3A_65 : vector<16xi32>
      %and3A = arith.constant 127 : i32
      %and3A_67 = vector.broadcast %and3A : i32 to vector<16xi32>
      %and3A_68 = arith.andi %get3A_57, %and3A_67 : vector<16xi32>
      %add3A_69 = arith.addi %add3A_66, %and3A_68 : vector<16xi32>
      %swap3A = arith.constant 0 : i32
      %swap3A_70 = arith.index_cast %scan3A_53 : i32 to index
      %swap3A_71 = arith.index_cast %swap3A : i32 to index
      %swap3A_72 = arith.constant 0 : index
      %swap3A_73 = tpu.vector_load %arg9[%swap3A_70, %swap3A_71, %swap3A_72] {strides = array<i32>} : memref<32x4x128xi32, #tpu.memory_space<vmem>>, vector<16xi32>,
      tpu.vector_store %arg9[%swap3A_70, %swap3A_71, %swap3A_72], %add3A_69 {strides = array<i32>} : memref<32x4x128xi32, #tpu.memory_space<vmem>>, vector<16xi32>,
      %get3A_74 = arith.constant 0 : i32
      %get3A_75 = arith.index_cast %get3A_74 : i32 to index
      %get3A_76 = arith.constant 0 : index
      %get3A_77 = tpu.vector_load %arg8[%get3A_75, %get3A_76] {strides = array<i32>} : memref<4x128xi32, #tpu.memory_space<vmem>>, vector<16xi32>,
      %shift_right_arithmetic3A_78 = arith.constant 7 : i32
      %shift_right_arithmetic3A_79 = vector.broadcast %shift_right_arithmetic3A_78 : i32 to vector<16xi32>
      %shift_right_arithmetic3A_80 = arith.shrsi %get3A_77, %shift_right_arithmetic3A_79 : vector<16xi32>
      %mul3A_81 = arith.constant 4096 : i32
      %mul3A_82 = vector.broadcast %mul3A_81 : i32 to vector<16xi32>
      %mul3A_83 = arith.muli %shift_right_arithmetic3A_80, %mul3A_82 : vector<16xi32>
      %mul3A_84 = arith.constant 128 : i32
      %mul3A_85 = arith.muli %scan3A_53, %mul3A_84 : i32
      %add3A_86 = vector.broadcast %mul3A_85 : i32 to vector<16xi32>
      %add3A_87 = arith.addi %mul3A_83, %add3A_86 : vector<16xi32>
      %and3A_88 = arith.constant 127 : i32
      %and3A_89 = vector.broadcast %and3A_88 : i32 to vector<16xi32>
      %and3A_90 = arith.andi %get3A_77, %and3A_89 : vector<16xi32>
      %add3A_91 = arith.addi %add3A_87, %and3A_90 : vector<16xi32>
      %swap3A_92 = arith.constant 0 : i32
      %swap3A_93 = arith.index_cast %scan3A_53 : i32 to index
      %swap3A_94 = arith.index_cast %swap3A_92 : i32 to index
      %swap3A_95 = arith.constant 0 : index
      %swap3A_96 = tpu.vector_load %arg10[%swap3A_93, %swap3A_94, %swap3A_95] {strides = array<i32>} : memref<32x4x128xi32, #tpu.memory_space<vmem>>, vector<16xi32>,
      tpu.vector_store %arg10[%swap3A_93, %swap3A_94, %swap3A_95], %add3A_91 {strides = array<i32>} : memref<32x4x128xi32, #tpu.memory_space<vmem>>, vector<16xi32>,
      %get3A_97 = arith.constant 0 : i32
      %get3A_98 = arith.index_cast %get3A_97 : i32 to index
      %get3A_99 = arith.constant 16 : index
      %get3A_100 = tpu.vector_load %arg7[%get3A_98, %get3A_99] {strides = array<i32>} : memref<4x128xi32, #tpu.memory_space<vmem>>, vector<16xi32>,
      %shift_right_arithmetic3A_101 = arith.constant 7 : i32
      %shift_right_arithmetic3A_102 = vector.broadcast %shift_right_arithmetic3A_101 : i32 to vector<16xi32>
      %shift_right_arithmetic3A_103 = arith.shrsi %get3A_100, %shift_right_arithmetic3A_102 : vector<16xi32>
      %mul3A_104 = arith.constant 4096 : i32
      %mul3A_105 = vector.broadcast %mul3A_104 : i32 to vector<16xi32>
      %mul3A_106 = arith.muli %shift_right_arithmetic3A_103, %mul3A_105 : vector<16xi32>
      %mul3A_107 = arith.constant 128 : i32
      %mul3A_108 = arith.muli %scan3A_53, %mul3A_107 : i32
      %add3A_109 = vector.broadcast %mul3A_108 : i32 to vector<16xi32>
      %add3A_110 = arith.addi %mul3A_106, %add3A_109 : vector<16xi32>
      %and3A_111 = arith.constant 127 : i32
      %and3A_112 = vector.broadcast %and3A_111 : i32 to vector<16xi32>
      %and3A_113 = arith.andi %get3A_100, %and3A_112 : vector<16xi32>
      %add3A_114 = arith.addi %add3A_110, %and3A_113 : vector<16xi32>
      %swap3A_115 = arith.constant 0 : i32
      %swap3A_116 = arith.index_cast %scan3A_53 : i32 to index
      %swap3A_117 = arith.index_cast %swap3A_115 : i32 to index
      %swap3A_118 = arith.constant 16 : index
      %swap3A_119 = tpu.vector_load %arg9[%swap3A_116, %swap3A_117, %swap3A_118] {strides = array<i32>} : memref<32x4x128xi32, #tpu.memory_space<vmem>>, vector<16xi32>,
      tpu.vector_store %arg9[%swap3A_116, %swap3A_117, %swap3A_118], %add3A_114 {strides = array<i32>} : memref<32x4x128xi32, #tpu.memory_space<vmem>>, vector<16xi32>,
      %get3A_120 = arith.constant 0 : i32
      %get3A_121 = arith.index_cast %get3A_120 : i32 to index
      %get3A_122 = arith.constant 16 : index
      %get3A_123 = tpu.vector_load %arg8[%get3A_121, %get3A_122] {strides = array<i32>} : memref<4x128xi32, #tpu.memory_space<vmem>>, vector<16xi32>,
      %shift_right_arithmetic3A_124 = arith.constant 7 : i32
      %shift_right_arithmetic3A_125 = vector.broadcast %shift_right_arithmetic3A_124 : i32 to vector<16xi32>
      %shift_right_arithmetic3A_126 = arith.shrsi %get3A_123, %shift_right_arithmetic3A_125 : vector<16xi32>
      %mul3A_127 = arith.constant 4096 : i32
      %mul3A_128 = vector.broadcast %mul3A_127 : i32 to vector<16xi32>
      %mul3A_129 = arith.muli %shift_right_arithmetic3A_126, %mul3A_128 : vector<16xi32>
      %mul3A_130 = arith.constant 128 : i32
      %mul3A_131 = arith.muli %scan3A_53, %mul3A_130 : i32
      %add3A_132 = vector.broadcast %mul3A_131 : i32 to vector<16xi32>
      %add3A_133 = arith.addi %mul3A_129, %add3A_132 : vector<16xi32>
      %and3A_134 = arith.constant 127 : i32
      %and3A_135 = vector.broadcast %and3A_134 : i32 to vector<16xi32>
      %and3A_136 = arith.andi %get3A_123, %and3A_135 : vector<16xi32>
      %add3A_137 = arith.addi %add3A_133, %and3A_136 : vector<16xi32>
      %swap3A_138 = arith.constant 0 : i32
      %swap3A_139 = arith.index_cast %scan3A_53 : i32 to index
      %swap3A_140 = arith.index_cast %swap3A_138 : i32 to index
      %swap3A_141 = arith.constant 16 : index
      %swap3A_142 = tpu.vector_load %arg10[%swap3A_139, %swap3A_140, %swap3A_141] {strides = array<i32>} : memref<32x4x128xi32, #tpu.memory_space<vmem>>, vector<16xi32>,
      tpu.vector_store %arg10[%swap3A_139, %swap3A_140, %swap3A_141], %add3A_137 {strides = array<i32>} : memref<32x4x128xi32, #tpu.memory_space<vmem>>, vector<16xi32>,
      %get3A_143 = arith.constant 0 : i32
      %get3A_144 = arith.index_cast %get3A_143 : i32 to index
      %get3A_145 = arith.constant 32 : index
      %get3A_146 = tpu.vector_load %arg7[%get3A_144, %get3A_145] {strides = array<i32>} : memref<4x128xi32, #tpu.memory_space<vmem>>, vector<16xi32>,
      %shift_right_arithmetic3A_147 = arith.constant 7 : i32
      %shift_right_arithmetic3A_148 = vector.broadcast %shift_right_arithmetic3A_147 : i32 to vector<16xi32>
      %shift_right_arithmetic3A_149 = arith.shrsi %get3A_146, %shift_right_arithmetic3A_148 : vector<16xi32>
      %mul3A_150 = arith.constant 4096 : i32
      %mul3A_151 = vector.broadcast %mul3A_150 : i32 to vector<16xi32>
      %mul3A_152 = arith.muli %shift_right_arithmetic3A_149, %mul3A_151 : vector<16xi32>
      %mul3A_153 = arith.constant 128 : i32
      %mul3A_154 = arith.muli %scan3A_53, %mul3A_153 : i32
      %add3A_155 = vector.broadcast %mul3A_154 : i32 to vector<16xi32>
      %add3A_156 = arith.addi %mul3A_152, %add3A_155 : vector<16xi32>
      %and3A_157 = arith.constant 127 : i32
      %and3A_158 = vector.broadcast %and3A_157 : i32 to vector<16xi32>
      %and3A_159 = arith.andi %get3A_146, %and3A_158 : vector<16xi32>
      %add3A_160 = arith.addi %add3A_156, %and3A_159 : vector<16xi32>
      %swap3A_161 = arith.constant 0 : i32
      %swap3A_162 = arith.index_cast %scan3A_53 : i32 to index
      %swap3A_163 = arith.index_cast %swap3A_161 : i32 to index
      %swap3A_164 = arith.constant 32 : index
      %swap3A_165 = tpu.vector_load %arg9[%swap3A_162, %swap3A_163, %swap3A_164] {strides = array<i32>} : memref<32x4x128xi32, #tpu.memory_space<vmem>>, vector<16xi32>,
      tpu.vector_store %arg9[%swap3A_162, %swap3A_163, %swap3A_164], %add3A_160 {strides = array<i32>} : memref<32x4x128xi32, #tpu.memory_space<vmem>>, vector<16xi32>,
      %get3A_166 = arith.constant 0 : i32
      %get3A_167 = arith.index_cast %get3A_166 : i32 to index
      %get3A_168 = arith.constant 32 : index
      %get3A_169 = tpu.vector_load %arg8[%get3A_167, %get3A_168] {strides = array<i32>} : memref<4x128xi32, #tpu.memory_space<vmem>>, vector<16xi32>,
      %shift_right_arithmetic3A_170 = arith.constant 7 : i32
      %shift_right_arithmetic3A_171 = vector.broadcast %shift_right_arithmetic3A_170 : i32 to vector<16xi32>
      %shift_right_arithmetic3A_172 = arith.shrsi %get3A_169, %shift_right_arithmetic3A_171 : vector<16xi32>
      %mul3A_173 = arith.constant 4096 : i32
      %mul3A_174 = vector.broadcast %mul3A_173 : i32 to vector<16xi32>
      %mul3A_175 = arith.muli %shift_right_arithmetic3A_172, %mul3A_174 : vector<16xi32>
      %mul3A_176 = arith.constant 128 : i32
      %mul3A_177 = arith.muli %scan3A_53, %mul3A_176 : i32
      %add3A_178 = vector.broadcast %mul3A_177 : i32 to vector<16xi32>
      %add3A_179 = arith.addi %mul3A_175, %add3A_178 : vector<16xi32>
      %and3A_180 = arith.constant 127 : i32
      %and3A_181 = vector.broadcast %and3A_180 : i32 to vector<16xi32>
      %and3A_182 = arith.andi %get3A_169, %and3A_181 : vector<16xi32>
      %add3A_183 = arith.addi %add3A_179, %and3A_182 : vector<16xi32>
      %swap3A_184 = arith.constant 0 : i32
      %swap3A_185 = arith.index_cast %scan3A_53 : i32 to index
      %swap3A_186 = arith.index_cast %swap3A_184 : i32 to index
      %swap3A_187 = arith.constant 32 : index
      %swap3A_188 = tpu.vector_load %arg10[%swap3A_185, %swap3A_186, %swap3A_187] {strides = array<i32>} : memref<32x4x128xi32, #tpu.memory_space<vmem>>, vector<16xi32>,
      tpu.vector_store %arg10[%swap3A_185, %swap3A_186, %swap3A_187], %add3A_183 {strides = array<i32>} : memref<32x4x128xi32, #tpu.memory_space<vmem>>, vector<16xi32>,
      %get3A_189 = arith.constant 0 : i32
      %get3A_190 = arith.index_cast %get3A_189 : i32 to index
      %get3A_191 = arith.constant 48 : index
      %get3A_192 = tpu.vector_load %arg7[%get3A_190, %get3A_191] {strides = array<i32>} : memref<4x128xi32, #tpu.memory_space<vmem>>, vector<16xi32>,
      %shift_right_arithmetic3A_193 = arith.constant 7 : i32
      %shift_right_arithmetic3A_194 = vector.broadcast %shift_right_arithmetic3A_193 : i32 to vector<16xi32>
      %shift_right_arithmetic3A_195 = arith.shrsi %get3A_192, %shift_right_arithmetic3A_194 : vector<16xi32>
      %mul3A_196 = arith.constant 4096 : i32
      %mul3A_197 = vector.broadcast %mul3A_196 : i32 to vector<16xi32>
      %mul3A_198 = arith.muli %shift_right_arithmetic3A_195, %mul3A_197 : vector<16xi32>
      %mul3A_199 = arith.constant 128 : i32
      %mul3A_200 = arith.muli %scan3A_53, %mul3A_199 : i32
      %add3A_201 = vector.broadcast %mul3A_200 : i32 to vector<16xi32>
      %add3A_202 = arith.addi %mul3A_198, %add3A_201 : vector<16xi32>
      %and3A_203 = arith.constant 127 : i32
      %and3A_204 = vector.broadcast %and3A_203 : i32 to vector<16xi32>
      %and3A_205 = arith.andi %get3A_192, %and3A_204 : vector<16xi32>
      %add3A_206 = arith.addi %add3A_202, %and3A_205 : vector<16xi32>
      %swap3A_207 = arith.constant 0 : i32
      %swap3A_208 = arith.index_cast %scan3A_53 : i32 to index
      %swap3A_209 = arith.index_cast %swap3A_207 : i32 to index
      %swap3A_210 = arith.constant 48 : index
      %swap3A_211 = tpu.vector_load %arg9[%swap3A_208, %swap3A_209, %swap3A_210] {strides = array<i32>} : memref<32x4x128xi32, #tpu.memory_space<vmem>>, vector<16xi32>,
      tpu.vector_store %arg9[%swap3A_208, %swap3A_209, %swap3A_210], %add3A_206 {strides = array<i32>} : memref<32x4x128xi32, #tpu.memory_space<vmem>>, vector<16xi32>,
      %get3A_212 = arith.constant 0 : i32
      %get3A_213 = arith.index_cast %get3A_212 : i32 to index
      %get3A_214 = arith.constant 48 : index
      %get3A_215 = tpu.vector_load %arg8[%get3A_213, %get3A_214] {strides = array<i32>} : memref<4x128xi32, #tpu.memory_space<vmem>>, vector<16xi32>,
      %shift_right_arithmetic3A_216 = arith.constant 7 : i32
      %shift_right_arithmetic3A_217 = vector.broadcast %shift_right_arithmetic3A_216 : i32 to vector<16xi32>
      %shift_right_arithmetic3A_218 = arith.shrsi %get3A_215, %shift_right_arithmetic3A_217 : vector<16xi32>
      %mul3A_219 = arith.constant 4096 : i32
      %mul3A_220 = vector.broadcast %mul3A_219 : i32 to vector<16xi32>
      %mul3A_221 = arith.muli %shift_right_arithmetic3A_218, %mul3A_220 : vector<16xi32>
      %mul3A_222 = arith.constant 128 : i32
      %mul3A_223 = arith.muli %scan3A_53, %mul3A_222 : i32
      %add3A_224 = vector.broadcast %mul3A_223 : i32 to vector<16xi32>
      %add3A_225 = arith.addi %mul3A_221, %add3A_224 : vector<16xi32>
      %and3A_226 = arith.constant 127 : i32
      %and3A_227 = vector.broadcast %and3A_226 : i32 to vector<16xi32>
      %and3A_228 = arith.andi %get3A_215, %and3A_227 : vector<16xi32>
      %add3A_229 = arith.addi %add3A_225, %and3A_228 : vector<16xi32>
      %swap3A_230 = arith.constant 0 : i32
      %swap3A_231 = arith.index_cast %scan3A_53 : i32 to index
      %swap3A_232 = arith.index_cast %swap3A_230 : i32 to index
      %swap3A_233 = arith.constant 48 : index
      %swap3A_234 = tpu.vector_load %arg10[%swap3A_231, %swap3A_232, %swap3A_233] {strides = array<i32>} : memref<32x4x128xi32, #tpu.memory_space<vmem>>, vector<16xi32>,
      tpu.vector_store %arg10[%swap3A_231, %swap3A_232, %swap3A_233], %add3A_229 {strides = array<i32>} : memref<32x4x128xi32, #tpu.memory_space<vmem>>, vector<16xi32>,
      %get3A_235 = arith.constant 0 : i32
      %get3A_236 = arith.index_cast %get3A_235 : i32 to index
      %get3A_237 = arith.constant 64 : index
      %get3A_238 = tpu.vector_load %arg7[%get3A_236, %get3A_237] {strides = array<i32>} : memref<4x128xi32, #tpu.memory_space<vmem>>, vector<16xi32>,
      %shift_right_arithmetic3A_239 = arith.constant 7 : i32
      %shift_right_arithmetic3A_240 = vector.broadcast %shift_right_arithmetic3A_239 : i32 to vector<16xi32>
      %shift_right_arithmetic3A_241 = arith.shrsi %get3A_238, %shift_right_arithmetic3A_240 : vector<16xi32>
      %mul3A_242 = arith.constant 4096 : i32
      %mul3A_243 = vector.broadcast %mul3A_242 : i32 to vector<16xi32>
      %mul3A_244 = arith.muli %shift_right_arithmetic3A_241, %mul3A_243 : vector<16xi32>
      %mul3A_245 = arith.constant 128 : i32
      %mul3A_246 = arith.muli %scan3A_53, %mul3A_245 : i32
      %add3A_247 = vector.broadcast %mul3A_246 : i32 to vector<16xi32>
      %add3A_248 = arith.addi %mul3A_244, %add3A_247 : vector<16xi32>
      %and3A_249 = arith.constant 127 : i32
      %and3A_250 = vector.broadcast %and3A_249 : i32 to vector<16xi32>
      %and3A_251 = arith.andi %get3A_238, %and3A_250 : vector<16xi32>
      %add3A_252 = arith.addi %add3A_248, %and3A_251 : vector<16xi32>
      %swap3A_253 = arith.constant 0 : i32
      %swap3A_254 = arith.index_cast %scan3A_53 : i32 to index
      %swap3A_255 = arith.index_cast %swap3A_253 : i32 to index
      %swap3A_256 = arith.constant 64 : index
      %swap3A_257 = tpu.vector_load %arg9[%swap3A_254, %swap3A_255, %swap3A_256] {strides = array<i32>} : memref<32x4x128xi32, #tpu.memory_space<vmem>>, vector<16xi32>,
      tpu.vector_store %arg9[%swap3A_254, %swap3A_255, %swap3A_256], %add3A_252 {strides = array<i32>} : memref<32x4x128xi32, #tpu.memory_space<vmem>>, vector<16xi32>,
      %get3A_258 = arith.constant 0 : i32
      %get3A_259 = arith.index_cast %get3A_258 : i32 to index
      %get3A_260 = arith.constant 64 : index
      %get3A_261 = tpu.vector_load %arg8[%get3A_259, %get3A_260] {strides = array<i32>} : memref<4x128xi32, #tpu.memory_space<vmem>>, vector<16xi32>,
      %shift_right_arithmetic3A_262 = arith.constant 7 : i32
      %shift_right_arithmetic3A_263 = vector.broadcast %shift_right_arithmetic3A_262 : i32 to vector<16xi32>
      %shift_right_arithmetic3A_264 = arith.shrsi %get3A_261, %shift_right_arithmetic3A_263 : vector<16xi32>
      %mul3A_265 = arith.constant 4096 : i32
      %mul3A_266 = vector.broadcast %mul3A_265 : i32 to vector<16xi32>
      %mul3A_267 = arith.muli %shift_right_arithmetic3A_264, %mul3A_266 : vector<16xi32>
      %mul3A_268 = arith.constant 128 : i32
      %mul3A_269 = arith.muli %scan3A_53, %mul3A_268 : i32
      %add3A_270 = vector.broadcast %mul3A_269 : i32 to vector<16xi32>
      %add3A_271 = arith.addi %mul3A_267, %add3A_270 : vector<16xi32>
      %and3A_272 = arith.constant 127 : i32
      %and3A_273 = vector.broadcast %and3A_272 : i32 to vector<16xi32>
      %and3A_274 = arith.andi %get3A_261, %and3A_273 : vector<16xi32>
      %add3A_275 = arith.addi %add3A_271, %and3A_274 : vector<16xi32>
      %swap3A_276 = arith.constant 0 : i32
      %swap3A_277 = arith.index_cast %scan3A_53 : i32 to index
      %swap3A_278 = arith.index_cast %swap3A_276 : i32 to index
      %swap3A_279 = arith.constant 64 : index
      %swap3A_280 = tpu.vector_load %arg10[%swap3A_277, %swap3A_278, %swap3A_279] {strides = array<i32>} : memref<32x4x128xi32, #tpu.memory_space<vmem>>, vector<16xi32>,
      tpu.vector_store %arg10[%swap3A_277, %swap3A_278, %swap3A_279], %add3A_275 {strides = array<i32>} : memref<32x4x128xi32, #tpu.memory_space<vmem>>, vector<16xi32>,
      %get3A_281 = arith.constant 0 : i32
      %get3A_282 = arith.index_cast %get3A_281 : i32 to index
      %get3A_283 = arith.constant 80 : index
      %get3A_284 = tpu.vector_load %arg7[%get3A_282, %get3A_283] {strides = array<i32>} : memref<4x128xi32, #tpu.memory_space<vmem>>, vector<16xi32>,
      %shift_right_arithmetic3A_285 = arith.constant 7 : i32
      %shift_right_arithmetic3A_286 = vector.broadcast %shift_right_arithmetic3A_285 : i32 to vector<16xi32>
      %shift_right_arithmetic3A_287 = arith.shrsi %get3A_284, %shift_right_arithmetic3A_286 : vector<16xi32>
      %mul3A_288 = arith.constant 4096 : i32
      %mul3A_289 = vector.broadcast %mul3A_288 : i32 to vector<16xi32>
      %mul3A_290 = arith.muli %shift_right_arithmetic3A_287, %mul3A_289 : vector<16xi32>
      %mul3A_291 = arith.constant 128 : i32
      %mul3A_292 = arith.muli %scan3A_53, %mul3A_291 : i32
      %add3A_293 = vector.broadcast %mul3A_292 : i32 to vector<16xi32>
      %add3A_294 = arith.addi %mul3A_290, %add3A_293 : vector<16xi32>
      %and3A_295 = arith.constant 127 : i32
      %and3A_296 = vector.broadcast %and3A_295 : i32 to vector<16xi32>
      %and3A_297 = arith.andi %get3A_284, %and3A_296 : vector<16xi32>
      %add3A_298 = arith.addi %add3A_294, %and3A_297 : vector<16xi32>
      %swap3A_299 = arith.constant 0 : i32
      %swap3A_300 = arith.index_cast %scan3A_53 : i32 to index
      %swap3A_301 = arith.index_cast %swap3A_299 : i32 to index
      %swap3A_302 = arith.constant 80 : index
      %swap3A_303 = tpu.vector_load %arg9[%swap3A_300, %swap3A_301, %swap3A_302] {strides = array<i32>} : memref<32x4x128xi32, #tpu.memory_space<vmem>>, vector<16xi32>,
      tpu.vector_store %arg9[%swap3A_300, %swap3A_301, %swap3A_302], %add3A_298 {strides = array<i32>} : memref<32x4x128xi32, #tpu.memory_space<vmem>>, vector<16xi32>,
      %get3A_304 = arith.constant 0 : i32
      %get3A_305 = arith.index_cast %get3A_304 : i32 to index
      %get3A_306 = arith.constant 80 : index
      %get3A_307 = tpu.vector_load %arg8[%get3A_305, %get3A_306] {strides = array<i32>} : memref<4x128xi32, #tpu.memory_space<vmem>>, vector<16xi32>,
      %shift_right_arithmetic3A_308 = arith.constant 7 : i32
      %shift_right_arithmetic3A_309 = vector.broadcast %shift_right_arithmetic3A_308 : i32 to vector<16xi32>
      %shift_right_arithmetic3A_310 = arith.shrsi %get3A_307, %shift_right_arithmetic3A_309 : vector<16xi32>
      %mul3A_311 = arith.constant 4096 : i32
      %mul3A_312 = vector.broadcast %mul3A_311 : i32 to vector<16xi32>
      %mul3A_313 = arith.muli %shift_right_arithmetic3A_310, %mul3A_312 : vector<16xi32>
      %mul3A_314 = arith.constant 128 : i32
      %mul3A_315 = arith.muli %scan3A_53, %mul3A_314 : i32
      %add3A_316 = vector.broadcast %mul3A_315 : i32 to vector<16xi32>
      %add3A_317 = arith.addi %mul3A_313, %add3A_316 : vector<16xi32>
      %and3A_318 = arith.constant 127 : i32
      %and3A_319 = vector.broadcast %and3A_318 : i32 to vector<16xi32>
      %and3A_320 = arith.andi %get3A_307, %and3A_319 : vector<16xi32>
      %add3A_321 = arith.addi %add3A_317, %and3A_320 : vector<16xi32>
      %swap3A_322 = arith.constant 0 : i32
      %swap3A_323 = arith.index_cast %scan3A_53 : i32 to index
      %swap3A_324 = arith.index_cast %swap3A_322 : i32 to index
      %swap3A_325 = arith.constant 80 : index
      %swap3A_326 = tpu.vector_load %arg10[%swap3A_323, %swap3A_324, %swap3A_325] {strides = array<i32>} : memref<32x4x128xi32, #tpu.memory_space<vmem>>, vector<16xi32>,
      tpu.vector_store %arg10[%swap3A_323, %swap3A_324, %swap3A_325], %add3A_321 {strides = array<i32>} : memref<32x4x128xi32, #tpu.memory_space<vmem>>, vector<16xi32>,
      %get3A_327 = arith.constant 0 : i32
      %get3A_328 = arith.index_cast %get3A_327 : i32 to index
      %get3A_329 = arith.constant 96 : index
      %get3A_330 = tpu.vector_load %arg7[%get3A_328, %get3A_329] {strides = array<i32>} : memref<4x128xi32, #tpu.memory_space<vmem>>, vector<16xi32>,
      %shift_right_arithmetic3A_331 = arith.constant 7 : i32
      %shift_right_arithmetic3A_332 = vector.broadcast %shift_right_arithmetic3A_331 : i32 to vector<16xi32>
      %shift_right_arithmetic3A_333 = arith.shrsi %get3A_330, %shift_right_arithmetic3A_332 : vector<16xi32>
      %mul3A_334 = arith.constant 4096 : i32
      %mul3A_335 = vector.broadcast %mul3A_334 : i32 to vector<16xi32>
      %mul3A_336 = arith.muli %shift_right_arithmetic3A_333, %mul3A_335 : vector<16xi32>
      %mul3A_337 = arith.constant 128 : i32
      %mul3A_338 = arith.muli %scan3A_53, %mul3A_337 : i32
      %add3A_339 = vector.broadcast %mul3A_338 : i32 to vector<16xi32>
      %add3A_340 = arith.addi %mul3A_336, %add3A_339 : vector<16xi32>
      %and3A_341 = arith.constant 127 : i32
      %and3A_342 = vector.broadcast %and3A_341 : i32 to vector<16xi32>
      %and3A_343 = arith.andi %get3A_330, %and3A_342 : vector<16xi32>
      %add3A_344 = arith.addi %add3A_340, %and3A_343 : vector<16xi32>
      %swap3A_345 = arith.constant 0 : i32
      %swap3A_346 = arith.index_cast %scan3A_53 : i32 to index
      %swap3A_347 = arith.index_cast %swap3A_345 : i32 to index
      %swap3A_348 = arith.constant 96 : index
      %swap3A_349 = tpu.vector_load %arg9[%swap3A_346, %swap3A_347, %swap3A_348] {strides = array<i32>} : memref<32x4x128xi32, #tpu.memory_space<vmem>>, vector<16xi32>,
      tpu.vector_store %arg9[%swap3A_346, %swap3A_347, %swap3A_348], %add3A_344 {strides = array<i32>} : memref<32x4x128xi32, #tpu.memory_space<vmem>>, vector<16xi32>,
      %get3A_350 = arith.constant 0 : i32
      %get3A_351 = arith.index_cast %get3A_350 : i32 to index
      %get3A_352 = arith.constant 96 : index
      %get3A_353 = tpu.vector_load %arg8[%get3A_351, %get3A_352] {strides = array<i32>} : memref<4x128xi32, #tpu.memory_space<vmem>>, vector<16xi32>,
      %shift_right_arithmetic3A_354 = arith.constant 7 : i32
      %shift_right_arithmetic3A_355 = vector.broadcast %shift_right_arithmetic3A_354 : i32 to vector<16xi32>
      %shift_right_arithmetic3A_356 = arith.shrsi %get3A_353, %shift_right_arithmetic3A_355 : vector<16xi32>
      %mul3A_357 = arith.constant 4096 : i32
      %mul3A_358 = vector.broadcast %mul3A_357 : i32 to vector<16xi32>
      %mul3A_359 = arith.muli %shift_right_arithmetic3A_356, %mul3A_358 : vector<16xi32>
      %mul3A_360 = arith.constant 128 : i32
      %mul3A_361 = arith.muli %scan3A_53, %mul3A_360 : i32
      %add3A_362 = vector.broadcast %mul3A_361 : i32 to vector<16xi32>
      %add3A_363 = arith.addi %mul3A_359, %add3A_362 : vector<16xi32>
      %and3A_364 = arith.constant 127 : i32
      %and3A_365 = vector.broadcast %and3A_364 : i32 to vector<16xi32>
      %and3A_366 = arith.andi %get3A_353, %and3A_365 : vector<16xi32>
      %add3A_367 = arith.addi %add3A_363, %and3A_366 : vector<16xi32>
      %swap3A_368 = arith.constant 0 : i32
      %swap3A_369 = arith.index_cast %scan3A_53 : i32 to index
      %swap3A_370 = arith.index_cast %swap3A_368 : i32 to index
      %swap3A_371 = arith.constant 96 : index
      %swap3A_372 = tpu.vector_load %arg10[%swap3A_369, %swap3A_370, %swap3A_371] {strides = array<i32>} : memref<32x4x128xi32, #tpu.memory_space<vmem>>, vector<16xi32>,
      tpu.vector_store %arg10[%swap3A_369, %swap3A_370, %swap3A_371], %add3A_367 {strides = array<i32>} : memref<32x4x128xi32, #tpu.memory_space<vmem>>, vector<16xi32>,
      %get3A_373 = arith.constant 0 : i32
      %get3A_374 = arith.index_cast %get3A_373 : i32 to index
      %get3A_375 = arith.constant 112 : index
      %get3A_376 = tpu.vector_load %arg7[%get3A_374, %get3A_375] {strides = array<i32>} : memref<4x128xi32, #tpu.memory_space<vmem>>, vector<16xi32>,
      %shift_right_arithmetic3A_377 = arith.constant 7 : i32
      %shift_right_arithmetic3A_378 = vector.broadcast %shift_right_arithmetic3A_377 : i32 to vector<16xi32>
      %shift_right_arithmetic3A_379 = arith.shrsi %get3A_376, %shift_right_arithmetic3A_378 : vector<16xi32>
      %mul3A_380 = arith.constant 4096 : i32
      %mul3A_381 = vector.broadcast %mul3A_380 : i32 to vector<16xi32>
      %mul3A_382 = arith.muli %shift_right_arithmetic3A_379, %mul3A_381 : vector<16xi32>
      %mul3A_383 = arith.constant 128 : i32
      %mul3A_384 = arith.muli %scan3A_53, %mul3A_383 : i32
      %add3A_385 = vector.broadcast %mul3A_384 : i32 to vector<16xi32>
      %add3A_386 = arith.addi %mul3A_382, %add3A_385 : vector<16xi32>
      %and3A_387 = arith.constant 127 : i32
      %and3A_388 = vector.broadcast %and3A_387 : i32 to vector<16xi32>
      %and3A_389 = arith.andi %get3A_376, %and3A_388 : vector<16xi32>
      %add3A_390 = arith.addi %add3A_386, %and3A_389 : vector<16xi32>
      %swap3A_391 = arith.constant 0 : i32
      %swap3A_392 = arith.index_cast %scan3A_53 : i32 to index
      %swap3A_393 = arith.index_cast %swap3A_391 : i32 to index
      %swap3A_394 = arith.constant 112 : index
      %swap3A_395 = tpu.vector_load %arg9[%swap3A_392, %swap3A_393, %swap3A_394] {strides = array<i32>} : memref<32x4x128xi32, #tpu.memory_space<vmem>>, vector<16xi32>,
      tpu.vector_store %arg9[%swap3A_392, %swap3A_393, %swap3A_394], %add3A_390 {strides = array<i32>} : memref<32x4x128xi32, #tpu.memory_space<vmem>>, vector<16xi32>,
      %get3A_396 = arith.constant 0 : i32
      %get3A_397 = arith.index_cast %get3A_396 : i32 to index
      %get3A_398 = arith.constant 112 : index
      %get3A_399 = tpu.vector_load %arg8[%get3A_397, %get3A_398] {strides = array<i32>} : memref<4x128xi32, #tpu.memory_space<vmem>>, vector<16xi32>,
      %shift_right_arithmetic3A_400 = arith.constant 7 : i32
      %shift_right_arithmetic3A_401 = vector.broadcast %shift_right_arithmetic3A_400 : i32 to vector<16xi32>
      %shift_right_arithmetic3A_402 = arith.shrsi %get3A_399, %shift_right_arithmetic3A_401 : vector<16xi32>
      %mul3A_403 = arith.constant 4096 : i32
      %mul3A_404 = vector.broadcast %mul3A_403 : i32 to vector<16xi32>
      %mul3A_405 = arith.muli %shift_right_arithmetic3A_402, %mul3A_404 : vector<16xi32>
      %mul3A_406 = arith.constant 128 : i32
      %mul3A_407 = arith.muli %scan3A_53, %mul3A_406 : i32
      %add3A_408 = vector.broadcast %mul3A_407 : i32 to vector<16xi32>
      %add3A_409 = arith.addi %mul3A_405, %add3A_408 : vector<16xi32>
      %and3A_410 = arith.constant 127 : i32
      %and3A_411 = vector.broadcast %and3A_410 : i32 to vector<16xi32>
      %and3A_412 = arith.andi %get3A_399, %and3A_411 : vector<16xi32>
      %add3A_413 = arith.addi %add3A_409, %and3A_412 : vector<16xi32>
      %swap3A_414 = arith.constant 0 : i32
      %swap3A_415 = arith.index_cast %scan3A_53 : i32 to index
      %swap3A_416 = arith.index_cast %swap3A_414 : i32 to index
      %swap3A_417 = arith.constant 112 : index
      %swap3A_418 = tpu.vector_load %arg10[%swap3A_415, %swap3A_416, %swap3A_417] {strides = array<i32>} : memref<32x4x128xi32, #tpu.memory_space<vmem>>, vector<16xi32>,
      tpu.vector_store %arg10[%swap3A_415, %swap3A_416, %swap3A_417], %add3A_413 {strides = array<i32>} : memref<32x4x128xi32, #tpu.memory_space<vmem>>, vector<16xi32>,
      %get3A_419 = arith.constant 1 : i32
      %get3A_420 = arith.index_cast %get3A_419 : i32 to index
      %get3A_421 = arith.constant 0 : index
      %get3A_422 = tpu.vector_load %arg7[%get3A_420, %get3A_421] {strides = array<i32>} : memref<4x128xi32, #tpu.memory_space<vmem>>, vector<16xi32>,
      %shift_right_arithmetic3A_423 = arith.constant 7 : i32
      %shift_right_arithmetic3A_424 = vector.broadcast %shift_right_arithmetic3A_423 : i32 to vector<16xi32>
      %shift_right_arithmetic3A_425 = arith.shrsi %get3A_422, %shift_right_arithmetic3A_424 : vector<16xi32>
      %mul3A_426 = arith.constant 4096 : i32
      %mul3A_427 = vector.broadcast %mul3A_426 : i32 to vector<16xi32>
      %mul3A_428 = arith.muli %shift_right_arithmetic3A_425, %mul3A_427 : vector<16xi32>
      %mul3A_429 = arith.constant 128 : i32
      %mul3A_430 = arith.muli %scan3A_53, %mul3A_429 : i32
      %add3A_431 = vector.broadcast %mul3A_430 : i32 to vector<16xi32>
      %add3A_432 = arith.addi %mul3A_428, %add3A_431 : vector<16xi32>
      %and3A_433 = arith.constant 127 : i32
      %and3A_434 = vector.broadcast %and3A_433 : i32 to vector<16xi32>
      %and3A_435 = arith.andi %get3A_422, %and3A_434 : vector<16xi32>
      %add3A_436 = arith.addi %add3A_432, %and3A_435 : vector<16xi32>
      %swap3A_437 = arith.constant 1 : i32
      %swap3A_438 = arith.index_cast %scan3A_53 : i32 to index
      %swap3A_439 = arith.index_cast %swap3A_437 : i32 to index
      %swap3A_440 = arith.constant 0 : index
      %swap3A_441 = tpu.vector_load %arg9[%swap3A_438, %swap3A_439, %swap3A_440] {strides = array<i32>} : memref<32x4x128xi32, #tpu.memory_space<vmem>>, vector<16xi32>,
      tpu.vector_store %arg9[%swap3A_438, %swap3A_439, %swap3A_440], %add3A_436 {strides = array<i32>} : memref<32x4x128xi32, #tpu.memory_space<vmem>>, vector<16xi32>,
      %get3A_442 = arith.constant 1 : i32
      %get3A_443 = arith.index_cast %get3A_442 : i32 to index
      %get3A_444 = arith.constant 0 : index
      %get3A_445 = tpu.vector_load %arg8[%get3A_443, %get3A_444] {strides = array<i32>} : memref<4x128xi32, #tpu.memory_space<vmem>>, vector<16xi32>,
      %shift_right_arithmetic3A_446 = arith.constant 7 : i32
      %shift_right_arithmetic3A_447 = vector.broadcast %shift_right_arithmetic3A_446 : i32 to vector<16xi32>
      %shift_right_arithmetic3A_448 = arith.shrsi %get3A_445, %shift_right_arithmetic3A_447 : vector<16xi32>
      %mul3A_449 = arith.constant 4096 : i32
      %mul3A_450 = vector.broadcast %mul3A_449 : i32 to vector<16xi32>
      %mul3A_451 = arith.muli %shift_right_arithmetic3A_448, %mul3A_450 : vector<16xi32>
      %mul3A_452 = arith.constant 128 : i32
      %mul3A_453 = arith.muli %scan3A_53, %mul3A_452 : i32
      %add3A_454 = vector.broadcast %mul3A_453 : i32 to vector<16xi32>
      %add3A_455 = arith.addi %mul3A_451, %add3A_454 : vector<16xi32>
      %and3A_456 = arith.constant 127 : i32
      %and3A_457 = vector.broadcast %and3A_456 : i32 to vector<16xi32>
      %and3A_458 = arith.andi %get3A_445, %and3A_457 : vector<16xi32>
      %add3A_459 = arith.addi %add3A_455, %and3A_458 : vector<16xi32>
      %swap3A_460 = arith.constant 1 : i32
      %swap3A_461 = arith.index_cast %scan3A_53 : i32 to index
      %swap3A_462 = arith.index_cast %swap3A_460 : i32 to index
      %swap3A_463 = arith.constant 0 : index
      %swap3A_464 = tpu.vector_load %arg10[%swap3A_461, %swap3A_462, %swap3A_463] {strides = array<i32>} : memref<32x4x128xi32, #tpu.memory_space<vmem>>, vector<16xi32>,
      tpu.vector_store %arg10[%swap3A_461, %swap3A_462, %swap3A_463], %add3A_459 {strides = array<i32>} : memref<32x4x128xi32, #tpu.memory_space<vmem>>, vector<16xi32>,
      %get3A_465 = arith.constant 1 : i32
      %get3A_466 = arith.index_cast %get3A_465 : i32 to index
      %get3A_467 = arith.constant 16 : index
      %get3A_468 = tpu.vector_load %arg7[%get3A_466, %get3A_467] {strides = array<i32>} : memref<4x128xi32, #tpu.memory_space<vmem>>, vector<16xi32>,
      %shift_right_arithmetic3A_469 = arith.constant 7 : i32
      %shift_right_arithmetic3A_470 = vector.broadcast %shift_right_arithmetic3A_469 : i32 to vector<16xi32>
      %shift_right_arithmetic3A_471 = arith.shrsi %get3A_468, %shift_right_arithmetic3A_470 : vector<16xi32>
      %mul3A_472 = arith.constant 4096 : i32
      %mul3A_473 = vector.broadcast %mul3A_472 : i32 to vector<16xi32>
      %mul3A_474 = arith.muli %shift_right_arithmetic3A_471, %mul3A_473 : vector<16xi32>
      %mul3A_475 = arith.constant 128 : i32
      %mul3A_476 = arith.muli %scan3A_53, %mul3A_475 : i32
      %add3A_477 = vector.broadcast %mul3A_476 : i32 to vector<16xi32>
      %add3A_478 = arith.addi %mul3A_474, %add3A_477 : vector<16xi32>
      %and3A_479 = arith.constant 127 : i32
      %and3A_480 = vector.broadcast %and3A_479 : i32 to vector<16xi32>
      %and3A_481 = arith.andi %get3A_468, %and3A_480 : vector<16xi32>
      %add3A_482 = arith.addi %add3A_478, %and3A_481 : vector<16xi32>
      %swap3A_483 = arith.constant 1 : i32
      %swap3A_484 = arith.index_cast %scan3A_53 : i32 to index
      %swap3A_485 = arith.index_cast %swap3A_483 : i32 to index
      %swap3A_486 = arith.constant 16 : index
      %swap3A_487 = tpu.vector_load %arg9[%swap3A_484, %swap3A_485, %swap3A_486] {strides = array<i32>} : memref<32x4x128xi32, #tpu.memory_space<vmem>>, vector<16xi32>,
      tpu.vector_store %arg9[%swap3A_484, %swap3A_485, %swap3A_486], %add3A_482 {strides = array<i32>} : memref<32x4x128xi32, #tpu.memory_space<vmem>>, vector<16xi32>,
      %get3A_488 = arith.constant 1 : i32
      %get3A_489 = arith.index_cast %get3A_488 : i32 to index
      %get3A_490 = arith.constant 16 : index
      %get3A_491 = tpu.vector_load %arg8[%get3A_489, %get3A_490] {strides = array<i32>} : memref<4x128xi32, #tpu.memory_space<vmem>>, vector<16xi32>,
      %shift_right_arithmetic3A_492 = arith.constant 7 : i32
      %shift_right_arithmetic3A_493 = vector.broadcast %shift_right_arithmetic3A_492 : i32 to vector<16xi32>
      %shift_right_arithmetic3A_494 = arith.shrsi %get3A_491, %shift_right_arithmetic3A_493 : vector<16xi32>
      %mul3A_495 = arith.constant 4096 : i32
      %mul3A_496 = vector.broadcast %mul3A_495 : i32 to vector<16xi32>
      %mul3A_497 = arith.muli %shift_right_arithmetic3A_494, %mul3A_496 : vector<16xi32>
      %mul3A_498 = arith.constant 128 : i32
      %mul3A_499 = arith.muli %scan3A_53, %mul3A_498 : i32
      %add3A_500 = vector.broadcast %mul3A_499 : i32 to vector<16xi32>
      %add3A_501 = arith.addi %mul3A_497, %add3A_500 : vector<16xi32>
      %and3A_502 = arith.constant 127 : i32
      %and3A_503 = vector.broadcast %and3A_502 : i32 to vector<16xi32>
      %and3A_504 = arith.andi %get3A_491, %and3A_503 : vector<16xi32>
      %add3A_505 = arith.addi %add3A_501, %and3A_504 : vector<16xi32>
      %swap3A_506 = arith.constant 1 : i32
      %swap3A_507 = arith.index_cast %scan3A_53 : i32 to index
      %swap3A_508 = arith.index_cast %swap3A_506 : i32 to index
      %swap3A_509 = arith.constant 16 : index
      %swap3A_510 = tpu.vector_load %arg10[%swap3A_507, %swap3A_508, %swap3A_509] {strides = array<i32>} : memref<32x4x128xi32, #tpu.memory_space<vmem>>, vector<16xi32>,
      tpu.vector_store %arg10[%swap3A_507, %swap3A_508, %swap3A_509], %add3A_505 {strides = array<i32>} : memref<32x4x128xi32, #tpu.memory_space<vmem>>, vector<16xi32>,
      %get3A_511 = arith.constant 1 : i32
      %get3A_512 = arith.index_cast %get3A_511 : i32 to index
      %get3A_513 = arith.constant 32 : index
      %get3A_514 = tpu.vector_load %arg7[%get3A_512, %get3A_513] {strides = array<i32>} : memref<4x128xi32, #tpu.memory_space<vmem>>, vector<16xi32>,
      %shift_right_arithmetic3A_515 = arith.constant 7 : i32
      %shift_right_arithmetic3A_516 = vector.broadcast %shift_right_arithmetic3A_515 : i32 to vector<16xi32>
      %shift_right_arithmetic3A_517 = arith.shrsi %get3A_514, %shift_right_arithmetic3A_516 : vector<16xi32>
      %mul3A_518 = arith.constant 4096 : i32
      %mul3A_519 = vector.broadcast %mul3A_518 : i32 to vector<16xi32>
      %mul3A_520 = arith.muli %shift_right_arithmetic3A_517, %mul3A_519 : vector<16xi32>
      %mul3A_521 = arith.constant 128 : i32
      %mul3A_522 = arith.muli %scan3A_53, %mul3A_521 : i32
      %add3A_523 = vector.broadcast %mul3A_522 : i32 to vector<16xi32>
      %add3A_524 = arith.addi %mul3A_520, %add3A_523 : vector<16xi32>
      %and3A_525 = arith.constant 127 : i32
      %and3A_526 = vector.broadcast %and3A_525 : i32 to vector<16xi32>
      %and3A_527 = arith.andi %get3A_514, %and3A_526 : vector<16xi32>
      %add3A_528 = arith.addi %add3A_524, %and3A_527 : vector<16xi32>
      %swap3A_529 = arith.constant 1 : i32
      %swap3A_530 = arith.index_cast %scan3A_53 : i32 to index
      %swap3A_531 = arith.index_cast %swap3A_529 : i32 to index
      %swap3A_532 = arith.constant 32 : index
      %swap3A_533 = tpu.vector_load %arg9[%swap3A_530, %swap3A_531, %swap3A_532] {strides = array<i32>} : memref<32x4x128xi32, #tpu.memory_space<vmem>>, vector<16xi32>,
      tpu.vector_store %arg9[%swap3A_530, %swap3A_531, %swap3A_532], %add3A_528 {strides = array<i32>} : memref<32x4x128xi32, #tpu.memory_space<vmem>>, vector<16xi32>,
      %get3A_534 = arith.constant 1 : i32
      %get3A_535 = arith.index_cast %get3A_534 : i32 to index
      %get3A_536 = arith.constant 32 : index
      %get3A_537 = tpu.vector_load %arg8[%get3A_535, %get3A_536] {strides = array<i32>} : memref<4x128xi32, #tpu.memory_space<vmem>>, vector<16xi32>,
      %shift_right_arithmetic3A_538 = arith.constant 7 : i32
      %shift_right_arithmetic3A_539 = vector.broadcast %shift_right_arithmetic3A_538 : i32 to vector<16xi32>
      %shift_right_arithmetic3A_540 = arith.shrsi %get3A_537, %shift_right_arithmetic3A_539 : vector<16xi32>
      %mul3A_541 = arith.constant 4096 : i32
      %mul3A_542 = vector.broadcast %mul3A_541 : i32 to vector<16xi32>
      %mul3A_543 = arith.muli %shift_right_arithmetic3A_540, %mul3A_542 : vector<16xi32>
      %mul3A_544 = arith.constant 128 : i32
      %mul3A_545 = arith.muli %scan3A_53, %mul3A_544 : i32
      %add3A_546 = vector.broadcast %mul3A_545 : i32 to vector<16xi32>
      %add3A_547 = arith.addi %mul3A_543, %add3A_546 : vector<16xi32>
      %and3A_548 = arith.constant 127 : i32
      %and3A_549 = vector.broadcast %and3A_548 : i32 to vector<16xi32>
      %and3A_550 = arith.andi %get3A_537, %and3A_549 : vector<16xi32>
      %add3A_551 = arith.addi %add3A_547, %and3A_550 : vector<16xi32>
      %swap3A_552 = arith.constant 1 : i32
      %swap3A_553 = arith.index_cast %scan3A_53 : i32 to index
      %swap3A_554 = arith.index_cast %swap3A_552 : i32 to index
      %swap3A_555 = arith.constant 32 : index
      %swap3A_556 = tpu.vector_load %arg10[%swap3A_553, %swap3A_554, %swap3A_555] {strides = array<i32>} : memref<32x4x128xi32, #tpu.memory_space<vmem>>, vector<16xi32>,
      tpu.vector_store %arg10[%swap3A_553, %swap3A_554, %swap3A_555], %add3A_551 {strides = array<i32>} : memref<32x4x128xi32, #tpu.memory_space<vmem>>, vector<16xi32>,
      %get3A_557 = arith.constant 1 : i32
      %get3A_558 = arith.index_cast %get3A_557 : i32 to index
      %get3A_559 = arith.constant 48 : index
      %get3A_560 = tpu.vector_load %arg7[%get3A_558, %get3A_559] {strides = array<i32>} : memref<4x128xi32, #tpu.memory_space<vmem>>, vector<16xi32>,
      %shift_right_arithmetic3A_561 = arith.constant 7 : i32
      %shift_right_arithmetic3A_562 = vector.broadcast %shift_right_arithmetic3A_561 : i32 to vector<16xi32>
      %shift_right_arithmetic3A_563 = arith.shrsi %get3A_560, %shift_right_arithmetic3A_562 : vector<16xi32>
      %mul3A_564 = arith.constant 4096 : i32
      %mul3A_565 = vector.broadcast %mul3A_564 : i32 to vector<16xi32>
      %mul3A_566 = arith.muli %shift_right_arithmetic3A_563, %mul3A_565 : vector<16xi32>
      %mul3A_567 = arith.constant 128 : i32
      %mul3A_568 = arith.muli %scan3A_53, %mul3A_567 : i32
      %add3A_569 = vector.broadcast %mul3A_568 : i32 to vector<16xi32>
      %add3A_570 = arith.addi %mul3A_566, %add3A_569 : vector<16xi32>
      %and3A_571 = arith.constant 127 : i32
      %and3A_572 = vector.broadcast %and3A_571 : i32 to vector<16xi32>
      %and3A_573 = arith.andi %get3A_560, %and3A_572 : vector<16xi32>
      %add3A_574 = arith.addi %add3A_570, %and3A_573 : vector<16xi32>
      %swap3A_575 = arith.constant 1 : i32
      %swap3A_576 = arith.index_cast %scan3A_53 : i32 to index
      %swap3A_577 = arith.index_cast %swap3A_575 : i32 to index
      %swap3A_578 = arith.constant 48 : index
      %swap3A_579 = tpu.vector_load %arg9[%swap3A_576, %swap3A_577, %swap3A_578] {strides = array<i32>} : memref<32x4x128xi32, #tpu.memory_space<vmem>>, vector<16xi32>,
      tpu.vector_store %arg9[%swap3A_576, %swap3A_577, %swap3A_578], %add3A_574 {strides = array<i32>} : memref<32x4x128xi32, #tpu.memory_space<vmem>>, vector<16xi32>,
      %get3A_580 = arith.constant 1 : i32
      %get3A_581 = arith.index_cast %get3A_580 : i32 to index
      %get3A_582 = arith.constant 48 : index
      %get3A_583 = tpu.vector_load %arg8[%get3A_581, %get3A_582] {strides = array<i32>} : memref<4x128xi32, #tpu.memory_space<vmem>>, vector<16xi32>,
      %shift_right_arithmetic3A_584 = arith.constant 7 : i32
      %shift_right_arithmetic3A_585 = vector.broadcast %shift_right_arithmetic3A_584 : i32 to vector<16xi32>
      %shift_right_arithmetic3A_586 = arith.shrsi %get3A_583, %shift_right_arithmetic3A_585 : vector<16xi32>
      %mul3A_587 = arith.constant 4096 : i32
      %mul3A_588 = vector.broadcast %mul3A_587 : i32 to vector<16xi32>
      %mul3A_589 = arith.muli %shift_right_arithmetic3A_586, %mul3A_588 : vector<16xi32>
      %mul3A_590 = arith.constant 128 : i32
      %mul3A_591 = arith.muli %scan3A_53, %mul3A_590 : i32
      %add3A_592 = vector.broadcast %mul3A_591 : i32 to vector<16xi32>
      %add3A_593 = arith.addi %mul3A_589, %add3A_592 : vector<16xi32>
      %and3A_594 = arith.constant 127 : i32
      %and3A_595 = vector.broadcast %and3A_594 : i32 to vector<16xi32>
      %and3A_596 = arith.andi %get3A_583, %and3A_595 : vector<16xi32>
      %add3A_597 = arith.addi %add3A_593, %and3A_596 : vector<16xi32>
      %swap3A_598 = arith.constant 1 : i32
      %swap3A_599 = arith.index_cast %scan3A_53 : i32 to index
      %swap3A_600 = arith.index_cast %swap3A_598 : i32 to index
      %swap3A_601 = arith.constant 48 : index
      %swap3A_602 = tpu.vector_load %arg10[%swap3A_599, %swap3A_600, %swap3A_601] {strides = array<i32>} : memref<32x4x128xi32, #tpu.memory_space<vmem>>, vector<16xi32>,
      tpu.vector_store %arg10[%swap3A_599, %swap3A_600, %swap3A_601], %add3A_597 {strides = array<i32>} : memref<32x4x128xi32, #tpu.memory_space<vmem>>, vector<16xi32>,
      %get3A_603 = arith.constant 1 : i32
      %get3A_604 = arith.index_cast %get3A_603 : i32 to index
      %get3A_605 = arith.constant 64 : index
      %get3A_606 = tpu.vector_load %arg7[%get3A_604, %get3A_605] {strides = array<i32>} : memref<4x128xi32, #tpu.memory_space<vmem>>, vector<16xi32>,
      %shift_right_arithmetic3A_607 = arith.constant 7 : i32
      %shift_right_arithmetic3A_608 = vector.broadcast %shift_right_arithmetic3A_607 : i32 to vector<16xi32>
      %shift_right_arithmetic3A_609 = arith.shrsi %get3A_606, %shift_right_arithmetic3A_608 : vector<16xi32>
      %mul3A_610 = arith.constant 4096 : i32
      %mul3A_611 = vector.broadcast %mul3A_610 : i32 to vector<16xi32>
      %mul3A_612 = arith.muli %shift_right_arithmetic3A_609, %mul3A_611 : vector<16xi32>
      %mul3A_613 = arith.constant 128 : i32
      %mul3A_614 = arith.muli %scan3A_53, %mul3A_613 : i32
      %add3A_615 = vector.broadcast %mul3A_614 : i32 to vector<16xi32>
      %add3A_616 = arith.addi %mul3A_612, %add3A_615 : vector<16xi32>
      %and3A_617 = arith.constant 127 : i32
      %and3A_618 = vector.broadcast %and3A_617 : i32 to vector<16xi32>
      %and3A_619 = arith.andi %get3A_606, %and3A_618 : vector<16xi32>
      %add3A_620 = arith.addi %add3A_616, %and3A_619 : vector<16xi32>
      %swap3A_621 = arith.constant 1 : i32
      %swap3A_622 = arith.index_cast %scan3A_53 : i32 to index
      %swap3A_623 = arith.index_cast %swap3A_621 : i32 to index
      %swap3A_624 = arith.constant 64 : index
      %swap3A_625 = tpu.vector_load %arg9[%swap3A_622, %swap3A_623, %swap3A_624] {strides = array<i32>} : memref<32x4x128xi32, #tpu.memory_space<vmem>>, vector<16xi32>,
      tpu.vector_store %arg9[%swap3A_622, %swap3A_623, %swap3A_624], %add3A_620 {strides = array<i32>} : memref<32x4x128xi32, #tpu.memory_space<vmem>>, vector<16xi32>,
      %get3A_626 = arith.constant 1 : i32
      %get3A_627 = arith.index_cast %get3A_626 : i32 to index
      %get3A_628 = arith.constant 64 : index
      %get3A_629 = tpu.vector_load %arg8[%get3A_627, %get3A_628] {strides = array<i32>} : memref<4x128xi32, #tpu.memory_space<vmem>>, vector<16xi32>,
      %shift_right_arithmetic3A_630 = arith.constant 7 : i32
      %shift_right_arithmetic3A_631 = vector.broadcast %shift_right_arithmetic3A_630 : i32 to vector<16xi32>
      %shift_right_arithmetic3A_632 = arith.shrsi %get3A_629, %shift_right_arithmetic3A_631 : vector<16xi32>
      %mul3A_633 = arith.constant 4096 : i32
      %mul3A_634 = vector.broadcast %mul3A_633 : i32 to vector<16xi32>
      %mul3A_635 = arith.muli %shift_right_arithmetic3A_632, %mul3A_634 : vector<16xi32>
      %mul3A_636 = arith.constant 128 : i32
      %mul3A_637 = arith.muli %scan3A_53, %mul3A_636 : i32
      %add3A_638 = vector.broadcast %mul3A_637 : i32 to vector<16xi32>
      %add3A_639 = arith.addi %mul3A_635, %add3A_638 : vector<16xi32>
      %and3A_640 = arith.constant 127 : i32
      %and3A_641 = vector.broadcast %and3A_640 : i32 to vector<16xi32>
      %and3A_642 = arith.andi %get3A_629, %and3A_641 : vector<16xi32>
      %add3A_643 = arith.addi %add3A_639, %and3A_642 : vector<16xi32>
      %swap3A_644 = arith.constant 1 : i32
      %swap3A_645 = arith.index_cast %scan3A_53 : i32 to index
      %swap3A_646 = arith.index_cast %swap3A_644 : i32 to index
      %swap3A_647 = arith.constant 64 : index
      %swap3A_648 = tpu.vector_load %arg10[%swap3A_645, %swap3A_646, %swap3A_647] {strides = array<i32>} : memref<32x4x128xi32, #tpu.memory_space<vmem>>, vector<16xi32>,
      tpu.vector_store %arg10[%swap3A_645, %swap3A_646, %swap3A_647], %add3A_643 {strides = array<i32>} : memref<32x4x128xi32, #tpu.memory_space<vmem>>, vector<16xi32>,
      %get3A_649 = arith.constant 1 : i32
      %get3A_650 = arith.index_cast %get3A_649 : i32 to index
      %get3A_651 = arith.constant 80 : index
      %get3A_652 = tpu.vector_load %arg7[%get3A_650, %get3A_651] {strides = array<i32>} : memref<4x128xi32, #tpu.memory_space<vmem>>, vector<16xi32>,
      %shift_right_arithmetic3A_653 = arith.constant 7 : i32
      %shift_right_arithmetic3A_654 = vector.broadcast %shift_right_arithmetic3A_653 : i32 to vector<16xi32>
      %shift_right_arithmetic3A_655 = arith.shrsi %get3A_652, %shift_right_arithmetic3A_654 : vector<16xi32>
      %mul3A_656 = arith.constant 4096 : i32
      %mul3A_657 = vector.broadcast %mul3A_656 : i32 to vector<16xi32>
      %mul3A_658 = arith.muli %shift_right_arithmetic3A_655, %mul3A_657 : vector<16xi32>
      %mul3A_659 = arith.constant 128 : i32
      %mul3A_660 = arith.muli %scan3A_53, %mul3A_659 : i32
      %add3A_661 = vector.broadcast %mul3A_660 : i32 to vector<16xi32>
      %add3A_662 = arith.addi %mul3A_658, %add3A_661 : vector<16xi32>
      %and3A_663 = arith.constant 127 : i32
      %and3A_664 = vector.broadcast %and3A_663 : i32 to vector<16xi32>
      %and3A_665 = arith.andi %get3A_652, %and3A_664 : vector<16xi32>
      %add3A_666 = arith.addi %add3A_662, %and3A_665 : vector<16xi32>
      %swap3A_667 = arith.constant 1 : i32
      %swap3A_668 = arith.index_cast %scan3A_53 : i32 to index
      %swap3A_669 = arith.index_cast %swap3A_667 : i32 to index
      %swap3A_670 = arith.constant 80 : index
      %swap3A_671 = tpu.vector_load %arg9[%swap3A_668, %swap3A_669, %swap3A_670] {strides = array<i32>} : memref<32x4x128xi32, #tpu.memory_space<vmem>>, vector<16xi32>,
      tpu.vector_store %arg9[%swap3A_668, %swap3A_669, %swap3A_670], %add3A_666 {strides = array<i32>} : memref<32x4x128xi32, #tpu.memory_space<vmem>>, vector<16xi32>,
      %get3A_672 = arith.constant 1 : i32
      %get3A_673 = arith.index_cast %get3A_672 : i32 to index
      %get3A_674 = arith.constant 80 : index
      %get3A_675 = tpu.vector_load %arg8[%get3A_673, %get3A_674] {strides = array<i32>} : memref<4x128xi32, #tpu.memory_space<vmem>>, vector<16xi32>,
      %shift_right_arithmetic3A_676 = arith.constant 7 : i32
      %shift_right_arithmetic3A_677 = vector.broadcast %shift_right_arithmetic3A_676 : i32 to vector<16xi32>
      %shift_right_arithmetic3A_678 = arith.shrsi %get3A_675, %shift_right_arithmetic3A_677 : vector<16xi32>
      %mul3A_679 = arith.constant 4096 : i32
      %mul3A_680 = vector.broadcast %mul3A_679 : i32 to vector<16xi32>
      %mul3A_681 = arith.muli %shift_right_arithmetic3A_678, %mul3A_680 : vector<16xi32>
      %mul3A_682 = arith.constant 128 : i32
      %mul3A_683 = arith.muli %scan3A_53, %mul3A_682 : i32
      %add3A_684 = vector.broadcast %mul3A_683 : i32 to vector<16xi32>
      %add3A_685 = arith.addi %mul3A_681, %add3A_684 : vector<16xi32>
      %and3A_686 = arith.constant 127 : i32
      %and3A_687 = vector.broadcast %and3A_686 : i32 to vector<16xi32>
      %and3A_688 = arith.andi %get3A_675, %and3A_687 : vector<16xi32>
      %add3A_689 = arith.addi %add3A_685, %and3A_688 : vector<16xi32>
      %swap3A_690 = arith.constant 1 : i32
      %swap3A_691 = arith.index_cast %scan3A_53 : i32 to index
      %swap3A_692 = arith.index_cast %swap3A_690 : i32 to index
      %swap3A_693 = arith.constant 80 : index
      %swap3A_694 = tpu.vector_load %arg10[%swap3A_691, %swap3A_692, %swap3A_693] {strides = array<i32>} : memref<32x4x128xi32, #tpu.memory_space<vmem>>, vector<16xi32>,
      tpu.vector_store %arg10[%swap3A_691, %swap3A_692, %swap3A_693], %add3A_689 {strides = array<i32>} : memref<32x4x128xi32, #tpu.memory_space<vmem>>, vector<16xi32>,
      %get3A_695 = arith.constant 1 : i32
      %get3A_696 = arith.index_cast %get3A_695 : i32 to index
      %get3A_697 = arith.constant 96 : index
      %get3A_698 = tpu.vector_load %arg7[%get3A_696, %get3A_697] {strides = array<i32>} : memref<4x128xi32, #tpu.memory_space<vmem>>, vector<16xi32>,
      %shift_right_arithmetic3A_699 = arith.constant 7 : i32
      %shift_right_arithmetic3A_700 = vector.broadcast %shift_right_arithmetic3A_699 : i32 to vector<16xi32>
      %shift_right_arithmetic3A_701 = arith.shrsi %get3A_698, %shift_right_arithmetic3A_700 : vector<16xi32>
      %mul3A_702 = arith.constant 4096 : i32
      %mul3A_703 = vector.broadcast %mul3A_702 : i32 to vector<16xi32>
      %mul3A_704 = arith.muli %shift_right_arithmetic3A_701, %mul3A_703 : vector<16xi32>
      %mul3A_705 = arith.constant 128 : i32
      %mul3A_706 = arith.muli %scan3A_53, %mul3A_705 : i32
      %add3A_707 = vector.broadcast %mul3A_706 : i32 to vector<16xi32>
      %add3A_708 = arith.addi %mul3A_704, %add3A_707 : vector<16xi32>
      %and3A_709 = arith.constant 127 : i32
      %and3A_710 = vector.broadcast %and3A_709 : i32 to vector<16xi32>
      %and3A_711 = arith.andi %get3A_698, %and3A_710 : vector<16xi32>
      %add3A_712 = arith.addi %add3A_708, %and3A_711 : vector<16xi32>
      %swap3A_713 = arith.constant 1 : i32
      %swap3A_714 = arith.index_cast %scan3A_53 : i32 to index
      %swap3A_715 = arith.index_cast %swap3A_713 : i32 to index
      %swap3A_716 = arith.constant 96 : index
      %swap3A_717 = tpu.vector_load %arg9[%swap3A_714, %swap3A_715, %swap3A_716] {strides = array<i32>} : memref<32x4x128xi32, #tpu.memory_space<vmem>>, vector<16xi32>,
      tpu.vector_store %arg9[%swap3A_714, %swap3A_715, %swap3A_716], %add3A_712 {strides = array<i32>} : memref<32x4x128xi32, #tpu.memory_space<vmem>>, vector<16xi32>,
      %get3A_718 = arith.constant 1 : i32
      %get3A_719 = arith.index_cast %get3A_718 : i32 to index
      %get3A_720 = arith.constant 96 : index
      %get3A_721 = tpu.vector_load %arg8[%get3A_719, %get3A_720] {strides = array<i32>} : memref<4x128xi32, #tpu.memory_space<vmem>>, vector<16xi32>,
      %shift_right_arithmetic3A_722 = arith.constant 7 : i32
      %shift_right_arithmetic3A_723 = vector.broadcast %shift_right_arithmetic3A_722 : i32 to vector<16xi32>
      %shift_right_arithmetic3A_724 = arith.shrsi %get3A_721, %shift_right_arithmetic3A_723 : vector<16xi32>
      %mul3A_725 = arith.constant 4096 : i32
      %mul3A_726 = vector.broadcast %mul3A_725 : i32 to vector<16xi32>
      %mul3A_727 = arith.muli %shift_right_arithmetic3A_724, %mul3A_726 : vector<16xi32>
      %mul3A_728 = arith.constant 128 : i32
      %mul3A_729 = arith.muli %scan3A_53, %mul3A_728 : i32
      %add3A_730 = vector.broadcast %mul3A_729 : i32 to vector<16xi32>
      %add3A_731 = arith.addi %mul3A_727, %add3A_730 : vector<16xi32>
      %and3A_732 = arith.constant 127 : i32
      %and3A_733 = vector.broadcast %and3A_732 : i32 to vector<16xi32>
      %and3A_734 = arith.andi %get3A_721, %and3A_733 : vector<16xi32>
      %add3A_735 = arith.addi %add3A_731, %and3A_734 : vector<16xi32>
      %swap3A_736 = arith.constant 1 : i32
      %swap3A_737 = arith.index_cast %scan3A_53 : i32 to index
      %swap3A_738 = arith.index_cast %swap3A_736 : i32 to index
      %swap3A_739 = arith.constant 96 : index
      %swap3A_740 = tpu.vector_load %arg10[%swap3A_737, %swap3A_738, %swap3A_739] {strides = array<i32>} : memref<32x4x128xi32, #tpu.memory_space<vmem>>, vector<16xi32>,
      tpu.vector_store %arg10[%swap3A_737, %swap3A_738, %swap3A_739], %add3A_735 {strides = array<i32>} : memref<32x4x128xi32, #tpu.memory_space<vmem>>, vector<16xi32>,
      %get3A_741 = arith.constant 1 : i32
      %get3A_742 = arith.index_cast %get3A_741 : i32 to index
      %get3A_743 = arith.constant 112 : index
      %get3A_744 = tpu.vector_load %arg7[%get3A_742, %get3A_743] {strides = array<i32>} : memref<4x128xi32, #tpu.memory_space<vmem>>, vector<16xi32>,
      %shift_right_arithmetic3A_745 = arith.constant 7 : i32
      %shift_right_arithmetic3A_746 = vector.broadcast %shift_right_arithmetic3A_745 : i32 to vector<16xi32>
      %shift_right_arithmetic3A_747 = arith.shrsi %get3A_744, %shift_right_arithmetic3A_746 : vector<16xi32>
      %mul3A_748 = arith.constant 4096 : i32
      %mul3A_749 = vector.broadcast %mul3A_748 : i32 to vector<16xi32>
      %mul3A_750 = arith.muli %shift_right_arithmetic3A_747, %mul3A_749 : vector<16xi32>
      %mul3A_751 = arith.constant 128 : i32
      %mul3A_752 = arith.muli %scan3A_53, %mul3A_751 : i32
      %add3A_753 = vector.broadcast %mul3A_752 : i32 to vector<16xi32>
      %add3A_754 = arith.addi %mul3A_750, %add3A_753 : vector<16xi32>
      %and3A_755 = arith.constant 127 : i32
      %and3A_756 = vector.broadcast %and3A_755 : i32 to vector<16xi32>
      %and3A_757 = arith.andi %get3A_744, %and3A_756 : vector<16xi32>
      %add3A_758 = arith.addi %add3A_754, %and3A_757 : vector<16xi32>
      %swap3A_759 = arith.constant 1 : i32
      %swap3A_760 = arith.index_cast %scan3A_53 : i32 to index
      %swap3A_761 = arith.index_cast %swap3A_759 : i32 to index
      %swap3A_762 = arith.constant 112 : index
      %swap3A_763 = tpu.vector_load %arg9[%swap3A_760, %swap3A_761, %swap3A_762] {strides = array<i32>} : memref<32x4x128xi32, #tpu.memory_space<vmem>>, vector<16xi32>,
      tpu.vector_store %arg9[%swap3A_760, %swap3A_761, %swap3A_762], %add3A_758 {strides = array<i32>} : memref<32x4x128xi32, #tpu.memory_space<vmem>>, vector<16xi32>,
      %get3A_764 = arith.constant 1 : i32
      %get3A_765 = arith.index_cast %get3A_764 : i32 to index
      %get3A_766 = arith.constant 112 : index
      %get3A_767 = tpu.vector_load %arg8[%get3A_765, %get3A_766] {strides = array<i32>} : memref<4x128xi32, #tpu.memory_space<vmem>>, vector<16xi32>,
      %shift_right_arithmetic3A_768 = arith.constant 7 : i32
      %shift_right_arithmetic3A_769 = vector.broadcast %shift_right_arithmetic3A_768 : i32 to vector<16xi32>
      %shift_right_arithmetic3A_770 = arith.shrsi %get3A_767, %shift_right_arithmetic3A_769 : vector<16xi32>
      %mul3A_771 = arith.constant 4096 : i32
      %mul3A_772 = vector.broadcast %mul3A_771 : i32 to vector<16xi32>
      %mul3A_773 = arith.muli %shift_right_arithmetic3A_770, %mul3A_772 : vector<16xi32>
      %mul3A_774 = arith.constant 128 : i32
      %mul3A_775 = arith.muli %scan3A_53, %mul3A_774 : i32
      %add3A_776 = vector.broadcast %mul3A_775 : i32 to vector<16xi32>
      %add3A_777 = arith.addi %mul3A_773, %add3A_776 : vector<16xi32>
      %and3A_778 = arith.constant 127 : i32
      %and3A_779 = vector.broadcast %and3A_778 : i32 to vector<16xi32>
      %and3A_780 = arith.andi %get3A_767, %and3A_779 : vector<16xi32>
      %add3A_781 = arith.addi %add3A_777, %and3A_780 : vector<16xi32>
      %swap3A_782 = arith.constant 1 : i32
      %swap3A_783 = arith.index_cast %scan3A_53 : i32 to index
      %swap3A_784 = arith.index_cast %swap3A_782 : i32 to index
      %swap3A_785 = arith.constant 112 : index
      %swap3A_786 = tpu.vector_load %arg10[%swap3A_783, %swap3A_784, %swap3A_785] {strides = array<i32>} : memref<32x4x128xi32, #tpu.memory_space<vmem>>, vector<16xi32>,
      tpu.vector_store %arg10[%swap3A_783, %swap3A_784, %swap3A_785], %add3A_781 {strides = array<i32>} : memref<32x4x128xi32, #tpu.memory_space<vmem>>, vector<16xi32>,
      %get3A_787 = arith.constant 2 : i32
      %get3A_788 = arith.index_cast %get3A_787 : i32 to index
      %get3A_789 = arith.constant 0 : index
      %get3A_790 = tpu.vector_load %arg7[%get3A_788, %get3A_789] {strides = array<i32>} : memref<4x128xi32, #tpu.memory_space<vmem>>, vector<16xi32>,
      %shift_right_arithmetic3A_791 = arith.constant 7 : i32
      %shift_right_arithmetic3A_792 = vector.broadcast %shift_right_arithmetic3A_791 : i32 to vector<16xi32>
      %shift_right_arithmetic3A_793 = arith.shrsi %get3A_790, %shift_right_arithmetic3A_792 : vector<16xi32>
      %mul3A_794 = arith.constant 4096 : i32
      %mul3A_795 = vector.broadcast %mul3A_794 : i32 to vector<16xi32>
      %mul3A_796 = arith.muli %shift_right_arithmetic3A_793, %mul3A_795 : vector<16xi32>
      %mul3A_797 = arith.constant 128 : i32
      %mul3A_798 = arith.muli %scan3A_53, %mul3A_797 : i32
      %add3A_799 = vector.broadcast %mul3A_798 : i32 to vector<16xi32>
      %add3A_800 = arith.addi %mul3A_796, %add3A_799 : vector<16xi32>
      %and3A_801 = arith.constant 127 : i32
      %and3A_802 = vector.broadcast %and3A_801 : i32 to vector<16xi32>
      %and3A_803 = arith.andi %get3A_790, %and3A_802 : vector<16xi32>
      %add3A_804 = arith.addi %add3A_800, %and3A_803 : vector<16xi32>
      %swap3A_805 = arith.constant 2 : i32
      %swap3A_806 = arith.index_cast %scan3A_53 : i32 to index
      %swap3A_807 = arith.index_cast %swap3A_805 : i32 to index
      %swap3A_808 = arith.constant 0 : index
      %swap3A_809 = tpu.vector_load %arg9[%swap3A_806, %swap3A_807, %swap3A_808] {strides = array<i32>} : memref<32x4x128xi32, #tpu.memory_space<vmem>>, vector<16xi32>,
      tpu.vector_store %arg9[%swap3A_806, %swap3A_807, %swap3A_808], %add3A_804 {strides = array<i32>} : memref<32x4x128xi32, #tpu.memory_space<vmem>>, vector<16xi32>,
      %get3A_810 = arith.constant 2 : i32
      %get3A_811 = arith.index_cast %get3A_810 : i32 to index
      %get3A_812 = arith.constant 0 : index
      %get3A_813 = tpu.vector_load %arg8[%get3A_811, %get3A_812] {strides = array<i32>} : memref<4x128xi32, #tpu.memory_space<vmem>>, vector<16xi32>,
      %shift_right_arithmetic3A_814 = arith.constant 7 : i32
      %shift_right_arithmetic3A_815 = vector.broadcast %shift_right_arithmetic3A_814 : i32 to vector<16xi32>
      %shift_right_arithmetic3A_816 = arith.shrsi %get3A_813, %shift_right_arithmetic3A_815 : vector<16xi32>
      %mul3A_817 = arith.constant 4096 : i32
      %mul3A_818 = vector.broadcast %mul3A_817 : i32 to vector<16xi32>
      %mul3A_819 = arith.muli %shift_right_arithmetic3A_816, %mul3A_818 : vector<16xi32>
      %mul3A_820 = arith.constant 128 : i32
      %mul3A_821 = arith.muli %scan3A_53, %mul3A_820 : i32
      %add3A_822 = vector.broadcast %mul3A_821 : i32 to vector<16xi32>
      %add3A_823 = arith.addi %mul3A_819, %add3A_822 : vector<16xi32>
      %and3A_824 = arith.constant 127 : i32
      %and3A_825 = vector.broadcast %and3A_824 : i32 to vector<16xi32>
      %and3A_826 = arith.andi %get3A_813, %and3A_825 : vector<16xi32>
      %add3A_827 = arith.addi %add3A_823, %and3A_826 : vector<16xi32>
      %swap3A_828 = arith.constant 2 : i32
      %swap3A_829 = arith.index_cast %scan3A_53 : i32 to index
      %swap3A_830 = arith.index_cast %swap3A_828 : i32 to index
      %swap3A_831 = arith.constant 0 : index
      %swap3A_832 = tpu.vector_load %arg10[%swap3A_829, %swap3A_830, %swap3A_831] {strides = array<i32>} : memref<32x4x128xi32, #tpu.memory_space<vmem>>, vector<16xi32>,
      tpu.vector_store %arg10[%swap3A_829, %swap3A_830, %swap3A_831], %add3A_827 {strides = array<i32>} : memref<32x4x128xi32, #tpu.memory_space<vmem>>, vector<16xi32>,
      %get3A_833 = arith.constant 2 : i32
      %get3A_834 = arith.index_cast %get3A_833 : i32 to index
      %get3A_835 = arith.constant 16 : index
      %get3A_836 = tpu.vector_load %arg7[%get3A_834, %get3A_835] {strides = array<i32>} : memref<4x128xi32, #tpu.memory_space<vmem>>, vector<16xi32>,
      %shift_right_arithmetic3A_837 = arith.constant 7 : i32
      %shift_right_arithmetic3A_838 = vector.broadcast %shift_right_arithmetic3A_837 : i32 to vector<16xi32>
      %shift_right_arithmetic3A_839 = arith.shrsi %get3A_836, %shift_right_arithmetic3A_838 : vector<16xi32>
      %mul3A_840 = arith.constant 4096 : i32
      %mul3A_841 = vector.broadcast %mul3A_840 : i32 to vector<16xi32>
      %mul3A_842 = arith.muli %shift_right_arithmetic3A_839, %mul3A_841 : vector<16xi32>
      %mul3A_843 = arith.constant 128 : i32
      %mul3A_844 = arith.muli %scan3A_53, %mul3A_843 : i32
      %add3A_845 = vector.broadcast %mul3A_844 : i32 to vector<16xi32>
      %add3A_846 = arith.addi %mul3A_842, %add3A_845 : vector<16xi32>
      %and3A_847 = arith.constant 127 : i32
      %and3A_848 = vector.broadcast %and3A_847 : i32 to vector<16xi32>
      %and3A_849 = arith.andi %get3A_836, %and3A_848 : vector<16xi32>
      %add3A_850 = arith.addi %add3A_846, %and3A_849 : vector<16xi32>
      %swap3A_851 = arith.constant 2 : i32
      %swap3A_852 = arith.index_cast %scan3A_53 : i32 to index
      %swap3A_853 = arith.index_cast %swap3A_851 : i32 to index
      %swap3A_854 = arith.constant 16 : index
      %swap3A_855 = tpu.vector_load %arg9[%swap3A_852, %swap3A_853, %swap3A_854] {strides = array<i32>} : memref<32x4x128xi32, #tpu.memory_space<vmem>>, vector<16xi32>,
      tpu.vector_store %arg9[%swap3A_852, %swap3A_853, %swap3A_854], %add3A_850 {strides = array<i32>} : memref<32x4x128xi32, #tpu.memory_space<vmem>>, vector<16xi32>,
      %get3A_856 = arith.constant 2 : i32
      %get3A_857 = arith.index_cast %get3A_856 : i32 to index
      %get3A_858 = arith.constant 16 : index
      %get3A_859 = tpu.vector_load %arg8[%get3A_857, %get3A_858] {strides = array<i32>} : memref<4x128xi32, #tpu.memory_space<vmem>>, vector<16xi32>,
      %shift_right_arithmetic3A_860 = arith.constant 7 : i32
      %shift_right_arithmetic3A_861 = vector.broadcast %shift_right_arithmetic3A_860 : i32 to vector<16xi32>
      %shift_right_arithmetic3A_862 = arith.shrsi %get3A_859, %shift_right_arithmetic3A_861 : vector<16xi32>
      %mul3A_863 = arith.constant 4096 : i32
      %mul3A_864 = vector.broadcast %mul3A_863 : i32 to vector<16xi32>
      %mul3A_865 = arith.muli %shift_right_arithmetic3A_862, %mul3A_864 : vector<16xi32>
      %mul3A_866 = arith.constant 128 : i32
      %mul3A_867 = arith.muli %scan3A_53, %mul3A_866 : i32
      %add3A_868 = vector.broadcast %mul3A_867 : i32 to vector<16xi32>
      %add3A_869 = arith.addi %mul3A_865, %add3A_868 : vector<16xi32>
      %and3A_870 = arith.constant 127 : i32
      %and3A_871 = vector.broadcast %and3A_870 : i32 to vector<16xi32>
      %and3A_872 = arith.andi %get3A_859, %and3A_871 : vector<16xi32>
      %add3A_873 = arith.addi %add3A_869, %and3A_872 : vector<16xi32>
      %swap3A_874 = arith.constant 2 : i32
      %swap3A_875 = arith.index_cast %scan3A_53 : i32 to index
      %swap3A_876 = arith.index_cast %swap3A_874 : i32 to index
      %swap3A_877 = arith.constant 16 : index
      %swap3A_878 = tpu.vector_load %arg10[%swap3A_875, %swap3A_876, %swap3A_877] {strides = array<i32>} : memref<32x4x128xi32, #tpu.memory_space<vmem>>, vector<16xi32>,
      tpu.vector_store %arg10[%swap3A_875, %swap3A_876, %swap3A_877], %add3A_873 {strides = array<i32>} : memref<32x4x128xi32, #tpu.memory_space<vmem>>, vector<16xi32>,
      %get3A_879 = arith.constant 2 : i32
      %get3A_880 = arith.index_cast %get3A_879 : i32 to index
      %get3A_881 = arith.constant 32 : index
      %get3A_882 = tpu.vector_load %arg7[%get3A_880, %get3A_881] {strides = array<i32>} : memref<4x128xi32, #tpu.memory_space<vmem>>, vector<16xi32>,
      %shift_right_arithmetic3A_883 = arith.constant 7 : i32
      %shift_right_arithmetic3A_884 = vector.broadcast %shift_right_arithmetic3A_883 : i32 to vector<16xi32>
      %shift_right_arithmetic3A_885 = arith.shrsi %get3A_882, %shift_right_arithmetic3A_884 : vector<16xi32>
      %mul3A_886 = arith.constant 4096 : i32
      %mul3A_887 = vector.broadcast %mul3A_886 : i32 to vector<16xi32>
      %mul3A_888 = arith.muli %shift_right_arithmetic3A_885, %mul3A_887 : vector<16xi32>
      %mul3A_889 = arith.constant 128 : i32
      %mul3A_890 = arith.muli %scan3A_53, %mul3A_889 : i32
      %add3A_891 = vector.broadcast %mul3A_890 : i32 to vector<16xi32>
      %add3A_892 = arith.addi %mul3A_888, %add3A_891 : vector<16xi32>
      %and3A_893 = arith.constant 127 : i32
      %and3A_894 = vector.broadcast %and3A_893 : i32 to vector<16xi32>
      %and3A_895 = arith.andi %get3A_882, %and3A_894 : vector<16xi32>
      %add3A_896 = arith.addi %add3A_892, %and3A_895 : vector<16xi32>
      %swap3A_897 = arith.constant 2 : i32
      %swap3A_898 = arith.index_cast %scan3A_53 : i32 to index
      %swap3A_899 = arith.index_cast %swap3A_897 : i32 to index
      %swap3A_900 = arith.constant 32 : index
      %swap3A_901 = tpu.vector_load %arg9[%swap3A_898, %swap3A_899, %swap3A_900] {strides = array<i32>} : memref<32x4x128xi32, #tpu.memory_space<vmem>>, vector<16xi32>,
      tpu.vector_store %arg9[%swap3A_898, %swap3A_899, %swap3A_900], %add3A_896 {strides = array<i32>} : memref<32x4x128xi32, #tpu.memory_space<vmem>>, vector<16xi32>,
      %get3A_902 = arith.constant 2 : i32
      %get3A_903 = arith.index_cast %get3A_902 : i32 to index
      %get3A_904 = arith.constant 32 : index
      %get3A_905 = tpu.vector_load %arg8[%get3A_903, %get3A_904] {strides = array<i32>} : memref<4x128xi32, #tpu.memory_space<vmem>>, vector<16xi32>,
      %shift_right_arithmetic3A_906 = arith.constant 7 : i32
      %shift_right_arithmetic3A_907 = vector.broadcast %shift_right_arithmetic3A_906 : i32 to vector<16xi32>
      %shift_right_arithmetic3A_908 = arith.shrsi %get3A_905, %shift_right_arithmetic3A_907 : vector<16xi32>
      %mul3A_909 = arith.constant 4096 : i32
      %mul3A_910 = vector.broadcast %mul3A_909 : i32 to vector<16xi32>
      %mul3A_911 = arith.muli %shift_right_arithmetic3A_908, %mul3A_910 : vector<16xi32>
      %mul3A_912 = arith.constant 128 : i32
      %mul3A_913 = arith.muli %scan3A_53, %mul3A_912 : i32
      %add3A_914 = vector.broadcast %mul3A_913 : i32 to vector<16xi32>
      %add3A_915 = arith.addi %mul3A_911, %add3A_914 : vector<16xi32>
      %and3A_916 = arith.constant 127 : i32
      %and3A_917 = vector.broadcast %and3A_916 : i32 to vector<16xi32>
      %and3A_918 = arith.andi %get3A_905, %and3A_917 : vector<16xi32>
      %add3A_919 = arith.addi %add3A_915, %and3A_918 : vector<16xi32>
      %swap3A_920 = arith.constant 2 : i32
      %swap3A_921 = arith.index_cast %scan3A_53 : i32 to index
      %swap3A_922 = arith.index_cast %swap3A_920 : i32 to index
      %swap3A_923 = arith.constant 32 : index
      %swap3A_924 = tpu.vector_load %arg10[%swap3A_921, %swap3A_922, %swap3A_923] {strides = array<i32>} : memref<32x4x128xi32, #tpu.memory_space<vmem>>, vector<16xi32>,
      tpu.vector_store %arg10[%swap3A_921, %swap3A_922, %swap3A_923], %add3A_919 {strides = array<i32>} : memref<32x4x128xi32, #tpu.memory_space<vmem>>, vector<16xi32>,
      %get3A_925 = arith.constant 2 : i32
      %get3A_926 = arith.index_cast %get3A_925 : i32 to index
      %get3A_927 = arith.constant 48 : index
      %get3A_928 = tpu.vector_load %arg7[%get3A_926, %get3A_927] {strides = array<i32>} : memref<4x128xi32, #tpu.memory_space<vmem>>, vector<16xi32>,
      %shift_right_arithmetic3A_929 = arith.constant 7 : i32
      %shift_right_arithmetic3A_930 = vector.broadcast %shift_right_arithmetic3A_929 : i32 to vector<16xi32>
      %shift_right_arithmetic3A_931 = arith.shrsi %get3A_928, %shift_right_arithmetic3A_930 : vector<16xi32>
      %mul3A_932 = arith.constant 4096 : i32
      %mul3A_933 = vector.broadcast %mul3A_932 : i32 to vector<16xi32>
      %mul3A_934 = arith.muli %shift_right_arithmetic3A_931, %mul3A_933 : vector<16xi32>
      %mul3A_935 = arith.constant 128 : i32
      %mul3A_936 = arith.muli %scan3A_53, %mul3A_935 : i32
      %add3A_937 = vector.broadcast %mul3A_936 : i32 to vector<16xi32>
      %add3A_938 = arith.addi %mul3A_934, %add3A_937 : vector<16xi32>
      %and3A_939 = arith.constant 127 : i32
      %and3A_940 = vector.broadcast %and3A_939 : i32 to vector<16xi32>
      %and3A_941 = arith.andi %get3A_928, %and3A_940 : vector<16xi32>
      %add3A_942 = arith.addi %add3A_938, %and3A_941 : vector<16xi32>
      %swap3A_943 = arith.constant 2 : i32
      %swap3A_944 = arith.index_cast %scan3A_53 : i32 to index
      %swap3A_945 = arith.index_cast %swap3A_943 : i32 to index
      %swap3A_946 = arith.constant 48 : index
      %swap3A_947 = tpu.vector_load %arg9[%swap3A_944, %swap3A_945, %swap3A_946] {strides = array<i32>} : memref<32x4x128xi32, #tpu.memory_space<vmem>>, vector<16xi32>,
      tpu.vector_store %arg9[%swap3A_944, %swap3A_945, %swap3A_946], %add3A_942 {strides = array<i32>} : memref<32x4x128xi32, #tpu.memory_space<vmem>>, vector<16xi32>,
      %get3A_948 = arith.constant 2 : i32
      %get3A_949 = arith.index_cast %get3A_948 : i32 to index
      %get3A_950 = arith.constant 48 : index
      %get3A_951 = tpu.vector_load %arg8[%get3A_949, %get3A_950] {strides = array<i32>} : memref<4x128xi32, #tpu.memory_space<vmem>>, vector<16xi32>,
      %shift_right_arithmetic3A_952 = arith.constant 7 : i32
      %shift_right_arithmetic3A_953 = vector.broadcast %shift_right_arithmetic3A_952 : i32 to vector<16xi32>
      %shift_right_arithmetic3A_954 = arith.shrsi %get3A_951, %shift_right_arithmetic3A_953 : vector<16xi32>
      %mul3A_955 = arith.constant 4096 : i32
      %mul3A_956 = vector.broadcast %mul3A_955 : i32 to vector<16xi32>
      %mul3A_957 = arith.muli %shift_right_arithmetic3A_954, %mul3A_956 : vector<16xi32>
      %mul3A_958 = arith.constant 128 : i32
      %mul3A_959 = arith.muli %scan3A_53, %mul3A_958 : i32
      %add3A_960 = vector.broadcast %mul3A_959 : i32 to vector<16xi32>
      %add3A_961 = arith.addi %mul3A_957, %add3A_960 : vector<16xi32>
      %and3A_962 = arith.constant 127 : i32
      %and3A_963 = vector.broadcast %and3A_962 : i32 to vector<16xi32>
      %and3A_964 = arith.andi %get3A_951, %and3A_963 : vector<16xi32>
      %add3A_965 = arith.addi %add3A_961, %and3A_964 : vector<16xi32>
      %swap3A_966 = arith.constant 2 : i32
      %swap3A_967 = arith.index_cast %scan3A_53 : i32 to index
      %swap3A_968 = arith.index_cast %swap3A_966 : i32 to index
      %swap3A_969 = arith.constant 48 : index
      %swap3A_970 = tpu.vector_load %arg10[%swap3A_967, %swap3A_968, %swap3A_969] {strides = array<i32>} : memref<32x4x128xi32, #tpu.memory_space<vmem>>, vector<16xi32>,
      tpu.vector_store %arg10[%swap3A_967, %swap3A_968, %swap3A_969], %add3A_965 {strides = array<i32>} : memref<32x4x128xi32, #tpu.memory_space<vmem>>, vector<16xi32>,
      %get3A_971 = arith.constant 2 : i32
      %get3A_972 = arith.index_cast %get3A_971 : i32 to index
      %get3A_973 = arith.constant 64 : index
      %get3A_974 = tpu.vector_load %arg7[%get3A_972, %get3A_973] {strides = array<i32>} : memref<4x128xi32, #tpu.memory_space<vmem>>, vector<16xi32>,
      %shift_right_arithmetic3A_975 = arith.constant 7 : i32
      %shift_right_arithmetic3A_976 = vector.broadcast %shift_right_arithmetic3A_975 : i32 to vector<16xi32>
      %shift_right_arithmetic3A_977 = arith.shrsi %get3A_974, %shift_right_arithmetic3A_976 : vector<16xi32>
      %mul3A_978 = arith.constant 4096 : i32
      %mul3A_979 = vector.broadcast %mul3A_978 : i32 to vector<16xi32>
      %mul3A_980 = arith.muli %shift_right_arithmetic3A_977, %mul3A_979 : vector<16xi32>
      %mul3A_981 = arith.constant 128 : i32
      %mul3A_982 = arith.muli %scan3A_53, %mul3A_981 : i32
      %add3A_983 = vector.broadcast %mul3A_982 : i32 to vector<16xi32>
      %add3A_984 = arith.addi %mul3A_980, %add3A_983 : vector<16xi32>
      %and3A_985 = arith.constant 127 : i32
      %and3A_986 = vector.broadcast %and3A_985 : i32 to vector<16xi32>
      %and3A_987 = arith.andi %get3A_974, %and3A_986 : vector<16xi32>
      %add3A_988 = arith.addi %add3A_984, %and3A_987 : vector<16xi32>
      %swap3A_989 = arith.constant 2 : i32
      %swap3A_990 = arith.index_cast %scan3A_53 : i32 to index
      %swap3A_991 = arith.index_cast %swap3A_989 : i32 to index
      %swap3A_992 = arith.constant 64 : index
      %swap3A_993 = tpu.vector_load %arg9[%swap3A_990, %swap3A_991, %swap3A_992] {strides = array<i32>} : memref<32x4x128xi32, #tpu.memory_space<vmem>>, vector<16xi32>,
      tpu.vector_store %arg9[%swap3A_990, %swap3A_991, %swap3A_992], %add3A_988 {strides = array<i32>} : memref<32x4x128xi32, #tpu.memory_space<vmem>>, vector<16xi32>,
      %get3A_994 = arith.constant 2 : i32
      %get3A_995 = arith.index_cast %get3A_994 : i32 to index
      %get3A_996 = arith.constant 64 : index
      %get3A_997 = tpu.vector_load %arg8[%get3A_995, %get3A_996] {strides = array<i32>} : memref<4x128xi32, #tpu.memory_space<vmem>>, vector<16xi32>,
      %shift_right_arithmetic3A_998 = arith.constant 7 : i32
      %shift_right_arithmetic3A_999 = vector.broadcast %shift_right_arithmetic3A_998 : i32 to vector<16xi32>
      %shift_right_arithmetic3A_1000 = arith.shrsi %get3A_997, %shift_right_arithmetic3A_999 : vector<16xi32>
      %mul3A_1001 = arith.constant 4096 : i32
      %mul3A_1002 = vector.broadcast %mul3A_1001 : i32 to vector<16xi32>
      %mul3A_1003 = arith.muli %shift_right_arithmetic3A_1000, %mul3A_1002 : vector<16xi32>
      %mul3A_1004 = arith.constant 128 : i32
      %mul3A_1005 = arith.muli %scan3A_53, %mul3A_1004 : i32
      %add3A_1006 = vector.broadcast %mul3A_1005 : i32 to vector<16xi32>
      %add3A_1007 = arith.addi %mul3A_1003, %add3A_1006 : vector<16xi32>
      %and3A_1008 = arith.constant 127 : i32
      %and3A_1009 = vector.broadcast %and3A_1008 : i32 to vector<16xi32>
      %and3A_1010 = arith.andi %get3A_997, %and3A_1009 : vector<16xi32>
      %add3A_1011 = arith.addi %add3A_1007, %and3A_1010 : vector<16xi32>
      %swap3A_1012 = arith.constant 2 : i32
      %swap3A_1013 = arith.index_cast %scan3A_53 : i32 to index
      %swap3A_1014 = arith.index_cast %swap3A_1012 : i32 to index
      %swap3A_1015 = arith.constant 64 : index
      %swap3A_1016 = tpu.vector_load %arg10[%swap3A_1013, %swap3A_1014, %swap3A_1015] {strides = array<i32>} : memref<32x4x128xi32, #tpu.memory_space<vmem>>, vector<16xi32>,
      tpu.vector_store %arg10[%swap3A_1013, %swap3A_1014, %swap3A_1015], %add3A_1011 {strides = array<i32>} : memref<32x4x128xi32, #tpu.memory_space<vmem>>, vector<16xi32>,
      %get3A_1017 = arith.constant 2 : i32
      %get3A_1018 = arith.index_cast %get3A_1017 : i32 to index
      %get3A_1019 = arith.constant 80 : index
      %get3A_1020 = tpu.vector_load %arg7[%get3A_1018, %get3A_1019] {strides = array<i32>} : memref<4x128xi32, #tpu.memory_space<vmem>>, vector<16xi32>,
      %shift_right_arithmetic3A_1021 = arith.constant 7 : i32
      %shift_right_arithmetic3A_1022 = vector.broadcast %shift_right_arithmetic3A_1021 : i32 to vector<16xi32>
      %shift_right_arithmetic3A_1023 = arith.shrsi %get3A_1020, %shift_right_arithmetic3A_1022 : vector<16xi32>
      %mul3A_1024 = arith.constant 4096 : i32
      %mul3A_1025 = vector.broadcast %mul3A_1024 : i32 to vector<16xi32>
      %mul3A_1026 = arith.muli %shift_right_arithmetic3A_1023, %mul3A_1025 : vector<16xi32>
      %mul3A_1027 = arith.constant 128 : i32
      %mul3A_1028 = arith.muli %scan3A_53, %mul3A_1027 : i32
      %add3A_1029 = vector.broadcast %mul3A_1028 : i32 to vector<16xi32>
      %add3A_1030 = arith.addi %mul3A_1026, %add3A_1029 : vector<16xi32>
      %and3A_1031 = arith.constant 127 : i32
      %and3A_1032 = vector.broadcast %and3A_1031 : i32 to vector<16xi32>
      %and3A_1033 = arith.andi %get3A_1020, %and3A_1032 : vector<16xi32>
      %add3A_1034 = arith.addi %add3A_1030, %and3A_1033 : vector<16xi32>
      %swap3A_1035 = arith.constant 2 : i32
      %swap3A_1036 = arith.index_cast %scan3A_53 : i32 to index
      %swap3A_1037 = arith.index_cast %swap3A_1035 : i32 to index
      %swap3A_1038 = arith.constant 80 : index
      %swap3A_1039 = tpu.vector_load %arg9[%swap3A_1036, %swap3A_1037, %swap3A_1038] {strides = array<i32>} : memref<32x4x128xi32, #tpu.memory_space<vmem>>, vector<16xi32>,
      tpu.vector_store %arg9[%swap3A_1036, %swap3A_1037, %swap3A_1038], %add3A_1034 {strides = array<i32>} : memref<32x4x128xi32, #tpu.memory_space<vmem>>, vector<16xi32>,
      %get3A_1040 = arith.constant 2 : i32
      %get3A_1041 = arith.index_cast %get3A_1040 : i32 to index
      %get3A_1042 = arith.constant 80 : index
      %get3A_1043 = tpu.vector_load %arg8[%get3A_1041, %get3A_1042] {strides = array<i32>} : memref<4x128xi32, #tpu.memory_space<vmem>>, vector<16xi32>,
      %shift_right_arithmetic3A_1044 = arith.constant 7 : i32
      %shift_right_arithmetic3A_1045 = vector.broadcast %shift_right_arithmetic3A_1044 : i32 to vector<16xi32>
      %shift_right_arithmetic3A_1046 = arith.shrsi %get3A_1043, %shift_right_arithmetic3A_1045 : vector<16xi32>
      %mul3A_1047 = arith.constant 4096 : i32
      %mul3A_1048 = vector.broadcast %mul3A_1047 : i32 to vector<16xi32>
      %mul3A_1049 = arith.muli %shift_right_arithmetic3A_1046, %mul3A_1048 : vector<16xi32>
      %mul3A_1050 = arith.constant 128 : i32
      %mul3A_1051 = arith.muli %scan3A_53, %mul3A_1050 : i32
      %add3A_1052 = vector.broadcast %mul3A_1051 : i32 to vector<16xi32>
      %add3A_1053 = arith.addi %mul3A_1049, %add3A_1052 : vector<16xi32>
      %and3A_1054 = arith.constant 127 : i32
      %and3A_1055 = vector.broadcast %and3A_1054 : i32 to vector<16xi32>
      %and3A_1056 = arith.andi %get3A_1043, %and3A_1055 : vector<16xi32>
      %add3A_1057 = arith.addi %add3A_1053, %and3A_1056 : vector<16xi32>
      %swap3A_1058 = arith.constant 2 : i32
      %swap3A_1059 = arith.index_cast %scan3A_53 : i32 to index
      %swap3A_1060 = arith.index_cast %swap3A_1058 : i32 to index
      %swap3A_1061 = arith.constant 80 : index
      %swap3A_1062 = tpu.vector_load %arg10[%swap3A_1059, %swap3A_1060, %swap3A_1061] {strides = array<i32>} : memref<32x4x128xi32, #tpu.memory_space<vmem>>, vector<16xi32>,
      tpu.vector_store %arg10[%swap3A_1059, %swap3A_1060, %swap3A_1061], %add3A_1057 {strides = array<i32>} : memref<32x4x128xi32, #tpu.memory_space<vmem>>, vector<16xi32>,
      %get3A_1063 = arith.constant 2 : i32
      %get3A_1064 = arith.index_cast %get3A_1063 : i32 to index
      %get3A_1065 = arith.constant 96 : index
      %get3A_1066 = tpu.vector_load %arg7[%get3A_1064, %get3A_1065] {strides = array<i32>} : memref<4x128xi32, #tpu.memory_space<vmem>>, vector<16xi32>,
      %shift_right_arithmetic3A_1067 = arith.constant 7 : i32
      %shift_right_arithmetic3A_1068 = vector.broadcast %shift_right_arithmetic3A_1067 : i32 to vector<16xi32>
      %shift_right_arithmetic3A_1069 = arith.shrsi %get3A_1066, %shift_right_arithmetic3A_1068 : vector<16xi32>
      %mul3A_1070 = arith.constant 4096 : i32
      %mul3A_1071 = vector.broadcast %mul3A_1070 : i32 to vector<16xi32>
      %mul3A_1072 = arith.muli %shift_right_arithmetic3A_1069, %mul3A_1071 : vector<16xi32>
      %mul3A_1073 = arith.constant 128 : i32
      %mul3A_1074 = arith.muli %scan3A_53, %mul3A_1073 : i32
      %add3A_1075 = vector.broadcast %mul3A_1074 : i32 to vector<16xi32>
      %add3A_1076 = arith.addi %mul3A_1072, %add3A_1075 : vector<16xi32>
      %and3A_1077 = arith.constant 127 : i32
      %and3A_1078 = vector.broadcast %and3A_1077 : i32 to vector<16xi32>
      %and3A_1079 = arith.andi %get3A_1066, %and3A_1078 : vector<16xi32>
      %add3A_1080 = arith.addi %add3A_1076, %and3A_1079 : vector<16xi32>
      %swap3A_1081 = arith.constant 2 : i32
      %swap3A_1082 = arith.index_cast %scan3A_53 : i32 to index
      %swap3A_1083 = arith.index_cast %swap3A_1081 : i32 to index
      %swap3A_1084 = arith.constant 96 : index
      %swap3A_1085 = tpu.vector_load %arg9[%swap3A_1082, %swap3A_1083, %swap3A_1084] {strides = array<i32>} : memref<32x4x128xi32, #tpu.memory_space<vmem>>, vector<16xi32>,
      tpu.vector_store %arg9[%swap3A_1082, %swap3A_1083, %swap3A_1084], %add3A_1080 {strides = array<i32>} : memref<32x4x128xi32, #tpu.memory_space<vmem>>, vector<16xi32>,
      %get3A_1086 = arith.constant 2 : i32
      %get3A_1087 = arith.index_cast %get3A_1086 : i32 to index
      %get3A_1088 = arith.constant 96 : index
      %get3A_1089 = tpu.vector_load %arg8[%get3A_1087, %get3A_1088] {strides = array<i32>} : memref<4x128xi32, #tpu.memory_space<vmem>>, vector<16xi32>,
      %shift_right_arithmetic3A_1090 = arith.constant 7 : i32
      %shift_right_arithmetic3A_1091 = vector.broadcast %shift_right_arithmetic3A_1090 : i32 to vector<16xi32>
      %shift_right_arithmetic3A_1092 = arith.shrsi %get3A_1089, %shift_right_arithmetic3A_1091 : vector<16xi32>
      %mul3A_1093 = arith.constant 4096 : i32
      %mul3A_1094 = vector.broadcast %mul3A_1093 : i32 to vector<16xi32>
      %mul3A_1095 = arith.muli %shift_right_arithmetic3A_1092, %mul3A_1094 : vector<16xi32>
      %mul3A_1096 = arith.constant 128 : i32
      %mul3A_1097 = arith.muli %scan3A_53, %mul3A_1096 : i32
      %add3A_1098 = vector.broadcast %mul3A_1097 : i32 to vector<16xi32>
      %add3A_1099 = arith.addi %mul3A_1095, %add3A_1098 : vector<16xi32>
      %and3A_1100 = arith.constant 127 : i32
      %and3A_1101 = vector.broadcast %and3A_1100 : i32 to vector<16xi32>
      %and3A_1102 = arith.andi %get3A_1089, %and3A_1101 : vector<16xi32>
      %add3A_1103 = arith.addi %add3A_1099, %and3A_1102 : vector<16xi32>
      %swap3A_1104 = arith.constant 2 : i32
      %swap3A_1105 = arith.index_cast %scan3A_53 : i32 to index
      %swap3A_1106 = arith.index_cast %swap3A_1104 : i32 to index
      %swap3A_1107 = arith.constant 96 : index
      %swap3A_1108 = tpu.vector_load %arg10[%swap3A_1105, %swap3A_1106, %swap3A_1107] {strides = array<i32>} : memref<32x4x128xi32, #tpu.memory_space<vmem>>, vector<16xi32>,
      tpu.vector_store %arg10[%swap3A_1105, %swap3A_1106, %swap3A_1107], %add3A_1103 {strides = array<i32>} : memref<32x4x128xi32, #tpu.memory_space<vmem>>, vector<16xi32>,
      %get3A_1109 = arith.constant 2 : i32
      %get3A_1110 = arith.index_cast %get3A_1109 : i32 to index
      %get3A_1111 = arith.constant 112 : index
      %get3A_1112 = tpu.vector_load %arg7[%get3A_1110, %get3A_1111] {strides = array<i32>} : memref<4x128xi32, #tpu.memory_space<vmem>>, vector<16xi32>,
      %shift_right_arithmetic3A_1113 = arith.constant 7 : i32
      %shift_right_arithmetic3A_1114 = vector.broadcast %shift_right_arithmetic3A_1113 : i32 to vector<16xi32>
      %shift_right_arithmetic3A_1115 = arith.shrsi %get3A_1112, %shift_right_arithmetic3A_1114 : vector<16xi32>
      %mul3A_1116 = arith.constant 4096 : i32
      %mul3A_1117 = vector.broadcast %mul3A_1116 : i32 to vector<16xi32>
      %mul3A_1118 = arith.muli %shift_right_arithmetic3A_1115, %mul3A_1117 : vector<16xi32>
      %mul3A_1119 = arith.constant 128 : i32
      %mul3A_1120 = arith.muli %scan3A_53, %mul3A_1119 : i32
      %add3A_1121 = vector.broadcast %mul3A_1120 : i32 to vector<16xi32>
      %add3A_1122 = arith.addi %mul3A_1118, %add3A_1121 : vector<16xi32>
      %and3A_1123 = arith.constant 127 : i32
      %and3A_1124 = vector.broadcast %and3A_1123 : i32 to vector<16xi32>
      %and3A_1125 = arith.andi %get3A_1112, %and3A_1124 : vector<16xi32>
      %add3A_1126 = arith.addi %add3A_1122, %and3A_1125 : vector<16xi32>
      %swap3A_1127 = arith.constant 2 : i32
      %swap3A_1128 = arith.index_cast %scan3A_53 : i32 to index
      %swap3A_1129 = arith.index_cast %swap3A_1127 : i32 to index
      %swap3A_1130 = arith.constant 112 : index
      %swap3A_1131 = tpu.vector_load %arg9[%swap3A_1128, %swap3A_1129, %swap3A_1130] {strides = array<i32>} : memref<32x4x128xi32, #tpu.memory_space<vmem>>, vector<16xi32>,
      tpu.vector_store %arg9[%swap3A_1128, %swap3A_1129, %swap3A_1130], %add3A_1126 {strides = array<i32>} : memref<32x4x128xi32, #tpu.memory_space<vmem>>, vector<16xi32>,
      %get3A_1132 = arith.constant 2 : i32
      %get3A_1133 = arith.index_cast %get3A_1132 : i32 to index
      %get3A_1134 = arith.constant 112 : index
      %get3A_1135 = tpu.vector_load %arg8[%get3A_1133, %get3A_1134] {strides = array<i32>} : memref<4x128xi32, #tpu.memory_space<vmem>>, vector<16xi32>,
      %shift_right_arithmetic3A_1136 = arith.constant 7 : i32
      %shift_right_arithmetic3A_1137 = vector.broadcast %shift_right_arithmetic3A_1136 : i32 to vector<16xi32>
      %shift_right_arithmetic3A_1138 = arith.shrsi %get3A_1135, %shift_right_arithmetic3A_1137 : vector<16xi32>
      %mul3A_1139 = arith.constant 4096 : i32
      %mul3A_1140 = vector.broadcast %mul3A_1139 : i32 to vector<16xi32>
      %mul3A_1141 = arith.muli %shift_right_arithmetic3A_1138, %mul3A_1140 : vector<16xi32>
      %mul3A_1142 = arith.constant 128 : i32
      %mul3A_1143 = arith.muli %scan3A_53, %mul3A_1142 : i32
      %add3A_1144 = vector.broadcast %mul3A_1143 : i32 to vector<16xi32>
      %add3A_1145 = arith.addi %mul3A_1141, %add3A_1144 : vector<16xi32>
      %and3A_1146 = arith.constant 127 : i32
      %and3A_1147 = vector.broadcast %and3A_1146 : i32 to vector<16xi32>
      %and3A_1148 = arith.andi %get3A_1135, %and3A_1147 : vector<16xi32>
      %add3A_1149 = arith.addi %add3A_1145, %and3A_1148 : vector<16xi32>
      %swap3A_1150 = arith.constant 2 : i32
      %swap3A_1151 = arith.index_cast %scan3A_53 : i32 to index
      %swap3A_1152 = arith.index_cast %swap3A_1150 : i32 to index
      %swap3A_1153 = arith.constant 112 : index
      %swap3A_1154 = tpu.vector_load %arg10[%swap3A_1151, %swap3A_1152, %swap3A_1153] {strides = array<i32>} : memref<32x4x128xi32, #tpu.memory_space<vmem>>, vector<16xi32>,
      tpu.vector_store %arg10[%swap3A_1151, %swap3A_1152, %swap3A_1153], %add3A_1149 {strides = array<i32>} : memref<32x4x128xi32, #tpu.memory_space<vmem>>, vector<16xi32>,
      %get3A_1155 = arith.constant 3 : i32
      %get3A_1156 = arith.index_cast %get3A_1155 : i32 to index
      %get3A_1157 = arith.constant 0 : index
      %get3A_1158 = tpu.vector_load %arg7[%get3A_1156, %get3A_1157] {strides = array<i32>} : memref<4x128xi32, #tpu.memory_space<vmem>>, vector<16xi32>,
      %shift_right_arithmetic3A_1159 = arith.constant 7 : i32
      %shift_right_arithmetic3A_1160 = vector.broadcast %shift_right_arithmetic3A_1159 : i32 to vector<16xi32>
      %shift_right_arithmetic3A_1161 = arith.shrsi %get3A_1158, %shift_right_arithmetic3A_1160 : vector<16xi32>
      %mul3A_1162 = arith.constant 4096 : i32
      %mul3A_1163 = vector.broadcast %mul3A_1162 : i32 to vector<16xi32>
      %mul3A_1164 = arith.muli %shift_right_arithmetic3A_1161, %mul3A_1163 : vector<16xi32>
      %mul3A_1165 = arith.constant 128 : i32
      %mul3A_1166 = arith.muli %scan3A_53, %mul3A_1165 : i32
      %add3A_1167 = vector.broadcast %mul3A_1166 : i32 to vector<16xi32>
      %add3A_1168 = arith.addi %mul3A_1164, %add3A_1167 : vector<16xi32>
      %and3A_1169 = arith.constant 127 : i32
      %and3A_1170 = vector.broadcast %and3A_1169 : i32 to vector<16xi32>
      %and3A_1171 = arith.andi %get3A_1158, %and3A_1170 : vector<16xi32>
      %add3A_1172 = arith.addi %add3A_1168, %and3A_1171 : vector<16xi32>
      %swap3A_1173 = arith.constant 3 : i32
      %swap3A_1174 = arith.index_cast %scan3A_53 : i32 to index
      %swap3A_1175 = arith.index_cast %swap3A_1173 : i32 to index
      %swap3A_1176 = arith.constant 0 : index
      %swap3A_1177 = tpu.vector_load %arg9[%swap3A_1174, %swap3A_1175, %swap3A_1176] {strides = array<i32>} : memref<32x4x128xi32, #tpu.memory_space<vmem>>, vector<16xi32>,
      tpu.vector_store %arg9[%swap3A_1174, %swap3A_1175, %swap3A_1176], %add3A_1172 {strides = array<i32>} : memref<32x4x128xi32, #tpu.memory_space<vmem>>, vector<16xi32>,
      %get3A_1178 = arith.constant 3 : i32
      %get3A_1179 = arith.index_cast %get3A_1178 : i32 to index
      %get3A_1180 = arith.constant 0 : index
      %get3A_1181 = tpu.vector_load %arg8[%get3A_1179, %get3A_1180] {strides = array<i32>} : memref<4x128xi32, #tpu.memory_space<vmem>>, vector<16xi32>,
      %shift_right_arithmetic3A_1182 = arith.constant 7 : i32
      %shift_right_arithmetic3A_1183 = vector.broadcast %shift_right_arithmetic3A_1182 : i32 to vector<16xi32>
      %shift_right_arithmetic3A_1184 = arith.shrsi %get3A_1181, %shift_right_arithmetic3A_1183 : vector<16xi32>
      %mul3A_1185 = arith.constant 4096 : i32
      %mul3A_1186 = vector.broadcast %mul3A_1185 : i32 to vector<16xi32>
      %mul3A_1187 = arith.muli %shift_right_arithmetic3A_1184, %mul3A_1186 : vector<16xi32>
      %mul3A_1188 = arith.constant 128 : i32
      %mul3A_1189 = arith.muli %scan3A_53, %mul3A_1188 : i32
      %add3A_1190 = vector.broadcast %mul3A_1189 : i32 to vector<16xi32>
      %add3A_1191 = arith.addi %mul3A_1187, %add3A_1190 : vector<16xi32>
      %and3A_1192 = arith.constant 127 : i32
      %and3A_1193 = vector.broadcast %and3A_1192 : i32 to vector<16xi32>
      %and3A_1194 = arith.andi %get3A_1181, %and3A_1193 : vector<16xi32>
      %add3A_1195 = arith.addi %add3A_1191, %and3A_1194 : vector<16xi32>
      %swap3A_1196 = arith.constant 3 : i32
      %swap3A_1197 = arith.index_cast %scan3A_53 : i32 to index
      %swap3A_1198 = arith.index_cast %swap3A_1196 : i32 to index
      %swap3A_1199 = arith.constant 0 : index
      %swap3A_1200 = tpu.vector_load %arg10[%swap3A_1197, %swap3A_1198, %swap3A_1199] {strides = array<i32>} : memref<32x4x128xi32, #tpu.memory_space<vmem>>, vector<16xi32>,
      tpu.vector_store %arg10[%swap3A_1197, %swap3A_1198, %swap3A_1199], %add3A_1195 {strides = array<i32>} : memref<32x4x128xi32, #tpu.memory_space<vmem>>, vector<16xi32>,
      %get3A_1201 = arith.constant 3 : i32
      %get3A_1202 = arith.index_cast %get3A_1201 : i32 to index
      %get3A_1203 = arith.constant 16 : index
      %get3A_1204 = tpu.vector_load %arg7[%get3A_1202, %get3A_1203] {strides = array<i32>} : memref<4x128xi32, #tpu.memory_space<vmem>>, vector<16xi32>,
      %shift_right_arithmetic3A_1205 = arith.constant 7 : i32
      %shift_right_arithmetic3A_1206 = vector.broadcast %shift_right_arithmetic3A_1205 : i32 to vector<16xi32>
      %shift_right_arithmetic3A_1207 = arith.shrsi %get3A_1204, %shift_right_arithmetic3A_1206 : vector<16xi32>
      %mul3A_1208 = arith.constant 4096 : i32
      %mul3A_1209 = vector.broadcast %mul3A_1208 : i32 to vector<16xi32>
      %mul3A_1210 = arith.muli %shift_right_arithmetic3A_1207, %mul3A_1209 : vector<16xi32>
      %mul3A_1211 = arith.constant 128 : i32
      %mul3A_1212 = arith.muli %scan3A_53, %mul3A_1211 : i32
      %add3A_1213 = vector.broadcast %mul3A_1212 : i32 to vector<16xi32>
      %add3A_1214 = arith.addi %mul3A_1210, %add3A_1213 : vector<16xi32>
      %and3A_1215 = arith.constant 127 : i32
      %and3A_1216 = vector.broadcast %and3A_1215 : i32 to vector<16xi32>
      %and3A_1217 = arith.andi %get3A_1204, %and3A_1216 : vector<16xi32>
      %add3A_1218 = arith.addi %add3A_1214, %and3A_1217 : vector<16xi32>
      %swap3A_1219 = arith.constant 3 : i32
      %swap3A_1220 = arith.index_cast %scan3A_53 : i32 to index
      %swap3A_1221 = arith.index_cast %swap3A_1219 : i32 to index
      %swap3A_1222 = arith.constant 16 : index
      %swap3A_1223 = tpu.vector_load %arg9[%swap3A_1220, %swap3A_1221, %swap3A_1222] {strides = array<i32>} : memref<32x4x128xi32, #tpu.memory_space<vmem>>, vector<16xi32>,
      tpu.vector_store %arg9[%swap3A_1220, %swap3A_1221, %swap3A_1222], %add3A_1218 {strides = array<i32>} : memref<32x4x128xi32, #tpu.memory_space<vmem>>, vector<16xi32>,
      %get3A_1224 = arith.constant 3 : i32
      %get3A_1225 = arith.index_cast %get3A_1224 : i32 to index
      %get3A_1226 = arith.constant 16 : index
      %get3A_1227 = tpu.vector_load %arg8[%get3A_1225, %get3A_1226] {strides = array<i32>} : memref<4x128xi32, #tpu.memory_space<vmem>>, vector<16xi32>,
      %shift_right_arithmetic3A_1228 = arith.constant 7 : i32
      %shift_right_arithmetic3A_1229 = vector.broadcast %shift_right_arithmetic3A_1228 : i32 to vector<16xi32>
      %shift_right_arithmetic3A_1230 = arith.shrsi %get3A_1227, %shift_right_arithmetic3A_1229 : vector<16xi32>
      %mul3A_1231 = arith.constant 4096 : i32
      %mul3A_1232 = vector.broadcast %mul3A_1231 : i32 to vector<16xi32>
      %mul3A_1233 = arith.muli %shift_right_arithmetic3A_1230, %mul3A_1232 : vector<16xi32>
      %mul3A_1234 = arith.constant 128 : i32
      %mul3A_1235 = arith.muli %scan3A_53, %mul3A_1234 : i32
      %add3A_1236 = vector.broadcast %mul3A_1235 : i32 to vector<16xi32>
      %add3A_1237 = arith.addi %mul3A_1233, %add3A_1236 : vector<16xi32>
      %and3A_1238 = arith.constant 127 : i32
      %and3A_1239 = vector.broadcast %and3A_1238 : i32 to vector<16xi32>
      %and3A_1240 = arith.andi %get3A_1227, %and3A_1239 : vector<16xi32>
      %add3A_1241 = arith.addi %add3A_1237, %and3A_1240 : vector<16xi32>
      %swap3A_1242 = arith.constant 3 : i32
      %swap3A_1243 = arith.index_cast %scan3A_53 : i32 to index
      %swap3A_1244 = arith.index_cast %swap3A_1242 : i32 to index
      %swap3A_1245 = arith.constant 16 : index
      %swap3A_1246 = tpu.vector_load %arg10[%swap3A_1243, %swap3A_1244, %swap3A_1245] {strides = array<i32>} : memref<32x4x128xi32, #tpu.memory_space<vmem>>, vector<16xi32>,
      tpu.vector_store %arg10[%swap3A_1243, %swap3A_1244, %swap3A_1245], %add3A_1241 {strides = array<i32>} : memref<32x4x128xi32, #tpu.memory_space<vmem>>, vector<16xi32>,
      %get3A_1247 = arith.constant 3 : i32
      %get3A_1248 = arith.index_cast %get3A_1247 : i32 to index
      %get3A_1249 = arith.constant 32 : index
      %get3A_1250 = tpu.vector_load %arg7[%get3A_1248, %get3A_1249] {strides = array<i32>} : memref<4x128xi32, #tpu.memory_space<vmem>>, vector<16xi32>,
      %shift_right_arithmetic3A_1251 = arith.constant 7 : i32
      %shift_right_arithmetic3A_1252 = vector.broadcast %shift_right_arithmetic3A_1251 : i32 to vector<16xi32>
      %shift_right_arithmetic3A_1253 = arith.shrsi %get3A_1250, %shift_right_arithmetic3A_1252 : vector<16xi32>
      %mul3A_1254 = arith.constant 4096 : i32
      %mul3A_1255 = vector.broadcast %mul3A_1254 : i32 to vector<16xi32>
      %mul3A_1256 = arith.muli %shift_right_arithmetic3A_1253, %mul3A_1255 : vector<16xi32>
      %mul3A_1257 = arith.constant 128 : i32
      %mul3A_1258 = arith.muli %scan3A_53, %mul3A_1257 : i32
      %add3A_1259 = vector.broadcast %mul3A_1258 : i32 to vector<16xi32>
      %add3A_1260 = arith.addi %mul3A_1256, %add3A_1259 : vector<16xi32>
      %and3A_1261 = arith.constant 127 : i32
      %and3A_1262 = vector.broadcast %and3A_1261 : i32 to vector<16xi32>
      %and3A_1263 = arith.andi %get3A_1250, %and3A_1262 : vector<16xi32>
      %add3A_1264 = arith.addi %add3A_1260, %and3A_1263 : vector<16xi32>
      %swap3A_1265 = arith.constant 3 : i32
      %swap3A_1266 = arith.index_cast %scan3A_53 : i32 to index
      %swap3A_1267 = arith.index_cast %swap3A_1265 : i32 to index
      %swap3A_1268 = arith.constant 32 : index
      %swap3A_1269 = tpu.vector_load %arg9[%swap3A_1266, %swap3A_1267, %swap3A_1268] {strides = array<i32>} : memref<32x4x128xi32, #tpu.memory_space<vmem>>, vector<16xi32>,
      tpu.vector_store %arg9[%swap3A_1266, %swap3A_1267, %swap3A_1268], %add3A_1264 {strides = array<i32>} : memref<32x4x128xi32, #tpu.memory_space<vmem>>, vector<16xi32>,
      %get3A_1270 = arith.constant 3 : i32
      %get3A_1271 = arith.index_cast %get3A_1270 : i32 to index
      %get3A_1272 = arith.constant 32 : index
      %get3A_1273 = tpu.vector_load %arg8[%get3A_1271, %get3A_1272] {strides = array<i32>} : memref<4x128xi32, #tpu.memory_space<vmem>>, vector<16xi32>,
      %shift_right_arithmetic3A_1274 = arith.constant 7 : i32
      %shift_right_arithmetic3A_1275 = vector.broadcast %shift_right_arithmetic3A_1274 : i32 to vector<16xi32>
      %shift_right_arithmetic3A_1276 = arith.shrsi %get3A_1273, %shift_right_arithmetic3A_1275 : vector<16xi32>
      %mul3A_1277 = arith.constant 4096 : i32
      %mul3A_1278 = vector.broadcast %mul3A_1277 : i32 to vector<16xi32>
      %mul3A_1279 = arith.muli %shift_right_arithmetic3A_1276, %mul3A_1278 : vector<16xi32>
      %mul3A_1280 = arith.constant 128 : i32
      %mul3A_1281 = arith.muli %scan3A_53, %mul3A_1280 : i32
      %add3A_1282 = vector.broadcast %mul3A_1281 : i32 to vector<16xi32>
      %add3A_1283 = arith.addi %mul3A_1279, %add3A_1282 : vector<16xi32>
      %and3A_1284 = arith.constant 127 : i32
      %and3A_1285 = vector.broadcast %and3A_1284 : i32 to vector<16xi32>
      %and3A_1286 = arith.andi %get3A_1273, %and3A_1285 : vector<16xi32>
      %add3A_1287 = arith.addi %add3A_1283, %and3A_1286 : vector<16xi32>
      %swap3A_1288 = arith.constant 3 : i32
      %swap3A_1289 = arith.index_cast %scan3A_53 : i32 to index
      %swap3A_1290 = arith.index_cast %swap3A_1288 : i32 to index
      %swap3A_1291 = arith.constant 32 : index
      %swap3A_1292 = tpu.vector_load %arg10[%swap3A_1289, %swap3A_1290, %swap3A_1291] {strides = array<i32>} : memref<32x4x128xi32, #tpu.memory_space<vmem>>, vector<16xi32>,
      tpu.vector_store %arg10[%swap3A_1289, %swap3A_1290, %swap3A_1291], %add3A_1287 {strides = array<i32>} : memref<32x4x128xi32, #tpu.memory_space<vmem>>, vector<16xi32>,
      %get3A_1293 = arith.constant 3 : i32
      %get3A_1294 = arith.index_cast %get3A_1293 : i32 to index
      %get3A_1295 = arith.constant 48 : index
      %get3A_1296 = tpu.vector_load %arg7[%get3A_1294, %get3A_1295] {strides = array<i32>} : memref<4x128xi32, #tpu.memory_space<vmem>>, vector<16xi32>,
      %shift_right_arithmetic3A_1297 = arith.constant 7 : i32
      %shift_right_arithmetic3A_1298 = vector.broadcast %shift_right_arithmetic3A_1297 : i32 to vector<16xi32>
      %shift_right_arithmetic3A_1299 = arith.shrsi %get3A_1296, %shift_right_arithmetic3A_1298 : vector<16xi32>
      %mul3A_1300 = arith.constant 4096 : i32
      %mul3A_1301 = vector.broadcast %mul3A_1300 : i32 to vector<16xi32>
      %mul3A_1302 = arith.muli %shift_right_arithmetic3A_1299, %mul3A_1301 : vector<16xi32>
      %mul3A_1303 = arith.constant 128 : i32
      %mul3A_1304 = arith.muli %scan3A_53, %mul3A_1303 : i32
      %add3A_1305 = vector.broadcast %mul3A_1304 : i32 to vector<16xi32>
      %add3A_1306 = arith.addi %mul3A_1302, %add3A_1305 : vector<16xi32>
      %and3A_1307 = arith.constant 127 : i32
      %and3A_1308 = vector.broadcast %and3A_1307 : i32 to vector<16xi32>
      %and3A_1309 = arith.andi %get3A_1296, %and3A_1308 : vector<16xi32>
      %add3A_1310 = arith.addi %add3A_1306, %and3A_1309 : vector<16xi32>
      %swap3A_1311 = arith.constant 3 : i32
      %swap3A_1312 = arith.index_cast %scan3A_53 : i32 to index
      %swap3A_1313 = arith.index_cast %swap3A_1311 : i32 to index
      %swap3A_1314 = arith.constant 48 : index
      %swap3A_1315 = tpu.vector_load %arg9[%swap3A_1312, %swap3A_1313, %swap3A_1314] {strides = array<i32>} : memref<32x4x128xi32, #tpu.memory_space<vmem>>, vector<16xi32>,
      tpu.vector_store %arg9[%swap3A_1312, %swap3A_1313, %swap3A_1314], %add3A_1310 {strides = array<i32>} : memref<32x4x128xi32, #tpu.memory_space<vmem>>, vector<16xi32>,
      %get3A_1316 = arith.constant 3 : i32
      %get3A_1317 = arith.index_cast %get3A_1316 : i32 to index
      %get3A_1318 = arith.constant 48 : index
      %get3A_1319 = tpu.vector_load %arg8[%get3A_1317, %get3A_1318] {strides = array<i32>} : memref<4x128xi32, #tpu.memory_space<vmem>>, vector<16xi32>,
      %shift_right_arithmetic3A_1320 = arith.constant 7 : i32
      %shift_right_arithmetic3A_1321 = vector.broadcast %shift_right_arithmetic3A_1320 : i32 to vector<16xi32>
      %shift_right_arithmetic3A_1322 = arith.shrsi %get3A_1319, %shift_right_arithmetic3A_1321 : vector<16xi32>
      %mul3A_1323 = arith.constant 4096 : i32
      %mul3A_1324 = vector.broadcast %mul3A_1323 : i32 to vector<16xi32>
      %mul3A_1325 = arith.muli %shift_right_arithmetic3A_1322, %mul3A_1324 : vector<16xi32>
      %mul3A_1326 = arith.constant 128 : i32
      %mul3A_1327 = arith.muli %scan3A_53, %mul3A_1326 : i32
      %add3A_1328 = vector.broadcast %mul3A_1327 : i32 to vector<16xi32>
      %add3A_1329 = arith.addi %mul3A_1325, %add3A_1328 : vector<16xi32>
      %and3A_1330 = arith.constant 127 : i32
      %and3A_1331 = vector.broadcast %and3A_1330 : i32 to vector<16xi32>
      %and3A_1332 = arith.andi %get3A_1319, %and3A_1331 : vector<16xi32>
      %add3A_1333 = arith.addi %add3A_1329, %and3A_1332 : vector<16xi32>
      %swap3A_1334 = arith.constant 3 : i32
      %swap3A_1335 = arith.index_cast %scan3A_53 : i32 to index
      %swap3A_1336 = arith.index_cast %swap3A_1334 : i32 to index
      %swap3A_1337 = arith.constant 48 : index
      %swap3A_1338 = tpu.vector_load %arg10[%swap3A_1335, %swap3A_1336, %swap3A_1337] {strides = array<i32>} : memref<32x4x128xi32, #tpu.memory_space<vmem>>, vector<16xi32>,
      tpu.vector_store %arg10[%swap3A_1335, %swap3A_1336, %swap3A_1337], %add3A_1333 {strides = array<i32>} : memref<32x4x128xi32, #tpu.memory_space<vmem>>, vector<16xi32>,
      %get3A_1339 = arith.constant 3 : i32
      %get3A_1340 = arith.index_cast %get3A_1339 : i32 to index
      %get3A_1341 = arith.constant 64 : index
      %get3A_1342 = tpu.vector_load %arg7[%get3A_1340, %get3A_1341] {strides = array<i32>} : memref<4x128xi32, #tpu.memory_space<vmem>>, vector<16xi32>,
      %shift_right_arithmetic3A_1343 = arith.constant 7 : i32
      %shift_right_arithmetic3A_1344 = vector.broadcast %shift_right_arithmetic3A_1343 : i32 to vector<16xi32>
      %shift_right_arithmetic3A_1345 = arith.shrsi %get3A_1342, %shift_right_arithmetic3A_1344 : vector<16xi32>
      %mul3A_1346 = arith.constant 4096 : i32
      %mul3A_1347 = vector.broadcast %mul3A_1346 : i32 to vector<16xi32>
      %mul3A_1348 = arith.muli %shift_right_arithmetic3A_1345, %mul3A_1347 : vector<16xi32>
      %mul3A_1349 = arith.constant 128 : i32
      %mul3A_1350 = arith.muli %scan3A_53, %mul3A_1349 : i32
      %add3A_1351 = vector.broadcast %mul3A_1350 : i32 to vector<16xi32>
      %add3A_1352 = arith.addi %mul3A_1348, %add3A_1351 : vector<16xi32>
      %and3A_1353 = arith.constant 127 : i32
      %and3A_1354 = vector.broadcast %and3A_1353 : i32 to vector<16xi32>
      %and3A_1355 = arith.andi %get3A_1342, %and3A_1354 : vector<16xi32>
      %add3A_1356 = arith.addi %add3A_1352, %and3A_1355 : vector<16xi32>
      %swap3A_1357 = arith.constant 3 : i32
      %swap3A_1358 = arith.index_cast %scan3A_53 : i32 to index
      %swap3A_1359 = arith.index_cast %swap3A_1357 : i32 to index
      %swap3A_1360 = arith.constant 64 : index
      %swap3A_1361 = tpu.vector_load %arg9[%swap3A_1358, %swap3A_1359, %swap3A_1360] {strides = array<i32>} : memref<32x4x128xi32, #tpu.memory_space<vmem>>, vector<16xi32>,
      tpu.vector_store %arg9[%swap3A_1358, %swap3A_1359, %swap3A_1360], %add3A_1356 {strides = array<i32>} : memref<32x4x128xi32, #tpu.memory_space<vmem>>, vector<16xi32>,
      %get3A_1362 = arith.constant 3 : i32
      %get3A_1363 = arith.index_cast %get3A_1362 : i32 to index
      %get3A_1364 = arith.constant 64 : index
      %get3A_1365 = tpu.vector_load %arg8[%get3A_1363, %get3A_1364] {strides = array<i32>} : memref<4x128xi32, #tpu.memory_space<vmem>>, vector<16xi32>,
      %shift_right_arithmetic3A_1366 = arith.constant 7 : i32
      %shift_right_arithmetic3A_1367 = vector.broadcast %shift_right_arithmetic3A_1366 : i32 to vector<16xi32>
      %shift_right_arithmetic3A_1368 = arith.shrsi %get3A_1365, %shift_right_arithmetic3A_1367 : vector<16xi32>
      %mul3A_1369 = arith.constant 4096 : i32
      %mul3A_1370 = vector.broadcast %mul3A_1369 : i32 to vector<16xi32>
      %mul3A_1371 = arith.muli %shift_right_arithmetic3A_1368, %mul3A_1370 : vector<16xi32>
      %mul3A_1372 = arith.constant 128 : i32
      %mul3A_1373 = arith.muli %scan3A_53, %mul3A_1372 : i32
      %add3A_1374 = vector.broadcast %mul3A_1373 : i32 to vector<16xi32>
      %add3A_1375 = arith.addi %mul3A_1371, %add3A_1374 : vector<16xi32>
      %and3A_1376 = arith.constant 127 : i32
      %and3A_1377 = vector.broadcast %and3A_1376 : i32 to vector<16xi32>
      %and3A_1378 = arith.andi %get3A_1365, %and3A_1377 : vector<16xi32>
      %add3A_1379 = arith.addi %add3A_1375, %and3A_1378 : vector<16xi32>
      %swap3A_1380 = arith.constant 3 : i32
      %swap3A_1381 = arith.index_cast %scan3A_53 : i32 to index
      %swap3A_1382 = arith.index_cast %swap3A_1380 : i32 to index
      %swap3A_1383 = arith.constant 64 : index
      %swap3A_1384 = tpu.vector_load %arg10[%swap3A_1381, %swap3A_1382, %swap3A_1383] {strides = array<i32>} : memref<32x4x128xi32, #tpu.memory_space<vmem>>, vector<16xi32>,
      tpu.vector_store %arg10[%swap3A_1381, %swap3A_1382, %swap3A_1383], %add3A_1379 {strides = array<i32>} : memref<32x4x128xi32, #tpu.memory_space<vmem>>, vector<16xi32>,
      %get3A_1385 = arith.constant 3 : i32
      %get3A_1386 = arith.index_cast %get3A_1385 : i32 to index
      %get3A_1387 = arith.constant 80 : index
      %get3A_1388 = tpu.vector_load %arg7[%get3A_1386, %get3A_1387] {strides = array<i32>} : memref<4x128xi32, #tpu.memory_space<vmem>>, vector<16xi32>,
      %shift_right_arithmetic3A_1389 = arith.constant 7 : i32
      %shift_right_arithmetic3A_1390 = vector.broadcast %shift_right_arithmetic3A_1389 : i32 to vector<16xi32>
      %shift_right_arithmetic3A_1391 = arith.shrsi %get3A_1388, %shift_right_arithmetic3A_1390 : vector<16xi32>
      %mul3A_1392 = arith.constant 4096 : i32
      %mul3A_1393 = vector.broadcast %mul3A_1392 : i32 to vector<16xi32>
      %mul3A_1394 = arith.muli %shift_right_arithmetic3A_1391, %mul3A_1393 : vector<16xi32>
      %mul3A_1395 = arith.constant 128 : i32
      %mul3A_1396 = arith.muli %scan3A_53, %mul3A_1395 : i32
      %add3A_1397 = vector.broadcast %mul3A_1396 : i32 to vector<16xi32>
      %add3A_1398 = arith.addi %mul3A_1394, %add3A_1397 : vector<16xi32>
      %and3A_1399 = arith.constant 127 : i32
      %and3A_1400 = vector.broadcast %and3A_1399 : i32 to vector<16xi32>
      %and3A_1401 = arith.andi %get3A_1388, %and3A_1400 : vector<16xi32>
      %add3A_1402 = arith.addi %add3A_1398, %and3A_1401 : vector<16xi32>
      %swap3A_1403 = arith.constant 3 : i32
      %swap3A_1404 = arith.index_cast %scan3A_53 : i32 to index
      %swap3A_1405 = arith.index_cast %swap3A_1403 : i32 to index
      %swap3A_1406 = arith.constant 80 : index
      %swap3A_1407 = tpu.vector_load %arg9[%swap3A_1404, %swap3A_1405, %swap3A_1406] {strides = array<i32>} : memref<32x4x128xi32, #tpu.memory_space<vmem>>, vector<16xi32>,
      tpu.vector_store %arg9[%swap3A_1404, %swap3A_1405, %swap3A_1406], %add3A_1402 {strides = array<i32>} : memref<32x4x128xi32, #tpu.memory_space<vmem>>, vector<16xi32>,
      %get3A_1408 = arith.constant 3 : i32
      %get3A_1409 = arith.index_cast %get3A_1408 : i32 to index
      %get3A_1410 = arith.constant 80 : index
      %get3A_1411 = tpu.vector_load %arg8[%get3A_1409, %get3A_1410] {strides = array<i32>} : memref<4x128xi32, #tpu.memory_space<vmem>>, vector<16xi32>,
      %shift_right_arithmetic3A_1412 = arith.constant 7 : i32
      %shift_right_arithmetic3A_1413 = vector.broadcast %shift_right_arithmetic3A_1412 : i32 to vector<16xi32>
      %shift_right_arithmetic3A_1414 = arith.shrsi %get3A_1411, %shift_right_arithmetic3A_1413 : vector<16xi32>
      %mul3A_1415 = arith.constant 4096 : i32
      %mul3A_1416 = vector.broadcast %mul3A_1415 : i32 to vector<16xi32>
      %mul3A_1417 = arith.muli %shift_right_arithmetic3A_1414, %mul3A_1416 : vector<16xi32>
      %mul3A_1418 = arith.constant 128 : i32
      %mul3A_1419 = arith.muli %scan3A_53, %mul3A_1418 : i32
      %add3A_1420 = vector.broadcast %mul3A_1419 : i32 to vector<16xi32>
      %add3A_1421 = arith.addi %mul3A_1417, %add3A_1420 : vector<16xi32>
      %and3A_1422 = arith.constant 127 : i32
      %and3A_1423 = vector.broadcast %and3A_1422 : i32 to vector<16xi32>
      %and3A_1424 = arith.andi %get3A_1411, %and3A_1423 : vector<16xi32>
      %add3A_1425 = arith.addi %add3A_1421, %and3A_1424 : vector<16xi32>
      %swap3A_1426 = arith.constant 3 : i32
      %swap3A_1427 = arith.index_cast %scan3A_53 : i32 to index
      %swap3A_1428 = arith.index_cast %swap3A_1426 : i32 to index
      %swap3A_1429 = arith.constant 80 : index
      %swap3A_1430 = tpu.vector_load %arg10[%swap3A_1427, %swap3A_1428, %swap3A_1429] {strides = array<i32>} : memref<32x4x128xi32, #tpu.memory_space<vmem>>, vector<16xi32>,
      tpu.vector_store %arg10[%swap3A_1427, %swap3A_1428, %swap3A_1429], %add3A_1425 {strides = array<i32>} : memref<32x4x128xi32, #tpu.memory_space<vmem>>, vector<16xi32>,
      %get3A_1431 = arith.constant 3 : i32
      %get3A_1432 = arith.index_cast %get3A_1431 : i32 to index
      %get3A_1433 = arith.constant 96 : index
      %get3A_1434 = tpu.vector_load %arg7[%get3A_1432, %get3A_1433] {strides = array<i32>} : memref<4x128xi32, #tpu.memory_space<vmem>>, vector<16xi32>,
      %shift_right_arithmetic3A_1435 = arith.constant 7 : i32
      %shift_right_arithmetic3A_1436 = vector.broadcast %shift_right_arithmetic3A_1435 : i32 to vector<16xi32>
      %shift_right_arithmetic3A_1437 = arith.shrsi %get3A_1434, %shift_right_arithmetic3A_1436 : vector<16xi32>
      %mul3A_1438 = arith.constant 4096 : i32
      %mul3A_1439 = vector.broadcast %mul3A_1438 : i32 to vector<16xi32>
      %mul3A_1440 = arith.muli %shift_right_arithmetic3A_1437, %mul3A_1439 : vector<16xi32>
      %mul3A_1441 = arith.constant 128 : i32
      %mul3A_1442 = arith.muli %scan3A_53, %mul3A_1441 : i32
      %add3A_1443 = vector.broadcast %mul3A_1442 : i32 to vector<16xi32>
      %add3A_1444 = arith.addi %mul3A_1440, %add3A_1443 : vector<16xi32>
      %and3A_1445 = arith.constant 127 : i32
      %and3A_1446 = vector.broadcast %and3A_1445 : i32 to vector<16xi32>
      %and3A_1447 = arith.andi %get3A_1434, %and3A_1446 : vector<16xi32>
      %add3A_1448 = arith.addi %add3A_1444, %and3A_1447 : vector<16xi32>
      %swap3A_1449 = arith.constant 3 : i32
      %swap3A_1450 = arith.index_cast %scan3A_53 : i32 to index
      %swap3A_1451 = arith.index_cast %swap3A_1449 : i32 to index
      %swap3A_1452 = arith.constant 96 : index
      %swap3A_1453 = tpu.vector_load %arg9[%swap3A_1450, %swap3A_1451, %swap3A_1452] {strides = array<i32>} : memref<32x4x128xi32, #tpu.memory_space<vmem>>, vector<16xi32>,
      tpu.vector_store %arg9[%swap3A_1450, %swap3A_1451, %swap3A_1452], %add3A_1448 {strides = array<i32>} : memref<32x4x128xi32, #tpu.memory_space<vmem>>, vector<16xi32>,
      %get3A_1454 = arith.constant 3 : i32
      %get3A_1455 = arith.index_cast %get3A_1454 : i32 to index
      %get3A_1456 = arith.constant 96 : index
      %get3A_1457 = tpu.vector_load %arg8[%get3A_1455, %get3A_1456] {strides = array<i32>} : memref<4x128xi32, #tpu.memory_space<vmem>>, vector<16xi32>,
      %shift_right_arithmetic3A_1458 = arith.constant 7 : i32
      %shift_right_arithmetic3A_1459 = vector.broadcast %shift_right_arithmetic3A_1458 : i32 to vector<16xi32>
      %shift_right_arithmetic3A_1460 = arith.shrsi %get3A_1457, %shift_right_arithmetic3A_1459 : vector<16xi32>
      %mul3A_1461 = arith.constant 4096 : i32
      %mul3A_1462 = vector.broadcast %mul3A_1461 : i32 to vector<16xi32>
      %mul3A_1463 = arith.muli %shift_right_arithmetic3A_1460, %mul3A_1462 : vector<16xi32>
      %mul3A_1464 = arith.constant 128 : i32
      %mul3A_1465 = arith.muli %scan3A_53, %mul3A_1464 : i32
      %add3A_1466 = vector.broadcast %mul3A_1465 : i32 to vector<16xi32>
      %add3A_1467 = arith.addi %mul3A_1463, %add3A_1466 : vector<16xi32>
      %and3A_1468 = arith.constant 127 : i32
      %and3A_1469 = vector.broadcast %and3A_1468 : i32 to vector<16xi32>
      %and3A_1470 = arith.andi %get3A_1457, %and3A_1469 : vector<16xi32>
      %add3A_1471 = arith.addi %add3A_1467, %and3A_1470 : vector<16xi32>
      %swap3A_1472 = arith.constant 3 : i32
      %swap3A_1473 = arith.index_cast %scan3A_53 : i32 to index
      %swap3A_1474 = arith.index_cast %swap3A_1472 : i32 to index
      %swap3A_1475 = arith.constant 96 : index
      %swap3A_1476 = tpu.vector_load %arg10[%swap3A_1473, %swap3A_1474, %swap3A_1475] {strides = array<i32>} : memref<32x4x128xi32, #tpu.memory_space<vmem>>, vector<16xi32>,
      tpu.vector_store %arg10[%swap3A_1473, %swap3A_1474, %swap3A_1475], %add3A_1471 {strides = array<i32>} : memref<32x4x128xi32, #tpu.memory_space<vmem>>, vector<16xi32>,
      %get3A_1477 = arith.constant 3 : i32
      %get3A_1478 = arith.index_cast %get3A_1477 : i32 to index
      %get3A_1479 = arith.constant 112 : index
      %get3A_1480 = tpu.vector_load %arg7[%get3A_1478, %get3A_1479] {strides = array<i32>} : memref<4x128xi32, #tpu.memory_space<vmem>>, vector<16xi32>,
      %shift_right_arithmetic3A_1481 = arith.constant 7 : i32
      %shift_right_arithmetic3A_1482 = vector.broadcast %shift_right_arithmetic3A_1481 : i32 to vector<16xi32>
      %shift_right_arithmetic3A_1483 = arith.shrsi %get3A_1480, %shift_right_arithmetic3A_1482 : vector<16xi32>
      %mul3A_1484 = arith.constant 4096 : i32
      %mul3A_1485 = vector.broadcast %mul3A_1484 : i32 to vector<16xi32>
      %mul3A_1486 = arith.muli %shift_right_arithmetic3A_1483, %mul3A_1485 : vector<16xi32>
      %mul3A_1487 = arith.constant 128 : i32
      %mul3A_1488 = arith.muli %scan3A_53, %mul3A_1487 : i32
      %add3A_1489 = vector.broadcast %mul3A_1488 : i32 to vector<16xi32>
      %add3A_1490 = arith.addi %mul3A_1486, %add3A_1489 : vector<16xi32>
      %and3A_1491 = arith.constant 127 : i32
      %and3A_1492 = vector.broadcast %and3A_1491 : i32 to vector<16xi32>
      %and3A_1493 = arith.andi %get3A_1480, %and3A_1492 : vector<16xi32>
      %add3A_1494 = arith.addi %add3A_1490, %and3A_1493 : vector<16xi32>
      %swap3A_1495 = arith.constant 3 : i32
      %swap3A_1496 = arith.index_cast %scan3A_53 : i32 to index
      %swap3A_1497 = arith.index_cast %swap3A_1495 : i32 to index
      %swap3A_1498 = arith.constant 112 : index
      %swap3A_1499 = tpu.vector_load %arg9[%swap3A_1496, %swap3A_1497, %swap3A_1498] {strides = array<i32>} : memref<32x4x128xi32, #tpu.memory_space<vmem>>, vector<16xi32>,
      tpu.vector_store %arg9[%swap3A_1496, %swap3A_1497, %swap3A_1498], %add3A_1494 {strides = array<i32>} : memref<32x4x128xi32, #tpu.memory_space<vmem>>, vector<16xi32>,
      %get3A_1500 = arith.constant 3 : i32
      %get3A_1501 = arith.index_cast %get3A_1500 : i32 to index
      %get3A_1502 = arith.constant 112 : index
      %get3A_1503 = tpu.vector_load %arg8[%get3A_1501, %get3A_1502] {strides = array<i32>} : memref<4x128xi32, #tpu.memory_space<vmem>>, vector<16xi32>,
      %shift_right_arithmetic3A_1504 = arith.constant 7 : i32
      %shift_right_arithmetic3A_1505 = vector.broadcast %shift_right_arithmetic3A_1504 : i32 to vector<16xi32>
      %shift_right_arithmetic3A_1506 = arith.shrsi %get3A_1503, %shift_right_arithmetic3A_1505 : vector<16xi32>
      %mul3A_1507 = arith.constant 4096 : i32
      %mul3A_1508 = vector.broadcast %mul3A_1507 : i32 to vector<16xi32>
      %mul3A_1509 = arith.muli %shift_right_arithmetic3A_1506, %mul3A_1508 : vector<16xi32>
      %mul3A_1510 = arith.constant 128 : i32
      %mul3A_1511 = arith.muli %scan3A_53, %mul3A_1510 : i32
      %add3A_1512 = vector.broadcast %mul3A_1511 : i32 to vector<16xi32>
      %add3A_1513 = arith.addi %mul3A_1509, %add3A_1512 : vector<16xi32>
      %and3A_1514 = arith.constant 127 : i32
      %and3A_1515 = vector.broadcast %and3A_1514 : i32 to vector<16xi32>
      %and3A_1516 = arith.andi %get3A_1503, %and3A_1515 : vector<16xi32>
      %add3A_1517 = arith.addi %add3A_1513, %and3A_1516 : vector<16xi32>
      %swap3A_1518 = arith.constant 3 : i32
      %swap3A_1519 = arith.index_cast %scan3A_53 : i32 to index
      %swap3A_1520 = arith.index_cast %swap3A_1518 : i32 to index
      %swap3A_1521 = arith.constant 112 : index
      %swap3A_1522 = tpu.vector_load %arg10[%swap3A_1519, %swap3A_1520, %swap3A_1521] {strides = array<i32>} : memref<32x4x128xi32, #tpu.memory_space<vmem>>, vector<16xi32>,
      tpu.vector_store %arg10[%swap3A_1519, %swap3A_1520, %swap3A_1521], %add3A_1517 {strides = array<i32>} : memref<32x4x128xi32, #tpu.memory_space<vmem>>, vector<16xi32>,
      %scan3A_1523 = arith.constant 0 : i32
      scf.yield %scan3A_1523 : i32
    }
    %scan3A_31 = arith.constant 32 : i32
    %scan3A_32 = arith.constant 0 : i32
    %scan3A_33 = arith.constant 0 : i32
    %scan3A_34 = arith.constant 32 : i32
    %scan3A_35 = arith.addi %scan3A_33, %scan3A_34 : i32
    %scan3A_36 = arith.constant 1 : i32
    %scan3A_37 = scf.for %scan3A_53 = %scan3A_33 to %scan3A_35 step %scan3A_36 iter_args(%scan3A_54 = %scan3A_32) -> (i32)  : i32 {
      %dma_start3A = arith.constant 0 : i32
      %dma_start3A_55 = arith.constant 0 : i32
      %dma_start3A_56 = tpu.memref_slice %arg11[%scan3A_53, %dma_start3A_55] : memref<32x512xf32, #tpu.memory_space<vmem>> -> memref<1x128xf32, #tpu.memory_space<vmem>>
      %dma_start3A_57 = tpu.memref_squeeze %dma_start3A_56 : memref<1x128xf32, #tpu.memory_space<vmem>> -> memref<128xf32, #tpu.memory_space<vmem>>
      %dma_start3A_58 = arith.constant 0 : i32
      %dma_start3A_59 = tpu.memref_slice %arg9[%scan3A_53, %dma_start3A, %dma_start3A_58] : memref<32x4x128xi32, #tpu.memory_space<vmem>> -> memref<1x1x128xi32, #tpu.memory_space<vmem>>
      %dma_start3A_60 = tpu.memref_squeeze %dma_start3A_59 : memref<1x1x128xi32, #tpu.memory_space<vmem>> -> memref<128xi32, #tpu.memory_space<vmem>>
      %dma_start3A_61 = arith.constant 0 : i32
      %dma_start3A_62 = tpu.memref_slice %arg4[%dma_start3A_61] : memref<32014336xf32, #tpu.memory_space<hbm>> -> memref<32014336xf32, #tpu.memory_space<hbm>>
      tpu.enqueue_indirect_dma source(%dma_start3A_62 : memref<32014336xf32, #tpu.memory_space<hbm>>) target(%dma_start3A_57 : memref<128xf32, #tpu.memory_space<vmem>>) offsets(%dma_start3A_60 : memref<128xi32, #tpu.memory_space<vmem>>) semaphore(%arg14 : memref<!tpu.dma_semaphore, #tpu.memory_space<semaphore_mem>>)
      %dma_start3A_63 = arith.constant 0 : i32
      %dma_start3A_64 = arith.constant 0 : i32
      %dma_start3A_65 = tpu.memref_slice %arg12[%scan3A_53, %dma_start3A_64] : memref<32x512xf32, #tpu.memory_space<vmem>> -> memref<1x128xf32, #tpu.memory_space<vmem>>
      %dma_start3A_66 = tpu.memref_squeeze %dma_start3A_65 : memref<1x128xf32, #tpu.memory_space<vmem>> -> memref<128xf32, #tpu.memory_space<vmem>>
      %dma_start3A_67 = arith.constant 0 : i32
      %dma_start3A_68 = tpu.memref_slice %arg10[%scan3A_53, %dma_start3A_63, %dma_start3A_67] : memref<32x4x128xi32, #tpu.memory_space<vmem>> -> memref<1x1x128xi32, #tpu.memory_space<vmem>>
      %dma_start3A_69 = tpu.memref_squeeze %dma_start3A_68 : memref<1x1x128xi32, #tpu.memory_space<vmem>> -> memref<128xi32, #tpu.memory_space<vmem>>
      %dma_start3A_70 = arith.constant 0 : i32
      %dma_start3A_71 = tpu.memref_slice %arg5[%dma_start3A_70] : memref<3211264xf32, #tpu.memory_space<hbm>> -> memref<3211264xf32, #tpu.memory_space<hbm>>
      tpu.enqueue_indirect_dma source(%dma_start3A_71 : memref<3211264xf32, #tpu.memory_space<hbm>>) target(%dma_start3A_66 : memref<128xf32, #tpu.memory_space<vmem>>) offsets(%dma_start3A_69 : memref<128xi32, #tpu.memory_space<vmem>>) semaphore(%arg14 : memref<!tpu.dma_semaphore, #tpu.memory_space<semaphore_mem>>)
      %dma_start3A_72 = arith.constant 1 : i32
      %dma_start3A_73 = arith.constant 128 : i32
      %dma_start3A_74 = tpu.memref_slice %arg11[%scan3A_53, %dma_start3A_73] : memref<32x512xf32, #tpu.memory_space<vmem>> -> memref<1x128xf32, #tpu.memory_space<vmem>>
      %dma_start3A_75 = tpu.memref_squeeze %dma_start3A_74 : memref<1x128xf32, #tpu.memory_space<vmem>> -> memref<128xf32, #tpu.memory_space<vmem>>
      %dma_start3A_76 = arith.constant 0 : i32
      %dma_start3A_77 = tpu.memref_slice %arg9[%scan3A_53, %dma_start3A_72, %dma_start3A_76] : memref<32x4x128xi32, #tpu.memory_space<vmem>> -> memref<1x1x128xi32, #tpu.memory_space<vmem>>
      %dma_start3A_78 = tpu.memref_squeeze %dma_start3A_77 : memref<1x1x128xi32, #tpu.memory_space<vmem>> -> memref<128xi32, #tpu.memory_space<vmem>>
      %dma_start3A_79 = arith.constant 0 : i32
      %dma_start3A_80 = tpu.memref_slice %arg4[%dma_start3A_79] : memref<32014336xf32, #tpu.memory_space<hbm>> -> memref<32014336xf32, #tpu.memory_space<hbm>>
      tpu.enqueue_indirect_dma source(%dma_start3A_80 : memref<32014336xf32, #tpu.memory_space<hbm>>) target(%dma_start3A_75 : memref<128xf32, #tpu.memory_space<vmem>>) offsets(%dma_start3A_78 : memref<128xi32, #tpu.memory_space<vmem>>) semaphore(%arg14 : memref<!tpu.dma_semaphore, #tpu.memory_space<semaphore_mem>>)
      %dma_start3A_81 = arith.constant 1 : i32
      %dma_start3A_82 = arith.constant 128 : i32
      %dma_start3A_83 = tpu.memref_slice %arg12[%scan3A_53, %dma_start3A_82] : memref<32x512xf32, #tpu.memory_space<vmem>> -> memref<1x128xf32, #tpu.memory_space<vmem>>
      %dma_start3A_84 = tpu.memref_squeeze %dma_start3A_83 : memref<1x128xf32, #tpu.memory_space<vmem>> -> memref<128xf32, #tpu.memory_space<vmem>>
      %dma_start3A_85 = arith.constant 0 : i32
      %dma_start3A_86 = tpu.memref_slice %arg10[%scan3A_53, %dma_start3A_81, %dma_start3A_85] : memref<32x4x128xi32, #tpu.memory_space<vmem>> -> memref<1x1x128xi32, #tpu.memory_space<vmem>>
      %dma_start3A_87 = tpu.memref_squeeze %dma_start3A_86 : memref<1x1x128xi32, #tpu.memory_space<vmem>> -> memref<128xi32, #tpu.memory_space<vmem>>
      %dma_start3A_88 = arith.constant 0 : i32
      %dma_start3A_89 = tpu.memref_slice %arg5[%dma_start3A_88] : memref<3211264xf32, #tpu.memory_space<hbm>> -> memref<3211264xf32, #tpu.memory_space<hbm>>
      tpu.enqueue_indirect_dma source(%dma_start3A_89 : memref<3211264xf32, #tpu.memory_space<hbm>>) target(%dma_start3A_84 : memref<128xf32, #tpu.memory_space<vmem>>) offsets(%dma_start3A_87 : memref<128xi32, #tpu.memory_space<vmem>>) semaphore(%arg14 : memref<!tpu.dma_semaphore, #tpu.memory_space<semaphore_mem>>)
      %dma_start3A_90 = arith.constant 2 : i32
      %dma_start3A_91 = arith.constant 256 : i32
      %dma_start3A_92 = tpu.memref_slice %arg11[%scan3A_53, %dma_start3A_91] : memref<32x512xf32, #tpu.memory_space<vmem>> -> memref<1x128xf32, #tpu.memory_space<vmem>>
      %dma_start3A_93 = tpu.memref_squeeze %dma_start3A_92 : memref<1x128xf32, #tpu.memory_space<vmem>> -> memref<128xf32, #tpu.memory_space<vmem>>
      %dma_start3A_94 = arith.constant 0 : i32
      %dma_start3A_95 = tpu.memref_slice %arg9[%scan3A_53, %dma_start3A_90, %dma_start3A_94] : memref<32x4x128xi32, #tpu.memory_space<vmem>> -> memref<1x1x128xi32, #tpu.memory_space<vmem>>
      %dma_start3A_96 = tpu.memref_squeeze %dma_start3A_95 : memref<1x1x128xi32, #tpu.memory_space<vmem>> -> memref<128xi32, #tpu.memory_space<vmem>>
      %dma_start3A_97 = arith.constant 0 : i32
      %dma_start3A_98 = tpu.memref_slice %arg4[%dma_start3A_97] : memref<32014336xf32, #tpu.memory_space<hbm>> -> memref<32014336xf32, #tpu.memory_space<hbm>>
      tpu.enqueue_indirect_dma source(%dma_start3A_98 : memref<32014336xf32, #tpu.memory_space<hbm>>) target(%dma_start3A_93 : memref<128xf32, #tpu.memory_space<vmem>>) offsets(%dma_start3A_96 : memref<128xi32, #tpu.memory_space<vmem>>) semaphore(%arg14 : memref<!tpu.dma_semaphore, #tpu.memory_space<semaphore_mem>>)
      %dma_start3A_99 = arith.constant 2 : i32
      %dma_start3A_100 = arith.constant 256 : i32
      %dma_start3A_101 = tpu.memref_slice %arg12[%scan3A_53, %dma_start3A_100] : memref<32x512xf32, #tpu.memory_space<vmem>> -> memref<1x128xf32, #tpu.memory_space<vmem>>
      %dma_start3A_102 = tpu.memref_squeeze %dma_start3A_101 : memref<1x128xf32, #tpu.memory_space<vmem>> -> memref<128xf32, #tpu.memory_space<vmem>>
      %dma_start3A_103 = arith.constant 0 : i32
      %dma_start3A_104 = tpu.memref_slice %arg10[%scan3A_53, %dma_start3A_99, %dma_start3A_103] : memref<32x4x128xi32, #tpu.memory_space<vmem>> -> memref<1x1x128xi32, #tpu.memory_space<vmem>>
      %dma_start3A_105 = tpu.memref_squeeze %dma_start3A_104 : memref<1x1x128xi32, #tpu.memory_space<vmem>> -> memref<128xi32, #tpu.memory_space<vmem>>
      %dma_start3A_106 = arith.constant 0 : i32
      %dma_start3A_107 = tpu.memref_slice %arg5[%dma_start3A_106] : memref<3211264xf32, #tpu.memory_space<hbm>> -> memref<3211264xf32, #tpu.memory_space<hbm>>
      tpu.enqueue_indirect_dma source(%dma_start3A_107 : memref<3211264xf32, #tpu.memory_space<hbm>>) target(%dma_start3A_102 : memref<128xf32, #tpu.memory_space<vmem>>) offsets(%dma_start3A_105 : memref<128xi32, #tpu.memory_space<vmem>>) semaphore(%arg14 : memref<!tpu.dma_semaphore, #tpu.memory_space<semaphore_mem>>)
      %dma_start3A_108 = arith.constant 3 : i32
      %dma_start3A_109 = arith.constant 384 : i32
      %dma_start3A_110 = tpu.memref_slice %arg11[%scan3A_53, %dma_start3A_109] : memref<32x512xf32, #tpu.memory_space<vmem>> -> memref<1x128xf32, #tpu.memory_space<vmem>>
      %dma_start3A_111 = tpu.memref_squeeze %dma_start3A_110 : memref<1x128xf32, #tpu.memory_space<vmem>> -> memref<128xf32, #tpu.memory_space<vmem>>
      %dma_start3A_112 = arith.constant 0 : i32
      %dma_start3A_113 = tpu.memref_slice %arg9[%scan3A_53, %dma_start3A_108, %dma_start3A_112] : memref<32x4x128xi32, #tpu.memory_space<vmem>> -> memref<1x1x128xi32, #tpu.memory_space<vmem>>
      %dma_start3A_114 = tpu.memref_squeeze %dma_start3A_113 : memref<1x1x128xi32, #tpu.memory_space<vmem>> -> memref<128xi32, #tpu.memory_space<vmem>>
      %dma_start3A_115 = arith.constant 0 : i32
      %dma_start3A_116 = tpu.memref_slice %arg4[%dma_start3A_115] : memref<32014336xf32, #tpu.memory_space<hbm>> -> memref<32014336xf32, #tpu.memory_space<hbm>>
      tpu.enqueue_indirect_dma source(%dma_start3A_116 : memref<32014336xf32, #tpu.memory_space<hbm>>) target(%dma_start3A_111 : memref<128xf32, #tpu.memory_space<vmem>>) offsets(%dma_start3A_114 : memref<128xi32, #tpu.memory_space<vmem>>) semaphore(%arg14 : memref<!tpu.dma_semaphore, #tpu.memory_space<semaphore_mem>>)
      %dma_start3A_117 = arith.constant 3 : i32
      %dma_start3A_118 = arith.constant 384 : i32
      %dma_start3A_119 = tpu.memref_slice %arg12[%scan3A_53, %dma_start3A_118] : memref<32x512xf32, #tpu.memory_space<vmem>> -> memref<1x128xf32, #tpu.memory_space<vmem>>
      %dma_start3A_120 = tpu.memref_squeeze %dma_start3A_119 : memref<1x128xf32, #tpu.memory_space<vmem>> -> memref<128xf32, #tpu.memory_space<vmem>>
      %dma_start3A_121 = arith.constant 0 : i32
      %dma_start3A_122 = tpu.memref_slice %arg10[%scan3A_53, %dma_start3A_117, %dma_start3A_121] : memref<32x4x128xi32, #tpu.memory_space<vmem>> -> memref<1x1x128xi32, #tpu.memory_space<vmem>>
      %dma_start3A_123 = tpu.memref_squeeze %dma_start3A_122 : memref<1x1x128xi32, #tpu.memory_space<vmem>> -> memref<128xi32, #tpu.memory_space<vmem>>
      %dma_start3A_124 = arith.constant 0 : i32
      %dma_start3A_125 = tpu.memref_slice %arg5[%dma_start3A_124] : memref<3211264xf32, #tpu.memory_space<hbm>> -> memref<3211264xf32, #tpu.memory_space<hbm>>
      tpu.enqueue_indirect_dma source(%dma_start3A_125 : memref<3211264xf32, #tpu.memory_space<hbm>>) target(%dma_start3A_120 : memref<128xf32, #tpu.memory_space<vmem>>) offsets(%dma_start3A_123 : memref<128xi32, #tpu.memory_space<vmem>>) semaphore(%arg14 : memref<!tpu.dma_semaphore, #tpu.memory_space<semaphore_mem>>)
      %scan3A_126 = arith.constant 0 : i32
      scf.yield %scan3A_126 : i32
    }
    %scan3A_38 = arith.constant 32 : i32
    %scan3A_39 = arith.constant 0 : i32
    %scan3A_40 = arith.constant 0 : i32
    %scan3A_41 = arith.constant 32 : i32
    %scan3A_42 = arith.addi %scan3A_40, %scan3A_41 : i32
    %scan3A_43 = arith.constant 1 : i32
    %scan3A_44 = scf.for %scan3A_53 = %scan3A_40 to %scan3A_42 step %scan3A_43 iter_args(%scan3A_54 = %scan3A_39) -> (i32)  : i32 {
      %dma_wait3A = arith.constant 0 : i32
      %dma_wait3A_55 = arith.constant 0 : i32
      %dma_wait3A_56 = tpu.memref_slice %arg11[%scan3A_53, %dma_wait3A_55] : memref<32x512xf32, #tpu.memory_space<vmem>> -> memref<1x128xf32, #tpu.memory_space<vmem>>
      %dma_wait3A_57 = tpu.memref_squeeze %dma_wait3A_56 : memref<1x128xf32, #tpu.memory_space<vmem>> -> memref<128xf32, #tpu.memory_space<vmem>>
      %dma_wait3A_58 = arith.constant 0 : i32
      %dma_wait3A_59 = tpu.memref_slice %arg9[%scan3A_53, %dma_wait3A, %dma_wait3A_58] : memref<32x4x128xi32, #tpu.memory_space<vmem>> -> memref<1x1x128xi32, #tpu.memory_space<vmem>>
      %dma_wait3A_60 = tpu.memref_squeeze %dma_wait3A_59 : memref<1x1x128xi32, #tpu.memory_space<vmem>> -> memref<128xi32, #tpu.memory_space<vmem>>
      %dma_wait3A_61 = arith.constant 0 : i32
      %dma_wait3A_62 = tpu.memref_slice %arg4[%dma_wait3A_61] : memref<32014336xf32, #tpu.memory_space<hbm>> -> memref<32014336xf32, #tpu.memory_space<hbm>>
      tpu.wait_indirect_dma semaphore(%arg14 : memref<!tpu.dma_semaphore, #tpu.memory_space<semaphore_mem>>) src(%dma_wait3A_62 : memref<32014336xf32, #tpu.memory_space<hbm>>) dst(%dma_wait3A_57 : memref<128xf32, #tpu.memory_space<vmem>>)
      %dma_wait3A_63 = arith.constant 0 : i32
      %dma_wait3A_64 = arith.constant 0 : i32
      %dma_wait3A_65 = tpu.memref_slice %arg12[%scan3A_53, %dma_wait3A_64] : memref<32x512xf32, #tpu.memory_space<vmem>> -> memref<1x128xf32, #tpu.memory_space<vmem>>
      %dma_wait3A_66 = tpu.memref_squeeze %dma_wait3A_65 : memref<1x128xf32, #tpu.memory_space<vmem>> -> memref<128xf32, #tpu.memory_space<vmem>>
      %dma_wait3A_67 = arith.constant 0 : i32
      %dma_wait3A_68 = tpu.memref_slice %arg10[%scan3A_53, %dma_wait3A_63, %dma_wait3A_67] : memref<32x4x128xi32, #tpu.memory_space<vmem>> -> memref<1x1x128xi32, #tpu.memory_space<vmem>>
      %dma_wait3A_69 = tpu.memref_squeeze %dma_wait3A_68 : memref<1x1x128xi32, #tpu.memory_space<vmem>> -> memref<128xi32, #tpu.memory_space<vmem>>
      %dma_wait3A_70 = arith.constant 0 : i32
      %dma_wait3A_71 = tpu.memref_slice %arg5[%dma_wait3A_70] : memref<3211264xf32, #tpu.memory_space<hbm>> -> memref<3211264xf32, #tpu.memory_space<hbm>>
      tpu.wait_indirect_dma semaphore(%arg14 : memref<!tpu.dma_semaphore, #tpu.memory_space<semaphore_mem>>) src(%dma_wait3A_71 : memref<3211264xf32, #tpu.memory_space<hbm>>) dst(%dma_wait3A_66 : memref<128xf32, #tpu.memory_space<vmem>>)
      %dma_wait3A_72 = arith.constant 1 : i32
      %dma_wait3A_73 = arith.constant 128 : i32
      %dma_wait3A_74 = tpu.memref_slice %arg11[%scan3A_53, %dma_wait3A_73] : memref<32x512xf32, #tpu.memory_space<vmem>> -> memref<1x128xf32, #tpu.memory_space<vmem>>
      %dma_wait3A_75 = tpu.memref_squeeze %dma_wait3A_74 : memref<1x128xf32, #tpu.memory_space<vmem>> -> memref<128xf32, #tpu.memory_space<vmem>>
      %dma_wait3A_76 = arith.constant 0 : i32
      %dma_wait3A_77 = tpu.memref_slice %arg9[%scan3A_53, %dma_wait3A_72, %dma_wait3A_76] : memref<32x4x128xi32, #tpu.memory_space<vmem>> -> memref<1x1x128xi32, #tpu.memory_space<vmem>>
      %dma_wait3A_78 = tpu.memref_squeeze %dma_wait3A_77 : memref<1x1x128xi32, #tpu.memory_space<vmem>> -> memref<128xi32, #tpu.memory_space<vmem>>
      %dma_wait3A_79 = arith.constant 0 : i32
      %dma_wait3A_80 = tpu.memref_slice %arg4[%dma_wait3A_79] : memref<32014336xf32, #tpu.memory_space<hbm>> -> memref<32014336xf32, #tpu.memory_space<hbm>>
      tpu.wait_indirect_dma semaphore(%arg14 : memref<!tpu.dma_semaphore, #tpu.memory_space<semaphore_mem>>) src(%dma_wait3A_80 : memref<32014336xf32, #tpu.memory_space<hbm>>) dst(%dma_wait3A_75 : memref<128xf32, #tpu.memory_space<vmem>>)
      %dma_wait3A_81 = arith.constant 1 : i32
      %dma_wait3A_82 = arith.constant 128 : i32
      %dma_wait3A_83 = tpu.memref_slice %arg12[%scan3A_53, %dma_wait3A_82] : memref<32x512xf32, #tpu.memory_space<vmem>> -> memref<1x128xf32, #tpu.memory_space<vmem>>
      %dma_wait3A_84 = tpu.memref_squeeze %dma_wait3A_83 : memref<1x128xf32, #tpu.memory_space<vmem>> -> memref<128xf32, #tpu.memory_space<vmem>>
      %dma_wait3A_85 = arith.constant 0 : i32
      %dma_wait3A_86 = tpu.memref_slice %arg10[%scan3A_53, %dma_wait3A_81, %dma_wait3A_85] : memref<32x4x128xi32, #tpu.memory_space<vmem>> -> memref<1x1x128xi32, #tpu.memory_space<vmem>>
      %dma_wait3A_87 = tpu.memref_squeeze %dma_wait3A_86 : memref<1x1x128xi32, #tpu.memory_space<vmem>> -> memref<128xi32, #tpu.memory_space<vmem>>
      %dma_wait3A_88 = arith.constant 0 : i32
      %dma_wait3A_89 = tpu.memref_slice %arg5[%dma_wait3A_88] : memref<3211264xf32, #tpu.memory_space<hbm>> -> memref<3211264xf32, #tpu.memory_space<hbm>>
      tpu.wait_indirect_dma semaphore(%arg14 : memref<!tpu.dma_semaphore, #tpu.memory_space<semaphore_mem>>) src(%dma_wait3A_89 : memref<3211264xf32, #tpu.memory_space<hbm>>) dst(%dma_wait3A_84 : memref<128xf32, #tpu.memory_space<vmem>>)
      %dma_wait3A_90 = arith.constant 2 : i32
      %dma_wait3A_91 = arith.constant 256 : i32
      %dma_wait3A_92 = tpu.memref_slice %arg11[%scan3A_53, %dma_wait3A_91] : memref<32x512xf32, #tpu.memory_space<vmem>> -> memref<1x128xf32, #tpu.memory_space<vmem>>
      %dma_wait3A_93 = tpu.memref_squeeze %dma_wait3A_92 : memref<1x128xf32, #tpu.memory_space<vmem>> -> memref<128xf32, #tpu.memory_space<vmem>>
      %dma_wait3A_94 = arith.constant 0 : i32
      %dma_wait3A_95 = tpu.memref_slice %arg9[%scan3A_53, %dma_wait3A_90, %dma_wait3A_94] : memref<32x4x128xi32, #tpu.memory_space<vmem>> -> memref<1x1x128xi32, #tpu.memory_space<vmem>>
      %dma_wait3A_96 = tpu.memref_squeeze %dma_wait3A_95 : memref<1x1x128xi32, #tpu.memory_space<vmem>> -> memref<128xi32, #tpu.memory_space<vmem>>
      %dma_wait3A_97 = arith.constant 0 : i32
      %dma_wait3A_98 = tpu.memref_slice %arg4[%dma_wait3A_97] : memref<32014336xf32, #tpu.memory_space<hbm>> -> memref<32014336xf32, #tpu.memory_space<hbm>>
      tpu.wait_indirect_dma semaphore(%arg14 : memref<!tpu.dma_semaphore, #tpu.memory_space<semaphore_mem>>) src(%dma_wait3A_98 : memref<32014336xf32, #tpu.memory_space<hbm>>) dst(%dma_wait3A_93 : memref<128xf32, #tpu.memory_space<vmem>>)
      %dma_wait3A_99 = arith.constant 2 : i32
      %dma_wait3A_100 = arith.constant 256 : i32
      %dma_wait3A_101 = tpu.memref_slice %arg12[%scan3A_53, %dma_wait3A_100] : memref<32x512xf32, #tpu.memory_space<vmem>> -> memref<1x128xf32, #tpu.memory_space<vmem>>
      %dma_wait3A_102 = tpu.memref_squeeze %dma_wait3A_101 : memref<1x128xf32, #tpu.memory_space<vmem>> -> memref<128xf32, #tpu.memory_space<vmem>>
      %dma_wait3A_103 = arith.constant 0 : i32
      %dma_wait3A_104 = tpu.memref_slice %arg10[%scan3A_53, %dma_wait3A_99, %dma_wait3A_103] : memref<32x4x128xi32, #tpu.memory_space<vmem>> -> memref<1x1x128xi32, #tpu.memory_space<vmem>>
      %dma_wait3A_105 = tpu.memref_squeeze %dma_wait3A_104 : memref<1x1x128xi32, #tpu.memory_space<vmem>> -> memref<128xi32, #tpu.memory_space<vmem>>
      %dma_wait3A_106 = arith.constant 0 : i32
      %dma_wait3A_107 = tpu.memref_slice %arg5[%dma_wait3A_106] : memref<3211264xf32, #tpu.memory_space<hbm>> -> memref<3211264xf32, #tpu.memory_space<hbm>>
      tpu.wait_indirect_dma semaphore(%arg14 : memref<!tpu.dma_semaphore, #tpu.memory_space<semaphore_mem>>) src(%dma_wait3A_107 : memref<3211264xf32, #tpu.memory_space<hbm>>) dst(%dma_wait3A_102 : memref<128xf32, #tpu.memory_space<vmem>>)
      %dma_wait3A_108 = arith.constant 3 : i32
      %dma_wait3A_109 = arith.constant 384 : i32
      %dma_wait3A_110 = tpu.memref_slice %arg11[%scan3A_53, %dma_wait3A_109] : memref<32x512xf32, #tpu.memory_space<vmem>> -> memref<1x128xf32, #tpu.memory_space<vmem>>
      %dma_wait3A_111 = tpu.memref_squeeze %dma_wait3A_110 : memref<1x128xf32, #tpu.memory_space<vmem>> -> memref<128xf32, #tpu.memory_space<vmem>>
      %dma_wait3A_112 = arith.constant 0 : i32
      %dma_wait3A_113 = tpu.memref_slice %arg9[%scan3A_53, %dma_wait3A_108, %dma_wait3A_112] : memref<32x4x128xi32, #tpu.memory_space<vmem>> -> memref<1x1x128xi32, #tpu.memory_space<vmem>>
      %dma_wait3A_114 = tpu.memref_squeeze %dma_wait3A_113 : memref<1x1x128xi32, #tpu.memory_space<vmem>> -> memref<128xi32, #tpu.memory_space<vmem>>
      %dma_wait3A_115 = arith.constant 0 : i32
      %dma_wait3A_116 = tpu.memref_slice %arg4[%dma_wait3A_115] : memref<32014336xf32, #tpu.memory_space<hbm>> -> memref<32014336xf32, #tpu.memory_space<hbm>>
      tpu.wait_indirect_dma semaphore(%arg14 : memref<!tpu.dma_semaphore, #tpu.memory_space<semaphore_mem>>) src(%dma_wait3A_116 : memref<32014336xf32, #tpu.memory_space<hbm>>) dst(%dma_wait3A_111 : memref<128xf32, #tpu.memory_space<vmem>>)
      %dma_wait3A_117 = arith.constant 3 : i32
      %dma_wait3A_118 = arith.constant 384 : i32
      %dma_wait3A_119 = tpu.memref_slice %arg12[%scan3A_53, %dma_wait3A_118] : memref<32x512xf32, #tpu.memory_space<vmem>> -> memref<1x128xf32, #tpu.memory_space<vmem>>
      %dma_wait3A_120 = tpu.memref_squeeze %dma_wait3A_119 : memref<1x128xf32, #tpu.memory_space<vmem>> -> memref<128xf32, #tpu.memory_space<vmem>>
      %dma_wait3A_121 = arith.constant 0 : i32
      %dma_wait3A_122 = tpu.memref_slice %arg10[%scan3A_53, %dma_wait3A_117, %dma_wait3A_121] : memref<32x4x128xi32, #tpu.memory_space<vmem>> -> memref<1x1x128xi32, #tpu.memory_space<vmem>>
      %dma_wait3A_123 = tpu.memref_squeeze %dma_wait3A_122 : memref<1x1x128xi32, #tpu.memory_space<vmem>> -> memref<128xi32, #tpu.memory_space<vmem>>
      %dma_wait3A_124 = arith.constant 0 : i32
      %dma_wait3A_125 = tpu.memref_slice %arg5[%dma_wait3A_124] : memref<3211264xf32, #tpu.memory_space<hbm>> -> memref<3211264xf32, #tpu.memory_space<hbm>>
      tpu.wait_indirect_dma semaphore(%arg14 : memref<!tpu.dma_semaphore, #tpu.memory_space<semaphore_mem>>) src(%dma_wait3A_125 : memref<3211264xf32, #tpu.memory_space<hbm>>) dst(%dma_wait3A_120 : memref<128xf32, #tpu.memory_space<vmem>>)
      %scan3A_126 = arith.constant 0 : i32
      scf.yield %scan3A_126 : i32
    }
    %scan3A_45 = arith.constant 32 : i32
    %scan3A_46 = arith.constant 0 : i32
    %scan3A_47 = arith.constant 0 : i32
    %scan3A_48 = arith.constant 32 : i32
    %scan3A_49 = arith.addi %scan3A_47, %scan3A_48 : i32
    %scan3A_50 = arith.constant 1 : i32
    %scan3A_51 = scf.for %scan3A_53 = %scan3A_47 to %scan3A_49 step %scan3A_50 iter_args(%scan3A_54 = %scan3A_46) -> (i32)  : i32 {
      %mul3A_55 = arith.constant 16 : i32
      %mul3A_56 = arith.muli %scan3A_53, %mul3A_55 : i32
      %get3A = arith.constant 0 : i32
      %get3A_57 = arith.index_cast %get3A : i32 to index
      %get3A_58 = arith.index_cast %mul3A_56 : i32 to index
      %get3A_59 = tpu.vector_load %arg11[%get3A_57, %get3A_58] {strides = array<i32>} : memref<32x512xf32, #tpu.memory_space<vmem>>, vector<16xf32>,
      %get3A_60 = arith.constant 0 : i32
      %get3A_61 = arith.index_cast %get3A_60 : i32 to index
      %get3A_62 = arith.index_cast %mul3A_56 : i32 to index
      %get3A_63 = tpu.vector_load %arg12[%get3A_61, %get3A_62] {strides = array<i32>} : memref<32x512xf32, #tpu.memory_space<vmem>>, vector<16xf32>,
      %mul3A_64 = arith.mulf %get3A_59, %get3A_63 : vector<16xf32>
      %get3A_65 = arith.constant 1 : i32
      %get3A_66 = arith.index_cast %get3A_65 : i32 to index
      %get3A_67 = arith.index_cast %mul3A_56 : i32 to index
      %get3A_68 = tpu.vector_load %arg11[%get3A_66, %get3A_67] {strides = array<i32>} : memref<32x512xf32, #tpu.memory_space<vmem>>, vector<16xf32>,
      %get3A_69 = arith.constant 1 : i32
      %get3A_70 = arith.index_cast %get3A_69 : i32 to index
      %get3A_71 = arith.index_cast %mul3A_56 : i32 to index
      %get3A_72 = tpu.vector_load %arg12[%get3A_70, %get3A_71] {strides = array<i32>} : memref<32x512xf32, #tpu.memory_space<vmem>>, vector<16xf32>,
      %mul3A_73 = arith.mulf %get3A_68, %get3A_72 : vector<16xf32>
      %add3A_74 = arith.addf %mul3A_64, %mul3A_73 : vector<16xf32>
      %get3A_75 = arith.constant 2 : i32
      %get3A_76 = arith.index_cast %get3A_75 : i32 to index
      %get3A_77 = arith.index_cast %mul3A_56 : i32 to index
      %get3A_78 = tpu.vector_load %arg11[%get3A_76, %get3A_77] {strides = array<i32>} : memref<32x512xf32, #tpu.memory_space<vmem>>, vector<16xf32>,
      %get3A_79 = arith.constant 2 : i32
      %get3A_80 = arith.index_cast %get3A_79 : i32 to index
      %get3A_81 = arith.index_cast %mul3A_56 : i32 to index
      %get3A_82 = tpu.vector_load %arg12[%get3A_80, %get3A_81] {strides = array<i32>} : memref<32x512xf32, #tpu.memory_space<vmem>>, vector<16xf32>,
      %mul3A_83 = arith.mulf %get3A_78, %get3A_82 : vector<16xf32>
      %add3A_84 = arith.addf %add3A_74, %mul3A_83 : vector<16xf32>
      %get3A_85 = arith.constant 3 : i32
      %get3A_86 = arith.index_cast %get3A_85 : i32 to index
      %get3A_87 = arith.index_cast %mul3A_56 : i32 to index
      %get3A_88 = tpu.vector_load %arg11[%get3A_86, %get3A_87] {strides = array<i32>} : memref<32x512xf32, #tpu.memory_space<vmem>>, vector<16xf32>,
      %get3A_89 = arith.constant 3 : i32
      %get3A_90 = arith.index_cast %get3A_89 : i32 to index
      %get3A_91 = arith.index_cast %mul3A_56 : i32 to index
      %get3A_92 = tpu.vector_load %arg12[%get3A_90, %get3A_91] {strides = array<i32>} : memref<32x512xf32, #tpu.memory_space<vmem>>, vector<16xf32>,
      %mul3A_93 = arith.mulf %get3A_88, %get3A_92 : vector<16xf32>
      %add3A_94 = arith.addf %add3A_84, %mul3A_93 : vector<16xf32>
      %get3A_95 = arith.constant 4 : i32
      %get3A_96 = arith.index_cast %get3A_95 : i32 to index
      %get3A_97 = arith.index_cast %mul3A_56 : i32 to index
      %get3A_98 = tpu.vector_load %arg11[%get3A_96, %get3A_97] {strides = array<i32>} : memref<32x512xf32, #tpu.memory_space<vmem>>, vector<16xf32>,
      %get3A_99 = arith.constant 4 : i32
      %get3A_100 = arith.index_cast %get3A_99 : i32 to index
      %get3A_101 = arith.index_cast %mul3A_56 : i32 to index
      %get3A_102 = tpu.vector_load %arg12[%get3A_100, %get3A_101] {strides = array<i32>} : memref<32x512xf32, #tpu.memory_space<vmem>>, vector<16xf32>,
      %mul3A_103 = arith.mulf %get3A_98, %get3A_102 : vector<16xf32>
      %add3A_104 = arith.addf %add3A_94, %mul3A_103 : vector<16xf32>
      %get3A_105 = arith.constant 5 : i32
      %get3A_106 = arith.index_cast %get3A_105 : i32 to index
      %get3A_107 = arith.index_cast %mul3A_56 : i32 to index
      %get3A_108 = tpu.vector_load %arg11[%get3A_106, %get3A_107] {strides = array<i32>} : memref<32x512xf32, #tpu.memory_space<vmem>>, vector<16xf32>,
      %get3A_109 = arith.constant 5 : i32
      %get3A_110 = arith.index_cast %get3A_109 : i32 to index
      %get3A_111 = arith.index_cast %mul3A_56 : i32 to index
      %get3A_112 = tpu.vector_load %arg12[%get3A_110, %get3A_111] {strides = array<i32>} : memref<32x512xf32, #tpu.memory_space<vmem>>, vector<16xf32>,
      %mul3A_113 = arith.mulf %get3A_108, %get3A_112 : vector<16xf32>
      %add3A_114 = arith.addf %add3A_104, %mul3A_113 : vector<16xf32>
      %get3A_115 = arith.constant 6 : i32
      %get3A_116 = arith.index_cast %get3A_115 : i32 to index
      %get3A_117 = arith.index_cast %mul3A_56 : i32 to index
      %get3A_118 = tpu.vector_load %arg11[%get3A_116, %get3A_117] {strides = array<i32>} : memref<32x512xf32, #tpu.memory_space<vmem>>, vector<16xf32>,
      %get3A_119 = arith.constant 6 : i32
      %get3A_120 = arith.index_cast %get3A_119 : i32 to index
      %get3A_121 = arith.index_cast %mul3A_56 : i32 to index
      %get3A_122 = tpu.vector_load %arg12[%get3A_120, %get3A_121] {strides = array<i32>} : memref<32x512xf32, #tpu.memory_space<vmem>>, vector<16xf32>,
      %mul3A_123 = arith.mulf %get3A_118, %get3A_122 : vector<16xf32>
      %add3A_124 = arith.addf %add3A_114, %mul3A_123 : vector<16xf32>
      %get3A_125 = arith.constant 7 : i32
      %get3A_126 = arith.index_cast %get3A_125 : i32 to index
      %get3A_127 = arith.index_cast %mul3A_56 : i32 to index
      %get3A_128 = tpu.vector_load %arg11[%get3A_126, %get3A_127] {strides = array<i32>} : memref<32x512xf32, #tpu.memory_space<vmem>>, vector<16xf32>,
      %get3A_129 = arith.constant 7 : i32
      %get3A_130 = arith.index_cast %get3A_129 : i32 to index
      %get3A_131 = arith.index_cast %mul3A_56 : i32 to index
      %get3A_132 = tpu.vector_load %arg12[%get3A_130, %get3A_131] {strides = array<i32>} : memref<32x512xf32, #tpu.memory_space<vmem>>, vector<16xf32>,
      %mul3A_133 = arith.mulf %get3A_128, %get3A_132 : vector<16xf32>
      %add3A_134 = arith.addf %add3A_124, %mul3A_133 : vector<16xf32>
      %get3A_135 = arith.constant 8 : i32
      %get3A_136 = arith.index_cast %get3A_135 : i32 to index
      %get3A_137 = arith.index_cast %mul3A_56 : i32 to index
      %get3A_138 = tpu.vector_load %arg11[%get3A_136, %get3A_137] {strides = array<i32>} : memref<32x512xf32, #tpu.memory_space<vmem>>, vector<16xf32>,
      %get3A_139 = arith.constant 8 : i32
      %get3A_140 = arith.index_cast %get3A_139 : i32 to index
      %get3A_141 = arith.index_cast %mul3A_56 : i32 to index
      %get3A_142 = tpu.vector_load %arg12[%get3A_140, %get3A_141] {strides = array<i32>} : memref<32x512xf32, #tpu.memory_space<vmem>>, vector<16xf32>,
      %mul3A_143 = arith.mulf %get3A_138, %get3A_142 : vector<16xf32>
      %add3A_144 = arith.addf %add3A_134, %mul3A_143 : vector<16xf32>
      %get3A_145 = arith.constant 9 : i32
      %get3A_146 = arith.index_cast %get3A_145 : i32 to index
      %get3A_147 = arith.index_cast %mul3A_56 : i32 to index
      %get3A_148 = tpu.vector_load %arg11[%get3A_146, %get3A_147] {strides = array<i32>} : memref<32x512xf32, #tpu.memory_space<vmem>>, vector<16xf32>,
      %get3A_149 = arith.constant 9 : i32
      %get3A_150 = arith.index_cast %get3A_149 : i32 to index
      %get3A_151 = arith.index_cast %mul3A_56 : i32 to index
      %get3A_152 = tpu.vector_load %arg12[%get3A_150, %get3A_151] {strides = array<i32>} : memref<32x512xf32, #tpu.memory_space<vmem>>, vector<16xf32>,
      %mul3A_153 = arith.mulf %get3A_148, %get3A_152 : vector<16xf32>
      %add3A_154 = arith.addf %add3A_144, %mul3A_153 : vector<16xf32>
      %get3A_155 = arith.constant 10 : i32
      %get3A_156 = arith.index_cast %get3A_155 : i32 to index
      %get3A_157 = arith.index_cast %mul3A_56 : i32 to index
      %get3A_158 = tpu.vector_load %arg11[%get3A_156, %get3A_157] {strides = array<i32>} : memref<32x512xf32, #tpu.memory_space<vmem>>, vector<16xf32>,
      %get3A_159 = arith.constant 10 : i32
      %get3A_160 = arith.index_cast %get3A_159 : i32 to index
      %get3A_161 = arith.index_cast %mul3A_56 : i32 to index
      %get3A_162 = tpu.vector_load %arg12[%get3A_160, %get3A_161] {strides = array<i32>} : memref<32x512xf32, #tpu.memory_space<vmem>>, vector<16xf32>,
      %mul3A_163 = arith.mulf %get3A_158, %get3A_162 : vector<16xf32>
      %add3A_164 = arith.addf %add3A_154, %mul3A_163 : vector<16xf32>
      %get3A_165 = arith.constant 11 : i32
      %get3A_166 = arith.index_cast %get3A_165 : i32 to index
      %get3A_167 = arith.index_cast %mul3A_56 : i32 to index
      %get3A_168 = tpu.vector_load %arg11[%get3A_166, %get3A_167] {strides = array<i32>} : memref<32x512xf32, #tpu.memory_space<vmem>>, vector<16xf32>,
      %get3A_169 = arith.constant 11 : i32
      %get3A_170 = arith.index_cast %get3A_169 : i32 to index
      %get3A_171 = arith.index_cast %mul3A_56 : i32 to index
      %get3A_172 = tpu.vector_load %arg12[%get3A_170, %get3A_171] {strides = array<i32>} : memref<32x512xf32, #tpu.memory_space<vmem>>, vector<16xf32>,
      %mul3A_173 = arith.mulf %get3A_168, %get3A_172 : vector<16xf32>
      %add3A_174 = arith.addf %add3A_164, %mul3A_173 : vector<16xf32>
      %get3A_175 = arith.constant 12 : i32
      %get3A_176 = arith.index_cast %get3A_175 : i32 to index
      %get3A_177 = arith.index_cast %mul3A_56 : i32 to index
      %get3A_178 = tpu.vector_load %arg11[%get3A_176, %get3A_177] {strides = array<i32>} : memref<32x512xf32, #tpu.memory_space<vmem>>, vector<16xf32>,
      %get3A_179 = arith.constant 12 : i32
      %get3A_180 = arith.index_cast %get3A_179 : i32 to index
      %get3A_181 = arith.index_cast %mul3A_56 : i32 to index
      %get3A_182 = tpu.vector_load %arg12[%get3A_180, %get3A_181] {strides = array<i32>} : memref<32x512xf32, #tpu.memory_space<vmem>>, vector<16xf32>,
      %mul3A_183 = arith.mulf %get3A_178, %get3A_182 : vector<16xf32>
      %add3A_184 = arith.addf %add3A_174, %mul3A_183 : vector<16xf32>
      %get3A_185 = arith.constant 13 : i32
      %get3A_186 = arith.index_cast %get3A_185 : i32 to index
      %get3A_187 = arith.index_cast %mul3A_56 : i32 to index
      %get3A_188 = tpu.vector_load %arg11[%get3A_186, %get3A_187] {strides = array<i32>} : memref<32x512xf32, #tpu.memory_space<vmem>>, vector<16xf32>,
      %get3A_189 = arith.constant 13 : i32
      %get3A_190 = arith.index_cast %get3A_189 : i32 to index
      %get3A_191 = arith.index_cast %mul3A_56 : i32 to index
      %get3A_192 = tpu.vector_load %arg12[%get3A_190, %get3A_191] {strides = array<i32>} : memref<32x512xf32, #tpu.memory_space<vmem>>, vector<16xf32>,
      %mul3A_193 = arith.mulf %get3A_188, %get3A_192 : vector<16xf32>
      %add3A_194 = arith.addf %add3A_184, %mul3A_193 : vector<16xf32>
      %get3A_195 = arith.constant 14 : i32
      %get3A_196 = arith.index_cast %get3A_195 : i32 to index
      %get3A_197 = arith.index_cast %mul3A_56 : i32 to index
      %get3A_198 = tpu.vector_load %arg11[%get3A_196, %get3A_197] {strides = array<i32>} : memref<32x512xf32, #tpu.memory_space<vmem>>, vector<16xf32>,
      %get3A_199 = arith.constant 14 : i32
      %get3A_200 = arith.index_cast %get3A_199 : i32 to index
      %get3A_201 = arith.index_cast %mul3A_56 : i32 to index
      %get3A_202 = tpu.vector_load %arg12[%get3A_200, %get3A_201] {strides = array<i32>} : memref<32x512xf32, #tpu.memory_space<vmem>>, vector<16xf32>,
      %mul3A_203 = arith.mulf %get3A_198, %get3A_202 : vector<16xf32>
      %add3A_204 = arith.addf %add3A_194, %mul3A_203 : vector<16xf32>
      %get3A_205 = arith.constant 15 : i32
      %get3A_206 = arith.index_cast %get3A_205 : i32 to index
      %get3A_207 = arith.index_cast %mul3A_56 : i32 to index
      %get3A_208 = tpu.vector_load %arg11[%get3A_206, %get3A_207] {strides = array<i32>} : memref<32x512xf32, #tpu.memory_space<vmem>>, vector<16xf32>,
      %get3A_209 = arith.constant 15 : i32
      %get3A_210 = arith.index_cast %get3A_209 : i32 to index
      %get3A_211 = arith.index_cast %mul3A_56 : i32 to index
      %get3A_212 = tpu.vector_load %arg12[%get3A_210, %get3A_211] {strides = array<i32>} : memref<32x512xf32, #tpu.memory_space<vmem>>, vector<16xf32>,
      %mul3A_213 = arith.mulf %get3A_208, %get3A_212 : vector<16xf32>
      %add3A_214 = arith.addf %add3A_204, %mul3A_213 : vector<16xf32>
      %get3A_215 = arith.constant 16 : i32
      %get3A_216 = arith.index_cast %get3A_215 : i32 to index
      %get3A_217 = arith.index_cast %mul3A_56 : i32 to index
      %get3A_218 = tpu.vector_load %arg11[%get3A_216, %get3A_217] {strides = array<i32>} : memref<32x512xf32, #tpu.memory_space<vmem>>, vector<16xf32>,
      %get3A_219 = arith.constant 16 : i32
      %get3A_220 = arith.index_cast %get3A_219 : i32 to index
      %get3A_221 = arith.index_cast %mul3A_56 : i32 to index
      %get3A_222 = tpu.vector_load %arg12[%get3A_220, %get3A_221] {strides = array<i32>} : memref<32x512xf32, #tpu.memory_space<vmem>>, vector<16xf32>,
      %mul3A_223 = arith.mulf %get3A_218, %get3A_222 : vector<16xf32>
      %add3A_224 = arith.addf %add3A_214, %mul3A_223 : vector<16xf32>
      %get3A_225 = arith.constant 17 : i32
      %get3A_226 = arith.index_cast %get3A_225 : i32 to index
      %get3A_227 = arith.index_cast %mul3A_56 : i32 to index
      %get3A_228 = tpu.vector_load %arg11[%get3A_226, %get3A_227] {strides = array<i32>} : memref<32x512xf32, #tpu.memory_space<vmem>>, vector<16xf32>,
      %get3A_229 = arith.constant 17 : i32
      %get3A_230 = arith.index_cast %get3A_229 : i32 to index
      %get3A_231 = arith.index_cast %mul3A_56 : i32 to index
      %get3A_232 = tpu.vector_load %arg12[%get3A_230, %get3A_231] {strides = array<i32>} : memref<32x512xf32, #tpu.memory_space<vmem>>, vector<16xf32>,
      %mul3A_233 = arith.mulf %get3A_228, %get3A_232 : vector<16xf32>
      %add3A_234 = arith.addf %add3A_224, %mul3A_233 : vector<16xf32>
      %get3A_235 = arith.constant 18 : i32
      %get3A_236 = arith.index_cast %get3A_235 : i32 to index
      %get3A_237 = arith.index_cast %mul3A_56 : i32 to index
      %get3A_238 = tpu.vector_load %arg11[%get3A_236, %get3A_237] {strides = array<i32>} : memref<32x512xf32, #tpu.memory_space<vmem>>, vector<16xf32>,
      %get3A_239 = arith.constant 18 : i32
      %get3A_240 = arith.index_cast %get3A_239 : i32 to index
      %get3A_241 = arith.index_cast %mul3A_56 : i32 to index
      %get3A_242 = tpu.vector_load %arg12[%get3A_240, %get3A_241] {strides = array<i32>} : memref<32x512xf32, #tpu.memory_space<vmem>>, vector<16xf32>,
      %mul3A_243 = arith.mulf %get3A_238, %get3A_242 : vector<16xf32>
      %add3A_244 = arith.addf %add3A_234, %mul3A_243 : vector<16xf32>
      %get3A_245 = arith.constant 19 : i32
      %get3A_246 = arith.index_cast %get3A_245 : i32 to index
      %get3A_247 = arith.index_cast %mul3A_56 : i32 to index
      %get3A_248 = tpu.vector_load %arg11[%get3A_246, %get3A_247] {strides = array<i32>} : memref<32x512xf32, #tpu.memory_space<vmem>>, vector<16xf32>,
      %get3A_249 = arith.constant 19 : i32
      %get3A_250 = arith.index_cast %get3A_249 : i32 to index
      %get3A_251 = arith.index_cast %mul3A_56 : i32 to index
      %get3A_252 = tpu.vector_load %arg12[%get3A_250, %get3A_251] {strides = array<i32>} : memref<32x512xf32, #tpu.memory_space<vmem>>, vector<16xf32>,
      %mul3A_253 = arith.mulf %get3A_248, %get3A_252 : vector<16xf32>
      %add3A_254 = arith.addf %add3A_244, %mul3A_253 : vector<16xf32>
      %get3A_255 = arith.constant 20 : i32
      %get3A_256 = arith.index_cast %get3A_255 : i32 to index
      %get3A_257 = arith.index_cast %mul3A_56 : i32 to index
      %get3A_258 = tpu.vector_load %arg11[%get3A_256, %get3A_257] {strides = array<i32>} : memref<32x512xf32, #tpu.memory_space<vmem>>, vector<16xf32>,
      %get3A_259 = arith.constant 20 : i32
      %get3A_260 = arith.index_cast %get3A_259 : i32 to index
      %get3A_261 = arith.index_cast %mul3A_56 : i32 to index
      %get3A_262 = tpu.vector_load %arg12[%get3A_260, %get3A_261] {strides = array<i32>} : memref<32x512xf32, #tpu.memory_space<vmem>>, vector<16xf32>,
      %mul3A_263 = arith.mulf %get3A_258, %get3A_262 : vector<16xf32>
      %add3A_264 = arith.addf %add3A_254, %mul3A_263 : vector<16xf32>
      %get3A_265 = arith.constant 21 : i32
      %get3A_266 = arith.index_cast %get3A_265 : i32 to index
      %get3A_267 = arith.index_cast %mul3A_56 : i32 to index
      %get3A_268 = tpu.vector_load %arg11[%get3A_266, %get3A_267] {strides = array<i32>} : memref<32x512xf32, #tpu.memory_space<vmem>>, vector<16xf32>,
      %get3A_269 = arith.constant 21 : i32
      %get3A_270 = arith.index_cast %get3A_269 : i32 to index
      %get3A_271 = arith.index_cast %mul3A_56 : i32 to index
      %get3A_272 = tpu.vector_load %arg12[%get3A_270, %get3A_271] {strides = array<i32>} : memref<32x512xf32, #tpu.memory_space<vmem>>, vector<16xf32>,
      %mul3A_273 = arith.mulf %get3A_268, %get3A_272 : vector<16xf32>
      %add3A_274 = arith.addf %add3A_264, %mul3A_273 : vector<16xf32>
      %get3A_275 = arith.constant 22 : i32
      %get3A_276 = arith.index_cast %get3A_275 : i32 to index
      %get3A_277 = arith.index_cast %mul3A_56 : i32 to index
      %get3A_278 = tpu.vector_load %arg11[%get3A_276, %get3A_277] {strides = array<i32>} : memref<32x512xf32, #tpu.memory_space<vmem>>, vector<16xf32>,
      %get3A_279 = arith.constant 22 : i32
      %get3A_280 = arith.index_cast %get3A_279 : i32 to index
      %get3A_281 = arith.index_cast %mul3A_56 : i32 to index
      %get3A_282 = tpu.vector_load %arg12[%get3A_280, %get3A_281] {strides = array<i32>} : memref<32x512xf32, #tpu.memory_space<vmem>>, vector<16xf32>,
      %mul3A_283 = arith.mulf %get3A_278, %get3A_282 : vector<16xf32>
      %add3A_284 = arith.addf %add3A_274, %mul3A_283 : vector<16xf32>
      %get3A_285 = arith.constant 23 : i32
      %get3A_286 = arith.index_cast %get3A_285 : i32 to index
      %get3A_287 = arith.index_cast %mul3A_56 : i32 to index
      %get3A_288 = tpu.vector_load %arg11[%get3A_286, %get3A_287] {strides = array<i32>} : memref<32x512xf32, #tpu.memory_space<vmem>>, vector<16xf32>,
      %get3A_289 = arith.constant 23 : i32
      %get3A_290 = arith.index_cast %get3A_289 : i32 to index
      %get3A_291 = arith.index_cast %mul3A_56 : i32 to index
      %get3A_292 = tpu.vector_load %arg12[%get3A_290, %get3A_291] {strides = array<i32>} : memref<32x512xf32, #tpu.memory_space<vmem>>, vector<16xf32>,
      %mul3A_293 = arith.mulf %get3A_288, %get3A_292 : vector<16xf32>
      %add3A_294 = arith.addf %add3A_284, %mul3A_293 : vector<16xf32>
      %get3A_295 = arith.constant 24 : i32
      %get3A_296 = arith.index_cast %get3A_295 : i32 to index
      %get3A_297 = arith.index_cast %mul3A_56 : i32 to index
      %get3A_298 = tpu.vector_load %arg11[%get3A_296, %get3A_297] {strides = array<i32>} : memref<32x512xf32, #tpu.memory_space<vmem>>, vector<16xf32>,
      %get3A_299 = arith.constant 24 : i32
      %get3A_300 = arith.index_cast %get3A_299 : i32 to index
      %get3A_301 = arith.index_cast %mul3A_56 : i32 to index
      %get3A_302 = tpu.vector_load %arg12[%get3A_300, %get3A_301] {strides = array<i32>} : memref<32x512xf32, #tpu.memory_space<vmem>>, vector<16xf32>,
      %mul3A_303 = arith.mulf %get3A_298, %get3A_302 : vector<16xf32>
      %add3A_304 = arith.addf %add3A_294, %mul3A_303 : vector<16xf32>
      %get3A_305 = arith.constant 25 : i32
      %get3A_306 = arith.index_cast %get3A_305 : i32 to index
      %get3A_307 = arith.index_cast %mul3A_56 : i32 to index
      %get3A_308 = tpu.vector_load %arg11[%get3A_306, %get3A_307] {strides = array<i32>} : memref<32x512xf32, #tpu.memory_space<vmem>>, vector<16xf32>,
      %get3A_309 = arith.constant 25 : i32
      %get3A_310 = arith.index_cast %get3A_309 : i32 to index
      %get3A_311 = arith.index_cast %mul3A_56 : i32 to index
      %get3A_312 = tpu.vector_load %arg12[%get3A_310, %get3A_311] {strides = array<i32>} : memref<32x512xf32, #tpu.memory_space<vmem>>, vector<16xf32>,
      %mul3A_313 = arith.mulf %get3A_308, %get3A_312 : vector<16xf32>
      %add3A_314 = arith.addf %add3A_304, %mul3A_313 : vector<16xf32>
      %get3A_315 = arith.constant 26 : i32
      %get3A_316 = arith.index_cast %get3A_315 : i32 to index
      %get3A_317 = arith.index_cast %mul3A_56 : i32 to index
      %get3A_318 = tpu.vector_load %arg11[%get3A_316, %get3A_317] {strides = array<i32>} : memref<32x512xf32, #tpu.memory_space<vmem>>, vector<16xf32>,
      %get3A_319 = arith.constant 26 : i32
      %get3A_320 = arith.index_cast %get3A_319 : i32 to index
      %get3A_321 = arith.index_cast %mul3A_56 : i32 to index
      %get3A_322 = tpu.vector_load %arg12[%get3A_320, %get3A_321] {strides = array<i32>} : memref<32x512xf32, #tpu.memory_space<vmem>>, vector<16xf32>,
      %mul3A_323 = arith.mulf %get3A_318, %get3A_322 : vector<16xf32>
      %add3A_324 = arith.addf %add3A_314, %mul3A_323 : vector<16xf32>
      %get3A_325 = arith.constant 27 : i32
      %get3A_326 = arith.index_cast %get3A_325 : i32 to index
      %get3A_327 = arith.index_cast %mul3A_56 : i32 to index
      %get3A_328 = tpu.vector_load %arg11[%get3A_326, %get3A_327] {strides = array<i32>} : memref<32x512xf32, #tpu.memory_space<vmem>>, vector<16xf32>,
      %get3A_329 = arith.constant 27 : i32
      %get3A_330 = arith.index_cast %get3A_329 : i32 to index
      %get3A_331 = arith.index_cast %mul3A_56 : i32 to index
      %get3A_332 = tpu.vector_load %arg12[%get3A_330, %get3A_331] {strides = array<i32>} : memref<32x512xf32, #tpu.memory_space<vmem>>, vector<16xf32>,
      %mul3A_333 = arith.mulf %get3A_328, %get3A_332 : vector<16xf32>
      %add3A_334 = arith.addf %add3A_324, %mul3A_333 : vector<16xf32>
      %get3A_335 = arith.constant 28 : i32
      %get3A_336 = arith.index_cast %get3A_335 : i32 to index
      %get3A_337 = arith.index_cast %mul3A_56 : i32 to index
      %get3A_338 = tpu.vector_load %arg11[%get3A_336, %get3A_337] {strides = array<i32>} : memref<32x512xf32, #tpu.memory_space<vmem>>, vector<16xf32>,
      %get3A_339 = arith.constant 28 : i32
      %get3A_340 = arith.index_cast %get3A_339 : i32 to index
      %get3A_341 = arith.index_cast %mul3A_56 : i32 to index
      %get3A_342 = tpu.vector_load %arg12[%get3A_340, %get3A_341] {strides = array<i32>} : memref<32x512xf32, #tpu.memory_space<vmem>>, vector<16xf32>,
      %mul3A_343 = arith.mulf %get3A_338, %get3A_342 : vector<16xf32>
      %add3A_344 = arith.addf %add3A_334, %mul3A_343 : vector<16xf32>
      %get3A_345 = arith.constant 29 : i32
      %get3A_346 = arith.index_cast %get3A_345 : i32 to index
      %get3A_347 = arith.index_cast %mul3A_56 : i32 to index
      %get3A_348 = tpu.vector_load %arg11[%get3A_346, %get3A_347] {strides = array<i32>} : memref<32x512xf32, #tpu.memory_space<vmem>>, vector<16xf32>,
      %get3A_349 = arith.constant 29 : i32
      %get3A_350 = arith.index_cast %get3A_349 : i32 to index
      %get3A_351 = arith.index_cast %mul3A_56 : i32 to index
      %get3A_352 = tpu.vector_load %arg12[%get3A_350, %get3A_351] {strides = array<i32>} : memref<32x512xf32, #tpu.memory_space<vmem>>, vector<16xf32>,
      %mul3A_353 = arith.mulf %get3A_348, %get3A_352 : vector<16xf32>
      %add3A_354 = arith.addf %add3A_344, %mul3A_353 : vector<16xf32>
      %get3A_355 = arith.constant 30 : i32
      %get3A_356 = arith.index_cast %get3A_355 : i32 to index
      %get3A_357 = arith.index_cast %mul3A_56 : i32 to index
      %get3A_358 = tpu.vector_load %arg11[%get3A_356, %get3A_357] {strides = array<i32>} : memref<32x512xf32, #tpu.memory_space<vmem>>, vector<16xf32>,
      %get3A_359 = arith.constant 30 : i32
      %get3A_360 = arith.index_cast %get3A_359 : i32 to index
      %get3A_361 = arith.index_cast %mul3A_56 : i32 to index
      %get3A_362 = tpu.vector_load %arg12[%get3A_360, %get3A_361] {strides = array<i32>} : memref<32x512xf32, #tpu.memory_space<vmem>>, vector<16xf32>,
      %mul3A_363 = arith.mulf %get3A_358, %get3A_362 : vector<16xf32>
      %add3A_364 = arith.addf %add3A_354, %mul3A_363 : vector<16xf32>
      %get3A_365 = arith.constant 31 : i32
      %get3A_366 = arith.index_cast %get3A_365 : i32 to index
      %get3A_367 = arith.index_cast %mul3A_56 : i32 to index
      %get3A_368 = tpu.vector_load %arg11[%get3A_366, %get3A_367] {strides = array<i32>} : memref<32x512xf32, #tpu.memory_space<vmem>>, vector<16xf32>,
      %get3A_369 = arith.constant 31 : i32
      %get3A_370 = arith.index_cast %get3A_369 : i32 to index
      %get3A_371 = arith.index_cast %mul3A_56 : i32 to index
      %get3A_372 = tpu.vector_load %arg12[%get3A_370, %get3A_371] {strides = array<i32>} : memref<32x512xf32, #tpu.memory_space<vmem>>, vector<16xf32>,
      %mul3A_373 = arith.mulf %get3A_368, %get3A_372 : vector<16xf32>
      %add3A_374 = arith.addf %add3A_364, %mul3A_373 : vector<16xf32>
      %swap3A = arith.index_cast %mul3A_56 : i32 to index
      %swap3A_375 = tpu.vector_load %arg13[%swap3A] {strides = array<i32>} : memref<512xf32, #tpu.memory_space<vmem>>, vector<16xf32>,
      tpu.vector_store %arg13[%swap3A], %add3A_374 {strides = array<i32>} : memref<512xf32, #tpu.memory_space<vmem>>, vector<16xf32>,
      %scan3A_376 = arith.constant 0 : i32
      scf.yield %scan3A_376 : i32
    }
    %scan3A_52 = arith.constant 32 : i32
    "tpu.region"() ({
      %run_scoped3A_53 = tpu.sem_alloc : memref<!tpu.dma_semaphore, #tpu.memory_space<semaphore_mem>>
      %dma_start3A = tpu.memref_slice %arg6[%mul3A_2] : memref<16384xf32, #tpu.memory_space<hbm>> -> memref<512xf32, #tpu.memory_space<hbm>>
      %dma_start3A_54 = tpu.memref_slice %arg6[%mul3A_2] : memref<16384xf32, #tpu.memory_space<hbm>> -> memref<512xf32, #tpu.memory_space<hbm>>
      tpu.enqueue_dma source(%arg13 : memref<512xf32, #tpu.memory_space<vmem>>) target(%dma_start3A_54 : memref<512xf32, #tpu.memory_space<hbm>>) target_semaphore(%run_scoped3A_53 : memref<!tpu.dma_semaphore, #tpu.memory_space<semaphore_mem>>)
      %dma_wait3A = tpu.memref_slice %arg6[%mul3A_2] : memref<16384xf32, #tpu.memory_space<hbm>> -> memref<512xf32, #tpu.memory_space<hbm>>
      %dma_wait3A_55 = tpu.memref_slice %arg6[%mul3A_2] : memref<16384xf32, #tpu.memory_space<hbm>> -> memref<512xf32, #tpu.memory_space<hbm>>
      tpu.wait_dma2 semaphore(%run_scoped3A_53 : memref<!tpu.dma_semaphore, #tpu.memory_space<semaphore_mem>>) src(%arg13 : memref<512xf32, #tpu.memory_space<vmem>>) dst(%dma_wait3A_55 : memref<512xf32, #tpu.memory_space<hbm>>)
      tpu.yield
    }) : () -> ()
    return
  }
}

</mosaic_0001>

<sc_bundles>
// kernel: _mf_scores.4.cloned.1.call-start
scs
__scs_entry_jumppad:
0x0: {  	(pc) =	sbr.rel $0x88, $3  }
0x1: {  	(tag) =	ssettag $0x0;
	lr =	simm.s32 $0x1  }
0x2: {  	[smem:$0x3F9D] =	sst lr;
	_ =	strace $0xD0000000  }
0x3: {  	_ = 	snop  }
0x4: {  	_ = 	snop  }
0x5: {  	_ = 	snop  }
0x6: {  	_ = 	snop  }
0x7: {  	_ = 	snop  }
__scs_overlays_trampoline_lowered:
0x8: {  	[smem:$0x3FAC] =	sst s0  }
0x9: {  	[smem:$0x3FAD] =	sst s1  }
0xa: {  	[smem:$0x3FAE] =	sst s2  }
0xb: {  	[smem:$0x3FAF] =	sst s3  }
0xc: {  	[smem:$0x3FB0] =	sst s4  }
0xd: {  	[smem:$0x3FB1] =	sst s5  }
0xe: {  	[smem:$0x3FB2] =	sst s6  }
0xf: {  	[smem:$0x3FB3] =	sst s7  }
0x10: {  	[smem:$0x3FB4] =	sst s8  }
0x11: {  	[smem:$0x3FB5] =	sst s9;
	s0 =	simm.s32 @!p0 $0x0  }
0x12: {  	s1 =	sld [smem:$0x3F9B];
	s0 =	simm.s32 @p0 $0x1  }
0x13: {  	[smem:$0x3FB6] =	sst s0;
	s0 =	simm.s32 @!p1 $0x0  }
0x14: {  	s2 =	sld [smem:$0x3F9A];
	s0 =	simm.s32 @p1 $0x1  }
0x15: {  	[smem:$0x3FB7] =	sst s0;
	s0 =	simm.s32 @!p2 $0x0  }
0x16: {  	s3 =	sld [smem:$0x3FDB];
	s0 =	simm.s32 @p2 $0x1  }
0x17: {  	s4 =	simm.s32 $0x1BF5;
	[smem:$0x3FB9] =	sst s0  }
0x18: {  	s0 =	sld [smem:$0x3F9C];
	_ =	swait.ge [sflag:s4], $0x0  }
0x19: {  	s7 =	sld [smem:$0x3F9D]  }
0x1a: {  	s8 =	sadd.s32 $0xFFFFE003, lr  }
0x1b: {  	s9 =	sadd.s32 $0xFFFFFEF7, lr;
	s5 =	simm.s32 $0xFFFFFFFF;
	p2 =	slt.u32 s8, $0xFFFFF086  }
0x1c: {  	p1 =	slt.u32 s9, $0xF7A;
	s5 =	simm.s32 @!p2 $0x0  }
0x1d: {  	s5 =	simm.s32 @p1 $0x1;
	p0 =	seq.s32 s7, s2  }
0x1e: {  	s7 =	smul.u32 @!p0 $0xF7A, s2;
	p2 =	seq.s32 @!p0 s5, $0x0  }
0x1f: {  	s9 =	smul.u32 $0xF7A, s1;
	s8 =	simm.s32 @!p0 $0x1BF5;
	p2 =	por !p2, p0  }
0x20: {  	[sflag:s8] =	ssyncset.s32 @!p0 $0xFFFFF086;
	s6 =	sadd.s32 @!p0 s3, s7;
	s7 =	simm.s32 @!p0 $0x108  }
0x21: {  	s3 =	sadd.s32 s3, s9;
	s6 =	sadd.s32 @!p0 $0x88, s6;
	s7 =	simm.s32 @p2 $0x1082  }
0x22: {  	[simem:s7], [sflag:s8] =	dma.local @!p0 [hbm:s6], $0xF7A  }
0x23: {  	s9 =	sor.u32 $0xD0000000, s2;
	s6 =	simm.s32 $0x108;
	_ =	swait.ge @!p0 [sflag:s8], $0x0  }
0x24: {  	s3 =	sadd.s32 $0x88, s3;
	s6 =	simm.s32 @!p1 $0x1082;
	[sflag:s4] =	ssyncset.s32 $0xFFFFF086  }
0x25: {  	[simem:s6], [sflag:s4] =	dma.local [hbm:s3], $0xF7A  }
0x26: {  	[smem:$0x3F9D] =	sst s1;
	(tag) =	ssettag s2;
	_ =	strace s9  }
0x27: {  	s1 =	sld [smem:$0x3FAD]  }
0x28: {  	s2 =	sld [smem:$0x3FAE]  }
0x29: {  	s4 =	sld [smem:$0x3FB0]  }
0x2a: {  	p0 =	seq.s32 s5, $0x0;
	s5 =	sld [smem:$0x3FB1]  }
0x2b: {  	s6 =	sld [smem:$0x3FB2]  }
0x2c: {  	s7 =	sld [smem:$0x3FB3]  }
0x2d: {  	s3 =	simm.s32 $0x108;
	s8 =	sld [smem:$0x3FB4]  }
0x2e: {  	s3 =	simm.s32 @!p0 $0x1082;
	s9 =	sld [smem:$0x3FB5]  }
0x2f: {  	lr =	sadd.s32 s0, s3;
	s0 =	sld [smem:$0x3FAC]  }
0x30: {  	s3 =	sld [smem:$0x3FAF]  }
0x31: {  	[smem:$0x3FB8] =	sst s10  }
0x32: {  	s10 =	sld [smem:$0x3FB6];
	_ =	sdelay $0x3  }
0x33: {  	p0 =	seq.s32 s10, $0x1;
	s10 =	sld [smem:$0x3FB8];
	_ =	sdelay $0x3  }
0x34: {  	[smem:$0x3FB8] =	sst s10  }
0x35: {  	s10 =	sld [smem:$0x3FB7];
	_ =	sdelay $0x3  }
0x36: {  	p1 =	seq.s32 s10, $0x1;
	s10 =	sld [smem:$0x3FB8];
	_ =	sdelay $0x3  }
0x37: {  	[smem:$0x3FB8] =	sst s10  }
0x38: {  	s10 =	sld [smem:$0x3FB9]  }
0x39: {  	_ = 	snop;
	(pc) =	sbr.ind lr, $3  }
0x3a: {  	_ = 	snop  }
0x3b: {  	_ = 	snop  }
0x3c: {  	p2 =	seq.s32 s10, $0x1;
	s10 =	sld [smem:$0x3FB8]  }
0x3d: {  	_ =	shalt  }
0x3e: {  	_ =	shalt  }
0x3f: {  	_ =	shalt  }
0x40: {  	_ =	shalt  }
0x41: {  	_ =	shalt  }
0x42: {  	_ =	shalt  }
0x43: {  	_ =	shalt  }
0x44: {  	_ =	shalt  }
0x45: {  	_ =	shalt  }
0x46: {  	_ =	shalt  }
0x47: {  	_ =	shalt  }
0x48: {  	_ =	shalt  }
0x49: {  	_ =	shalt  }
0x4a: {  	_ =	shalt  }
0x4b: {  	_ =	shalt  }
0x4c: {  	_ =	shalt  }
0x4d: {  	_ =	shalt  }
0x4e: {  	_ =	shalt  }
0x4f: {  	_ =	shalt  }
0x50: {  	_ =	shalt  }
0x51: {  	_ =	shalt  }
0x52: {  	_ =	shalt  }
0x53: {  	_ =	shalt  }
0x54: {  	_ =	shalt  }
0x55: {  	_ =	shalt  }
0x56: {  	_ =	shalt  }
0x57: {  	_ =	shalt  }
0x58: {  	_ =	shalt  }
0x59: {  	_ =	shalt  }
0x5a: {  	_ =	shalt  }
0x5b: {  	_ =	shalt  }
0x5c: {  	_ =	shalt  }
0x5d: {  	_ =	shalt  }
0x5e: {  	_ =	shalt  }
0x5f: {  	_ =	shalt  }
0x60: {  	_ =	shalt  }
0x61: {  	_ =	shalt  }
0x62: {  	_ =	shalt  }
0x63: {  	_ =	shalt  }
0x64: {  	_ =	shalt  }
0x65: {  	_ =	shalt  }
0x66: {  	_ =	shalt  }
0x67: {  	_ =	shalt  }
0x68: {  	_ =	shalt  }
0x69: {  	_ =	shalt  }
0x6a: {  	_ =	shalt  }
0x6b: {  	_ =	shalt  }
0x6c: {  	_ =	shalt  }
0x6d: {  	_ =	shalt  }
0x6e: {  	_ =	shalt  }
0x6f: {  	_ =	shalt  }
0x70: {  	_ =	shalt  }
0x71: {  	_ =	shalt  }
0x72: {  	_ =	shalt  }
0x73: {  	_ =	shalt  }
0x74: {  	_ =	shalt  }
0x75: {  	_ =	shalt  }
0x76: {  	_ =	shalt  }
0x77: {  	_ =	shalt  }
0x78: {  	_ =	shalt  }
0x79: {  	_ =	shalt  }
0x7a: {  	_ =	shalt  }
0x7b: {  	_ =	shalt  }
0x7c: {  	_ =	shalt  }
0x7d: {  	_ =	shalt  }
0x7e: {  	_ =	shalt  }
0x7f: {  	_ =	shalt  }
0x80: {  	_ =	shalt  }
0x81: {  	_ =	shalt  }
0x82: {  	_ =	shalt  }
0x83: {  	_ =	shalt  }
0x84: {  	_ =	shalt  }
0x85: {  	_ =	shalt  }
0x86: {  	_ =	shalt  }
0x87: {  	_ =	shalt  }
.Lfunc_end0:
.L_simem_size_0:
called_computation_lowered:
.L_overlay_start_0:
0x88: {  	s2 =	sld [smem:$0x3FD9]  }
0x89: {  	s3 =	sld [smem:$0x3FFE];
	_ =	sdelay $0x1  }
0x8a: {  	s1 =	srdreg.scid  }
0x8b: {  	s0 =	sand.u32 $0x1, s1  }
0x8c: {  	s17 =	sshll.u32 s0, $0xA;
	s2 =	sadd.s32 s3, s2  }
0x8d: {  	s2 =	sadd.s32 s2, s17  }
0x8e: {  	[smem:$0x3FC4] =	sst s2  }
0x8f: {  	_ = 	snop  }
0x90: {  	s2 =	sld [smem:$0x3FC7]  }
0x91: {  	s18 =	sld [smem:$0x3FC6];
	(tm) =	ssettm $0x1  }
0x92: {  	s4 =	sld [smem:$0x3FFB];
	_ =	sdelay $0x3  }
0x93: {  	_ =	strace s4  }
0x94: {  	s4 =	sld [smem:$0x3FFC];
	_ =	sdelay $0x3  }
0x95: {  	_ =	strace s4  }
0x96: {  	s4 =	sld [smem:$0x3FFD];
	_ =	sdelay $0x3  }
0x97: {  	_ =	strace s4  }
0x98: {  	_ =	strace $0x8FFFFFFF  }
0x99: {  	s19 =	sld [smem:$0x3FDB];
	_ =	sdelay $0x1  }
0x9a: {  	s5 =	simm.s32 $_scs_section_size  }
0x9b: {  	s6 =	simm.s32 $_size__tile_overlayer_lowered;
	s7 =	simm.s32 $_tile_overlayer_lowered  }
0x9c: {  	s22 =	simm.s32 $0x1BFF;
	s21 =	sshll.u32 s7, $0x1;
	s4 =	sadd.s32 s5, s19  }
0x9d: {  	s8 =	simm.s32 $0x0;
	s20 =	sshll.u32 s6, $0x1;
	s6 =	sadd.s32 s21, s4  }
0x9e: {  	[timem:s8], [sflag:s22] =	dma.local [hbm:s6], s20  }
0x9f: {  	_ =	swait.ge [sflag:s22], s20  }
0xa0: {  	s5 =	ssub.s32 $0x0, s20;
	[sflag:s22] =	ssyncset.done $0x0  }
0xa1: {  	[sflag:s22] =	ssyncadd.s32 s5;
	_ =	sdelay $0x1  }
0xa2: {  	s23 =	simm.s32 $0x1B8B  }
0xa3: {  	_ =	swait.ge [sflag:s23], $0x1  }
0xa4: {  	[sflag:s23] =	ssyncset.done $0x0  }
0xa5: {  	s25 =	simm.s32 $0x1B8E;
	s24 =	sld [smem:$0x3FFE];
	[sflag:s23] =	ssyncadd.s32 $0xFFFFFFFF  }
0xa6: {  	s26 =	simm.s32 $execute0_lowered;
	[smem:$0x3FD2] =	sst s25  }
0xa7: {  	s6 =	sshll.u32 s26, $0x1;
	_ =	strace $0x80000046;
	[dreg:$0x1] =	wrdreg $0xFFFFFFFF  }
0xa8: {  	s28 =	simm.s32 $_size_execute0_lowered;
	s4 =	sadd.s32 s4, s6;
	[dreg:$0x0] =	wrdreg $0x0  }
0xa9: {  	s6 =	sshll.u32 s28, $0x1;
	[dreg:$0x2] =	wrdreg s4  }
0xaa: {  	[dreg:$0x3] =	wrdreg s6  }
0xab: {  	[dreg:$0x4] =	wrdreg $0xC0  }
0xac: {  	_ =	task [dreg:s8], $0x5FFFF  }
0xad: {  	[dreg:$0x1] =	wrdreg $0xFFFFFFFF  }
0xae: {  	[dreg:$0x0] =	wrdreg $0x60  }
0xaf: {  	[dreg:$0x2] =	wrdreg s2  }
0xb0: {  	[dreg:$0x3] =	wrdreg s18  }
0xb1: {  	[dreg:$0x4] =	wrdreg s24  }
0xb2: {  	[dreg:$0x5] =	wrdreg $0x9  }
0xb3: {  	_ =	task.clear_ibuf [dreg:s8], $0x6FFFF;
	_ =	strace $0x90000046  }
0xb4: {  	s29 =	simm.s32 $0x9;
	_ =	strace $0x80000048  }
0xb5: {  	_ =	swait.ge [sflag:s29], $0x1  }
0xb6: {  	[sflag:s29] =	ssyncadd.s32 $0xFFFFFFFF  }
0xb7: {  	_ =	strace $0x90000048  }
0xb8: {  	_ =	sfence  }
0xb9: {  	s30 =	sld [smem:$0x0];
	_ =	sdelay $0x2  }
0xba: {  	s31 =	sshll.u32 s1, $0xD;
	s1 =	sshrl.u32 s1, $0x2  }
0xbb: {  	s3 =	sand.u32 $0x4000, s31;
	s1 =	sadd.s32 s1, s30  }
0xbc: {  	s0 =	sor.u32 s3, s0;
	s1 =	sshll.u32 s1, $0x11  }
0xbd: {  	s0 =	sor.u32 s1, s0  }
0xbe: {  	s0 =	sadd.s32 $0x8F2B, s0  }
0xbf: {  	[sflag:s0] =	ssyncadd.remote.s32 $0x1  }
0xc0: {  	_ =	sfence.sel $0xFFFF  }
0xc1: {  	[dreg:$0x0] =	wrdreg $0xFFFFFFFF;
	(pc) =	sbr.abs _section_cstart, $3  }
0xc2: {  	[dreg:$0x1] =	wrdreg $0xFFFFFFFF  }
0xc3: {  	_ =	task.clear_ibuf [dreg:s8], $0x2FFFF;
	_ =	strace $0x9FFFFFFF  }
0xc4: {  	(tm) =	ssettm $0x7FFFFFFF  }
0xc5: {  	_ =	shalt  }
tec
execute0_lowered:
.L_overlay_start_1:
0x0: {  	(tag) =	ssettag $0x1  }
0x1: {  	s1 =	rddreg [dreg:$0x0]  }
0x2: {  	s0 =	rddreg [dreg:$0x1]  }
0x3: {  	s3 =	rddreg [dreg:$0x2];
	s2 =	simm.s32 $0x0  }
0x4: {  	[smem:$0x7FF] =	sst s2;
	s22 =	sadd.s32 $0xC00, s3  }
0x5: {  	s5 =	sadd.s32 $0x1C00, s3;
	_ =	strace $0x80000047;
	[dreg:$0x5] =	wrdreg s22  }
0x6: {  	s9 =	sadd.s32 $0xC80, s3;
	[dreg:$0xf] =	wrdreg s5  }
0x7: {  	s26 =	sadd.s32 $0xD00, s3;
	[dreg:$0x6] =	wrdreg s9  }
0x8: {  	s28 =	sadd.s32 $0xD80, s3;
	[dreg:$0x7] =	wrdreg s26  }
0x9: {  	s13 =	sadd.s32 $0xE00, s3;
	[dreg:$0x8] =	wrdreg s28  }
0xa: {  	s15 =	sadd.s32 $0xE80, s3;
	[dreg:$0x9] =	wrdreg s13  }
0xb: {  	s23 =	srdreg.scid;
	s16 =	sadd.s32 $0xF00, s3;
	[dreg:$0xa] =	wrdreg s15  }
0xc: {  	s12 =	stileid.u32;
	s17 =	sadd.s32 $0xF80, s3;
	[dreg:$0xb] =	wrdreg s16  }
0xd: {  	s4 =	sand.u32 $0x1, s23;
	s19 =	sadd.s32 $0x1C80, s3;
	[dreg:$0xc] =	wrdreg s17  }
0xe: {  	s25 =	sshll.u32 s12, $0x1;
	s20 =	sadd.s32 $0x1D00, s3;
	[dreg:$0x10] =	wrdreg s19  }
0xf: {  	s6 =	sshll.u32 s12, $0xD;
	s23 =	sadd.s32 $0x1E00, s3;
	[dreg:$0x11] =	wrdreg s20  }
0x10: {  	s24 =	ssub.s32 $0x2, s4;
	s22 =	sadd.s32 $0x1D80, s3;
	[dreg:$0x13] =	wrdreg s23  }
0x11: {  	s2 =	sor.u32 s4, s25;
	s25 =	sadd.s32 $0x1E80, s3;
	[dreg:$0x12] =	wrdreg s22  }
0x12: {  	s6 =	sadd.s32 s6, s3;
	s26 =	sadd.s32 $0x1F00, s3;
	[dreg:$0x14] =	wrdreg s25  }
0x13: {  	s3 =	sadd.s32 $0x1F80, s3;
	s19 =	sshll.u32 s4, $0xC;
	[dreg:$0x15] =	wrdreg s26  }
0x14: {  	s7 =	sshrl.u32 s24, $0x1;
	[dreg:$0x16] =	wrdreg s3;
	s3 =	sadd.s32 s19, s6  }
0x15: {  	s5 =	ssub.s32 s24, s7;
	s7 =	sshll.u32 s2, $0xA;
	s25 =	sadd.s32 $0x2C00, s3  }
0x16: {  	s8 =	sadd.s32 s1, s7;
	[dreg:$0x4] =	wrdreg s25  }
0x17: {  	s14 =	sor.u32 $0x180, s7;
	s26 =	smax.u32 s5, $0x1;
	[dreg:$0x18] =	wrdreg s8  }
0x18: {  	s15 =	sor.u32 $0x200, s7;
	s13 =	sadd.s32 s1, s14;
	[smem:$0x7FD] =	sst s26  }
0x19: {  	s16 =	sor.u32 $0x280, s7;
	s18 =	sadd.s32 s1, s15;
	[dreg:$0x1b] =	wrdreg s13  }
0x1a: {  	s17 =	sor.u32 $0x300, s7;
	s21 =	sadd.s32 s1, s16;
	[dreg:$0x1c] =	wrdreg s18  }
0x1b: {  	s24 =	sadd.s32 s1, s17;
	[dreg:$0x1d] =	wrdreg s21  }
0x1c: {  	s14 =	sadd.s32 s0, s14;
	[dreg:$0x1e] =	wrdreg s24  }
0x1d: {  	s29 =	simm.s32 $0x1000;
	s20 =	sadd.s32 s0, s15;
	[smem:$0x7F8] =	sst s14  }
0x1e: {  	s30 =	simm.s32 $0x6000;
	s22 =	sadd.s32 s0, s16;
	[smem:$0x7F9] =	sst s20  }
0x1f: {  	s8 =	sor.u32 $0x80, s7;
	s23 =	sadd.s32 s0, s17;
	[smem:$0x7FA] =	sst s22  }
0x20: {  	s31 =	simm.s32 $0x7000;
	s10 =	sadd.s32 s1, s8;
	[smem:$0x7FB] =	sst s23  }
0x21: {  	s18 =	sor.u32 $0x380, s7;
	s9 =	sadd.s32 s0, s8;
	[dreg:$0x19] =	wrdreg s10  }
0x22: {  	s4 =	sshll.u32 s4, $0xA;
	s28 =	sadd.s32 s1, s18;
	[smem:$0x7F6] =	sst s9  }
0x23: {  	s10 =	sor.u32 $0x100, s7;
	s7 =	sadd.s32 s0, s7;
	[dreg:$0x1f] =	wrdreg s28  }
0x24: {  	s21 =	sshll.u32 s12, $0xB;
	s24 =	sadd.s32 s0, s18;
	[smem:$0x7F5] =	sst s7  }
0x25: {  	s22 =	simm.s32 $0x400;
	s11 =	sadd.s32 s1, s10;
	[smem:$0x7FC] =	sst s24  }
0x26: {  	s19 =	sor.u32 s4, s21;
	s13 =	sadd.s32 s0, s10;
	[dreg:$0x1a] =	wrdreg s11  }
0x27: {  	s23 =	simm.s32 $0x7A1400;
	s0 =	sadd.s32 s0, s19;
	[smem:$0x7F7] =	sst s13  }
0x28: {  	s1 =	sadd.s32 s21, s1;
	s28 =	sadd.s32 $0x3D3C00, s3;
	[dreg:$0x17] =	wrdreg s0  }
0x29: {  	s21 =	sor.u32 $0x20, s2;
	s1 =	sadd.s32 s4, s1;
	[dreg:$0xe] =	wrdreg s28  }
0x2a: {  	s2 =	simm.s32 $0x0;
	s0 =	simm.s32 $0xC3800;
	[dreg:$0xd] =	wrdreg s1  }
.LBB2_1:
0x2b: {  	s5 =	simm.s32 $0x0;
	s1 =	rddreg [dreg:$0x18]  }
0x2c: {  	[tilespmem:s5], [sflag:$0x1] =	stream.strided.gather [hbm4b:s1+s22], $0x1000, s23, s22, $0x38;
	[tilespmem:$0x10000] =	vst v63  }
0x2d: {  	s15 =	rddreg [dreg:$0x19]  }
0x2e: {  	[tilespmem:s29], [sflag:$0x1] =	stream.strided.gather [hbm4b:s15+s22], $0x1000, s23, s22, $0x38;
	[tilespmem:$0x10000] =	vst v63  }
0x2f: {  	s16 =	rddreg [dreg:$0x1a];
	s3 =	simm.s32 $0x2000  }
0x30: {  	[tilespmem:s3], [sflag:$0x1] =	stream.strided.gather [hbm4b:s16+s22], $0x1000, s23, s22, $0x38;
	[tilespmem:$0x10000] =	vst v63  }
0x31: {  	s17 =	rddreg [dreg:$0x1b];
	s18 =	simm.s32 $0x3000  }
0x32: {  	[tilespmem:s18], [sflag:$0x1] =	stream.strided.gather [hbm4b:s17+s22], $0x1000, s23, s22, $0x38;
	[tilespmem:$0x10000] =	vst v63  }
0x33: {  	s20 =	rddreg [dreg:$0x1c];
	s24 =	simm.s32 $0x4000  }
0x34: {  	[tilespmem:s24], [sflag:$0x1] =	stream.strided.gather [hbm4b:s20+s22], $0x1000, s23, s22, $0x38;
	[tilespmem:$0x10000] =	vst v63  }
0x35: {  	s25 =	rddreg [dreg:$0x1d];
	s26 =	simm.s32 $0x5000;
	s1 =	sadd.s32 $0xFFFFFFE0, s21  }
0x36: {  	[tilespmem:s26], [sflag:$0x1] =	stream.strided.gather [hbm4b:s25+s22], $0x1000, s23, s22, $0x38;
	[tilespmem:$0x10000] =	vst v63  }
0x37: {  	s28 =	rddreg [dreg:$0x1e];
	p0 =	sgt.u32 s1, $0x3D0  }
0x38: {  	[tilespmem:s30], [sflag:$0x1] =	stream.strided.gather [hbm4b:s28+s22], $0x1000, s23, s22, $0x38;
	[tilespmem:$0x10000] =	vst v63  }
0x39: {  	s29 =	rddreg [dreg:$0x1f];
	s3 =	simm.s32 @!p0 $0x1;
	p0 =	por p0, p0  }
0x3a: {  	[tilespmem:s31], [sflag:$0x1] =	stream.strided.gather [hbm4b:s29+s22], $0x1000, s23, s22, $0x38;
	[tilespmem:$0x10000] =	vst v63  }
0x3b: {  	_ =	swait.ge @!p0 [sflag:s3], $0x1000  }
0x3c: {  	[sflag:s3] =	ssyncset.done @!p0 $0x0  }
0x3d: {  	[sflag:s3] =	ssyncadd.s32 @!p0 $0xFFFFF000  }
0x3e: {  	_ =	swait.ge @!p0 [sflag:s3], $0x1000  }
0x3f: {  	[sflag:s3] =	ssyncset.done @!p0 $0x0  }
0x40: {  	[sflag:s3] =	ssyncadd.s32 @!p0 $0xFFFFF000  }
0x41: {  	_ =	swait.ge @!p0 [sflag:s3], $0x1000  }
0x42: {  	[sflag:s3] =	ssyncset.done @!p0 $0x0  }
0x43: {  	[sflag:s3] =	ssyncadd.s32 @!p0 $0xFFFFF000  }
0x44: {  	_ =	swait.ge @!p0 [sflag:s3], $0x1000  }
0x45: {  	[sflag:s3] =	ssyncset.done @!p0 $0x0  }
0x46: {  	[sflag:s3] =	ssyncadd.s32 @!p0 $0xFFFFF000  }
0x47: {  	_ =	swait.ge @!p0 [sflag:s3], $0x1000  }
0x48: {  	[sflag:s3] =	ssyncset.done @!p0 $0x0  }
0x49: {  	[sflag:s3] =	ssyncadd.s32 @!p0 $0xFFFFF000  }
0x4a: {  	_ =	swait.ge @!p0 [sflag:s3], $0x1000  }
0x4b: {  	[sflag:s3] =	ssyncset.done @!p0 $0x0  }
0x4c: {  	[sflag:s3] =	ssyncadd.s32 @!p0 $0xFFFFF000  }
0x4d: {  	s4 =	sadd.s32 $0x0, s19;
	_ =	swait.ge @!p0 [sflag:s3], $0x1000  }
0x4e: {  	p1 =	sgt.u32 s21, $0x3D0;
	s4 =	sadd.s32 $0xFFF14000, s4;
	[sflag:s3] =	ssyncset.done @!p0 $0x0  }
0x4f: {  	p2 =	seq.s32 @!p1 s4, $0x0;
	[sflag:s3] =	ssyncadd.s32 @!p0 $0xFFFFF000  }
0x50: {  	s4 =	simm.s32 @!p1 $0x8000;
	p3 =	por !p2, p1;
	_ =	swait.ge @!p0 [sflag:s3], $0x1000  }
0x51: {  	s5 =	sand.u32 @!p0 $0x8000, s5;
	s7 =	simm.s32 @!p0 $0x0;
	s6 =	rddreg [dreg:$0x4]  }
0x52: {  	[sflag:s3] =	ssyncset.done @!p0 $0x0;
	s8 =	rddreg [dreg:$0x6];
	s6 =	sadd.s32 @!p0 $0x20000, s6  }
0x53: {  	s10 =	rddreg [dreg:$0x5];
	[sflag:s3] =	ssyncadd.s32 @!p0 $0xFFFFF000;
	s3 =	sadd.s32 @!p0 $0xFFFE0000, s6  }
0x54: {  	[hbm4b:s3+s7] =	stream.linear.scatter @!p0 [tilespmem:s5], [sflag:$0x2], $0x8000, $0x38;
	[tilespmem:$0x10000] =	vst v63  }
0x55: {  	s3 =	sand.u32 @!p1 $0x8000, s4;
	s4 =	simm.s32 @!p3 $0x400;
	s5 =	simm.s32 @!p3 $0x2000  }
0x56: {  	[tilespmem:s3], [sflag:$0x1] =	stream.strided.gather @!p3 [hbm4b:s10+s4], $0x1000, s5, s4, $0x38;
	[tilespmem:$0x10000] =	vst v63  }
0x57: {  	s9 =	rddreg [dreg:$0xd];
	s6 =	sadd.s32 @!p3 $0x1000, s3  }
0x58: {  	[tilespmem:s6], [sflag:$0x1] =	stream.strided.gather @!p3 [hbm4b:s8+s4], $0x1000, s5, s4, $0x38;
	[tilespmem:$0x10000] =	vst v63  }
0x59: {  	s7 =	rddreg [dreg:$0x7];
	s6 =	sadd.s32 @!p3 $0x2000, s3  }
0x5a: {  	[tilespmem:s6], [sflag:$0x1] =	stream.strided.gather @!p3 [hbm4b:s7+s4], $0x1000, s5, s4, $0x38;
	[tilespmem:$0x10000] =	vst v63  }
0x5b: {  	s8 =	rddreg [dreg:$0x8];
	s6 =	sadd.s32 @!p3 $0x3000, s3  }
0x5c: {  	[tilespmem:s6], [sflag:$0x1] =	stream.strided.gather @!p3 [hbm4b:s8+s4], $0x1000, s5, s4, $0x38;
	[tilespmem:$0x10000] =	vst v63  }
0x5d: {  	s7 =	rddreg [dreg:$0x9];
	s6 =	sadd.s32 @!p3 $0x4000, s3  }
0x5e: {  	[tilespmem:s6], [sflag:$0x1] =	stream.strided.gather @!p3 [hbm4b:s7+s4], $0x1000, s5, s4, $0x38;
	[tilespmem:$0x10000] =	vst v63  }
0x5f: {  	s8 =	rddreg [dreg:$0xa];
	s6 =	sadd.s32 @!p3 $0x5000, s3  }
0x60: {  	[tilespmem:s6], [sflag:$0x1] =	stream.strided.gather @!p3 [hbm4b:s8+s4], $0x1000, s5, s4, $0x38;
	[tilespmem:$0x10000] =	vst v63  }
0x61: {  	p2 =	por p2, p1;
	s7 =	rddreg [dreg:$0xb];
	s6 =	sadd.s32 @!p3 $0x6000, s3  }
0x62: {  	[tilespmem:s6], [sflag:$0x1] =	stream.strided.gather @!p3 [hbm4b:s7+s4], $0x1000, s5, s4, $0x38;
	[tilespmem:$0x10000] =	vst v63  }
0x63: {  	s8 =	rddreg [dreg:$0xc];
	s6 =	sadd.s32 @!p3 $0x7000, s3;
	s7 =	sadd.s32 @!p2 $0x0, s9  }
0x64: {  	[tilespmem:s6], [sflag:$0x1] =	stream.strided.gather @!p3 [hbm4b:s8+s4], $0x1000, s5, s4, $0x38;
	[tilespmem:$0x10000] =	vst v63  }
0x65: {  	s10 =	simm.s32 @!p2 $0x7A1400;
	s4 =	sadd.s32 @!p2 $0x8000, s7;
	s8 =	simm.s32 @!p2 $0x400  }
0x66: {  	[tilespmem:s3], [sflag:$0x1] =	stream.strided.gather @!p2 [hbm4b:s4+s8], $0x1000, s10, s8, $0x38;
	[tilespmem:$0x10000] =	vst v63  }
0x67: {  	s5 =	sadd.s32 @!p2 $0x1000, s3;
	s4 =	sadd.s32 @!p2 $0x8080, s7  }
0x68: {  	[tilespmem:s5], [sflag:$0x1] =	stream.strided.gather @!p2 [hbm4b:s4+s8], $0x1000, s10, s8, $0x38;
	[tilespmem:$0x10000] =	vst v63  }
0x69: {  	s4 =	sadd.s32 @!p2 $0x8100, s7;
	s5 =	sadd.s32 @!p2 $0x2000, s3  }
0x6a: {  	[tilespmem:s5], [sflag:$0x1] =	stream.strided.gather @!p2 [hbm4b:s4+s8], $0x1000, s10, s8, $0x38;
	[tilespmem:$0x10000] =	vst v63  }
0x6b: {  	s4 =	sadd.s32 @!p2 $0x3000, s3;
	s5 =	sadd.s32 @!p2 $0x8180, s7  }
0x6c: {  	[tilespmem:s4], [sflag:$0x1] =	stream.strided.gather @!p2 [hbm4b:s5+s8], $0x1000, s10, s8, $0x38;
	[tilespmem:$0x10000] =	vst v63  }
0x6d: {  	s4 =	sadd.s32 @!p2 $0x8200, s7;
	s5 =	sadd.s32 @!p2 $0x4000, s3  }
0x6e: {  	[tilespmem:s5], [sflag:$0x1] =	stream.strided.gather @!p2 [hbm4b:s4+s8], $0x1000, s10, s8, $0x38;
	[tilespmem:$0x10000] =	vst v63  }
0x6f: {  	s4 =	sadd.s32 @!p2 $0x8280, s7;
	s5 =	sadd.s32 @!p2 $0x5000, s3  }
0x70: {  	[tilespmem:s5], [sflag:$0x1] =	stream.strided.gather @!p2 [hbm4b:s4+s8], $0x1000, s10, s8, $0x38;
	[tilespmem:$0x10000] =	vst v63  }
0x71: {  	s9 =	sadd.s32 @!p2 $0x7000, s3;
	s6 =	sadd.s32 @!p2 $0x8300, s7;
	s5 =	sadd.s32 @!p2 $0x6000, s3  }
0x72: {  	[tilespmem:s5], [sflag:$0x1] =	stream.strided.gather @!p2 [hbm4b:s6+s8], $0x1000, s10, s8, $0x38;
	[tilespmem:$0x10000] =	vst v63  }
0x73: {  	s11 =	sadd.s32 @!p2 $0x8380, s7;
	s4 =	simm.s32 $0x8000;
	s5 =	sadd.s32 $0x20, s21  }
0x74: {  	s3 =	simm.s32 $0x40000;
	s6 =	simm.s32 $0x10000;
	s7 =	sadd.s32 $0xFFFFFFE0, s5  }
.LBB2_2:
0x75: {  	s12 =	simm.s32 @!p0 $0x2  }
0x76: {  	[tilespmem:s9], [sflag:$0x1] =	stream.strided.gather @!p2 [hbm4b:s11+s8], $0x1000, s10, s8, $0x38;
	[tilespmem:$0x10000] =	vst v63  }
0x77: {  	_ =	swait.ge @!p0 [sflag:s12], $0x8000  }
0x78: {  	p3 =	sgt.u32 s7, $0x3D0;
	[sflag:s12] =	ssyncset.done @!p0 $0x0  }
0x79: {  	s8 =	simm.s32 @!p3 $0x1;
	[sflag:s12] =	ssyncadd.s32 @!p0 $0xFFFF8000;
	p0 =	por p3, p3  }
0x7a: {  	_ =	swait.ge @!p0 [sflag:s8], $0x1000  }
0x7b: {  	[sflag:s8] =	ssyncset.done @!p0 $0x0  }
0x7c: {  	[sflag:s8] =	ssyncadd.s32 @!p0 $0xFFFFF000  }
0x7d: {  	_ =	swait.ge @!p0 [sflag:s8], $0x1000  }
0x7e: {  	[sflag:s8] =	ssyncset.done @!p0 $0x0  }
0x7f: {  	[sflag:s8] =	ssyncadd.s32 @!p0 $0xFFFFF000  }
0x80: {  	_ =	swait.ge @!p0 [sflag:s8], $0x1000  }
0x81: {  	[sflag:s8] =	ssyncset.done @!p0 $0x0  }
0x82: {  	[sflag:s8] =	ssyncadd.s32 @!p0 $0xFFFFF000  }
0x83: {  	_ =	swait.ge @!p0 [sflag:s8], $0x1000  }
0x84: {  	[sflag:s8] =	ssyncset.done @!p0 $0x0  }
0x85: {  	[sflag:s8] =	ssyncadd.s32 @!p0 $0xFFFFF000  }
0x86: {  	_ =	swait.ge @!p0 [sflag:s8], $0x1000  }
0x87: {  	[sflag:s8] =	ssyncset.done @!p0 $0x0  }
0x88: {  	[sflag:s8] =	ssyncadd.s32 @!p0 $0xFFFFF000  }
0x89: {  	_ =	swait.ge @!p0 [sflag:s8], $0x1000  }
0x8a: {  	[sflag:s8] =	ssyncset.done @!p0 $0x0  }
0x8b: {  	[sflag:s8] =	ssyncadd.s32 @!p0 $0xFFFFF000  }
0x8c: {  	s29 =	sadd.s32 s4, s19;
	_ =	swait.ge @!p0 [sflag:s8], $0x1000  }
0x8d: {  	p4 =	sgt.u32 s5, $0x3D0;
	s9 =	sadd.s32 $0xFFF14000, s29;
	[sflag:s8] =	ssyncset.done @!p0 $0x0  }
0x8e: {  	p2 =	seq.s32 @!p4 s9, $0x0;
	[sflag:s8] =	ssyncadd.s32 @!p0 $0xFFFFF000  }
0x8f: {  	s9 =	sshrl.u32 @!p4 s3, $0x2;
	p3 =	por !p2, p4;
	_ =	swait.ge @!p0 [sflag:s8], $0x1000  }
0x90: {  	s9 =	sand.u32 @!p4 $0x8000, s9;
	s10 =	sand.u32 @!p0 $0x8000, s4;
	s13 =	rddreg [dreg:$0x4]  }
0x91: {  	s11 =	simm.s32 @!p0 $0x0;
	[sflag:s8] =	ssyncset.done @!p0 $0x0;
	s13 =	sadd.s32 @!p0 s3, s13  }
0x92: {  	s12 =	rddreg [dreg:$0x6];
	[sflag:s8] =	ssyncadd.s32 @!p0 $0xFFFFF000;
	s8 =	sadd.s32 @!p0 $0xFFFE0000, s13  }
0x93: {  	[hbm4b:s8+s11] =	stream.linear.scatter @!p0 [tilespmem:s10], [sflag:$0x2], $0x8000, $0x38;
	[tilespmem:$0x10000] =	vst v63  }
0x94: {  	s15 =	rddreg [dreg:$0x5];
	s8 =	simm.s32 @!p3 $0x400;
	s10 =	simm.s32 @!p3 $0x2000  }
0x95: {  	[tilespmem:s9], [sflag:$0x1] =	stream.strided.gather @!p3 [hbm4b:s15+s8], $0x1000, s10, s8, $0x38;
	[tilespmem:$0x10000] =	vst v63  }
0x96: {  	s16 =	sadd.s32 @!p3 $0x1000, s9;
	s14 =	rddreg [dreg:$0xd]  }
0x97: {  	[tilespmem:s16], [sflag:$0x1] =	stream.strided.gather @!p3 [hbm4b:s12+s8], $0x1000, s10, s8, $0x38;
	[tilespmem:$0x10000] =	vst v63  }
0x98: {  	s17 =	sadd.s32 @!p3 $0x2000, s9;
	s15 =	rddreg [dreg:$0x7]  }
0x99: {  	[tilespmem:s17], [sflag:$0x1] =	stream.strided.gather @!p3 [hbm4b:s15+s8], $0x1000, s10, s8, $0x38;
	[tilespmem:$0x10000] =	vst v63  }
0x9a: {  	p2 =	por p2, p4;
	s13 =	sadd.s32 @!p3 $0x3000, s9;
	s12 =	rddreg [dreg:$0x8]  }
0x9b: {  	[tilespmem:s13], [sflag:$0x1] =	stream.strided.gather @!p3 [hbm4b:s12+s8], $0x1000, s10, s8, $0x38;
	[tilespmem:$0x10000] =	vst v63  }
0x9c: {  	s4 =	sadd.s32 @!p2 s4, s14;
	s14 =	rddreg [dreg:$0x9];
	s11 =	sadd.s32 @!p3 $0x4000, s9  }
0x9d: {  	[tilespmem:s11], [sflag:$0x1] =	stream.strided.gather @!p3 [hbm4b:s14+s8], $0x1000, s10, s8, $0x38;
	[tilespmem:$0x10000] =	vst v63  }
0x9e: {  	s18 =	sadd.s32 @!p3 $0x5000, s9;
	s12 =	rddreg [dreg:$0xa]  }
0x9f: {  	[tilespmem:s18], [sflag:$0x1] =	stream.strided.gather @!p3 [hbm4b:s12+s8], $0x1000, s10, s8, $0x38;
	[tilespmem:$0x10000] =	vst v63  }
0xa0: {  	s24 =	sadd.s32 @!p3 $0x6000, s9;
	s11 =	rddreg [dreg:$0xb]  }
0xa1: {  	[tilespmem:s24], [sflag:$0x1] =	stream.strided.gather @!p3 [hbm4b:s11+s8], $0x1000, s10, s8, $0x38;
	[tilespmem:$0x10000] =	vst v63  }
0xa2: {  	s7 =	smov.u32 s6;
	s16 =	sadd.s32 @!p3 $0x7000, s9;
	s12 =	rddreg [dreg:$0xc]  }
0xa3: {  	[tilespmem:s16], [sflag:$0x1] =	stream.strided.gather @!p3 [hbm4b:s12+s8], $0x1000, s10, s8, $0x38;
	[tilespmem:$0x10000] =	vst v63  }
0xa4: {  	s15 =	sadd.s32 @!p2 $0x8000, s4;
	s8 =	simm.s32 @!p2 $0x400;
	s10 =	simm.s32 @!p2 $0x7A1400  }
0xa5: {  	[tilespmem:s9], [sflag:$0x1] =	stream.strided.gather @!p2 [hbm4b:s15+s8], $0x1000, s10, s8, $0x38;
	[tilespmem:$0x10000] =	vst v63  }
0xa6: {  	s6 =	sadd.s32 $0x8000, s6;
	s13 =	sadd.s32 @!p2 $0x8080, s4;
	s14 =	sadd.s32 @!p2 $0x1000, s9  }
0xa7: {  	[tilespmem:s14], [sflag:$0x1] =	stream.strided.gather @!p2 [hbm4b:s13+s8], $0x1000, s10, s8, $0x38;
	[tilespmem:$0x10000] =	vst v63  }
0xa8: {  	s5 =	sadd.s32 $0x20, s5;
	s17 =	sadd.s32 @!p2 $0x8100, s4;
	s18 =	sadd.s32 @!p2 $0x2000, s9  }
0xa9: {  	[tilespmem:s18], [sflag:$0x1] =	stream.strided.gather @!p2 [hbm4b:s17+s8], $0x1000, s10, s8, $0x38;
	[tilespmem:$0x10000] =	vst v63  }
0xaa: {  	p1 =	sne.s32 s6, $0xF8000;
	s28 =	sadd.s32 @!p2 $0x3000, s9;
	s24 =	sadd.s32 @!p2 $0x8180, s4  }
0xab: {  	[tilespmem:s28], [sflag:$0x1] =	stream.strided.gather @!p2 [hbm4b:s24+s8], $0x1000, s10, s8, $0x38;
	[tilespmem:$0x10000] =	vst v63  }
0xac: {  	s20 =	sadd.s32 @!p2 $0x4000, s9;
	s29 =	sadd.s32 @!p2 $0x5000, s9;
	s25 =	sadd.s32 @!p2 $0x8200, s4  }
0xad: {  	[tilespmem:s20], [sflag:$0x1] =	stream.strided.gather @!p2 [hbm4b:s25+s8], $0x1000, s10, s8, $0x38;
	[tilespmem:$0x10000] =	vst v63  }
.Ltmp0:
0xae: {  	s3 =	sadd.s32 $0x20000, s3;
	s26 =	sadd.s32 @!p2 $0x8280, s4;
	(pc) =	sbr.rel @p1 .LBB2_2-.Ltmp0, $4  }
0xaf: {  	s11 =	sadd.s32 @!p2 $0x8380, s4;
	s12 =	sadd.s32 @!p2 $0x6000, s9;
	s15 =	sadd.s32 @!p2 $0x8300, s4  }
0xb0: {  	[tilespmem:s29], [sflag:$0x1] =	stream.strided.gather @!p2 [hbm4b:s26+s8], $0x1000, s10, s8, $0x38;
	[tilespmem:$0x10000] =	vst v63  }
0xb1: {  	s9 =	sadd.s32 @!p2 $0x7000, s9;
	s4 =	smov.u32 s7;
	s7 =	sadd.s32 $0xFFFFFFE0, s5  }
0xb2: {  	[tilespmem:s12], [sflag:$0x1] =	stream.strided.gather @!p2 [hbm4b:s15+s8], $0x1000, s10, s8, $0x38;
	[tilespmem:$0x10000] =	vst v63  }
0xb3: {  	[tilespmem:s9], [sflag:$0x1] =	stream.strided.gather @!p2 [hbm4b:s11+s8], $0x1000, s10, s8, $0x38;
	[tilespmem:$0x10000] =	vst v63  }
0xb4: {  	s6 =	simm.s32 @!p0 $0x2  }
0xb5: {  	_ =	swait.ge @!p0 [sflag:s6], $0x8000  }
0xb6: {  	p1 =	sgt.u32 s7, $0x3D0;
	[sflag:s6] =	ssyncset.done @!p0 $0x0  }
0xb7: {  	s7 =	simm.s32 @!p1 $0x1;
	[sflag:s6] =	ssyncadd.s32 @!p0 $0xFFFF8000;
	p0 =	por p1, p1  }
0xb8: {  	_ =	swait.ge @!p0 [sflag:s7], $0x1000  }
0xb9: {  	[sflag:s7] =	ssyncset.done @!p0 $0x0  }
0xba: {  	[sflag:s7] =	ssyncadd.s32 @!p0 $0xFFFFF000  }
0xbb: {  	_ =	swait.ge @!p0 [sflag:s7], $0x1000  }
0xbc: {  	[sflag:s7] =	ssyncset.done @!p0 $0x0  }
0xbd: {  	[sflag:s7] =	ssyncadd.s32 @!p0 $0xFFFFF000  }
0xbe: {  	_ =	swait.ge @!p0 [sflag:s7], $0x1000  }
0xbf: {  	[sflag:s7] =	ssyncset.done @!p0 $0x0  }
0xc0: {  	[sflag:s7] =	ssyncadd.s32 @!p0 $0xFFFFF000  }
0xc1: {  	_ =	swait.ge @!p0 [sflag:s7], $0x1000  }
0xc2: {  	[sflag:s7] =	ssyncset.done @!p0 $0x0  }
0xc3: {  	[sflag:s7] =	ssyncadd.s32 @!p0 $0xFFFFF000  }
0xc4: {  	_ =	swait.ge @!p0 [sflag:s7], $0x1000  }
0xc5: {  	[sflag:s7] =	ssyncset.done @!p0 $0x0  }
0xc6: {  	[sflag:s7] =	ssyncadd.s32 @!p0 $0xFFFFF000  }
0xc7: {  	_ =	swait.ge @!p0 [sflag:s7], $0x1000  }
0xc8: {  	[sflag:s7] =	ssyncset.done @!p0 $0x0  }
0xc9: {  	[sflag:s7] =	ssyncadd.s32 @!p0 $0xFFFFF000  }
0xca: {  	_ =	swait.ge @!p0 [sflag:s7], $0x1000  }
0xcb: {  	s10 =	sadd.s32 s4, s19;
	p1 =	sgt.u32 s5, $0x3D0;
	[sflag:s7] =	ssyncset.done @!p0 $0x0  }
0xcc: {  	s6 =	sadd.s32 $0xFFF14000, s10;
	s5 =	sand.u32 @!p0 $0x8000, s4;
	[sflag:s7] =	ssyncadd.s32 @!p0 $0xFFFFF000  }
0xcd: {  	s9 =	simm.s32 @!p0 $0x0;
	p3 =	seq.s32 @!p1 s6, $0x0;
	_ =	swait.ge @!p0 [sflag:s7], $0x1000  }
0xce: {  	s6 =	sshrl.u32 @!p1 s3, $0x2;
	p2 =	por !p3, p1;
	s8 =	rddreg [dreg:$0x4]  }
0xcf: {  	[sflag:s7] =	ssyncset.done @!p0 $0x0;
	s10 =	rddreg [dreg:$0x6];
	s3 =	sadd.s32 @!p0 s3, s8  }
0xd0: {  	[sflag:s7] =	ssyncadd.s32 @!p0 $0xFFFFF000;
	s7 =	rddreg [dreg:$0x5];
	s3 =	sadd.s32 @!p0 $0xFFFE0000, s3  }
0xd1: {  	[hbm4b:s3+s9] =	stream.linear.scatter @!p0 [tilespmem:s5], [sflag:$0x2], $0x8000, $0x38;
	[tilespmem:$0x10000] =	vst v63  }
0xd2: {  	s3 =	sand.u32 @!p1 $0x8000, s6;
	s5 =	simm.s32 @!p2 $0x400;
	s6 =	simm.s32 @!p2 $0x2000  }
0xd3: {  	[tilespmem:s3], [sflag:$0x1] =	stream.strided.gather @!p2 [hbm4b:s7+s5], $0x1000, s6, s5, $0x38;
	[tilespmem:$0x10000] =	vst v63  }
0xd4: {  	s8 =	rddreg [dreg:$0xd];
	s7 =	sadd.s32 @!p2 $0x1000, s3  }
0xd5: {  	[tilespmem:s7], [sflag:$0x1] =	stream.strided.gather @!p2 [hbm4b:s10+s5], $0x1000, s6, s5, $0x38;
	[tilespmem:$0x10000] =	vst v63  }
0xd6: {  	s9 =	rddreg [dreg:$0x7];
	s7 =	sadd.s32 @!p2 $0x2000, s3  }
0xd7: {  	[tilespmem:s7], [sflag:$0x1] =	stream.strided.gather @!p2 [hbm4b:s9+s5], $0x1000, s6, s5, $0x38;
	[tilespmem:$0x10000] =	vst v63  }
0xd8: {  	s10 =	rddreg [dreg:$0x8];
	s7 =	sadd.s32 @!p2 $0x3000, s3  }
0xd9: {  	[tilespmem:s7], [sflag:$0x1] =	stream.strided.gather @!p2 [hbm4b:s10+s5], $0x1000, s6, s5, $0x38;
	[tilespmem:$0x10000] =	vst v63  }
0xda: {  	s9 =	rddreg [dreg:$0x9];
	s7 =	sadd.s32 @!p2 $0x4000, s3  }
0xdb: {  	[tilespmem:s7], [sflag:$0x1] =	stream.strided.gather @!p2 [hbm4b:s9+s5], $0x1000, s6, s5, $0x38;
	[tilespmem:$0x10000] =	vst v63  }
0xdc: {  	s10 =	rddreg [dreg:$0xa];
	s7 =	sadd.s32 @!p2 $0x5000, s3  }
0xdd: {  	[tilespmem:s7], [sflag:$0x1] =	stream.strided.gather @!p2 [hbm4b:s10+s5], $0x1000, s6, s5, $0x38;
	[tilespmem:$0x10000] =	vst v63  }
0xde: {  	p1 =	por p3, p1;
	s9 =	rddreg [dreg:$0xb];
	s7 =	sadd.s32 @!p2 $0x6000, s3  }
0xdf: {  	[tilespmem:s7], [sflag:$0x1] =	stream.strided.gather @!p2 [hbm4b:s9+s5], $0x1000, s6, s5, $0x38;
	[tilespmem:$0x10000] =	vst v63  }
0xe0: {  	s4 =	sadd.s32 @!p1 s4, s8;
	s10 =	rddreg [dreg:$0xc];
	s7 =	sadd.s32 @!p2 $0x7000, s3  }
0xe1: {  	[tilespmem:s7], [sflag:$0x1] =	stream.strided.gather @!p2 [hbm4b:s10+s5], $0x1000, s6, s5, $0x38;
	[tilespmem:$0x10000] =	vst v63  }
0xe2: {  	s5 =	sadd.s32 @!p1 $0x8000, s4;
	s6 =	simm.s32 @!p1 $0x400;
	s7 =	simm.s32 @!p1 $0x7A1400  }
0xe3: {  	[tilespmem:s3], [sflag:$0x1] =	stream.strided.gather @!p1 [hbm4b:s5+s6], $0x1000, s7, s6, $0x38;
	[tilespmem:$0x10000] =	vst v63  }
0xe4: {  	s8 =	sadd.s32 @!p1 $0x1000, s3;
	s5 =	sadd.s32 @!p1 $0x8080, s4  }
0xe5: {  	[tilespmem:s8], [sflag:$0x1] =	stream.strided.gather @!p1 [hbm4b:s5+s6], $0x1000, s7, s6, $0x38;
	[tilespmem:$0x10000] =	vst v63  }
0xe6: {  	s5 =	sadd.s32 @!p1 $0x8100, s4;
	s8 =	sadd.s32 @!p1 $0x2000, s3  }
0xe7: {  	[tilespmem:s8], [sflag:$0x1] =	stream.strided.gather @!p1 [hbm4b:s5+s6], $0x1000, s7, s6, $0x38;
	[tilespmem:$0x10000] =	vst v63  }
0xe8: {  	s5 =	sadd.s32 @!p1 $0x3000, s3;
	s8 =	sadd.s32 @!p1 $0x8180, s4  }
0xe9: {  	[tilespmem:s5], [sflag:$0x1] =	stream.strided.gather @!p1 [hbm4b:s8+s6], $0x1000, s7, s6, $0x38;
	[tilespmem:$0x10000] =	vst v63  }
0xea: {  	s5 =	sadd.s32 @!p1 $0x8200, s4;
	s8 =	sadd.s32 @!p1 $0x4000, s3  }
0xeb: {  	[tilespmem:s8], [sflag:$0x1] =	stream.strided.gather @!p1 [hbm4b:s5+s6], $0x1000, s7, s6, $0x38;
	[tilespmem:$0x10000] =	vst v63  }
0xec: {  	s5 =	sadd.s32 @!p1 $0x8280, s4;
	s8 =	sadd.s32 @!p1 $0x5000, s3  }
0xed: {  	[tilespmem:s8], [sflag:$0x1] =	stream.strided.gather @!p1 [hbm4b:s5+s6], $0x1000, s7, s6, $0x38;
	[tilespmem:$0x10000] =	vst v63  }
0xee: {  	s5 =	sadd.s32 @!p1 $0x6000, s3;
	s8 =	sadd.s32 @!p1 $0x8300, s4  }
0xef: {  	[tilespmem:s5], [sflag:$0x1] =	stream.strided.gather @!p1 [hbm4b:s8+s6], $0x1000, s7, s6, $0x38;
	[tilespmem:$0x10000] =	vst v63  }
0xf0: {  	s3 =	sadd.s32 @!p1 $0x7000, s3;
	s4 =	sadd.s32 @!p1 $0x8380, s4;
	s5 =	simm.s32 @!p0 $0x2  }
0xf1: {  	[tilespmem:s3], [sflag:$0x1] =	stream.strided.gather @!p1 [hbm4b:s4+s6], $0x1000, s7, s6, $0x38;
	[tilespmem:$0x10000] =	vst v63  }
0xf2: {  	_ =	swait.ge @!p0 [sflag:s5], $0x8000  }
0xf3: {  	s11 =	sld [smem:$0x7F5]  }
0xf4: {  	[sflag:s5] =	ssyncset.done @!p0 $0x0  }
0xf5: {  	s3 =	simm.s32 $0x0;
	s12 =	sld [smem:$0x7F6];
	[sflag:s5] =	ssyncadd.s32 @!p0 $0xFFFF8000  }
0xf6: {  	[tilespmem:s3], [sflag:$0x1] =	stream.strided.gather [hbm4b:s11+s22], $0x1000, s0, s22, $0x38;
	[tilespmem:$0x10000] =	vst v63  }
0xf7: {  	s29 =	simm.s32 $0x1000;
	s13 =	sld [smem:$0x7F7]  }
0xf8: {  	[tilespmem:s29], [sflag:$0x1] =	stream.strided.gather [hbm4b:s12+s22], $0x1000, s0, s22, $0x38;
	[tilespmem:$0x10000] =	vst v63  }
0xf9: {  	s14 =	simm.s32 $0x2000;
	s15 =	sld [smem:$0x7F8]  }
0xfa: {  	[tilespmem:s14], [sflag:$0x1] =	stream.strided.gather [hbm4b:s13+s22], $0x1000, s0, s22, $0x38;
	[tilespmem:$0x10000] =	vst v63  }
0xfb: {  	s16 =	simm.s32 $0x3000;
	s17 =	sld [smem:$0x7F9]  }
0xfc: {  	[tilespmem:s16], [sflag:$0x1] =	stream.strided.gather [hbm4b:s15+s22], $0x1000, s0, s22, $0x38;
	[tilespmem:$0x10000] =	vst v63  }
0xfd: {  	s18 =	simm.s32 $0x4000;
	s20 =	sld [smem:$0x7FA]  }
0xfe: {  	[tilespmem:s18], [sflag:$0x1] =	stream.strided.gather [hbm4b:s17+s22], $0x1000, s0, s22, $0x38;
	[tilespmem:$0x10000] =	vst v63  }
0xff: {  	s24 =	simm.s32 $0x5000;
	s25 =	sld [smem:$0x7FB]  }
0x100: {  	[tilespmem:s24], [sflag:$0x1] =	stream.strided.gather [hbm4b:s20+s22], $0x1000, s0, s22, $0x38;
	[tilespmem:$0x10000] =	vst v63  }
0x101: {  	s26 =	sld [smem:$0x7FC];
	p0 =	sgt.u32 s1, $0x61  }
0x102: {  	[tilespmem:s30], [sflag:$0x1] =	stream.strided.gather [hbm4b:s25+s22], $0x1000, s0, s22, $0x38;
	[tilespmem:$0x10000] =	vst v63  }
0x103: {  	s1 =	simm.s32 @!p0 $0x1;
	p0 =	por p0, p0  }
0x104: {  	[tilespmem:s31], [sflag:$0x1] =	stream.strided.gather [hbm4b:s26+s22], $0x1000, s0, s22, $0x38;
	[tilespmem:$0x10000] =	vst v63  }
0x105: {  	_ =	swait.ge @!p0 [sflag:s1], $0x1000  }
0x106: {  	[sflag:s1] =	ssyncset.done @!p0 $0x0  }
0x107: {  	[sflag:s1] =	ssyncadd.s32 @!p0 $0xFFFFF000  }
0x108: {  	_ =	swait.ge @!p0 [sflag:s1], $0x1000  }
0x109: {  	[sflag:s1] =	ssyncset.done @!p0 $0x0  }
0x10a: {  	[sflag:s1] =	ssyncadd.s32 @!p0 $0xFFFFF000  }
0x10b: {  	_ =	swait.ge @!p0 [sflag:s1], $0x1000  }
0x10c: {  	[sflag:s1] =	ssyncset.done @!p0 $0x0  }
0x10d: {  	[sflag:s1] =	ssyncadd.s32 @!p0 $0xFFFFF000  }
0x10e: {  	_ =	swait.ge @!p0 [sflag:s1], $0x1000  }
0x10f: {  	[sflag:s1] =	ssyncset.done @!p0 $0x0  }
0x110: {  	[sflag:s1] =	ssyncadd.s32 @!p0 $0xFFFFF000  }
0x111: {  	_ =	swait.ge @!p0 [sflag:s1], $0x1000  }
0x112: {  	[sflag:s1] =	ssyncset.done @!p0 $0x0  }
0x113: {  	[sflag:s1] =	ssyncadd.s32 @!p0 $0xFFFFF000  }
0x114: {  	_ =	swait.ge @!p0 [sflag:s1], $0x1000  }
0x115: {  	[sflag:s1] =	ssyncset.done @!p0 $0x0  }
0x116: {  	[sflag:s1] =	ssyncadd.s32 @!p0 $0xFFFFF000  }
0x117: {  	s28 =	sadd.s32 $0x0, s19;
	_ =	swait.ge @!p0 [sflag:s1], $0x1000  }
0x118: {  	p1 =	sgt.u32 s21, $0x61;
	s4 =	sadd.s32 $0xFFFEFC00, s28;
	[sflag:s1] =	ssyncset.done @!p0 $0x0  }
0x119: {  	p2 =	seq.s32 @!p1 s4, $0x0;
	[sflag:s1] =	ssyncadd.s32 @!p0 $0xFFFFF000  }
0x11a: {  	s4 =	simm.s32 @!p1 $0x8000;
	p3 =	por !p2, p1;
	_ =	swait.ge @!p0 [sflag:s1], $0x1000  }
0x11b: {  	s3 =	sand.u32 @!p0 $0x8000, s3;
	s6 =	simm.s32 @!p0 $0x0;
	s5 =	rddreg [dreg:$0xe]  }
0x11c: {  	[sflag:s1] =	ssyncset.done @!p0 $0x0;
	s7 =	rddreg [dreg:$0x10];
	s5 =	sadd.s32 @!p0 $0x20000, s5  }
0x11d: {  	s9 =	rddreg [dreg:$0xf];
	[sflag:s1] =	ssyncadd.s32 @!p0 $0xFFFFF000;
	s1 =	sadd.s32 @!p0 $0xFFFE0000, s5  }
0x11e: {  	[hbm4b:s1+s6] =	stream.linear.scatter @!p0 [tilespmem:s3], [sflag:$0x2], $0x8000, $0x38;
	[tilespmem:$0x10000] =	vst v63  }
0x11f: {  	s1 =	sand.u32 @!p1 $0x8000, s4;
	s3 =	simm.s32 @!p3 $0x400;
	s4 =	simm.s32 @!p3 $0x2000  }
0x120: {  	[tilespmem:s1], [sflag:$0x1] =	stream.strided.gather @!p3 [hbm4b:s9+s3], $0x1000, s4, s3, $0x38;
	[tilespmem:$0x10000] =	vst v63  }
0x121: {  	s8 =	rddreg [dreg:$0x17];
	s5 =	sadd.s32 @!p3 $0x1000, s1  }
0x122: {  	[tilespmem:s5], [sflag:$0x1] =	stream.strided.gather @!p3 [hbm4b:s7+s3], $0x1000, s4, s3, $0x38;
	[tilespmem:$0x10000] =	vst v63  }
0x123: {  	s6 =	rddreg [dreg:$0x11];
	s5 =	sadd.s32 @!p3 $0x2000, s1  }
0x124: {  	[tilespmem:s5], [sflag:$0x1] =	stream.strided.gather @!p3 [hbm4b:s6+s3], $0x1000, s4, s3, $0x38;
	[tilespmem:$0x10000] =	vst v63  }
0x125: {  	s7 =	rddreg [dreg:$0x12];
	s5 =	sadd.s32 @!p3 $0x3000, s1  }
0x126: {  	[tilespmem:s5], [sflag:$0x1] =	stream.strided.gather @!p3 [hbm4b:s7+s3], $0x1000, s4, s3, $0x38;
	[tilespmem:$0x10000] =	vst v63  }
0x127: {  	s6 =	rddreg [dreg:$0x13];
	s5 =	sadd.s32 @!p3 $0x4000, s1  }
0x128: {  	[tilespmem:s5], [sflag:$0x1] =	stream.strided.gather @!p3 [hbm4b:s6+s3], $0x1000, s4, s3, $0x38;
	[tilespmem:$0x10000] =	vst v63  }
0x129: {  	s7 =	rddreg [dreg:$0x14];
	s5 =	sadd.s32 @!p3 $0x5000, s1  }
0x12a: {  	[tilespmem:s5], [sflag:$0x1] =	stream.strided.gather @!p3 [hbm4b:s7+s3], $0x1000, s4, s3, $0x38;
	[tilespmem:$0x10000] =	vst v63  }
0x12b: {  	p2 =	por p2, p1;
	s6 =	rddreg [dreg:$0x15];
	s5 =	sadd.s32 @!p3 $0x6000, s1  }
0x12c: {  	[tilespmem:s5], [sflag:$0x1] =	stream.strided.gather @!p3 [hbm4b:s6+s3], $0x1000, s4, s3, $0x38;
	[tilespmem:$0x10000] =	vst v63  }
0x12d: {  	s7 =	rddreg [dreg:$0x16];
	s5 =	sadd.s32 @!p3 $0x7000, s1;
	s6 =	sadd.s32 @!p2 $0x0, s8  }
0x12e: {  	[tilespmem:s5], [sflag:$0x1] =	stream.strided.gather @!p3 [hbm4b:s7+s3], $0x1000, s4, s3, $0x38;
	[tilespmem:$0x10000] =	vst v63  }
0x12f: {  	s9 =	simm.s32 @!p2 $0xC3800;
	s3 =	sadd.s32 @!p2 $0x8000, s6;
	s7 =	simm.s32 @!p2 $0x400  }
0x130: {  	[tilespmem:s1], [sflag:$0x1] =	stream.strided.gather @!p2 [hbm4b:s3+s7], $0x1000, s9, s7, $0x38;
	[tilespmem:$0x10000] =	vst v63  }
0x131: {  	s4 =	sadd.s32 @!p2 $0x1000, s1;
	s3 =	sadd.s32 @!p2 $0x8080, s6  }
0x132: {  	[tilespmem:s4], [sflag:$0x1] =	stream.strided.gather @!p2 [hbm4b:s3+s7], $0x1000, s9, s7, $0x38;
	[tilespmem:$0x10000] =	vst v63  }
0x133: {  	s3 =	sadd.s32 @!p2 $0x8100, s6;
	s4 =	sadd.s32 @!p2 $0x2000, s1  }
0x134: {  	[tilespmem:s4], [sflag:$0x1] =	stream.strided.gather @!p2 [hbm4b:s3+s7], $0x1000, s9, s7, $0x38;
	[tilespmem:$0x10000] =	vst v63  }
0x135: {  	s3 =	sadd.s32 @!p2 $0x3000, s1;
	s4 =	sadd.s32 @!p2 $0x8180, s6  }
0x136: {  	[tilespmem:s3], [sflag:$0x1] =	stream.strided.gather @!p2 [hbm4b:s4+s7], $0x1000, s9, s7, $0x38;
	[tilespmem:$0x10000] =	vst v63  }
0x137: {  	s3 =	sadd.s32 @!p2 $0x8200, s6;
	s4 =	sadd.s32 @!p2 $0x4000, s1  }
0x138: {  	[tilespmem:s4], [sflag:$0x1] =	stream.strided.gather @!p2 [hbm4b:s3+s7], $0x1000, s9, s7, $0x38;
	[tilespmem:$0x10000] =	vst v63  }
0x139: {  	s3 =	sadd.s32 @!p2 $0x8280, s6;
	s4 =	sadd.s32 @!p2 $0x5000, s1  }
0x13a: {  	[tilespmem:s4], [sflag:$0x1] =	stream.strided.gather @!p2 [hbm4b:s3+s7], $0x1000, s9, s7, $0x38;
	[tilespmem:$0x10000] =	vst v63  }
0x13b: {  	s8 =	sadd.s32 @!p2 $0x7000, s1;
	s5 =	sadd.s32 @!p2 $0x8300, s6;
	s4 =	sadd.s32 @!p2 $0x6000, s1  }
0x13c: {  	[tilespmem:s4], [sflag:$0x1] =	stream.strided.gather @!p2 [hbm4b:s5+s7], $0x1000, s9, s7, $0x38;
	[tilespmem:$0x10000] =	vst v63  }
0x13d: {  	s10 =	sadd.s32 @!p2 $0x8380, s6;
	s3 =	simm.s32 $0x8000;
	s4 =	sadd.s32 $0x20, s21  }
0x13e: {  	s1 =	simm.s32 $0x40000;
	s5 =	simm.s32 $0x10000;
	s6 =	sadd.s32 $0xFFFFFFE0, s4  }
.LBB2_4:
0x13f: {  	s11 =	simm.s32 @!p0 $0x2  }
0x140: {  	[tilespmem:s8], [sflag:$0x1] =	stream.strided.gather @!p2 [hbm4b:s10+s7], $0x1000, s9, s7, $0x38;
	[tilespmem:$0x10000] =	vst v63  }
0x141: {  	_ =	swait.ge @!p0 [sflag:s11], $0x8000  }
0x142: {  	p3 =	sgt.u32 s6, $0x61;
	[sflag:s11] =	ssyncset.done @!p0 $0x0  }
0x143: {  	s7 =	simm.s32 @!p3 $0x1;
	[sflag:s11] =	ssyncadd.s32 @!p0 $0xFFFF8000;
	p0 =	por p3, p3  }
0x144: {  	_ =	swait.ge @!p0 [sflag:s7], $0x1000  }
0x145: {  	[sflag:s7] =	ssyncset.done @!p0 $0x0  }
0x146: {  	[sflag:s7] =	ssyncadd.s32 @!p0 $0xFFFFF000  }
0x147: {  	_ =	swait.ge @!p0 [sflag:s7], $0x1000  }
0x148: {  	[sflag:s7] =	ssyncset.done @!p0 $0x0  }
0x149: {  	[sflag:s7] =	ssyncadd.s32 @!p0 $0xFFFFF000  }
0x14a: {  	_ =	swait.ge @!p0 [sflag:s7], $0x1000  }
0x14b: {  	[sflag:s7] =	ssyncset.done @!p0 $0x0  }
0x14c: {  	[sflag:s7] =	ssyncadd.s32 @!p0 $0xFFFFF000  }
0x14d: {  	_ =	swait.ge @!p0 [sflag:s7], $0x1000  }
0x14e: {  	[sflag:s7] =	ssyncset.done @!p0 $0x0  }
0x14f: {  	[sflag:s7] =	ssyncadd.s32 @!p0 $0xFFFFF000  }
0x150: {  	_ =	swait.ge @!p0 [sflag:s7], $0x1000  }
0x151: {  	[sflag:s7] =	ssyncset.done @!p0 $0x0  }
0x152: {  	[sflag:s7] =	ssyncadd.s32 @!p0 $0xFFFFF000  }
0x153: {  	_ =	swait.ge @!p0 [sflag:s7], $0x1000  }
0x154: {  	[sflag:s7] =	ssyncset.done @!p0 $0x0  }
0x155: {  	[sflag:s7] =	ssyncadd.s32 @!p0 $0xFFFFF000  }
0x156: {  	s28 =	sadd.s32 s3, s19;
	_ =	swait.ge @!p0 [sflag:s7], $0x1000  }
0x157: {  	p4 =	sgt.u32 s4, $0x61;
	s8 =	sadd.s32 $0xFFFEFC00, s28;
	[sflag:s7] =	ssyncset.done @!p0 $0x0  }
0x158: {  	p2 =	seq.s32 @!p4 s8, $0x0;
	[sflag:s7] =	ssyncadd.s32 @!p0 $0xFFFFF000  }
0x159: {  	s8 =	sshrl.u32 @!p4 s1, $0x2;
	p3 =	por !p2, p4;
	_ =	swait.ge @!p0 [sflag:s7], $0x1000  }
0x15a: {  	s8 =	sand.u32 @!p4 $0x8000, s8;
	s9 =	sand.u32 @!p0 $0x8000, s3;
	s12 =	rddreg [dreg:$0xe]  }
0x15b: {  	s10 =	simm.s32 @!p0 $0x0;
	[sflag:s7] =	ssyncset.done @!p0 $0x0;
	s12 =	sadd.s32 @!p0 s1, s12  }
0x15c: {  	s11 =	rddreg [dreg:$0x10];
	[sflag:s7] =	ssyncadd.s32 @!p0 $0xFFFFF000;
	s7 =	sadd.s32 @!p0 $0xFFFE0000, s12  }
0x15d: {  	[hbm4b:s7+s10] =	stream.linear.scatter @!p0 [tilespmem:s9], [sflag:$0x2], $0x8000, $0x38;
	[tilespmem:$0x10000] =	vst v63  }
0x15e: {  	s14 =	rddreg [dreg:$0xf];
	s7 =	simm.s32 @!p3 $0x400;
	s9 =	simm.s32 @!p3 $0x2000  }
0x15f: {  	[tilespmem:s8], [sflag:$0x1] =	stream.strided.gather @!p3 [hbm4b:s14+s7], $0x1000, s9, s7, $0x38;
	[tilespmem:$0x10000] =	vst v63  }
0x160: {  	s15 =	sadd.s32 @!p3 $0x1000, s8;
	s13 =	rddreg [dreg:$0x17]  }
0x161: {  	[tilespmem:s15], [sflag:$0x1] =	stream.strided.gather @!p3 [hbm4b:s11+s7], $0x1000, s9, s7, $0x38;
	[tilespmem:$0x10000] =	vst v63  }
0x162: {  	s16 =	sadd.s32 @!p3 $0x2000, s8;
	s14 =	rddreg [dreg:$0x11]  }
0x163: {  	[tilespmem:s16], [sflag:$0x1] =	stream.strided.gather @!p3 [hbm4b:s14+s7], $0x1000, s9, s7, $0x38;
	[tilespmem:$0x10000] =	vst v63  }
0x164: {  	p2 =	por p2, p4;
	s12 =	sadd.s32 @!p3 $0x3000, s8;
	s11 =	rddreg [dreg:$0x12]  }
0x165: {  	[tilespmem:s12], [sflag:$0x1] =	stream.strided.gather @!p3 [hbm4b:s11+s7], $0x1000, s9, s7, $0x38;
	[tilespmem:$0x10000] =	vst v63  }
0x166: {  	s3 =	sadd.s32 @!p2 s3, s13;
	s13 =	rddreg [dreg:$0x13];
	s10 =	sadd.s32 @!p3 $0x4000, s8  }
0x167: {  	[tilespmem:s10], [sflag:$0x1] =	stream.strided.gather @!p3 [hbm4b:s13+s7], $0x1000, s9, s7, $0x38;
	[tilespmem:$0x10000] =	vst v63  }
0x168: {  	s17 =	sadd.s32 @!p3 $0x5000, s8;
	s11 =	rddreg [dreg:$0x14]  }
0x169: {  	[tilespmem:s17], [sflag:$0x1] =	stream.strided.gather @!p3 [hbm4b:s11+s7], $0x1000, s9, s7, $0x38;
	[tilespmem:$0x10000] =	vst v63  }
0x16a: {  	s18 =	sadd.s32 @!p3 $0x6000, s8;
	s10 =	rddreg [dreg:$0x15]  }
0x16b: {  	[tilespmem:s18], [sflag:$0x1] =	stream.strided.gather @!p3 [hbm4b:s10+s7], $0x1000, s9, s7, $0x38;
	[tilespmem:$0x10000] =	vst v63  }
0x16c: {  	s6 =	smov.u32 s5;
	s15 =	sadd.s32 @!p3 $0x7000, s8;
	s11 =	rddreg [dreg:$0x16]  }
0x16d: {  	[tilespmem:s15], [sflag:$0x1] =	stream.strided.gather @!p3 [hbm4b:s11+s7], $0x1000, s9, s7, $0x38;
	[tilespmem:$0x10000] =	vst v63  }
0x16e: {  	s14 =	sadd.s32 @!p2 $0x8000, s3;
	s7 =	simm.s32 @!p2 $0x400;
	s9 =	simm.s32 @!p2 $0xC3800  }
0x16f: {  	[tilespmem:s8], [sflag:$0x1] =	stream.strided.gather @!p2 [hbm4b:s14+s7], $0x1000, s9, s7, $0x38;
	[tilespmem:$0x10000] =	vst v63  }
0x170: {  	s5 =	sadd.s32 $0x8000, s5;
	s12 =	sadd.s32 @!p2 $0x8080, s3;
	s13 =	sadd.s32 @!p2 $0x1000, s8  }
0x171: {  	[tilespmem:s13], [sflag:$0x1] =	stream.strided.gather @!p2 [hbm4b:s12+s7], $0x1000, s9, s7, $0x38;
	[tilespmem:$0x10000] =	vst v63  }
0x172: {  	s4 =	sadd.s32 $0x20, s4;
	s16 =	sadd.s32 @!p2 $0x8100, s3;
	s17 =	sadd.s32 @!p2 $0x2000, s8  }
0x173: {  	[tilespmem:s17], [sflag:$0x1] =	stream.strided.gather @!p2 [hbm4b:s16+s7], $0x1000, s9, s7, $0x38;
	[tilespmem:$0x10000] =	vst v63  }
0x174: {  	p1 =	sne.s32 s5, $0x20000;
	s25 =	sadd.s32 @!p2 $0x3000, s8;
	s18 =	sadd.s32 @!p2 $0x8180, s3  }
0x175: {  	[tilespmem:s25], [sflag:$0x1] =	stream.strided.gather @!p2 [hbm4b:s18+s7], $0x1000, s9, s7, $0x38;
	[tilespmem:$0x10000] =	vst v63  }
0x176: {  	s26 =	sadd.s32 @!p2 $0x4000, s8;
	s28 =	sadd.s32 @!p2 $0x5000, s8;
	s20 =	sadd.s32 @!p2 $0x8200, s3  }
0x177: {  	[tilespmem:s26], [sflag:$0x1] =	stream.strided.gather @!p2 [hbm4b:s20+s7], $0x1000, s9, s7, $0x38;
	[tilespmem:$0x10000] =	vst v63  }
.Ltmp1:
0x178: {  	s1 =	sadd.s32 $0x20000, s1;
	s24 =	sadd.s32 @!p2 $0x8280, s3;
	(pc) =	sbr.rel @p1 .LBB2_4-.Ltmp1, $4  }
0x179: {  	s10 =	sadd.s32 @!p2 $0x8380, s3;
	s11 =	sadd.s32 @!p2 $0x6000, s8;
	s14 =	sadd.s32 @!p2 $0x8300, s3  }
0x17a: {  	[tilespmem:s28], [sflag:$0x1] =	stream.strided.gather @!p2 [hbm4b:s24+s7], $0x1000, s9, s7, $0x38;
	[tilespmem:$0x10000] =	vst v63  }
0x17b: {  	s8 =	sadd.s32 @!p2 $0x7000, s8;
	s3 =	smov.u32 s6;
	s6 =	sadd.s32 $0xFFFFFFE0, s4  }
0x17c: {  	[tilespmem:s11], [sflag:$0x1] =	stream.strided.gather @!p2 [hbm4b:s14+s7], $0x1000, s9, s7, $0x38;
	[tilespmem:$0x10000] =	vst v63  }
0x17d: {  	s5 =	simm.s32 @!p0 $0x2  }
0x17e: {  	[tilespmem:s8], [sflag:$0x1] =	stream.strided.gather @!p2 [hbm4b:s10+s7], $0x1000, s9, s7, $0x38;
	[tilespmem:$0x10000] =	vst v63  }
0x17f: {  	_ =	swait.ge @!p0 [sflag:s5], $0x8000  }
0x180: {  	p1 =	sgt.u32 s6, $0x61;
	[sflag:s5] =	ssyncset.done @!p0 $0x0  }
0x181: {  	s6 =	simm.s32 @!p1 $0x1;
	[sflag:s5] =	ssyncadd.s32 @!p0 $0xFFFF8000;
	p0 =	por p1, p1  }
0x182: {  	_ =	swait.ge @!p0 [sflag:s6], $0x1000  }
0x183: {  	[sflag:s6] =	ssyncset.done @!p0 $0x0  }
0x184: {  	[sflag:s6] =	ssyncadd.s32 @!p0 $0xFFFFF000  }
0x185: {  	_ =	swait.ge @!p0 [sflag:s6], $0x1000  }
0x186: {  	[sflag:s6] =	ssyncset.done @!p0 $0x0  }
0x187: {  	[sflag:s6] =	ssyncadd.s32 @!p0 $0xFFFFF000  }
0x188: {  	_ =	swait.ge @!p0 [sflag:s6], $0x1000  }
0x189: {  	[sflag:s6] =	ssyncset.done @!p0 $0x0  }
0x18a: {  	[sflag:s6] =	ssyncadd.s32 @!p0 $0xFFFFF000  }
0x18b: {  	_ =	swait.ge @!p0 [sflag:s6], $0x1000  }
0x18c: {  	[sflag:s6] =	ssyncset.done @!p0 $0x0  }
0x18d: {  	[sflag:s6] =	ssyncadd.s32 @!p0 $0xFFFFF000  }
0x18e: {  	_ =	swait.ge @!p0 [sflag:s6], $0x1000  }
0x18f: {  	[sflag:s6] =	ssyncset.done @!p0 $0x0  }
0x190: {  	[sflag:s6] =	ssyncadd.s32 @!p0 $0xFFFFF000  }
0x191: {  	_ =	swait.ge @!p0 [sflag:s6], $0x1000  }
0x192: {  	[sflag:s6] =	ssyncset.done @!p0 $0x0  }
0x193: {  	[sflag:s6] =	ssyncadd.s32 @!p0 $0xFFFFF000  }
0x194: {  	_ =	swait.ge @!p0 [sflag:s6], $0x1000  }
0x195: {  	s26 =	sadd.s32 s3, s19;
	p1 =	sgt.u32 s4, $0x61;
	[sflag:s6] =	ssyncset.done @!p0 $0x0  }
0x196: {  	s5 =	sadd.s32 $0xFFFEFC00, s26;
	s4 =	sand.u32 @!p0 $0x8000, s3;
	[sflag:s6] =	ssyncadd.s32 @!p0 $0xFFFFF000  }
0x197: {  	s8 =	simm.s32 @!p0 $0x0;
	p3 =	seq.s32 @!p1 s5, $0x0;
	_ =	swait.ge @!p0 [sflag:s6], $0x1000  }
0x198: {  	s5 =	sshrl.u32 @!p1 s1, $0x2;
	p2 =	por !p3, p1;
	s7 =	rddreg [dreg:$0xe]  }
0x199: {  	[sflag:s6] =	ssyncset.done @!p0 $0x0;
	s9 =	rddreg [dreg:$0x10];
	s1 =	sadd.s32 @!p0 s1, s7  }
0x19a: {  	s7 =	rddreg [dreg:$0xf];
	[sflag:s6] =	ssyncadd.s32 @!p0 $0xFFFFF000;
	s1 =	sadd.s32 @!p0 $0xFFFE0000, s1  }
0x19b: {  	[hbm4b:s1+s8] =	stream.linear.scatter @!p0 [tilespmem:s4], [sflag:$0x2], $0x8000, $0x38;
	[tilespmem:$0x10000] =	vst v63  }
0x19c: {  	s1 =	sand.u32 @!p1 $0x8000, s5;
	s4 =	simm.s32 @!p2 $0x400;
	s5 =	simm.s32 @!p2 $0x2000  }
0x19d: {  	[tilespmem:s1], [sflag:$0x1] =	stream.strided.gather @!p2 [hbm4b:s7+s4], $0x1000, s5, s4, $0x38;
	[tilespmem:$0x10000] =	vst v63  }
0x19e: {  	s10 =	rddreg [dreg:$0x17];
	s6 =	sadd.s32 @!p2 $0x1000, s1  }
0x19f: {  	[tilespmem:s6], [sflag:$0x1] =	stream.strided.gather @!p2 [hbm4b:s9+s4], $0x1000, s5, s4, $0x38;
	[tilespmem:$0x10000] =	vst v63  }
0x1a0: {  	s7 =	rddreg [dreg:$0x11];
	s6 =	sadd.s32 @!p2 $0x2000, s1  }
0x1a1: {  	[tilespmem:s6], [sflag:$0x1] =	stream.strided.gather @!p2 [hbm4b:s7+s4], $0x1000, s5, s4, $0x38;
	[tilespmem:$0x10000] =	vst v63  }
0x1a2: {  	s8 =	rddreg [dreg:$0x12];
	s6 =	sadd.s32 @!p2 $0x3000, s1  }
0x1a3: {  	[tilespmem:s6], [sflag:$0x1] =	stream.strided.gather @!p2 [hbm4b:s8+s4], $0x1000, s5, s4, $0x38;
	[tilespmem:$0x10000] =	vst v63  }
0x1a4: {  	s7 =	rddreg [dreg:$0x13];
	s6 =	sadd.s32 @!p2 $0x4000, s1  }
0x1a5: {  	[tilespmem:s6], [sflag:$0x1] =	stream.strided.gather @!p2 [hbm4b:s7+s4], $0x1000, s5, s4, $0x38;
	[tilespmem:$0x10000] =	vst v63  }
0x1a6: {  	s8 =	rddreg [dreg:$0x14];
	s6 =	sadd.s32 @!p2 $0x5000, s1  }
0x1a7: {  	[tilespmem:s6], [sflag:$0x1] =	stream.strided.gather @!p2 [hbm4b:s8+s4], $0x1000, s5, s4, $0x38;
	[tilespmem:$0x10000] =	vst v63  }
0x1a8: {  	p1 =	por p3, p1;
	s7 =	rddreg [dreg:$0x15];
	s6 =	sadd.s32 @!p2 $0x6000, s1  }
0x1a9: {  	[tilespmem:s6], [sflag:$0x1] =	stream.strided.gather @!p2 [hbm4b:s7+s4], $0x1000, s5, s4, $0x38;
	[tilespmem:$0x10000] =	vst v63  }
0x1aa: {  	s3 =	sadd.s32 @!p1 s3, s10;
	s8 =	rddreg [dreg:$0x16];
	s6 =	sadd.s32 @!p2 $0x7000, s1  }
0x1ab: {  	[tilespmem:s6], [sflag:$0x1] =	stream.strided.gather @!p2 [hbm4b:s8+s4], $0x1000, s5, s4, $0x38;
	[tilespmem:$0x10000] =	vst v63  }
0x1ac: {  	s4 =	sadd.s32 @!p1 $0x8000, s3;
	s5 =	simm.s32 @!p1 $0x400;
	s6 =	simm.s32 @!p1 $0xC3800  }
0x1ad: {  	[tilespmem:s1], [sflag:$0x1] =	stream.strided.gather @!p1 [hbm4b:s4+s5], $0x1000, s6, s5, $0x38;
	[tilespmem:$0x10000] =	vst v63  }
0x1ae: {  	s7 =	sadd.s32 @!p1 $0x1000, s1;
	s4 =	sadd.s32 @!p1 $0x8080, s3  }
0x1af: {  	[tilespmem:s7], [sflag:$0x1] =	stream.strided.gather @!p1 [hbm4b:s4+s5], $0x1000, s6, s5, $0x38;
	[tilespmem:$0x10000] =	vst v63  }
0x1b0: {  	s4 =	sadd.s32 @!p1 $0x8100, s3;
	s7 =	sadd.s32 @!p1 $0x2000, s1  }
0x1b1: {  	[tilespmem:s7], [sflag:$0x1] =	stream.strided.gather @!p1 [hbm4b:s4+s5], $0x1000, s6, s5, $0x38;
	[tilespmem:$0x10000] =	vst v63  }
0x1b2: {  	s4 =	sadd.s32 @!p1 $0x3000, s1;
	s7 =	sadd.s32 @!p1 $0x8180, s3  }
0x1b3: {  	[tilespmem:s4], [sflag:$0x1] =	stream.strided.gather @!p1 [hbm4b:s7+s5], $0x1000, s6, s5, $0x38;
	[tilespmem:$0x10000] =	vst v63  }
0x1b4: {  	s4 =	sadd.s32 @!p1 $0x8200, s3;
	s7 =	sadd.s32 @!p1 $0x4000, s1  }
0x1b5: {  	[tilespmem:s7], [sflag:$0x1] =	stream.strided.gather @!p1 [hbm4b:s4+s5], $0x1000, s6, s5, $0x38;
	[tilespmem:$0x10000] =	vst v63  }
0x1b6: {  	s4 =	sadd.s32 @!p1 $0x8280, s3;
	s7 =	sadd.s32 @!p1 $0x5000, s1  }
0x1b7: {  	[tilespmem:s7], [sflag:$0x1] =	stream.strided.gather @!p1 [hbm4b:s4+s5], $0x1000, s6, s5, $0x38;
	[tilespmem:$0x10000] =	vst v63  }
0x1b8: {  	s4 =	sadd.s32 @!p1 $0x6000, s1;
	s7 =	sadd.s32 @!p1 $0x8300, s3  }
0x1b9: {  	[tilespmem:s4], [sflag:$0x1] =	stream.strided.gather @!p1 [hbm4b:s7+s5], $0x1000, s6, s5, $0x38;
	[tilespmem:$0x10000] =	vst v63  }
0x1ba: {  	s1 =	sadd.s32 @!p1 $0x7000, s1;
	s3 =	sadd.s32 @!p1 $0x8380, s3;
	s4 =	simm.s32 @!p0 $0x2  }
0x1bb: {  	[tilespmem:s1], [sflag:$0x1] =	stream.strided.gather @!p1 [hbm4b:s3+s5], $0x1000, s6, s5, $0x38;
	[tilespmem:$0x10000] =	vst v63  }
0x1bc: {  	_ =	swait.ge @!p0 [sflag:s4], $0x8000  }
0x1bd: {  	s28 =	sld [smem:$0x7FD];
	_ =	sdelay $0x1  }
0x1be: {  	s2 =	sadd.s32 $0x1, s2  }
0x1bf: {  	p1 =	sne.s32 s2, s28  }
.Ltmp2:
0x1c0: {  	_ = 	snop;
	(pc) =	sbr.rel @p1 .LBB2_1-.Ltmp2, $3  }
0x1c1: {  	_ =	sdelay $0x1  }
0x1c2: {  	[sflag:s4] =	ssyncset.done @!p0 $0x0  }
0x1c3: {  	[sflag:s4] =	ssyncadd.s32 @!p0 $0xFFFF8000  }
0x1c4: {  	_ =	sfence.sel $0x180000  }
0x1c5: {  	[bflag:$0x0] =	sbarrier.arrive $0xFFFF  }
0x1c6: {  	_ =	strace $0x90000047  }
0x1c7: {  	s0 =	stileid.u32;
	[bflag:$0x2] =	sbarrier.arrive $0xFFFF  }
0x1c8: {  	p0 =	sne.s32 s0, $0x0;
	s0 =	rddreg [dreg:$0x3]  }
0x1c9: {  	s0 =	sadd.s32 @!p0 $0x100000, s0  }
0x1ca: {  	[sflag:s0] =	ssyncadd.tile.s32 @!p0 $0x1;
	_ =	shalt  }
.Lfunc_end2:
_tile_overlayer_lowered:
.L_overlay_start_2:
0x1cb: {  	(tag) =	ssettag $0x2  }
0x1cc: {  	s0 =	rddreg [dreg:$0x0];
	s2 =	stileid.u32  }
0x1cd: {  	s1 =	rddreg [dreg:$0x1];
	p0 =	sne.s32 s2, $0x0  }
0x1ce: {  	s3 =	rddreg [dreg:$0x2];
	[bflag:$0x3] =	sbarrier.arrive $0xFFFF;
	s2 =	simm.s32 @!p0 $0x1C03  }
0x1cf: {  	[timem:s3], [sflag:s2] =	dma.local @!p0 [hbm:s0], s1  }
0x1d0: {  	s0 =	simm.s32 @!p0 $0x3  }
0x1d1: {  	_ =	swait.ge @!p0 [sflag:s0], s1  }
0x1d2: {  	s1 =	ssub.s32 @!p0 $0x0, s1;
	[sflag:s0] =	ssyncset.done @!p0 $0x0  }
0x1d3: {  	[sflag:s0] =	ssyncadd.s32 @!p0 s1  }
0x1d4: {  	[bflag:$0x3] =	sbarrier.arrive $0xFFFF  }
0x1d5: {  	_ =	shalt  }

// kernel: _mf_scores.7.cloned.1.call-start
scs
__scs_entry_jumppad:
0x0: {  	(pc) =	sbr.rel $0x88, $3  }
0x1: {  	(tag) =	ssettag $0x0;
	lr =	simm.s32 $0x1  }
0x2: {  	[smem:$0x3F9D] =	sst lr;
	_ =	strace $0xD0000000  }
0x3: {  	_ = 	snop  }
0x4: {  	_ = 	snop  }
0x5: {  	_ = 	snop  }
0x6: {  	_ = 	snop  }
0x7: {  	_ = 	snop  }
__scs_overlays_trampoline_lowered:
0x8: {  	[smem:$0x3FAC] =	sst s0  }
0x9: {  	[smem:$0x3FAD] =	sst s1  }
0xa: {  	[smem:$0x3FAE] =	sst s2  }
0xb: {  	[smem:$0x3FAF] =	sst s3  }
0xc: {  	[smem:$0x3FB0] =	sst s4  }
0xd: {  	[smem:$0x3FB1] =	sst s5  }
0xe: {  	[smem:$0x3FB2] =	sst s6  }
0xf: {  	[smem:$0x3FB3] =	sst s7  }
0x10: {  	[smem:$0x3FB4] =	sst s8  }
0x11: {  	[smem:$0x3FB5] =	sst s9;
	s0 =	simm.s32 @!p0 $0x0  }
0x12: {  	s1 =	sld [smem:$0x3F9B];
	s0 =	simm.s32 @p0 $0x1  }
0x13: {  	[smem:$0x3FB6] =	sst s0;
	s0 =	simm.s32 @!p1 $0x0  }
0x14: {  	s2 =	sld [smem:$0x3F9A];
	s0 =	simm.s32 @p1 $0x1  }
0x15: {  	[smem:$0x3FB7] =	sst s0;
	s0 =	simm.s32 @!p2 $0x0  }
0x16: {  	s3 =	sld [smem:$0x3FDB];
	s0 =	simm.s32 @p2 $0x1  }
0x17: {  	s4 =	simm.s32 $0x1BF5;
	[smem:$0x3FB9] =	sst s0  }
0x18: {  	s0 =	sld [smem:$0x3F9C];
	_ =	swait.ge [sflag:s4], $0x0  }
0x19: {  	s7 =	sld [smem:$0x3F9D]  }
0x1a: {  	s8 =	sadd.s32 $0xFFFFE003, lr  }
0x1b: {  	s9 =	sadd.s32 $0xFFFFFEF7, lr;
	s5 =	simm.s32 $0xFFFFFFFF;
	p2 =	slt.u32 s8, $0xFFFFF086  }
0x1c: {  	p1 =	slt.u32 s9, $0xF7A;
	s5 =	simm.s32 @!p2 $0x0  }
0x1d: {  	s5 =	simm.s32 @p1 $0x1;
	p0 =	seq.s32 s7, s2  }
0x1e: {  	s7 =	smul.u32 @!p0 $0xF7A, s2;
	p2 =	seq.s32 @!p0 s5, $0x0  }
0x1f: {  	s9 =	smul.u32 $0xF7A, s1;
	s8 =	simm.s32 @!p0 $0x1BF5;
	p2 =	por !p2, p0  }
0x20: {  	[sflag:s8] =	ssyncset.s32 @!p0 $0xFFFFF086;
	s6 =	sadd.s32 @!p0 s3, s7;
	s7 =	simm.s32 @!p0 $0x108  }
0x21: {  	s3 =	sadd.s32 s3, s9;
	s6 =	sadd.s32 @!p0 $0x88, s6;
	s7 =	simm.s32 @p2 $0x1082  }
0x22: {  	[simem:s7], [sflag:s8] =	dma.local @!p0 [hbm:s6], $0xF7A  }
0x23: {  	s9 =	sor.u32 $0xD0000000, s2;
	s6 =	simm.s32 $0x108;
	_ =	swait.ge @!p0 [sflag:s8], $0x0  }
0x24: {  	s3 =	sadd.s32 $0x88, s3;
	s6 =	simm.s32 @!p1 $0x1082;
	[sflag:s4] =	ssyncset.s32 $0xFFFFF086  }
0x25: {  	[simem:s6], [sflag:s4] =	dma.local [hbm:s3], $0xF7A  }
0x26: {  	[smem:$0x3F9D] =	sst s1;
	(tag) =	ssettag s2;
	_ =	strace s9  }
0x27: {  	s1 =	sld [smem:$0x3FAD]  }
0x28: {  	s2 =	sld [smem:$0x3FAE]  }
0x29: {  	s4 =	sld [smem:$0x3FB0]  }
0x2a: {  	p0 =	seq.s32 s5, $0x0;
	s5 =	sld [smem:$0x3FB1]  }
0x2b: {  	s6 =	sld [smem:$0x3FB2]  }
0x2c: {  	s7 =	sld [smem:$0x3FB3]  }
0x2d: {  	s3 =	simm.s32 $0x108;
	s8 =	sld [smem:$0x3FB4]  }
0x2e: {  	s3 =	simm.s32 @!p0 $0x1082;
	s9 =	sld [smem:$0x3FB5]  }
0x2f: {  	lr =	sadd.s32 s0, s3;
	s0 =	sld [smem:$0x3FAC]  }
0x30: {  	s3 =	sld [smem:$0x3FAF]  }
0x31: {  	[smem:$0x3FB8] =	sst s10  }
0x32: {  	s10 =	sld [smem:$0x3FB6];
	_ =	sdelay $0x3  }
0x33: {  	p0 =	seq.s32 s10, $0x1;
	s10 =	sld [smem:$0x3FB8];
	_ =	sdelay $0x3  }
0x34: {  	[smem:$0x3FB8] =	sst s10  }
0x35: {  	s10 =	sld [smem:$0x3FB7];
	_ =	sdelay $0x3  }
0x36: {  	p1 =	seq.s32 s10, $0x1;
	s10 =	sld [smem:$0x3FB8];
	_ =	sdelay $0x3  }
0x37: {  	[smem:$0x3FB8] =	sst s10  }
0x38: {  	s10 =	sld [smem:$0x3FB9]  }
0x39: {  	_ = 	snop;
	(pc) =	sbr.ind lr, $3  }
0x3a: {  	_ = 	snop  }
0x3b: {  	_ = 	snop  }
0x3c: {  	p2 =	seq.s32 s10, $0x1;
	s10 =	sld [smem:$0x3FB8]  }
0x3d: {  	_ =	shalt  }
0x3e: {  	_ =	shalt  }
0x3f: {  	_ =	shalt  }
0x40: {  	_ =	shalt  }
0x41: {  	_ =	shalt  }
0x42: {  	_ =	shalt  }
0x43: {  	_ =	shalt  }
0x44: {  	_ =	shalt  }
0x45: {  	_ =	shalt  }
0x46: {  	_ =	shalt  }
0x47: {  	_ =	shalt  }
0x48: {  	_ =	shalt  }
0x49: {  	_ =	shalt  }
0x4a: {  	_ =	shalt  }
0x4b: {  	_ =	shalt  }
0x4c: {  	_ =	shalt  }
0x4d: {  	_ =	shalt  }
0x4e: {  	_ =	shalt  }
0x4f: {  	_ =	shalt  }
0x50: {  	_ =	shalt  }
0x51: {  	_ =	shalt  }
0x52: {  	_ =	shalt  }
0x53: {  	_ =	shalt  }
0x54: {  	_ =	shalt  }
0x55: {  	_ =	shalt  }
0x56: {  	_ =	shalt  }
0x57: {  	_ =	shalt  }
0x58: {  	_ =	shalt  }
0x59: {  	_ =	shalt  }
0x5a: {  	_ =	shalt  }
0x5b: {  	_ =	shalt  }
0x5c: {  	_ =	shalt  }
0x5d: {  	_ =	shalt  }
0x5e: {  	_ =	shalt  }
0x5f: {  	_ =	shalt  }
0x60: {  	_ =	shalt  }
0x61: {  	_ =	shalt  }
0x62: {  	_ =	shalt  }
0x63: {  	_ =	shalt  }
0x64: {  	_ =	shalt  }
0x65: {  	_ =	shalt  }
0x66: {  	_ =	shalt  }
0x67: {  	_ =	shalt  }
0x68: {  	_ =	shalt  }
0x69: {  	_ =	shalt  }
0x6a: {  	_ =	shalt  }
0x6b: {  	_ =	shalt  }
0x6c: {  	_ =	shalt  }
0x6d: {  	_ =	shalt  }
0x6e: {  	_ =	shalt  }
0x6f: {  	_ =	shalt  }
0x70: {  	_ =	shalt  }
0x71: {  	_ =	shalt  }
0x72: {  	_ =	shalt  }
0x73: {  	_ =	shalt  }
0x74: {  	_ =	shalt  }
0x75: {  	_ =	shalt  }
0x76: {  	_ =	shalt  }
0x77: {  	_ =	shalt  }
0x78: {  	_ =	shalt  }
0x79: {  	_ =	shalt  }
0x7a: {  	_ =	shalt  }
0x7b: {  	_ =	shalt  }
0x7c: {  	_ =	shalt  }
0x7d: {  	_ =	shalt  }
0x7e: {  	_ =	shalt  }
0x7f: {  	_ =	shalt  }
0x80: {  	_ =	shalt  }
0x81: {  	_ =	shalt  }
0x82: {  	_ =	shalt  }
0x83: {  	_ =	shalt  }
0x84: {  	_ =	shalt  }
0x85: {  	_ =	shalt  }
0x86: {  	_ =	shalt  }
0x87: {  	_ =	shalt  }
.Lfunc_end0:
.L_simem_size_0:
called_computation.1_lowered:
.L_overlay_start_0:
0x88: {  	s2 =	sld [smem:$0x3FD9]  }
0x89: {  	s3 =	sld [smem:$0x3FFE];
	_ =	sdelay $0x1  }
0x8a: {  	s1 =	srdreg.scid  }
0x8b: {  	s0 =	sand.u32 $0x1, s1  }
0x8c: {  	s17 =	sshll.u32 s0, $0xA;
	s2 =	sadd.s32 s3, s2  }
0x8d: {  	s2 =	sadd.s32 s2, s17  }
0x8e: {  	[smem:$0x3FC4] =	sst s2  }
0x8f: {  	_ = 	snop  }
0x90: {  	s2 =	sld [smem:$0x3FC9]  }
0x91: {  	s18 =	sld [smem:$0x3FC8]  }
0x92: {  	s4 =	sld [smem:$0x3FD0];
	(tm) =	ssettm $0x1  }
0x93: {  	s5 =	sld [smem:$0x3FFB];
	_ =	sdelay $0x3  }
0x94: {  	_ =	strace s5  }
0x95: {  	s5 =	sld [smem:$0x3FFC];
	_ =	sdelay $0x3  }
0x96: {  	_ =	strace s5  }
0x97: {  	s5 =	sld [smem:$0x3FFD];
	_ =	sdelay $0x3  }
0x98: {  	_ =	strace s5  }
0x99: {  	_ =	strace $0x8FFFFFFF  }
0x9a: {  	s19 =	sld [smem:$0x3FDB];
	_ =	sdelay $0x1  }
0x9b: {  	s6 =	simm.s32 $_scs_section_size  }
0x9c: {  	s7 =	simm.s32 $_size__tile_overlayer_lowered;
	s8 =	simm.s32 $_tile_overlayer_lowered  }
0x9d: {  	s22 =	simm.s32 $0x1BFF;
	s21 =	sshll.u32 s8, $0x1;
	s5 =	sadd.s32 s6, s19  }
0x9e: {  	s9 =	simm.s32 $0x0;
	s20 =	sshll.u32 s7, $0x1;
	s7 =	sadd.s32 s21, s5  }
0x9f: {  	[timem:s9], [sflag:s22] =	dma.local [hbm:s7], s20  }
0xa0: {  	_ =	swait.ge [sflag:s22], s20  }
0xa1: {  	s6 =	ssub.s32 $0x0, s20;
	[sflag:s22] =	ssyncset.done $0x0  }
0xa2: {  	[sflag:s22] =	ssyncadd.s32 s6;
	_ =	sdelay $0x1  }
0xa3: {  	s23 =	simm.s32 $0x1B8B  }
0xa4: {  	_ =	swait.ge [sflag:s23], $0x1  }
0xa5: {  	[sflag:s23] =	ssyncset.done $0x0  }
0xa6: {  	s25 =	simm.s32 $0x1B8E;
	s24 =	sld [smem:$0x3FFE];
	[sflag:s23] =	ssyncadd.s32 $0xFFFFFFFF  }
0xa7: {  	s26 =	simm.s32 $execute0_lowered;
	[smem:$0x3FD2] =	sst s25  }
0xa8: {  	s7 =	sshll.u32 s26, $0x1;
	_ =	strace $0x80000049;
	[dreg:$0x1] =	wrdreg $0xFFFFFFFF  }
0xa9: {  	s28 =	simm.s32 $_size_execute0_lowered;
	s5 =	sadd.s32 s5, s7;
	[dreg:$0x0] =	wrdreg $0x0  }
0xaa: {  	s7 =	sshll.u32 s28, $0x1;
	[dreg:$0x2] =	wrdreg s5  }
0xab: {  	[dreg:$0x3] =	wrdreg s7  }
0xac: {  	[dreg:$0x4] =	wrdreg $0xC0  }
0xad: {  	_ =	task [dreg:s9], $0x5FFFF  }
0xae: {  	[dreg:$0x1] =	wrdreg $0xFFFFFFFF  }
0xaf: {  	[dreg:$0x0] =	wrdreg $0x60  }
0xb0: {  	[dreg:$0x2] =	wrdreg s2  }
0xb1: {  	[dreg:$0x3] =	wrdreg s18  }
0xb2: {  	[dreg:$0x4] =	wrdreg s24  }
0xb3: {  	[dreg:$0x5] =	wrdreg s4  }
0xb4: {  	[dreg:$0x6] =	wrdreg $0x9  }
0xb5: {  	_ =	task.clear_ibuf [dreg:s9], $0x7FFFF;
	_ =	strace $0x90000049  }
0xb6: {  	s29 =	simm.s32 $0x9;
	_ =	strace $0x8000004B  }
0xb7: {  	_ =	swait.ge [sflag:s29], $0x1  }
0xb8: {  	[sflag:s29] =	ssyncadd.s32 $0xFFFFFFFF  }
0xb9: {  	_ =	strace $0x9000004B  }
0xba: {  	_ =	sfence  }
0xbb: {  	s30 =	sld [smem:$0x0];
	_ =	sdelay $0x2  }
0xbc: {  	s31 =	sshll.u32 s1, $0xD;
	s1 =	sshrl.u32 s1, $0x2  }
0xbd: {  	s3 =	sand.u32 $0x4000, s31;
	s1 =	sadd.s32 s1, s30  }
0xbe: {  	s0 =	sor.u32 s3, s0;
	s1 =	sshll.u32 s1, $0x11  }
0xbf: {  	s0 =	sor.u32 s1, s0  }
0xc0: {  	s0 =	sadd.s32 $0x8F2B, s0  }
0xc1: {  	[sflag:s0] =	ssyncadd.remote.s32 $0x1  }
0xc2: {  	_ =	sfence.sel $0xFFFF  }
0xc3: {  	[dreg:$0x0] =	wrdreg $0xFFFFFFFF;
	(pc) =	sbr.abs _section_cstart, $3  }
0xc4: {  	[dreg:$0x1] =	wrdreg $0xFFFFFFFF  }
0xc5: {  	_ =	task.clear_ibuf [dreg:s9], $0x2FFFF;
	_ =	strace $0x9FFFFFFF  }
0xc6: {  	(tm) =	ssettm $0x7FFFFFFF  }
0xc7: {  	_ =	shalt  }
tec
execute0_lowered:
.L_overlay_start_1:
0x0: {  	(tag) =	ssettag $0x1  }
0x1: {  	s11 =	rddreg [dreg:$0x0]  }
0x2: {  	s12 =	rddreg [dreg:$0x1]  }
0x3: {  	s4 =	rddreg [dreg:$0x2]  }
0x4: {  	s13 =	rddreg [dreg:$0x3];
	s1 =	simm.s32 $0x0;
	s2 =	srdreg.scid  }
0x5: {  	s17 =	simm.s32 $0x80;
	s18 =	simm.s32 $0x280;
	s19 =	simm.s32 $0x100  }
0x6: {  	s20 =	simm.s32 $0x300;
	s21 =	simm.s32 $0x180;
	s22 =	simm.s32 $0x380  }
0x7: {  	s23 =	simm.s32 $0x1;
	s24 =	simm.s32 $0x10400;
	s25 =	simm.s32 $0x0  }
0x8: {  	[smem:$0x7FF] =	sst s1;
	s5 =	sand.u32 $0x1, s2;
	s3 =	sadd.s32 $0x2C00, s4  }
0x9: {  	s2 =	stileid.u32;
	s4 =	sadd.s32 $0x3D3C00, s4;
	s6 =	ssub.s32 $0x2, s5  }
0xa: {  	s8 =	sshll.u32 s2, $0x7;
	s5 =	sshll.u32 s5, $0x6;
	s7 =	sshrl.u32 s6, $0x1  }
0xb: {  	_ =	strace $0x8000004A;
	s15 =	sor.u32 s5, s8;
	s14 =	ssub.s32 s6, s7  }
0xc: {  	s5 =	sadd.s32 s11, s15;
	s6 =	sadd.s32 s12, s15;
	s8 =	sor.u32 $0x10, s15  }
0xd: {  	s10 =	sor.u32 $0x20, s15;
	s16 =	sor.u32 $0x30, s15;
	s13 =	sadd.s32 s13, s15  }
0xe: {  	s15 =	simm.s32 $0x2;
	s7 =	sadd.s32 s11, s8;
	s8 =	sadd.s32 s12, s8  }
0xf: {  	s9 =	sadd.s32 s11, s10;
	s10 =	sadd.s32 s12, s10;
	s11 =	sadd.s32 s11, s16  }
0x10: {  	s12 =	sadd.s32 s12, s16;
	s14 =	smax.u32 s14, $0x1;
	s16 =	simm.s32 $0x200  }
.LBB2_1:
0x11: {  	[tilespmem:s1], [sflag:$0x2] =	stream.linear.gather [hbm4b:s5+s1], $0x80, $0x38;
	[tilespmem:$0x10600] =	vst v63  }
0x12: {  	_ =	swait.ge [sflag:s15], $0x80  }
0x13: {  	[sflag:s15] =	ssyncset.done $0x0  }
0x14: {  	[sflag:s15] =	ssyncadd.s32 $0xFFFFFF80  }
0x15: {  	[tilespmem:s16], [sflag:$0x2] =	stream.linear.gather [hbm4b:s6+s1], $0x80, $0x38;
	[tilespmem:$0x10600] =	vst v63  }
0x16: {  	_ =	swait.ge [sflag:s15], $0x80  }
0x17: {  	[sflag:s15] =	ssyncset.done $0x0  }
0x18: {  	[sflag:s15] =	ssyncadd.s32 $0xFFFFFF80  }
0x19: {  	[tilespmem:s17], [sflag:$0x2] =	stream.linear.gather [hbm4b:s7+s1], $0x80, $0x38;
	[tilespmem:$0x10600] =	vst v63  }
0x1a: {  	_ =	swait.ge [sflag:s15], $0x80  }
0x1b: {  	[sflag:s15] =	ssyncset.done $0x0  }
0x1c: {  	[sflag:s15] =	ssyncadd.s32 $0xFFFFFF80  }
0x1d: {  	[tilespmem:s18], [sflag:$0x2] =	stream.linear.gather [hbm4b:s8+s1], $0x80, $0x38;
	[tilespmem:$0x10600] =	vst v63  }
0x1e: {  	_ =	swait.ge [sflag:s15], $0x80  }
0x1f: {  	[sflag:s15] =	ssyncset.done $0x0  }
0x20: {  	[sflag:s15] =	ssyncadd.s32 $0xFFFFFF80  }
0x21: {  	[tilespmem:s19], [sflag:$0x2] =	stream.linear.gather [hbm4b:s9+s1], $0x80, $0x38;
	[tilespmem:$0x10600] =	vst v63  }
0x22: {  	_ =	swait.ge [sflag:s15], $0x80  }
0x23: {  	[sflag:s15] =	ssyncset.done $0x0  }
0x24: {  	[sflag:s15] =	ssyncadd.s32 $0xFFFFFF80  }
0x25: {  	[tilespmem:s20], [sflag:$0x2] =	stream.linear.gather [hbm4b:s10+s1], $0x80, $0x38;
	[tilespmem:$0x10600] =	vst v63  }
0x26: {  	_ =	swait.ge [sflag:s15], $0x80  }
0x27: {  	[sflag:s15] =	ssyncset.done $0x0  }
0x28: {  	[sflag:s15] =	ssyncadd.s32 $0xFFFFFF80  }
0x29: {  	[tilespmem:s21], [sflag:$0x2] =	stream.linear.gather [hbm4b:s11+s1], $0x80, $0x38;
	[tilespmem:$0x10600] =	vst v63  }
0x2a: {  	_ =	swait.ge [sflag:s15], $0x80  }
0x2b: {  	[sflag:s15] =	ssyncset.done $0x0  }
0x2c: {  	[sflag:s15] =	ssyncadd.s32 $0xFFFFFF80  }
0x2d: {  	[tilespmem:s22], [sflag:$0x2] =	stream.linear.gather [hbm4b:s12+s1], $0x80, $0x38;
	[tilespmem:$0x10600] =	vst v63  }
0x2e: {  	_ =	swait.ge [sflag:s15], $0x80  }
0x2f: {  	s26 =	simm.s32 $0x4500;
	[sflag:s15] =	ssyncset.done $0x0  }
0x30: {  	s28 =	simm.s32 $0x500;
	s29 =	simm.s32 $0x0;
	[sflag:s15] =	ssyncadd.s32 $0xFFFFFF80  }
.LBB2_2:
0x31: {  	v0 =	vld [tilespmem:$0x0];
	_ =	sdelay $0x4  }
0x32: {  	v1 =	vshll.u32 v0, $0x5  }
0x33: {  	v0 =	vand.u32 $0x7F, v0;
	v1 =	vand.u32 $0xFFFFF000, v1  }
0x34: {  	v0 =	vor.u32 v1, v0  }
0x35: {  	v0 =	vor.u32 s29, v0  }
0x36: {  	[tilespmem:s28+$0xFFFFFF00] =	vst v0  }
0x37: {  	v0 =	vld [tilespmem:$0x200];
	_ =	sdelay $0x4  }
0x38: {  	v61 =	vshll.u32 v0, $0x5  }
0x39: {  	v0 =	vand.u32 $0x7F, v0;
	v1 =	vand.u32 $0xFFFFF000, v61  }
0x3a: {  	v0 =	vor.u32 v1, v0  }
0x3b: {  	v0 =	vor.u32 s29, v0  }
0x3c: {  	[tilespmem:s26+$0xFFFFFF00] =	vst v0  }
0x3d: {  	v0 =	vld [tilespmem:$0x10];
	_ =	sdelay $0x4  }
0x3e: {  	v62 =	vshll.u32 v0, $0x5  }
0x3f: {  	v0 =	vand.u32 $0x7F, v0;
	v1 =	vand.u32 $0xFFFFF000, v62  }
0x40: {  	v0 =	vor.u32 v1, v0  }
0x41: {  	v0 =	vor.u32 s29, v0  }
0x42: {  	[tilespmem:s28+$0xFFFFFF10] =	vst v0  }
0x43: {  	v0 =	vld [tilespmem:$0x210];
	_ =	sdelay $0x4  }
0x44: {  	v63 =	vshll.u32 v0, $0x5  }
0x45: {  	v0 =	vand.u32 $0x7F, v0;
	v1 =	vand.u32 $0xFFFFF000, v63  }
0x46: {  	v0 =	vor.u32 v1, v0  }
0x47: {  	v0 =	vor.u32 s29, v0  }
0x48: {  	[tilespmem:s26+$0xFFFFFF10] =	vst v0  }
0x49: {  	v0 =	vld [tilespmem:$0x20];
	_ =	sdelay $0x4  }
0x4a: {  	v4 =	vshll.u32 v0, $0x5  }
0x4b: {  	v0 =	vand.u32 $0x7F, v0;
	v1 =	vand.u32 $0xFFFFF000, v4  }
0x4c: {  	v0 =	vor.u32 v1, v0  }
0x4d: {  	v0 =	vor.u32 s29, v0  }
0x4e: {  	[tilespmem:s28+$0xFFFFFF20] =	vst v0  }
0x4f: {  	v0 =	vld [tilespmem:$0x220];
	_ =	sdelay $0x4  }
0x50: {  	v5 =	vshll.u32 v0, $0x5  }
0x51: {  	v0 =	vand.u32 $0x7F, v0;
	v1 =	vand.u32 $0xFFFFF000, v5  }
0x52: {  	v0 =	vor.u32 v1, v0  }
0x53: {  	v0 =	vor.u32 s29, v0  }
0x54: {  	[tilespmem:s26+$0xFFFFFF20] =	vst v0  }
0x55: {  	v0 =	vld [tilespmem:$0x30];
	_ =	sdelay $0x4  }
0x56: {  	v6 =	vshll.u32 v0, $0x5  }
0x57: {  	v0 =	vand.u32 $0x7F, v0;
	v1 =	vand.u32 $0xFFFFF000, v6  }
0x58: {  	v0 =	vor.u32 v1, v0  }
0x59: {  	v0 =	vor.u32 s29, v0  }
0x5a: {  	[tilespmem:s28+$0xFFFFFF30] =	vst v0  }
0x5b: {  	v0 =	vld [tilespmem:$0x230];
	_ =	sdelay $0x4  }
0x5c: {  	v7 =	vshll.u32 v0, $0x5  }
0x5d: {  	v0 =	vand.u32 $0x7F, v0;
	v1 =	vand.u32 $0xFFFFF000, v7  }
0x5e: {  	v0 =	vor.u32 v1, v0  }
0x5f: {  	v0 =	vor.u32 s29, v0  }
0x60: {  	[tilespmem:s26+$0xFFFFFF30] =	vst v0  }
0x61: {  	v0 =	vld [tilespmem:$0x40];
	_ =	sdelay $0x4  }
0x62: {  	v8 =	vshll.u32 v0, $0x5  }
0x63: {  	v0 =	vand.u32 $0x7F, v0;
	v1 =	vand.u32 $0xFFFFF000, v8  }
0x64: {  	v0 =	vor.u32 v1, v0  }
0x65: {  	v0 =	vor.u32 s29, v0  }
0x66: {  	[tilespmem:s28+$0xFFFFFF40] =	vst v0  }
0x67: {  	v0 =	vld [tilespmem:$0x240];
	_ =	sdelay $0x4  }
0x68: {  	v9 =	vshll.u32 v0, $0x5  }
0x69: {  	v0 =	vand.u32 $0x7F, v0;
	v1 =	vand.u32 $0xFFFFF000, v9  }
0x6a: {  	v0 =	vor.u32 v1, v0  }
0x6b: {  	v0 =	vor.u32 s29, v0  }
0x6c: {  	[tilespmem:s26+$0xFFFFFF40] =	vst v0  }
0x6d: {  	v0 =	vld [tilespmem:$0x50];
	_ =	sdelay $0x4  }
0x6e: {  	v10 =	vshll.u32 v0, $0x5  }
0x6f: {  	v0 =	vand.u32 $0x7F, v0;
	v1 =	vand.u32 $0xFFFFF000, v10  }
0x70: {  	v0 =	vor.u32 v1, v0  }
0x71: {  	v0 =	vor.u32 s29, v0  }
0x72: {  	[tilespmem:s28+$0xFFFFFF50] =	vst v0  }
0x73: {  	v0 =	vld [tilespmem:$0x250];
	_ =	sdelay $0x4  }
0x74: {  	v11 =	vshll.u32 v0, $0x5  }
0x75: {  	v0 =	vand.u32 $0x7F, v0;
	v1 =	vand.u32 $0xFFFFF000, v11  }
0x76: {  	v0 =	vor.u32 v1, v0  }
0x77: {  	v0 =	vor.u32 s29, v0  }
0x78: {  	[tilespmem:s26+$0xFFFFFF50] =	vst v0  }
0x79: {  	v0 =	vld [tilespmem:$0x60];
	_ =	sdelay $0x4  }
0x7a: {  	v12 =	vshll.u32 v0, $0x5  }
0x7b: {  	v0 =	vand.u32 $0x7F, v0;
	v1 =	vand.u32 $0xFFFFF000, v12  }
0x7c: {  	v0 =	vor.u32 v1, v0  }
0x7d: {  	v0 =	vor.u32 s29, v0  }
0x7e: {  	[tilespmem:s28+$0xFFFFFF60] =	vst v0  }
0x7f: {  	v0 =	vld [tilespmem:$0x260];
	_ =	sdelay $0x4  }
0x80: {  	v13 =	vshll.u32 v0, $0x5  }
0x81: {  	v0 =	vand.u32 $0x7F, v0;
	v1 =	vand.u32 $0xFFFFF000, v13  }
0x82: {  	v0 =	vor.u32 v1, v0  }
0x83: {  	v0 =	vor.u32 s29, v0  }
0x84: {  	[tilespmem:s26+$0xFFFFFF60] =	vst v0  }
0x85: {  	v0 =	vld [tilespmem:$0x70];
	_ =	sdelay $0x4  }
0x86: {  	v14 =	vshll.u32 v0, $0x5  }
0x87: {  	v0 =	vand.u32 $0x7F, v0;
	v1 =	vand.u32 $0xFFFFF000, v14  }
0x88: {  	v0 =	vor.u32 v1, v0  }
0x89: {  	v0 =	vor.u32 s29, v0  }
0x8a: {  	[tilespmem:s28+$0xFFFFFF70] =	vst v0  }
0x8b: {  	v0 =	vld [tilespmem:$0x270];
	_ =	sdelay $0x4  }
0x8c: {  	v15 =	vshll.u32 v0, $0x5  }
0x8d: {  	v0 =	vand.u32 $0x7F, v0;
	v1 =	vand.u32 $0xFFFFF000, v15  }
0x8e: {  	v0 =	vor.u32 v1, v0  }
0x8f: {  	v0 =	vor.u32 s29, v0  }
0x90: {  	[tilespmem:s26+$0xFFFFFF70] =	vst v0  }
0x91: {  	v0 =	vld [tilespmem:$0x80];
	_ =	sdelay $0x4  }
0x92: {  	v16 =	vshll.u32 v0, $0x5  }
0x93: {  	v0 =	vand.u32 $0x7F, v0;
	v1 =	vand.u32 $0xFFFFF000, v16  }
0x94: {  	v0 =	vor.u32 v1, v0  }
0x95: {  	v0 =	vor.u32 s29, v0  }
0x96: {  	[tilespmem:s28+$0xFFFFFF80] =	vst v0  }
0x97: {  	v0 =	vld [tilespmem:$0x280];
	_ =	sdelay $0x4  }
0x98: {  	v17 =	vshll.u32 v0, $0x5  }
0x99: {  	v0 =	vand.u32 $0x7F, v0;
	v1 =	vand.u32 $0xFFFFF000, v17  }
0x9a: {  	v0 =	vor.u32 v1, v0  }
0x9b: {  	v0 =	vor.u32 s29, v0  }
0x9c: {  	[tilespmem:s26+$0xFFFFFF80] =	vst v0  }
0x9d: {  	v0 =	vld [tilespmem:$0x90];
	_ =	sdelay $0x4  }
0x9e: {  	v18 =	vshll.u32 v0, $0x5  }
0x9f: {  	v0 =	vand.u32 $0x7F, v0;
	v1 =	vand.u32 $0xFFFFF000, v18  }
0xa0: {  	v0 =	vor.u32 v1, v0  }
0xa1: {  	v0 =	vor.u32 s29, v0  }
0xa2: {  	[tilespmem:s28+$0xFFFFFF90] =	vst v0  }
0xa3: {  	v0 =	vld [tilespmem:$0x290];
	_ =	sdelay $0x4  }
0xa4: {  	v19 =	vshll.u32 v0, $0x5  }
0xa5: {  	v0 =	vand.u32 $0x7F, v0;
	v1 =	vand.u32 $0xFFFFF000, v19  }
0xa6: {  	v0 =	vor.u32 v1, v0  }
0xa7: {  	v0 =	vor.u32 s29, v0  }
0xa8: {  	[tilespmem:s26+$0xFFFFFF90] =	vst v0  }
0xa9: {  	v0 =	vld [tilespmem:$0xA0];
	_ =	sdelay $0x4  }
0xaa: {  	v20 =	vshll.u32 v0, $0x5  }
0xab: {  	v0 =	vand.u32 $0x7F, v0;
	v1 =	vand.u32 $0xFFFFF000, v20  }
0xac: {  	v0 =	vor.u32 v1, v0  }
0xad: {  	v0 =	vor.u32 s29, v0  }
0xae: {  	[tilespmem:s28+$0xFFFFFFA0] =	vst v0  }
0xaf: {  	v0 =	vld [tilespmem:$0x2A0];
	_ =	sdelay $0x4  }
0xb0: {  	v21 =	vshll.u32 v0, $0x5  }
0xb1: {  	v0 =	vand.u32 $0x7F, v0;
	v1 =	vand.u32 $0xFFFFF000, v21  }
0xb2: {  	v0 =	vor.u32 v1, v0  }
0xb3: {  	v0 =	vor.u32 s29, v0  }
0xb4: {  	[tilespmem:s26+$0xFFFFFFA0] =	vst v0  }
0xb5: {  	v0 =	vld [tilespmem:$0xB0];
	_ =	sdelay $0x4  }
0xb6: {  	v22 =	vshll.u32 v0, $0x5  }
0xb7: {  	v0 =	vand.u32 $0x7F, v0;
	v1 =	vand.u32 $0xFFFFF000, v22  }
0xb8: {  	v0 =	vor.u32 v1, v0  }
0xb9: {  	v0 =	vor.u32 s29, v0  }
0xba: {  	[tilespmem:s28+$0xFFFFFFB0] =	vst v0  }
0xbb: {  	v0 =	vld [tilespmem:$0x2B0];
	_ =	sdelay $0x4  }
0xbc: {  	v23 =	vshll.u32 v0, $0x5  }
0xbd: {  	v0 =	vand.u32 $0x7F, v0;
	v1 =	vand.u32 $0xFFFFF000, v23  }
0xbe: {  	v0 =	vor.u32 v1, v0  }
0xbf: {  	v0 =	vor.u32 s29, v0  }
0xc0: {  	[tilespmem:s26+$0xFFFFFFB0] =	vst v0  }
0xc1: {  	v0 =	vld [tilespmem:$0xC0];
	_ =	sdelay $0x4  }
0xc2: {  	v24 =	vshll.u32 v0, $0x5  }
0xc3: {  	v0 =	vand.u32 $0x7F, v0;
	v1 =	vand.u32 $0xFFFFF000, v24  }
0xc4: {  	v0 =	vor.u32 v1, v0  }
0xc5: {  	v0 =	vor.u32 s29, v0  }
0xc6: {  	[tilespmem:s28+$0xFFFFFFC0] =	vst v0  }
0xc7: {  	v0 =	vld [tilespmem:$0x2C0];
	_ =	sdelay $0x4  }
0xc8: {  	v25 =	vshll.u32 v0, $0x5  }
0xc9: {  	v0 =	vand.u32 $0x7F, v0;
	v1 =	vand.u32 $0xFFFFF000, v25  }
0xca: {  	v0 =	vor.u32 v1, v0  }
0xcb: {  	v0 =	vor.u32 s29, v0  }
0xcc: {  	[tilespmem:s26+$0xFFFFFFC0] =	vst v0  }
0xcd: {  	v0 =	vld [tilespmem:$0xD0];
	_ =	sdelay $0x4  }
0xce: {  	v26 =	vshll.u32 v0, $0x5  }
0xcf: {  	v0 =	vand.u32 $0x7F, v0;
	v1 =	vand.u32 $0xFFFFF000, v26  }
0xd0: {  	v0 =	vor.u32 v1, v0  }
0xd1: {  	v0 =	vor.u32 s29, v0  }
0xd2: {  	[tilespmem:s28+$0xFFFFFFD0] =	vst v0  }
0xd3: {  	v0 =	vld [tilespmem:$0x2D0];
	_ =	sdelay $0x4  }
0xd4: {  	v27 =	vshll.u32 v0, $0x5  }
0xd5: {  	v0 =	vand.u32 $0x7F, v0;
	v1 =	vand.u32 $0xFFFFF000, v27  }
0xd6: {  	v0 =	vor.u32 v1, v0  }
0xd7: {  	v0 =	vor.u32 s29, v0  }
0xd8: {  	[tilespmem:s26+$0xFFFFFFD0] =	vst v0  }
0xd9: {  	v0 =	vld [tilespmem:$0xE0];
	_ =	sdelay $0x4  }
0xda: {  	v28 =	vshll.u32 v0, $0x5  }
0xdb: {  	v0 =	vand.u32 $0x7F, v0;
	v1 =	vand.u32 $0xFFFFF000, v28  }
0xdc: {  	v0 =	vor.u32 v1, v0  }
0xdd: {  	v0 =	vor.u32 s29, v0  }
0xde: {  	[tilespmem:s28+$0xFFFFFFE0] =	vst v0  }
0xdf: {  	v0 =	vld [tilespmem:$0x2E0];
	_ =	sdelay $0x4  }
0xe0: {  	v29 =	vshll.u32 v0, $0x5  }
0xe1: {  	v0 =	vand.u32 $0x7F, v0;
	v1 =	vand.u32 $0xFFFFF000, v29  }
0xe2: {  	v0 =	vor.u32 v1, v0  }
0xe3: {  	v0 =	vor.u32 s29, v0  }
0xe4: {  	[tilespmem:s26+$0xFFFFFFE0] =	vst v0  }
0xe5: {  	v0 =	vld [tilespmem:$0xF0];
	_ =	sdelay $0x4  }
0xe6: {  	v30 =	vshll.u32 v0, $0x5  }
0xe7: {  	v0 =	vand.u32 $0x7F, v0;
	v1 =	vand.u32 $0xFFFFF000, v30  }
0xe8: {  	v0 =	vor.u32 v1, v0  }
0xe9: {  	v0 =	vor.u32 s29, v0  }
0xea: {  	[tilespmem:s28+$0xFFFFFFF0] =	vst v0  }
0xeb: {  	v0 =	vld [tilespmem:$0x2F0];
	_ =	sdelay $0x4  }
0xec: {  	v31 =	vshll.u32 v0, $0x5  }
0xed: {  	v0 =	vand.u32 $0x7F, v0;
	v1 =	vand.u32 $0xFFFFF000, v31  }
0xee: {  	v0 =	vor.u32 v1, v0  }
0xef: {  	v0 =	vor.u32 s29, v0  }
0xf0: {  	[tilespmem:s26+$0xFFFFFFF0] =	vst v0  }
0xf1: {  	v0 =	vld [tilespmem:$0x100];
	_ =	sdelay $0x4  }
0xf2: {  	v32 =	vshll.u32 v0, $0x5  }
0xf3: {  	v0 =	vand.u32 $0x7F, v0;
	v1 =	vand.u32 $0xFFFFF000, v32  }
0xf4: {  	v0 =	vor.u32 v1, v0  }
0xf5: {  	v0 =	vor.u32 s29, v0  }
0xf6: {  	[tilespmem:s28+$0x0] =	vst v0  }
0xf7: {  	v0 =	vld [tilespmem:$0x300];
	_ =	sdelay $0x4  }
0xf8: {  	v33 =	vshll.u32 v0, $0x5  }
0xf9: {  	v0 =	vand.u32 $0x7F, v0;
	v1 =	vand.u32 $0xFFFFF000, v33  }
0xfa: {  	v0 =	vor.u32 v1, v0  }
0xfb: {  	v0 =	vor.u32 s29, v0  }
0xfc: {  	[tilespmem:s26+$0x0] =	vst v0  }
0xfd: {  	v0 =	vld [tilespmem:$0x110];
	_ =	sdelay $0x4  }
0xfe: {  	v34 =	vshll.u32 v0, $0x5  }
0xff: {  	v0 =	vand.u32 $0x7F, v0;
	v1 =	vand.u32 $0xFFFFF000, v34  }
0x100: {  	v0 =	vor.u32 v1, v0  }
0x101: {  	v0 =	vor.u32 s29, v0  }
0x102: {  	[tilespmem:s28+$0x10] =	vst v0  }
0x103: {  	v0 =	vld [tilespmem:$0x310];
	_ =	sdelay $0x4  }
0x104: {  	v35 =	vshll.u32 v0, $0x5  }
0x105: {  	v0 =	vand.u32 $0x7F, v0;
	v1 =	vand.u32 $0xFFFFF000, v35  }
0x106: {  	v0 =	vor.u32 v1, v0  }
0x107: {  	v0 =	vor.u32 s29, v0  }
0x108: {  	[tilespmem:s26+$0x10] =	vst v0  }
0x109: {  	v0 =	vld [tilespmem:$0x120];
	_ =	sdelay $0x4  }
0x10a: {  	v36 =	vshll.u32 v0, $0x5  }
0x10b: {  	v0 =	vand.u32 $0x7F, v0;
	v1 =	vand.u32 $0xFFFFF000, v36  }
0x10c: {  	v0 =	vor.u32 v1, v0  }
0x10d: {  	v0 =	vor.u32 s29, v0  }
0x10e: {  	[tilespmem:s28+$0x20] =	vst v0  }
0x10f: {  	v0 =	vld [tilespmem:$0x320];
	_ =	sdelay $0x4  }
0x110: {  	v37 =	vshll.u32 v0, $0x5  }
0x111: {  	v0 =	vand.u32 $0x7F, v0;
	v1 =	vand.u32 $0xFFFFF000, v37  }
0x112: {  	v0 =	vor.u32 v1, v0  }
0x113: {  	v0 =	vor.u32 s29, v0  }
0x114: {  	[tilespmem:s26+$0x20] =	vst v0  }
0x115: {  	v0 =	vld [tilespmem:$0x130];
	_ =	sdelay $0x4  }
0x116: {  	v38 =	vshll.u32 v0, $0x5  }
0x117: {  	v0 =	vand.u32 $0x7F, v0;
	v1 =	vand.u32 $0xFFFFF000, v38  }
0x118: {  	v0 =	vor.u32 v1, v0  }
0x119: {  	v0 =	vor.u32 s29, v0  }
0x11a: {  	[tilespmem:s28+$0x30] =	vst v0  }
0x11b: {  	v0 =	vld [tilespmem:$0x330];
	_ =	sdelay $0x4  }
0x11c: {  	v39 =	vshll.u32 v0, $0x5  }
0x11d: {  	v0 =	vand.u32 $0x7F, v0;
	v1 =	vand.u32 $0xFFFFF000, v39  }
0x11e: {  	v0 =	vor.u32 v1, v0  }
0x11f: {  	v0 =	vor.u32 s29, v0  }
0x120: {  	[tilespmem:s26+$0x30] =	vst v0  }
0x121: {  	v0 =	vld [tilespmem:$0x140];
	_ =	sdelay $0x4  }
0x122: {  	v40 =	vshll.u32 v0, $0x5  }
0x123: {  	v0 =	vand.u32 $0x7F, v0;
	v1 =	vand.u32 $0xFFFFF000, v40  }
0x124: {  	v0 =	vor.u32 v1, v0  }
0x125: {  	v0 =	vor.u32 s29, v0  }
0x126: {  	[tilespmem:s28+$0x40] =	vst v0  }
0x127: {  	v0 =	vld [tilespmem:$0x340];
	_ =	sdelay $0x4  }
0x128: {  	v41 =	vshll.u32 v0, $0x5  }
0x129: {  	v0 =	vand.u32 $0x7F, v0;
	v1 =	vand.u32 $0xFFFFF000, v41  }
0x12a: {  	v0 =	vor.u32 v1, v0  }
0x12b: {  	v0 =	vor.u32 s29, v0  }
0x12c: {  	[tilespmem:s26+$0x40] =	vst v0  }
0x12d: {  	v0 =	vld [tilespmem:$0x150];
	_ =	sdelay $0x4  }
0x12e: {  	v42 =	vshll.u32 v0, $0x5  }
0x12f: {  	v0 =	vand.u32 $0x7F, v0;
	v1 =	vand.u32 $0xFFFFF000, v42  }
0x130: {  	v0 =	vor.u32 v1, v0  }
0x131: {  	v0 =	vor.u32 s29, v0  }
0x132: {  	[tilespmem:s28+$0x50] =	vst v0  }
0x133: {  	v0 =	vld [tilespmem:$0x350];
	_ =	sdelay $0x4  }
0x134: {  	v43 =	vshll.u32 v0, $0x5  }
0x135: {  	v0 =	vand.u32 $0x7F, v0;
	v1 =	vand.u32 $0xFFFFF000, v43  }
0x136: {  	v0 =	vor.u32 v1, v0  }
0x137: {  	v0 =	vor.u32 s29, v0  }
0x138: {  	[tilespmem:s26+$0x50] =	vst v0  }
0x139: {  	v0 =	vld [tilespmem:$0x160];
	_ =	sdelay $0x4  }
0x13a: {  	v44 =	vshll.u32 v0, $0x5  }
0x13b: {  	v0 =	vand.u32 $0x7F, v0;
	v1 =	vand.u32 $0xFFFFF000, v44  }
0x13c: {  	v0 =	vor.u32 v1, v0  }
0x13d: {  	v0 =	vor.u32 s29, v0  }
0x13e: {  	[tilespmem:s28+$0x60] =	vst v0  }
0x13f: {  	v0 =	vld [tilespmem:$0x360];
	_ =	sdelay $0x4  }
0x140: {  	v45 =	vshll.u32 v0, $0x5  }
0x141: {  	v0 =	vand.u32 $0x7F, v0;
	v1 =	vand.u32 $0xFFFFF000, v45  }
0x142: {  	v0 =	vor.u32 v1, v0  }
0x143: {  	v0 =	vor.u32 s29, v0  }
0x144: {  	[tilespmem:s26+$0x60] =	vst v0  }
0x145: {  	v0 =	vld [tilespmem:$0x170];
	_ =	sdelay $0x4  }
0x146: {  	v46 =	vshll.u32 v0, $0x5  }
0x147: {  	v0 =	vand.u32 $0x7F, v0;
	v1 =	vand.u32 $0xFFFFF000, v46  }
0x148: {  	v0 =	vor.u32 v1, v0  }
0x149: {  	v0 =	vor.u32 s29, v0  }
0x14a: {  	[tilespmem:s28+$0x70] =	vst v0  }
0x14b: {  	v0 =	vld [tilespmem:$0x370];
	_ =	sdelay $0x4  }
0x14c: {  	v47 =	vshll.u32 v0, $0x5  }
0x14d: {  	v0 =	vand.u32 $0x7F, v0;
	v1 =	vand.u32 $0xFFFFF000, v47  }
0x14e: {  	v0 =	vor.u32 v1, v0  }
0x14f: {  	v0 =	vor.u32 s29, v0  }
0x150: {  	[tilespmem:s26+$0x70] =	vst v0  }
0x151: {  	v0 =	vld [tilespmem:$0x180];
	_ =	sdelay $0x4  }
0x152: {  	v48 =	vshll.u32 v0, $0x5  }
0x153: {  	v0 =	vand.u32 $0x7F, v0;
	v1 =	vand.u32 $0xFFFFF000, v48  }
0x154: {  	v0 =	vor.u32 v1, v0  }
0x155: {  	v0 =	vor.u32 s29, v0  }
0x156: {  	[tilespmem:s28+$0x80] =	vst v0  }
0x157: {  	v0 =	vld [tilespmem:$0x380];
	_ =	sdelay $0x4  }
0x158: {  	v49 =	vshll.u32 v0, $0x5  }
0x159: {  	v0 =	vand.u32 $0x7F, v0;
	v1 =	vand.u32 $0xFFFFF000, v49  }
0x15a: {  	v0 =	vor.u32 v1, v0  }
0x15b: {  	v0 =	vor.u32 s29, v0  }
0x15c: {  	[tilespmem:s26+$0x80] =	vst v0  }
0x15d: {  	v0 =	vld [tilespmem:$0x190];
	_ =	sdelay $0x4  }
0x15e: {  	v50 =	vshll.u32 v0, $0x5  }
0x15f: {  	v0 =	vand.u32 $0x7F, v0;
	v1 =	vand.u32 $0xFFFFF000, v50  }
0x160: {  	v0 =	vor.u32 v1, v0  }
0x161: {  	v0 =	vor.u32 s29, v0  }
0x162: {  	[tilespmem:s28+$0x90] =	vst v0  }
0x163: {  	v0 =	vld [tilespmem:$0x390];
	_ =	sdelay $0x4  }
0x164: {  	v51 =	vshll.u32 v0, $0x5  }
0x165: {  	v0 =	vand.u32 $0x7F, v0;
	v1 =	vand.u32 $0xFFFFF000, v51  }
0x166: {  	v0 =	vor.u32 v1, v0  }
0x167: {  	v0 =	vor.u32 s29, v0  }
0x168: {  	[tilespmem:s26+$0x90] =	vst v0  }
0x169: {  	v0 =	vld [tilespmem:$0x1A0];
	_ =	sdelay $0x4  }
0x16a: {  	v52 =	vshll.u32 v0, $0x5  }
0x16b: {  	v0 =	vand.u32 $0x7F, v0;
	v1 =	vand.u32 $0xFFFFF000, v52  }
0x16c: {  	v0 =	vor.u32 v1, v0  }
0x16d: {  	v0 =	vor.u32 s29, v0  }
0x16e: {  	[tilespmem:s28+$0xA0] =	vst v0  }
0x16f: {  	v0 =	vld [tilespmem:$0x3A0];
	_ =	sdelay $0x4  }
0x170: {  	v53 =	vshll.u32 v0, $0x5  }
0x171: {  	v0 =	vand.u32 $0x7F, v0;
	v1 =	vand.u32 $0xFFFFF000, v53  }
0x172: {  	v0 =	vor.u32 v1, v0  }
0x173: {  	v0 =	vor.u32 s29, v0  }
0x174: {  	[tilespmem:s26+$0xA0] =	vst v0  }
0x175: {  	v0 =	vld [tilespmem:$0x1B0];
	_ =	sdelay $0x4  }
0x176: {  	v54 =	vshll.u32 v0, $0x5  }
0x177: {  	v0 =	vand.u32 $0x7F, v0;
	v1 =	vand.u32 $0xFFFFF000, v54  }
0x178: {  	v0 =	vor.u32 v1, v0  }
0x179: {  	v0 =	vor.u32 s29, v0  }
0x17a: {  	[tilespmem:s28+$0xB0] =	vst v0  }
0x17b: {  	v0 =	vld [tilespmem:$0x3B0];
	_ =	sdelay $0x4  }
0x17c: {  	v55 =	vshll.u32 v0, $0x5  }
0x17d: {  	v0 =	vand.u32 $0x7F, v0;
	v1 =	vand.u32 $0xFFFFF000, v55  }
0x17e: {  	v0 =	vor.u32 v1, v0  }
0x17f: {  	v0 =	vor.u32 s29, v0  }
0x180: {  	[tilespmem:s26+$0xB0] =	vst v0  }
0x181: {  	v0 =	vld [tilespmem:$0x1C0];
	_ =	sdelay $0x4  }
0x182: {  	v56 =	vshll.u32 v0, $0x5  }
0x183: {  	v0 =	vand.u32 $0x7F, v0;
	v1 =	vand.u32 $0xFFFFF000, v56  }
0x184: {  	v0 =	vor.u32 v1, v0  }
0x185: {  	v0 =	vor.u32 s29, v0  }
0x186: {  	[tilespmem:s28+$0xC0] =	vst v0  }
0x187: {  	v0 =	vld [tilespmem:$0x3C0];
	_ =	sdelay $0x4  }
0x188: {  	v57 =	vshll.u32 v0, $0x5  }
0x189: {  	v0 =	vand.u32 $0x7F, v0;
	v1 =	vand.u32 $0xFFFFF000, v57  }
0x18a: {  	v0 =	vor.u32 v1, v0  }
0x18b: {  	v0 =	vor.u32 s29, v0  }
0x18c: {  	[tilespmem:s26+$0xC0] =	vst v0  }
0x18d: {  	v0 =	vld [tilespmem:$0x1D0];
	_ =	sdelay $0x4  }
0x18e: {  	v58 =	vshll.u32 v0, $0x5  }
0x18f: {  	v0 =	vand.u32 $0x7F, v0;
	v1 =	vand.u32 $0xFFFFF000, v58  }
0x190: {  	v0 =	vor.u32 v1, v0  }
0x191: {  	v0 =	vor.u32 s29, v0  }
0x192: {  	[tilespmem:s28+$0xD0] =	vst v0  }
0x193: {  	v0 =	vld [tilespmem:$0x3D0];
	_ =	sdelay $0x4  }
0x194: {  	v59 =	vshll.u32 v0, $0x5  }
0x195: {  	v0 =	vand.u32 $0x7F, v0;
	v1 =	vand.u32 $0xFFFFF000, v59  }
0x196: {  	v0 =	vor.u32 v1, v0  }
0x197: {  	v0 =	vor.u32 s29, v0  }
0x198: {  	[tilespmem:s26+$0xD0] =	vst v0  }
0x199: {  	v0 =	vld [tilespmem:$0x1E0];
	_ =	sdelay $0x4  }
0x19a: {  	v60 =	vshll.u32 v0, $0x5  }
0x19b: {  	v0 =	vand.u32 $0x7F, v0;
	v1 =	vand.u32 $0xFFFFF000, v60  }
0x19c: {  	v0 =	vor.u32 v1, v0  }
0x19d: {  	v0 =	vor.u32 s29, v0  }
0x19e: {  	[tilespmem:s28+$0xE0] =	vst v0  }
0x19f: {  	v0 =	vld [tilespmem:$0x3E0];
	_ =	sdelay $0x4  }
0x1a0: {  	v61 =	vshll.u32 v0, $0x5  }
0x1a1: {  	v0 =	vand.u32 $0x7F, v0;
	v1 =	vand.u32 $0xFFFFF000, v61  }
0x1a2: {  	v0 =	vor.u32 v1, v0  }
0x1a3: {  	v0 =	vor.u32 s29, v0  }
0x1a4: {  	[tilespmem:s26+$0xE0] =	vst v0  }
0x1a5: {  	v0 =	vld [tilespmem:$0x1F0];
	_ =	sdelay $0x4  }
0x1a6: {  	v62 =	vshll.u32 v0, $0x5  }
0x1a7: {  	v0 =	vand.u32 $0x7F, v0;
	v1 =	vand.u32 $0xFFFFF000, v62  }
0x1a8: {  	v0 =	vor.u32 v1, v0  }
0x1a9: {  	v0 =	vor.u32 s29, v0  }
0x1aa: {  	[tilespmem:s28+$0xF0] =	vst v0  }
0x1ab: {  	v0 =	vld [tilespmem:$0x3F0];
	_ =	sdelay $0x3  }
0x1ac: {  	p0 =	sne.s32 s29, $0xF80  }
.Ltmp0:
0x1ad: {  	v63 =	vshll.u32 v0, $0x5;
	(pc) =	sbr.rel @p0 .LBB2_2-.Ltmp0, $4  }
0x1ae: {  	v0 =	vand.u32 $0x7F, v0;
	v1 =	vand.u32 $0xFFFFF000, v63  }
0x1af: {  	v0 =	vor.u32 v1, v0  }
0x1b0: {  	v0 =	vor.u32 s29, v0  }
0x1b1: {  	s28 =	sadd.s32 $0x200, s28;
	s29 =	sadd.s32 $0x80, s29;
	[tilespmem:s26+$0xF0] =	vst v0;
	s26 =	sadd.s32 $0x200, s26  }
0x1b2: {  	s26 =	simm.s32 $0x8400;
	s28 =	simm.s32 $0x400  }
0x1b3: {  	[tilespmem:s26], [sflag:$0x1] =	stream.indirect.gather [hbm4b:s3+s17], $0x1, s28, s17, $0xb8;
	[tilespmem:$0x10600] =	vst v63  }
0x1b4: {  	s0 =	simm.s32 $0xC400;
	s28 =	simm.s32 $0x4400  }
0x1b5: {  	[tilespmem:s0], [sflag:$0x1] =	stream.indirect.gather [hbm4b:s4+s17], $0x1, s28, s17, $0xb8;
	[tilespmem:$0x10600] =	vst v63  }
0x1b6: {  	s31 =	simm.s32 $0x8480;
	s28 =	simm.s32 $0x480  }
0x1b7: {  	[tilespmem:s31], [sflag:$0x1] =	stream.indirect.gather [hbm4b:s3+s17], $0x1, s28, s17, $0xb8;
	[tilespmem:$0x10600] =	vst v63  }
0x1b8: {  	s0 =	simm.s32 $0xC480;
	s28 =	simm.s32 $0x4480  }
0x1b9: {  	[tilespmem:s0], [sflag:$0x1] =	stream.indirect.gather [hbm4b:s4+s17], $0x1, s28, s17, $0xb8;
	[tilespmem:$0x10600] =	vst v63  }
0x1ba: {  	s31 =	simm.s32 $0x8500;
	s28 =	simm.s32 $0x500  }
0x1bb: {  	[tilespmem:s31], [sflag:$0x1] =	stream.indirect.gather [hbm4b:s3+s17], $0x1, s28, s17, $0xb8;
	[tilespmem:$0x10600] =	vst v63  }
0x1bc: {  	s0 =	simm.s32 $0xC500;
	s28 =	simm.s32 $0x4500  }
0x1bd: {  	[tilespmem:s0], [sflag:$0x1] =	stream.indirect.gather [hbm4b:s4+s17], $0x1, s28, s17, $0xb8;
	[tilespmem:$0x10600] =	vst v63  }
0x1be: {  	s29 =	simm.s32 $0xC580;
	s31 =	simm.s32 $0x8580;
	s28 =	simm.s32 $0x580  }
0x1bf: {  	[tilespmem:s31], [sflag:$0x1] =	stream.indirect.gather [hbm4b:s3+s17], $0x1, s28, s17, $0xb8;
	[tilespmem:$0x10600] =	vst v63  }
0x1c0: {  	s30 =	simm.s32 $0x4580;
	s26 =	simm.s32 $0x200;
	s28 =	simm.s32 $0x1000  }
.LBB2_4:
0x1c1: {  	[tilespmem:s29], [sflag:$0x1] =	stream.indirect.gather [hbm4b:s4+s17], $0x1, s30, s17, $0xb8;
	[tilespmem:$0x10600] =	vst v63  }
0x1c2: {  	s29 =	smov.u32 s28  }
0x1c3: {  	s31 =	sshra.s32 s28, $0x2;
	s30 =	sadd.s32 $0x400, s26;
	s29 =	sadd.s32 $0x8400, s26  }
0x1c4: {  	[tilespmem:s29], [sflag:$0x1] =	stream.indirect.gather [hbm4b:s3+s17], $0x1, s30, s17, $0xb8;
	[tilespmem:$0x10600] =	vst v63  }
0x1c5: {  	s0 =	sadd.s32 $0x800, s28;
	s29 =	sadd.s32 $0xC400, s26;
	s30 =	sadd.s32 $0x4400, s26  }
0x1c6: {  	[tilespmem:s29], [sflag:$0x1] =	stream.indirect.gather [hbm4b:s4+s17], $0x1, s30, s17, $0xb8;
	[tilespmem:$0x10600] =	vst v63  }
0x1c7: {  	p0 =	sne.s32 s28, $0xF800;
	s28 =	sadd.s32 $0x8480, s26;
	s29 =	sadd.s32 $0x480, s26  }
0x1c8: {  	[tilespmem:s28], [sflag:$0x1] =	stream.indirect.gather [hbm4b:s3+s17], $0x1, s29, s17, $0xb8;
	[tilespmem:$0x10600] =	vst v63  }
0x1c9: {  	s28 =	sadd.s32 $0xC480, s26;
	s29 =	sadd.s32 $0x4480, s26  }
0x1ca: {  	[tilespmem:s28], [sflag:$0x1] =	stream.indirect.gather [hbm4b:s4+s17], $0x1, s29, s17, $0xb8;
	[tilespmem:$0x10600] =	vst v63  }
0x1cb: {  	s28 =	sadd.s32 $0x8500, s26;
	s29 =	sadd.s32 $0x500, s26  }
0x1cc: {  	[tilespmem:s28], [sflag:$0x1] =	stream.indirect.gather [hbm4b:s3+s17], $0x1, s29, s17, $0xb8;
	[tilespmem:$0x10600] =	vst v63  }
.Ltmp1:
0x1cd: {  	s28 =	sadd.s32 $0xC500, s26;
	s29 =	sadd.s32 $0x4500, s26;
	(pc) =	sbr.rel @p0 .LBB2_4-.Ltmp1, $4  }
0x1ce: {  	[tilespmem:s28], [sflag:$0x1] =	stream.indirect.gather [hbm4b:s4+s17], $0x1, s29, s17, $0xb8;
	[tilespmem:$0x10600] =	vst v63  }
0x1cf: {  	s30 =	sadd.s32 $0x4580, s26;
	s28 =	sadd.s32 $0x8580, s26;
	s29 =	sadd.s32 $0x580, s26  }
0x1d0: {  	[tilespmem:s28], [sflag:$0x1] =	stream.indirect.gather [hbm4b:s3+s17], $0x1, s29, s17, $0xb8;
	[tilespmem:$0x10600] =	vst v63  }
0x1d1: {  	s29 =	sadd.s32 $0xC580, s26;
	s26 =	smov.u32 s31;
	s28 =	smov.u32 s0  }
0x1d2: {  	[tilespmem:s29], [sflag:$0x1] =	stream.indirect.gather [hbm4b:s4+s17], $0x1, s30, s17, $0xb8;
	[tilespmem:$0x10600] =	vst v63  }
0x1d3: {  	s0 =	sadd.s32 $0x8400, s26;
	s28 =	sadd.s32 $0x400, s26  }
0x1d4: {  	[tilespmem:s0], [sflag:$0x1] =	stream.indirect.gather [hbm4b:s3+s17], $0x1, s28, s17, $0xb8;
	[tilespmem:$0x10600] =	vst v63  }
0x1d5: {  	s30 =	sadd.s32 $0xC400, s26;
	s31 =	sadd.s32 $0x4400, s26  }
0x1d6: {  	[tilespmem:s30], [sflag:$0x1] =	stream.indirect.gather [hbm4b:s4+s17], $0x1, s31, s17, $0xb8;
	[tilespmem:$0x10600] =	vst v63  }
0x1d7: {  	s29 =	sadd.s32 $0x8480, s26;
	s30 =	sadd.s32 $0x480, s26  }
0x1d8: {  	[tilespmem:s29], [sflag:$0x1] =	stream.indirect.gather [hbm4b:s3+s17], $0x1, s30, s17, $0xb8;
	[tilespmem:$0x10600] =	vst v63  }
0x1d9: {  	s31 =	sadd.s32 $0xC480, s26;
	s29 =	sadd.s32 $0x4480, s26  }
0x1da: {  	[tilespmem:s31], [sflag:$0x1] =	stream.indirect.gather [hbm4b:s4+s17], $0x1, s29, s17, $0xb8;
	[tilespmem:$0x10600] =	vst v63  }
0x1db: {  	s30 =	sadd.s32 $0x8500, s26;
	s31 =	sadd.s32 $0x500, s26  }
0x1dc: {  	[tilespmem:s30], [sflag:$0x1] =	stream.indirect.gather [hbm4b:s3+s17], $0x1, s31, s17, $0xb8;
	[tilespmem:$0x10600] =	vst v63  }
0x1dd: {  	s29 =	sadd.s32 $0xC500, s26;
	s30 =	sadd.s32 $0x4500, s26  }
0x1de: {  	[tilespmem:s29], [sflag:$0x1] =	stream.indirect.gather [hbm4b:s4+s17], $0x1, s30, s17, $0xb8;
	[tilespmem:$0x10600] =	vst v63  }
0x1df: {  	s31 =	sadd.s32 $0x8580, s26;
	s29 =	sadd.s32 $0x580, s26  }
0x1e0: {  	[tilespmem:s31], [sflag:$0x1] =	stream.indirect.gather [hbm4b:s3+s17], $0x1, s29, s17, $0xb8;
	[tilespmem:$0x10600] =	vst v63  }
0x1e1: {  	s30 =	sadd.s32 $0xC580, s26;
	s31 =	sadd.s32 $0x4580, s26  }
0x1e2: {  	[tilespmem:s30], [sflag:$0x1] =	stream.indirect.gather [hbm4b:s4+s17], $0x1, s31, s17, $0xb8;
	[tilespmem:$0x10600] =	vst v63  }
0x1e3: {  	_ =	swait.ge [sflag:s23], $0x80  }
0x1e4: {  	[sflag:s23] =	ssyncset.done $0x0  }
0x1e5: {  	[sflag:s23] =	ssyncadd.s32 $0xFFFFFF80  }
0x1e6: {  	_ =	swait.ge [sflag:s23], $0x80  }
0x1e7: {  	[sflag:s23] =	ssyncset.done $0x0  }
0x1e8: {  	[sflag:s23] =	ssyncadd.s32 $0xFFFFFF80  }
0x1e9: {  	_ =	swait.ge [sflag:s23], $0x80  }
0x1ea: {  	[sflag:s23] =	ssyncset.done $0x0  }
0x1eb: {  	[sflag:s23] =	ssyncadd.s32 $0xFFFFFF80  }
0x1ec: {  	_ =	swait.ge [sflag:s23], $0x80  }
0x1ed: {  	[sflag:s23] =	ssyncset.done $0x0  }
0x1ee: {  	[sflag:s23] =	ssyncadd.s32 $0xFFFFFF80  }
0x1ef: {  	_ =	swait.ge [sflag:s23], $0x80  }
0x1f0: {  	[sflag:s23] =	ssyncset.done $0x0  }
0x1f1: {  	[sflag:s23] =	ssyncadd.s32 $0xFFFFFF80  }
0x1f2: {  	_ =	swait.ge [sflag:s23], $0x80  }
0x1f3: {  	[sflag:s23] =	ssyncset.done $0x0  }
0x1f4: {  	[sflag:s23] =	ssyncadd.s32 $0xFFFFFF80  }
0x1f5: {  	_ =	swait.ge [sflag:s23], $0x80  }
0x1f6: {  	[sflag:s23] =	ssyncset.done $0x0  }
0x1f7: {  	[sflag:s23] =	ssyncadd.s32 $0xFFFFFF80  }
0x1f8: {  	_ =	swait.ge [sflag:s23], $0x80  }
0x1f9: {  	s26 =	simm.s32 $0x1F;
	[sflag:s23] =	ssyncset.done $0x0  }
.LBB2_6:
0x1fa: {  	p0 =	sne.s32 s26, $0x1;
	s26 =	sadd.s32 $0xFFFFFFFF, s26;
	[sflag:s23] =	ssyncadd.s32 $0xFFFFFF80  }
0x1fb: {  	_ =	swait.ge [sflag:s23], $0x80  }
0x1fc: {  	[sflag:s23] =	ssyncset.done $0x0  }
0x1fd: {  	[sflag:s23] =	ssyncadd.s32 $0xFFFFFF80  }
0x1fe: {  	_ =	swait.ge [sflag:s23], $0x80  }
0x1ff: {  	[sflag:s23] =	ssyncset.done $0x0  }
0x200: {  	[sflag:s23] =	ssyncadd.s32 $0xFFFFFF80  }
0x201: {  	_ =	swait.ge [sflag:s23], $0x80  }
0x202: {  	[sflag:s23] =	ssyncset.done $0x0  }
0x203: {  	[sflag:s23] =	ssyncadd.s32 $0xFFFFFF80  }
0x204: {  	_ =	swait.ge [sflag:s23], $0x80  }
0x205: {  	[sflag:s23] =	ssyncset.done $0x0  }
0x206: {  	[sflag:s23] =	ssyncadd.s32 $0xFFFFFF80  }
0x207: {  	_ =	swait.ge [sflag:s23], $0x80  }
0x208: {  	[sflag:s23] =	ssyncset.done $0x0  }
0x209: {  	[sflag:s23] =	ssyncadd.s32 $0xFFFFFF80  }
0x20a: {  	_ =	swait.ge [sflag:s23], $0x80  }
0x20b: {  	[sflag:s23] =	ssyncset.done $0x0  }
0x20c: {  	[sflag:s23] =	ssyncadd.s32 $0xFFFFFF80  }
.Ltmp2:
0x20d: {  	_ =	swait.ge [sflag:s23], $0x80;
	(pc) =	sbr.rel @p0 .LBB2_6-.Ltmp2, $4  }
0x20e: {  	[sflag:s23] =	ssyncset.done $0x0  }
0x20f: {  	[sflag:s23] =	ssyncadd.s32 $0xFFFFFF80  }
0x210: {  	_ =	swait.ge [sflag:s23], $0x80  }
0x211: {  	[sflag:s23] =	ssyncset.done $0x0  }
0x212: {  	[sflag:s23] =	ssyncadd.s32 $0xFFFFFF80;
	s26 =	simm.s32 $0x0  }
0x213: {  	v0 =	vld [tilespmem:s26+$0x8400]  }
0x214: {  	v1 =	vld [tilespmem:s26+$0xC400]  }
0x215: {  	v2 =	vld [tilespmem:s26+$0x8600]  }
0x216: {  	v3 =	vld [tilespmem:s26+$0xC600]  }
0x217: {  	v4 =	vld [tilespmem:s26+$0x8800]  }
0x218: {  	v5 =	vld [tilespmem:s26+$0xC800]  }
0x219: {  	v6 =	vld [tilespmem:s26+$0x8A00]  }
0x21a: {  	v7 =	vld [tilespmem:s26+$0xCA00]  }
0x21b: {  	v0 =	vmul.f32 v1, v0;
	v1 =	vmul.f32 v3, v2;
	v2 =	vld [tilespmem:s26+$0x8C00]  }
0x21c: {  	v3 =	vld [tilespmem:s26+$0xCC00]  }
0x21d: {  	v0 =	vadd.f32 v1, v0;
	v1 =	vmul.f32 v5, v4;
	v4 =	vld [tilespmem:s26+$0x8E00]  }
0x21e: {  	v5 =	vld [tilespmem:s26+$0xCE00]  }
0x21f: {  	v0 =	vadd.f32 v1, v0;
	v1 =	vmul.f32 v7, v6;
	v6 =	vld [tilespmem:s26+$0x9000]  }
0x220: {  	v7 =	vld [tilespmem:s26+$0xD000]  }
0x221: {  	v0 =	vadd.f32 v1, v0;
	v1 =	vmul.f32 v3, v2;
	v2 =	vld [tilespmem:s26+$0x9200]  }
0x222: {  	v3 =	vld [tilespmem:s26+$0xD200]  }
0x223: {  	v0 =	vadd.f32 v1, v0;
	v1 =	vmul.f32 v5, v4;
	v4 =	vld [tilespmem:s26+$0x9400]  }
0x224: {  	v5 =	vld [tilespmem:s26+$0xD400]  }
0x225: {  	v0 =	vadd.f32 v1, v0;
	v1 =	vmul.f32 v7, v6;
	v6 =	vld [tilespmem:s26+$0x9600]  }
0x226: {  	v7 =	vld [tilespmem:s26+$0xD600]  }
0x227: {  	v0 =	vadd.f32 v1, v0;
	v1 =	vmul.f32 v3, v2;
	v2 =	vld [tilespmem:s26+$0x9800]  }
0x228: {  	v3 =	vld [tilespmem:s26+$0xD800]  }
0x229: {  	v0 =	vadd.f32 v1, v0;
	v1 =	vmul.f32 v5, v4;
	v4 =	vld [tilespmem:s26+$0x9A00]  }
0x22a: {  	v5 =	vld [tilespmem:s26+$0xDA00]  }
0x22b: {  	v0 =	vadd.f32 v1, v0;
	v1 =	vmul.f32 v7, v6;
	v6 =	vld [tilespmem:s26+$0x9C00]  }
0x22c: {  	v7 =	vld [tilespmem:s26+$0xDC00]  }
0x22d: {  	v0 =	vadd.f32 v1, v0;
	v1 =	vmul.f32 v3, v2;
	v2 =	vld [tilespmem:s26+$0x9E00]  }
0x22e: {  	v3 =	vld [tilespmem:s26+$0xDE00]  }
0x22f: {  	v0 =	vadd.f32 v1, v0;
	v1 =	vmul.f32 v5, v4;
	v4 =	vld [tilespmem:s26+$0xA000]  }
0x230: {  	v5 =	vld [tilespmem:s26+$0xE000]  }
0x231: {  	v0 =	vadd.f32 v1, v0;
	v1 =	vmul.f32 v7, v6;
	v6 =	vld [tilespmem:s26+$0xA200]  }
0x232: {  	v7 =	vld [tilespmem:s26+$0xE200]  }
0x233: {  	v0 =	vadd.f32 v1, v0;
	v1 =	vmul.f32 v3, v2;
	v2 =	vld [tilespmem:s26+$0xA400]  }
0x234: {  	v3 =	vld [tilespmem:s26+$0xE400]  }
0x235: {  	v0 =	vadd.f32 v1, v0;
	v1 =	vmul.f32 v5, v4;
	v4 =	vld [tilespmem:s26+$0xA600]  }
0x236: {  	v5 =	vld [tilespmem:s26+$0xE600]  }
0x237: {  	v0 =	vadd.f32 v1, v0;
	v1 =	vmul.f32 v7, v6;
	v6 =	vld [tilespmem:s26+$0xA800]  }
0x238: {  	v7 =	vld [tilespmem:s26+$0xE800]  }
0x239: {  	v0 =	vadd.f32 v1, v0;
	v1 =	vmul.f32 v3, v2;
	v2 =	vld [tilespmem:s26+$0xAA00]  }
0x23a: {  	v3 =	vld [tilespmem:s26+$0xEA00]  }
0x23b: {  	v0 =	vadd.f32 v1, v0;
	v1 =	vmul.f32 v5, v4;
	v4 =	vld [tilespmem:s26+$0xAC00]  }
0x23c: {  	v5 =	vld [tilespmem:s26+$0xEC00]  }
0x23d: {  	v0 =	vadd.f32 v1, v0;
	v1 =	vmul.f32 v7, v6;
	v6 =	vld [tilespmem:s26+$0xAE00]  }
0x23e: {  	v7 =	vld [tilespmem:s26+$0xEE00]  }
0x23f: {  	v0 =	vadd.f32 v1, v0;
	v1 =	vmul.f32 v3, v2;
	v2 =	vld [tilespmem:s26+$0xB000]  }
0x240: {  	v3 =	vld [tilespmem:s26+$0xF000]  }
0x241: {  	v0 =	vadd.f32 v1, v0;
	v1 =	vmul.f32 v5, v4;
	v4 =	vld [tilespmem:s26+$0xB200]  }
0x242: {  	v5 =	vld [tilespmem:s26+$0xF200]  }
0x243: {  	v0 =	vadd.f32 v1, v0;
	v1 =	vmul.f32 v7, v6;
	v6 =	vld [tilespmem:s26+$0xB400]  }
0x244: {  	v7 =	vld [tilespmem:s26+$0xF400]  }
0x245: {  	v0 =	vadd.f32 v1, v0;
	v1 =	vmul.f32 v3, v2;
	v2 =	vld [tilespmem:s26+$0xB600]  }
0x246: {  	v3 =	vld [tilespmem:s26+$0xF600]  }
0x247: {  	v0 =	vadd.f32 v1, v0;
	v1 =	vmul.f32 v5, v4;
	v4 =	vld [tilespmem:s26+$0xB800]  }
0x248: {  	v5 =	vld [tilespmem:s26+$0xF800]  }
0x249: {  	v0 =	vadd.f32 v1, v0;
	v1 =	vmul.f32 v7, v6;
	v6 =	vld [tilespmem:s26+$0xBA00]  }
0x24a: {  	v7 =	vld [tilespmem:s26+$0xFA00]  }
0x24b: {  	v0 =	vadd.f32 v1, v0;
	v1 =	vmul.f32 v3, v2;
	v2 =	vld [tilespmem:s26+$0xBC00]  }
0x24c: {  	v3 =	vld [tilespmem:s26+$0xFC00]  }
0x24d: {  	v8 =	vld [tilespmem:s26+$0xFE00];
	v0 =	vadd.f32 v1, v0;
	v1 =	vmul.f32 v5, v4  }
0x24e: {  	v5 =	vld [tilespmem:s26+$0xBE00]  }
0x24f: {  	v0 =	vadd.f32 v1, v0;
	v1 =	vmul.f32 v7, v6;
	v6 =	vld [tilespmem:s26+$0xC000]  }
0x250: {  	v7 =	vld [tilespmem:s26+$0x10000]  }
0x251: {  	v4 =	vld [tilespmem:s26+$0x10200];
	v2 =	vmul.f32 v3, v2;
	v9 =	vadd.f32 v1, v0  }
0x252: {  	s29 =	simm.s32 $0x10;
	v1 =	vld [tilespmem:s26+$0xC200]  }
0x253: {  	v3 =	vld [tilespmem:s29+$0x8600];
	v5 =	vmul.f32 v8, v5;
	v9 =	vadd.f32 v2, v9  }
0x254: {  	v0 =	vld [tilespmem:s29+$0x8400]  }
0x255: {  	s28 =	simm.s32 $0x80;
	v2 =	vld [tilespmem:s29+$0xC400];
	v6 =	vmul.f32 v7, v6;
	v5 =	vadd.f32 v5, v9  }
.LBB2_8:
0x256: {  	p0 =	sne.s32 s28, $0x7C0;
	v7 =	vld [tilespmem:s29+$0xC600]  }
0x257: {  	v8 =	vld [tilespmem:s29+$0x8800];
	v5 =	vadd.f32 v6, v5;
	v1 =	vmul.f32 v4, v1  }
0x258: {  	v4 =	vld [tilespmem:s29+$0xC800]  }
0x259: {  	v6 =	vld [tilespmem:s29+$0x8A00];
	v1 =	vadd.f32 v1, v5  }
0x25a: {  	v5 =	vld [tilespmem:s29+$0xCA00]  }
0x25b: {  	v0 =	vmul.f32 v2, v0;
	v2 =	vmul.f32 v7, v3;
	v3 =	vld [tilespmem:s29+$0x8C00];
	[tilespmem:s26+$0x10400] =	vst v1;
	s26 =	smov.u32 s29  }
0x25c: {  	v1 =	vld [tilespmem:s26+$0xCC00]  }
0x25d: {  	v0 =	vadd.f32 v2, v0;
	v2 =	vmul.f32 v4, v8;
	v4 =	vld [tilespmem:s26+$0x8E00]  }
0x25e: {  	v7 =	vld [tilespmem:s26+$0xCE00]  }
0x25f: {  	v0 =	vadd.f32 v2, v0;
	v2 =	vmul.f32 v5, v6;
	v5 =	vld [tilespmem:s26+$0x9000]  }
0x260: {  	v6 =	vld [tilespmem:s26+$0xD000]  }
0x261: {  	v0 =	vadd.f32 v2, v0;
	v1 =	vmul.f32 v1, v3;
	v2 =	vld [tilespmem:s26+$0x9200]  }
0x262: {  	v3 =	vld [tilespmem:s26+$0xD200]  }
0x263: {  	v0 =	vadd.f32 v1, v0;
	v1 =	vmul.f32 v7, v4;
	v4 =	vld [tilespmem:s26+$0x9400]  }
0x264: {  	v7 =	vld [tilespmem:s26+$0xD400]  }
0x265: {  	v0 =	vadd.f32 v1, v0;
	v1 =	vmul.f32 v6, v5;
	v5 =	vld [tilespmem:s26+$0x9600]  }
0x266: {  	v6 =	vld [tilespmem:s26+$0xD600]  }
0x267: {  	v0 =	vadd.f32 v1, v0;
	v1 =	vmul.f32 v3, v2;
	v2 =	vld [tilespmem:s26+$0x9800]  }
0x268: {  	v3 =	vld [tilespmem:s26+$0xD800]  }
0x269: {  	v0 =	vadd.f32 v1, v0;
	v1 =	vmul.f32 v7, v4;
	v4 =	vld [tilespmem:s26+$0x9A00]  }
0x26a: {  	v7 =	vld [tilespmem:s26+$0xDA00]  }
0x26b: {  	v0 =	vadd.f32 v1, v0;
	v1 =	vmul.f32 v6, v5;
	v5 =	vld [tilespmem:s26+$0x9C00]  }
0x26c: {  	v6 =	vld [tilespmem:s26+$0xDC00]  }
0x26d: {  	v0 =	vadd.f32 v1, v0;
	v1 =	vmul.f32 v3, v2;
	v2 =	vld [tilespmem:s26+$0x9E00]  }
0x26e: {  	v3 =	vld [tilespmem:s26+$0xDE00]  }
0x26f: {  	v0 =	vadd.f32 v1, v0;
	v1 =	vmul.f32 v7, v4;
	v4 =	vld [tilespmem:s26+$0xA000]  }
0x270: {  	v7 =	vld [tilespmem:s26+$0xE000]  }
0x271: {  	v0 =	vadd.f32 v1, v0;
	v1 =	vmul.f32 v6, v5;
	v5 =	vld [tilespmem:s26+$0xA200]  }
0x272: {  	v6 =	vld [tilespmem:s26+$0xE200]  }
0x273: {  	v0 =	vadd.f32 v1, v0;
	v1 =	vmul.f32 v3, v2;
	v2 =	vld [tilespmem:s26+$0xA400]  }
0x274: {  	v3 =	vld [tilespmem:s26+$0xE400]  }
0x275: {  	v0 =	vadd.f32 v1, v0;
	v1 =	vmul.f32 v7, v4;
	v4 =	vld [tilespmem:s26+$0xA600]  }
0x276: {  	v7 =	vld [tilespmem:s26+$0xE600]  }
0x277: {  	v0 =	vadd.f32 v1, v0;
	v1 =	vmul.f32 v6, v5;
	v5 =	vld [tilespmem:s26+$0xA800]  }
0x278: {  	v6 =	vld [tilespmem:s26+$0xE800]  }
0x279: {  	v0 =	vadd.f32 v1, v0;
	v1 =	vmul.f32 v3, v2;
	v2 =	vld [tilespmem:s26+$0xAA00]  }
0x27a: {  	v3 =	vld [tilespmem:s26+$0xEA00]  }
0x27b: {  	v0 =	vadd.f32 v1, v0;
	v1 =	vmul.f32 v7, v4;
	v4 =	vld [tilespmem:s26+$0xAC00]  }
0x27c: {  	v7 =	vld [tilespmem:s26+$0xEC00]  }
0x27d: {  	v0 =	vadd.f32 v1, v0;
	v1 =	vmul.f32 v6, v5;
	v5 =	vld [tilespmem:s26+$0xAE00]  }
0x27e: {  	v6 =	vld [tilespmem:s26+$0xEE00]  }
0x27f: {  	v0 =	vadd.f32 v1, v0;
	v1 =	vmul.f32 v3, v2;
	v2 =	vld [tilespmem:s26+$0xB000]  }
0x280: {  	v3 =	vld [tilespmem:s26+$0xF000]  }
0x281: {  	v0 =	vadd.f32 v1, v0;
	v1 =	vmul.f32 v7, v4;
	v4 =	vld [tilespmem:s26+$0xB200]  }
0x282: {  	v7 =	vld [tilespmem:s26+$0xF200]  }
0x283: {  	v0 =	vadd.f32 v1, v0;
	v1 =	vmul.f32 v6, v5;
	v5 =	vld [tilespmem:s26+$0xB400]  }
0x284: {  	v6 =	vld [tilespmem:s26+$0xF400]  }
0x285: {  	v0 =	vadd.f32 v1, v0;
	v1 =	vmul.f32 v3, v2;
	v2 =	vld [tilespmem:s26+$0xB600]  }
0x286: {  	v3 =	vld [tilespmem:s26+$0xF600]  }
0x287: {  	v0 =	vadd.f32 v1, v0;
	v1 =	vmul.f32 v7, v4;
	v4 =	vld [tilespmem:s26+$0xB800]  }
0x288: {  	v7 =	vld [tilespmem:s26+$0xF800]  }
0x289: {  	v0 =	vadd.f32 v1, v0;
	v1 =	vmul.f32 v6, v5;
	v5 =	vld [tilespmem:s26+$0xBA00]  }
0x28a: {  	v6 =	vld [tilespmem:s26+$0xFA00]  }
0x28b: {  	v0 =	vadd.f32 v1, v0;
	v1 =	vmul.f32 v3, v2;
	v2 =	vld [tilespmem:s26+$0xBC00]  }
0x28c: {  	v3 =	vld [tilespmem:s26+$0xFC00]  }
0x28d: {  	v0 =	vadd.f32 v1, v0;
	v1 =	vmul.f32 v7, v4;
	v7 =	vld [tilespmem:s26+$0xBE00]  }
0x28e: {  	v8 =	vld [tilespmem:s26+$0xFE00]  }
0x28f: {  	v0 =	vadd.f32 v1, v0;
	v1 =	vmul.f32 v6, v5;
	v6 =	vld [tilespmem:s26+$0xC000]  }
0x290: {  	v9 =	vld [tilespmem:s26+$0x10000]  }
.Ltmp3:
0x291: {  	v5 =	vadd.f32 v1, v0;
	v2 =	vmul.f32 v3, v2;
	v1 =	vld [tilespmem:s26+$0xC200];
	(pc) =	sbr.rel @p0 .LBB2_8-.Ltmp3, $4  }
0x292: {  	s29 =	sshra.s32 s28, $0x2;
	v4 =	vld [tilespmem:s26+$0x10200]  }
0x293: {  	v0 =	vld [tilespmem:s29+$0x8400];
	v5 =	vadd.f32 v2, v5;
	v7 =	vmul.f32 v8, v7  }
0x294: {  	v2 =	vld [tilespmem:s29+$0xC400]  }
0x295: {  	s28 =	sadd.s32 $0x40, s28;
	v3 =	vld [tilespmem:s29+$0x8600];
	v5 =	vadd.f32 v7, v5;
	v6 =	vmul.f32 v9, v6  }
0x296: {  	v7 =	vld [tilespmem:s29+$0xC600]  }
0x297: {  	v8 =	vld [tilespmem:s29+$0x8800];
	v5 =	vadd.f32 v6, v5;
	v1 =	vmul.f32 v4, v1  }
0x298: {  	v32 =	vld [tilespmem:s29+$0xC800]  }
0x299: {  	v33 =	vld [tilespmem:s29+$0x8A00];
	v1 =	vadd.f32 v1, v5  }
0x29a: {  	v34 =	vld [tilespmem:s29+$0xCA00]  }
0x29b: {  	v9 =	vld [tilespmem:s29+$0x8C00];
	v0 =	vmul.f32 v2, v0;
	v35 =	vmul.f32 v7, v3;
	[tilespmem:s26+$0x10400] =	vst v1  }
0x29c: {  	v1 =	vld [tilespmem:s29+$0xCC00]  }
0x29d: {  	v36 =	vmul.f32 v32, v8;
	v37 =	vld [tilespmem:s29+$0x8E00];
	v0 =	vadd.f32 v35, v0  }
0x29e: {  	v38 =	vld [tilespmem:s29+$0xCE00]  }
0x29f: {  	v39 =	vmul.f32 v34, v33;
	v40 =	vld [tilespmem:s29+$0x9000];
	v0 =	vadd.f32 v36, v0  }
0x2a0: {  	v41 =	vld [tilespmem:s29+$0xD000]  }
0x2a1: {  	v42 =	vld [tilespmem:s29+$0x9200];
	v0 =	vadd.f32 v39, v0;
	v1 =	vmul.f32 v1, v9  }
0x2a2: {  	v43 =	vld [tilespmem:s29+$0xD200]  }
0x2a3: {  	v45 =	vld [tilespmem:s29+$0x9400];
	v44 =	vmul.f32 v38, v37;
	v0 =	vadd.f32 v1, v0  }
0x2a4: {  	v46 =	vld [tilespmem:s29+$0xD400]  }
0x2a5: {  	v48 =	vld [tilespmem:s29+$0x9600];
	v47 =	vmul.f32 v41, v40;
	v0 =	vadd.f32 v44, v0  }
0x2a6: {  	v49 =	vld [tilespmem:s29+$0xD600]  }
0x2a7: {  	v51 =	vld [tilespmem:s29+$0x9800];
	v50 =	vmul.f32 v43, v42;
	v0 =	vadd.f32 v47, v0  }
0x2a8: {  	v52 =	vld [tilespmem:s29+$0xD800]  }
0x2a9: {  	v54 =	vld [tilespmem:s29+$0x9A00];
	v53 =	vmul.f32 v46, v45;
	v0 =	vadd.f32 v50, v0  }
0x2aa: {  	v55 =	vld [tilespmem:s29+$0xDA00]  }
0x2ab: {  	v57 =	vld [tilespmem:s29+$0x9C00];
	v56 =	vmul.f32 v49, v48;
	v0 =	vadd.f32 v53, v0  }
0x2ac: {  	v58 =	vld [tilespmem:s29+$0xDC00]  }
0x2ad: {  	v60 =	vld [tilespmem:s29+$0x9E00];
	v59 =	vmul.f32 v52, v51;
	v0 =	vadd.f32 v56, v0  }
0x2ae: {  	v61 =	vld [tilespmem:s29+$0xDE00]  }
0x2af: {  	v63 =	vld [tilespmem:s29+$0xA000];
	v62 =	vmul.f32 v55, v54;
	v0 =	vadd.f32 v59, v0  }
0x2b0: {  	v9 =	vld [tilespmem:s29+$0xE000]  }
0x2b1: {  	v11 =	vld [tilespmem:s29+$0xA200];
	v10 =	vmul.f32 v58, v57;
	v0 =	vadd.f32 v62, v0  }
0x2b2: {  	v12 =	vld [tilespmem:s29+$0xE200]  }
0x2b3: {  	v14 =	vld [tilespmem:s29+$0xA400];
	v13 =	vmul.f32 v61, v60;
	v0 =	vadd.f32 v10, v0  }
0x2b4: {  	v15 =	vld [tilespmem:s29+$0xE400]  }
0x2b5: {  	v17 =	vld [tilespmem:s29+$0xA600];
	v16 =	vmul.f32 v9, v63;
	v0 =	vadd.f32 v13, v0  }
0x2b6: {  	v18 =	vld [tilespmem:s29+$0xE600]  }
0x2b7: {  	v20 =	vld [tilespmem:s29+$0xA800];
	v19 =	vmul.f32 v12, v11;
	v0 =	vadd.f32 v16, v0  }
0x2b8: {  	v21 =	vld [tilespmem:s29+$0xE800]  }
0x2b9: {  	v23 =	vld [tilespmem:s29+$0xAA00];
	v22 =	vmul.f32 v15, v14;
	v0 =	vadd.f32 v19, v0  }
0x2ba: {  	v24 =	vld [tilespmem:s29+$0xEA00]  }
0x2bb: {  	v26 =	vld [tilespmem:s29+$0xAC00];
	v25 =	vmul.f32 v18, v17;
	v0 =	vadd.f32 v22, v0  }
0x2bc: {  	v27 =	vld [tilespmem:s29+$0xEC00]  }
0x2bd: {  	v29 =	vld [tilespmem:s29+$0xAE00];
	v28 =	vmul.f32 v21, v20;
	v0 =	vadd.f32 v25, v0  }
0x2be: {  	v30 =	vld [tilespmem:s29+$0xEE00]  }
0x2bf: {  	v32 =	vld [tilespmem:s29+$0xB000];
	v31 =	vmul.f32 v24, v23;
	v0 =	vadd.f32 v28, v0  }
0x2c0: {  	v33 =	vld [tilespmem:s29+$0xF000]  }
0x2c1: {  	v35 =	vld [tilespmem:s29+$0xB200];
	v34 =	vmul.f32 v27, v26;
	v0 =	vadd.f32 v31, v0  }
0x2c2: {  	v36 =	vld [tilespmem:s29+$0xF200]  }
0x2c3: {  	v37 =	vmul.f32 v30, v29;
	v38 =	vld [tilespmem:s29+$0xB400];
	v0 =	vadd.f32 v34, v0  }
0x2c4: {  	v39 =	vld [tilespmem:s29+$0xF400]  }
0x2c5: {  	v40 =	vmul.f32 v33, v32;
	v41 =	vld [tilespmem:s29+$0xB600];
	v0 =	vadd.f32 v37, v0  }
0x2c6: {  	v42 =	vld [tilespmem:s29+$0xF600]  }
0x2c7: {  	v45 =	vld [tilespmem:s29+$0xF800];
	v43 =	vmul.f32 v36, v35;
	v0 =	vadd.f32 v40, v0  }
0x2c8: {  	v44 =	vld [tilespmem:s29+$0xB800]  }
0x2c9: {  	v48 =	vld [tilespmem:s29+$0xFA00];
	v46 =	vmul.f32 v39, v38;
	v0 =	vadd.f32 v43, v0  }
0x2ca: {  	v47 =	vld [tilespmem:s29+$0xBA00]  }
0x2cb: {  	v51 =	vld [tilespmem:s29+$0xFC00];
	v49 =	vmul.f32 v42, v41;
	v0 =	vadd.f32 v46, v0  }
0x2cc: {  	v50 =	vld [tilespmem:s29+$0xBC00]  }
0x2cd: {  	v54 =	vld [tilespmem:s29+$0xFE00];
	v52 =	vmul.f32 v45, v44;
	v0 =	vadd.f32 v49, v0  }
0x2ce: {  	v53 =	vld [tilespmem:s29+$0xBE00]  }
0x2cf: {  	v57 =	vld [tilespmem:s29+$0x10000];
	v55 =	vmul.f32 v48, v47;
	v0 =	vadd.f32 v52, v0  }
0x2d0: {  	v56 =	vld [tilespmem:s29+$0xC000]  }
0x2d1: {  	v60 =	vld [tilespmem:s29+$0x10200];
	v58 =	vmul.f32 v51, v50;
	v0 =	vadd.f32 v55, v0  }
0x2d2: {  	v59 =	vld [tilespmem:s29+$0xC200]  }
0x2d3: {  	v61 =	vmul.f32 v54, v53;
	v0 =	vadd.f32 v58, v0;
	_ =	sdelay $0x1  }
0x2d4: {  	v62 =	vmul.f32 v57, v56;
	v0 =	vadd.f32 v61, v0;
	_ =	sdelay $0x1  }
0x2d5: {  	v63 =	vmul.f32 v60, v59;
	v0 =	vadd.f32 v62, v0;
	_ =	sdelay $0x1  }
0x2d6: {  	s25 =	sadd.s32 $0x1, s25;
	v0 =	vadd.f32 v63, v0  }
0x2d7: {  	p0 =	sne.s32 s25, s14  }
.Ltmp4:
0x2d8: {  	[tilespmem:s29+$0x10400] =	vst v0;
	(pc) =	sbr.rel @p0 .LBB2_1-.Ltmp4, $4  }
0x2d9: {  	[hbm4b:s13+s1] =	stream.linear.scatter [tilespmem:s24], [sflag:$0x2], $0x200, $0x38;
	[tilespmem:$0x10600] =	vst v63  }
0x2da: {  	_ =	swait.ge [sflag:s15], $0x200  }
0x2db: {  	[sflag:s15] =	ssyncset.done $0x0  }
0x2dc: {  	[sflag:s15] =	ssyncadd.s32 $0xFFFFFE00  }
0x2dd: {  	_ =	sfence.sel $0x180000  }
0x2de: {  	[bflag:$0x0] =	sbarrier.arrive $0xFFFF  }
0x2df: {  	_ =	strace $0x9000004A  }
0x2e0: {  	[bflag:$0x2] =	sbarrier.arrive $0xFFFF  }
0x2e1: {  	p0 =	sne.s32 s2, $0x0;
	s0 =	rddreg [dreg:$0x4]  }
0x2e2: {  	s0 =	sadd.s32 @!p0 $0x100000, s0  }
0x2e3: {  	[sflag:s0] =	ssyncadd.tile.s32 @!p0 $0x1;
	_ =	shalt  }
.Lfunc_end2:
_tile_overlayer_lowered:
.L_overlay_start_2:
0x2e4: {  	(tag) =	ssettag $0x2  }
0x2e5: {  	s0 =	rddreg [dreg:$0x0];
	s2 =	stileid.u32  }
0x2e6: {  	s1 =	rddreg [dreg:$0x1];
	p0 =	sne.s32 s2, $0x0  }
0x2e7: {  	s3 =	rddreg [dreg:$0x2];
	[bflag:$0x3] =	sbarrier.arrive $0xFFFF;
	s2 =	simm.s32 @!p0 $0x1C02  }
0x2e8: {  	[timem:s3], [sflag:s2] =	dma.local @!p0 [hbm:s0], s1  }
0x2e9: {  	s0 =	simm.s32 @!p0 $0x2  }
0x2ea: {  	_ =	swait.ge @!p0 [sflag:s0], s1  }
0x2eb: {  	s1 =	ssub.s32 @!p0 $0x0, s1;
	[sflag:s0] =	ssyncset.done @!p0 $0x0  }
0x2ec: {  	[sflag:s0] =	ssyncadd.s32 @!p0 s1  }
0x2ed: {  	[bflag:$0x3] =	sbarrier.arrive $0xFFFF  }
0x2ee: {  	_ =	shalt  }

</sc_bundles>
